<compile_context>
chip_gen: v7x
topology: tpu7x:2x2x1
jax: 0.10.2.dev20260603
libtpu: 0.0.44.dev20260713+nightly
codegen_flags: <defaults>
</compile_context>

<pallas_src>
import jax
import jax.numpy as jnp
from jax import lax
from jax.experimental import pallas as pl
from jax.experimental.pallas import tpu as pltpu
from jax.experimental.pallas import tpu_sc as plsc

NN = 50000
EE = 800000
DD = 64
GG = 1024
CC = 10

BN = 256
NB = 196
NPAD = NB * BN

NSC = 2
NTL = 16
HALF = NN // NSC
ACC = 25600
ZPT = ACC // NTL
CH = 80
NCHUNK = 625
EPT = NCHUNK * CH
EEP = NTL * EPT

SB = 25
NSB = NCHUNK // SB


def _agg_body(
    table, src3, dst3, zrows, out,
    srcsb0, srcsb1, dstsb0, dstsb1, msgs_a, msgs_b, accum,
    semis0, semis1, semid0, semid1, sem_a, sem_b, sem_sa, sem_sb,
):
    c = lax.axis_index("c")
    s = lax.axis_index("s")
    lo = c * HALF

    def idx_issue(u, ssb, dsb, semis, semid):
        pltpu.async_copy(src3.at[s, pl.ds(u * SB, SB)], ssb, semis)
        pltpu.async_copy(dst3.at[s, pl.ds(u * SB, SB)], dsb, semid)

    idx_issue(0, srcsb0, dstsb0, semis0, semid0)
    idx_issue(1, srcsb1, dstsb1, semis1, semid1)

    r0 = s * ZPT
    pltpu.sync_copy(zrows.at[pl.ds(r0, ZPT)], accum.at[pl.ds(r0, ZPT)])
    plsc.subcore_barrier()

    def super_step(u, ssb, dsb, semis, semid):
        pltpu.make_async_copy(src3.at[s, pl.ds(0, SB)], ssb, semis).wait()

        def gissue(k, buf, sem):
            pltpu.async_copy(table.at[ssb.at[k]], buf, sem)

        def gwait(buf, sem):
            pltpu.make_async_copy(table.at[ssb.at[0]], buf, sem).wait()

        def sissue(k, buf, sem):
            pltpu.async_copy(buf, accum.at[dsb.at[k]], sem, add=True)

        def swait(buf, sem):
            pltpu.make_async_copy(buf, accum.at[dsb.at[0]], sem).wait()

        gissue(0, msgs_a, sem_a)
        gissue(1, msgs_b, sem_b)
        pltpu.make_async_copy(dst3.at[s, pl.ds(0, SB)], dsb, semid).wait()

        def remap(j, carry):
            for k in range(CH // 16):
                d = dsb[j, pl.ds(k * 16, 16)]
                loc = d - lo
                okm = (loc >= 0) & (loc < HALF)
                dsb[j, pl.ds(k * 16, 16)] = jnp.where(okm, loc, HALF)
            return carry

        lax.fori_loop(0, SB, remap, 0)

        def pair(v, carry):
            k0 = 2 * v
            gwait(msgs_a, sem_a)
            sissue(k0, msgs_a, sem_sa)
            gwait(msgs_b, sem_b)
            sissue(k0 + 1, msgs_b, sem_sb)
            swait(msgs_a, sem_sa)
            gissue(k0 + 2, msgs_a, sem_a)
            swait(msgs_b, sem_sb)
            gissue(k0 + 3, msgs_b, sem_b)
            return carry

        lax.fori_loop(0, (SB - 3) // 2, pair, 0)
        gwait(msgs_a, sem_a)
        sissue(SB - 3, msgs_a, sem_sa)
        gwait(msgs_b, sem_b)
        sissue(SB - 2, msgs_b, sem_sb)
        swait(msgs_a, sem_sa)
        gissue(SB - 1, msgs_a, sem_a)
        gwait(msgs_a, sem_a)
        sissue(SB - 1, msgs_a, sem_sa)
        swait(msgs_b, sem_sb)
        swait(msgs_a, sem_sa)

        @pl.when(u + 2 < NSB)
        def _pref():
            idx_issue(u + 2, ssb, dsb, semis, semid)

    def outer(w, carry):
        super_step(2 * w, srcsb0, dstsb0, semis0, semid0)
        super_step(2 * w + 1, srcsb1, dstsb1, semis1, semid1)
        return carry

    lax.fori_loop(0, (NSB - 1) // 2, outer, 0)
    super_step(NSB - 1, srcsb0, dstsb0, semis0, semid0)
    plsc.subcore_barrier()

    start = jnp.minimum(s * ZPT, HALF - ZPT)
    pltpu.sync_copy(
        accum.at[pl.ds(start, ZPT)], out.at[pl.ds(c * HALF + start, ZPT)]
    )

    @pl.when(jnp.logical_and(c == NSC - 1, s == NTL - 1))
    def _pad_tail():
        pltpu.sync_copy(
            accum.at[pl.ds(HALF, NPAD - NN)], out.at[pl.ds(NN, NPAD - NN)]
        )


_agg_cache = []


def _agg(*args):
    if not _agg_cache:
        mesh = plsc.VectorSubcoreMesh(
            core_axis_name="c", subcore_axis_name="s",
            num_cores=NSC, num_subcores=NTL,
        )
        _agg_cache.append(pl.kernel(
            _agg_body,
            out_type=jax.ShapeDtypeStruct((NPAD, DD), jnp.float32),
            mesh=mesh,
            scratch_types=[
                pltpu.VMEM((SB, CH), jnp.int32),
                pltpu.VMEM((SB, CH), jnp.int32),
                pltpu.VMEM((SB, CH), jnp.int32),
                pltpu.VMEM((SB, CH), jnp.int32),
                pltpu.VMEM((CH, DD), jnp.float32),
                pltpu.VMEM((CH, DD), jnp.float32),
                pltpu.VMEM_SHARED((ACC, DD), jnp.float32),
                pltpu.SemaphoreType.DMA,
                pltpu.SemaphoreType.DMA,
                pltpu.SemaphoreType.DMA,
                pltpu.SemaphoreType.DMA,
                pltpu.SemaphoreType.DMA,
                pltpu.SemaphoreType.DMA,
                pltpu.SemaphoreType.DMA,
                pltpu.SemaphoreType.DMA,
            ],
            compiler_params=pltpu.CompilerParams(
                use_tc_tiling_on_sc=False, needs_layout_passes=False
            ),
        ))
    return _agg_cache[0](*args)


ACCF = ACC * DD
ZPTF = ACCF // NTL
TRASH = HALF * DD
XW = 784


def _agg1_body(
    xtab, src3, dst3, onesv, zflat, out,
    xloc, onesb, srcsb0, srcsb1, dstsb0, dstsb1, accum,
    semx, semis0, semis1, semid0, semid1, sem_s,
):
    c = lax.axis_index("c")
    s = lax.axis_index("s")
    lo = c * HALF

    pltpu.async_copy(xtab, xloc, semx)
    pltpu.sync_copy(onesv, onesb)

    def idx_issue(u, ssb, dsb, semis, semid):
        pltpu.async_copy(src3.at[s, pl.ds(u * SB, SB)], ssb, semis)
        pltpu.async_copy(dst3.at[s, pl.ds(u * SB, SB)], dsb, semid)

    idx_issue(0, srcsb0, dstsb0, semis0, semid0)
    idx_issue(1, srcsb1, dstsb1, semis1, semid1)

    r0 = s * ZPTF
    pltpu.sync_copy(zflat.at[pl.ds(r0, ZPTF)], accum.at[pl.ds(r0, ZPTF)])
    pltpu.make_async_copy(xtab, xloc, semx).wait()
    plsc.subcore_barrier()

    def super_step(u, ssb, dsb, semis, semid):
        pltpu.make_async_copy(src3.at[s, pl.ds(0, SB)], ssb, semis).wait()
        pltpu.make_async_copy(dst3.at[s, pl.ds(0, SB)], dsb, semid).wait()

        def chunk(j, carry):
            for k in range(CH // 16):
                sv = ssb[j, pl.ds(k * 16, 16)]
                w = sv >> 2
                xw = plsc.load_gather(xloc, [w >> 4, w & 15])
                xv = (xw >> ((sv & 3) << 3)) & 63
                d = dsb[j, pl.ds(k * 16, 16)]
                loc = d - lo
                okm = (loc >= 0) & (loc < HALF)
                p = loc * DD + xv
                dsb[j, pl.ds(k * 16, 16)] = jnp.where(okm, p, TRASH)
            pltpu.async_copy(onesb, accum.at[dsb.at[j]], sem_s, add=True)
            return carry

        lax.fori_loop(0, SB, chunk, 0)

        def sc_wait(j, carry):
            pltpu.make_async_copy(onesb, accum.at[dsb.at[0]], sem_s).wait()
            return carry

        lax.fori_loop(0, SB, sc_wait, 0)

        @pl.when(u + 2 < NSB)
        def _pref():
            idx_issue(u + 2, ssb, dsb, semis, semid)

    def outer(w, carry):
        super_step(2 * w, srcsb0, dstsb0, semis0, semid0)
        super_step(2 * w + 1, srcsb1, dstsb1, semis1, semid1)
        return carry

    lax.fori_loop(0, (NSB - 1) // 2, outer, 0)
    super_step(NSB - 1, srcsb0, dstsb0, semis0, semid0)
    plsc.subcore_barrier()

    start = jnp.minimum(s * ZPT, HALF - ZPT) * DD
    pltpu.sync_copy(
        accum.at[pl.ds(start, ZPT * DD)],
        out.at[pl.ds(c * HALF * DD + start, ZPT * DD)],
    )

    @pl.when(jnp.logical_and(c == NSC - 1, s == NTL - 1))
    def _pad_tail():
        pltpu.sync_copy(
            accum.at[pl.ds(HALF * DD, (NPAD - NN) * DD)],
            out.at[pl.ds(NN * DD, (NPAD - NN) * DD)],
        )


_agg1_cache = []


def _agg1(*args):
    if not _agg1_cache:
        mesh = plsc.VectorSubcoreMesh(
            core_axis_name="c", subcore_axis_name="s",
            num_cores=NSC, num_subcores=NTL,
        )
        _agg1_cache.append(pl.kernel(
            _agg1_body,
            out_type=jax.ShapeDtypeStruct((NPAD * DD,), jnp.float32),
            mesh=mesh,
            scratch_types=[
                pltpu.VMEM((XW, 16), jnp.int32),
                pltpu.VMEM((CH,), jnp.float32),
                pltpu.VMEM((SB, CH), jnp.int32),
                pltpu.VMEM((SB, CH), jnp.int32),
                pltpu.VMEM((SB, CH), jnp.int32),
                pltpu.VMEM((SB, CH), jnp.int32),
                pltpu.VMEM_SHARED((ACCF,), jnp.float32),
                pltpu.SemaphoreType.DMA,
                pltpu.SemaphoreType.DMA,
                pltpu.SemaphoreType.DMA,
                pltpu.SemaphoreType.DMA,
                pltpu.SemaphoreType.DMA,
                pltpu.SemaphoreType.DMA,
            ],
            compiler_params=pltpu.CompilerParams(
                use_tc_tiling_on_sc=False, needs_layout_passes=False
            ),
        ))
    return _agg1_cache[0](*args)


def _mmt(a, b):
    return lax.dot_general(
        a, b, (((1,), (1,)), ((), ())), preferred_element_type=jnp.float32
    )


def _mm(a, b):
    return lax.dot_general(
        a, b, (((1,), (0,)), ((), ())), preferred_element_type=jnp.float32
    )


def _layer1_body(c1_ref, x_ref, emb_ref, wl_ref, wr_ref, bl_ref, h1_ref):
    c1 = c1_ref[...]
    cnt = jnp.maximum(jnp.sum(c1, axis=1, keepdims=True), 1.0)
    meanw = c1 / cnt
    emb = emb_ref[...]
    m1 = _mmt(emb, wl_ref[...])
    r1 = _mmt(emb, wr_ref[...])
    xb = jnp.reshape(x_ref[...], (BN,))
    oh = (xb[:, None] == lax.broadcasted_iota(jnp.int32, (BN, DD), 1)).astype(
        jnp.float32
    )
    t = _mm(meanw, m1) + _mm(oh, r1) + bl_ref[...]
    h1_ref[...] = jnp.maximum(t, 0.0)


_layer1 = pl.pallas_call(
    _layer1_body,
    grid=(NB,),
    in_specs=[
        pl.BlockSpec((BN, DD), lambda i: (i, 0)),
        pl.BlockSpec((1, 1, BN), lambda i: (i, 0, 0)),
        pl.BlockSpec((DD, DD), lambda i: (0, 0)),
        pl.BlockSpec((DD, DD), lambda i: (0, 0)),
        pl.BlockSpec((DD, DD), lambda i: (0, 0)),
        pl.BlockSpec((1, DD), lambda i: (0, 0)),
    ],
    out_specs=pl.BlockSpec((BN, DD), lambda i: (i, 0)),
    out_shape=jax.ShapeDtypeStruct((NPAD, DD), jnp.float32),
)


def _layer2_body(
    s2_ref, h1_ref, c1_ref, b_ref, wl_ref, wr_ref, bl_ref, wlin_ref, blin_ref,
    out_ref, p_scr,
):
    j = pl.program_id(0)

    @pl.when(j == 0)
    def _init():
        p_scr[...] = jnp.zeros_like(p_scr)

    c1 = c1_ref[...]
    cnt = jnp.maximum(jnp.sum(c1, axis=1, keepdims=True), 1.0)
    t = _mmt(s2_ref[...] / cnt, wl_ref[...]) + _mmt(h1_ref[...], wr_ref[...])
    h2 = jnp.maximum(t + bl_ref[...], 0.0)
    bb = jnp.reshape(b_ref[...], (BN,))
    ohg = (bb[:, None] == lax.broadcasted_iota(jnp.int32, (BN, GG), 1)).astype(
        jnp.float32
    )
    hw = jnp.concatenate([h2, jnp.zeros((BN, DD), jnp.float32)], axis=1)
    li = lax.broadcasted_iota(jnp.int32, (BN, 2 * DD), 1)
    hw = jnp.where(li == DD, 1.0, hw)
    p_scr[...] += lax.dot_general(
        ohg, hw, (((0,), (0,)), ((), ())), preferred_element_type=jnp.float32
    )

    @pl.when(j == NB - 1)
    def _final():
        p = p_scr[...]
        gc = jnp.maximum(p[:, DD : DD + 1], 1.0)
        pooled = p[:, :DD] / gc
        out_ref[...] = _mmt(pooled, wlin_ref[...]) + blin_ref[...]


_layer2 = pl.pallas_call(
    _layer2_body,
    grid=(NB,),
    in_specs=[
        pl.BlockSpec((BN, DD), lambda i: (i, 0)),
        pl.BlockSpec((BN, DD), lambda i: (i, 0)),
        pl.BlockSpec((BN, DD), lambda i: (i, 0)),
        pl.BlockSpec((1, 1, BN), lambda i: (i, 0, 0)),
        pl.BlockSpec((DD, DD), lambda i: (0, 0)),
        pl.BlockSpec((DD, DD), lambda i: (0, 0)),
        pl.BlockSpec((1, DD), lambda i: (0, 0)),
        pl.BlockSpec((CC, DD), lambda i: (0, 0)),
        pl.BlockSpec((1, CC), lambda i: (0, 0)),
    ],
    out_specs=pl.BlockSpec((GG, CC), lambda i: (0, 0)),
    out_shape=jax.ShapeDtypeStruct((GG, CC), jnp.float32),
    scratch_shapes=[pltpu.VMEM((GG, 2 * DD), jnp.float32)],
)


def kernel(x, edge_index, batch, emb, Wl1, bl1, Wr1, Wl2, bl2, Wr2, Wlin, blin):
    src = jnp.reshape(
        jnp.pad(edge_index[0].astype(jnp.int32), (0, EEP - EE)),
        (NTL, NCHUNK, CH),
    )
    dst = jnp.reshape(
        jnp.pad(
            edge_index[1].astype(jnp.int32), (0, EEP - EE),
            constant_values=-1,
        ),
        (NTL, NCHUNK, CH),
    )
    xp3 = jnp.reshape(
        jnp.pad(x.astype(jnp.int32), (0, NPAD - NN)), (NB, 1, BN)
    )
    b3 = jnp.reshape(
        jnp.pad(batch.astype(jnp.int32), (0, NPAD - NN), constant_values=2**20),
        (NB, 1, BN),
    )
    zrows = jnp.zeros((ACC, DD), jnp.float32)

    xpk = jnp.pad(x.astype(jnp.int32), (0, XW * 64 - NN))
    xpk = jnp.reshape(xpk, (XW * 16, 4))
    xi = jnp.reshape(
        xpk[:, 0] | (xpk[:, 1] << 8) | (xpk[:, 2] << 16) | (xpk[:, 3] << 24),
        (XW, 16),
    )
    c1 = jnp.reshape(
        _agg1(
            xi, src, dst, jnp.ones((CH,), jnp.float32),
            jnp.reshape(zrows, (ACCF,)),
        ),
        (NPAD, DD),
    )
    h1 = _layer1(c1, xp3, emb, Wl1, Wr1, jnp.reshape(bl1, (1, DD)))
    s2 = _agg(h1, src, dst, zrows)
    out = _layer2(
        s2, h1, c1, b3, Wl2, Wr2,
        jnp.reshape(bl2, (1, DD)), Wlin, jnp.reshape(blin, (1, CC)),
    )
    return out

# --- scband reference (transcript-rebuilt; emitter-appended) ---
"""Pipeline reference for scband-gnnclassifier-88648124990426 (READ-ONLY COPY).

The authoritative reference and input builder live on the scoring server;
editing this copy changes nothing except your own understanding.
"""

import jax, jax.numpy as jnp
import numpy as np

N = 50000
E = 800000
V = 64
D = 64
H = 64
C = 10
G = 1024


def setup_inputs(seed: int = 0) -> dict:
    key = jax.random.key(seed)
    ks = jax.random.split(key, 12)
    x = jax.random.randint(ks[0], (N,), 0, V)
    edge_index = jax.random.randint(ks[1], (2, E), 0, N)
    batch = jnp.sort(jax.random.randint(ks[2], (N,), 0, G))
    emb = jax.random.normal(ks[3], (V, D), dtype=jnp.float32) * 0.1
    Wl1 = jax.random.normal(ks[4], (H, D), dtype=jnp.float32) * (1.0 / np.sqrt(D))
    bl1 = jnp.zeros((H,), dtype=jnp.float32)
    Wr1 = jax.random.normal(ks[5], (H, D), dtype=jnp.float32) * (1.0 / np.sqrt(D))
    Wl2 = jax.random.normal(ks[6], (H, H), dtype=jnp.float32) * (1.0 / np.sqrt(H))
    bl2 = jnp.zeros((H,), dtype=jnp.float32)
    Wr2 = jax.random.normal(ks[7], (H, H), dtype=jnp.float32) * (1.0 / np.sqrt(H))
    Wlin = jax.random.normal(ks[8], (C, H), dtype=jnp.float32) * (1.0 / np.sqrt(H))
    blin = jnp.zeros((C,), dtype=jnp.float32)
    return {"x": x, "edge_index": edge_index, "batch": batch, "emb": emb,
            "Wl1": Wl1, "bl1": bl1, "Wr1": Wr1,
            "Wl2": Wl2, "bl2": bl2, "Wr2": Wr2,
            "Wlin": Wlin, "blin": blin}


def _sage_conv(h, src, dst, Wl, bl, Wr):
    # PyG SAGEConv (aggr='mean', normalize=False): lin_l(mean_j x_j) + lin_r(x_i)
    msgs = h[src]
    summed = jax.ops.segment_sum(msgs, dst, num_segments=N)
    cnt = jax.ops.segment_sum(jnp.ones((src.shape[0],), h.dtype), dst, num_segments=N)
    mean = summed / jnp.clip(cnt, 1.0)[:, None]
    return mean @ Wl.T + bl + h @ Wr.T


def reference(x, edge_index, batch, emb, Wl1, bl1, Wr1, Wl2, bl2, Wr2, Wlin, blin):
    src = edge_index[0]
    dst = edge_index[1]
    h = jnp.take(emb, x, axis=0)
    h = jax.nn.relu(_sage_conv(h, src, dst, Wl1, bl1, Wr1))
    h = jax.nn.relu(_sage_conv(h, src, dst, Wl2, bl2, Wr2))
    # global_mean_pool over batch assignment
    sums = jax.ops.segment_sum(h, batch, num_segments=G)
    cnts = jax.ops.segment_sum(jnp.ones((h.shape[0],), h.dtype), batch, num_segments=G)
    pooled = sums / jnp.clip(cnts, 1.0)[:, None]
    return pooled @ Wlin.T + blin

if __name__ == "__main__":
    import jax
    _d = setup_inputs()
    print(jax.jit(kernel)(*tuple(_d.values())))

</pallas_src>

<mosaic_0001>
#map = affine_map<(d0, d1) -> (0, 0)>
#map1 = affine_map<(d0, d1) -> (0, 0, 0)>
#map2 = affine_map<(d0, d1) -> (0)>
module attributes {stable_mosaic.version = 14 : i64} {
  func.func @_agg1_body(%arg0: i32, %arg1: i32, %arg2: memref<784x16xi32, #tpu.memory_space<hbm>>, %arg3: memref<16x625x80xi32, #tpu.memory_space<hbm>>, %arg4: memref<16x625x80xi32, #tpu.memory_space<hbm>>, %arg5: memref<80xf32, #tpu.memory_space<hbm>>, %arg6: memref<1638400xf32, #tpu.memory_space<hbm>>, %arg7: memref<3211264xf32, #tpu.memory_space<hbm>>, %arg8: memref<784x16xi32, #tpu.memory_space<vmem>>, %arg9: memref<80xf32, #tpu.memory_space<vmem>>, %arg10: memref<25x80xi32, #tpu.memory_space<vmem>>, %arg11: memref<25x80xi32, #tpu.memory_space<vmem>>, %arg12: memref<25x80xi32, #tpu.memory_space<vmem>>, %arg13: memref<25x80xi32, #tpu.memory_space<vmem>>, %arg14: memref<1638400xf32, #tpu.memory_space<vmem_shared>>, %arg15: memref<!tpu.dma_semaphore, #tpu.memory_space<semaphore_mem>>, %arg16: memref<!tpu.dma_semaphore, #tpu.memory_space<semaphore_mem>>, %arg17: memref<!tpu.dma_semaphore, #tpu.memory_space<semaphore_mem>>, %arg18: memref<!tpu.dma_semaphore, #tpu.memory_space<semaphore_mem>>, %arg19: memref<!tpu.dma_semaphore, #tpu.memory_space<semaphore_mem>>, %arg20: memref<!tpu.dma_semaphore, #tpu.memory_space<semaphore_mem>>) attributes {dimension_semantics = [#tpu.dimension_semantics<core_parallel>, #tpu.dimension_semantics<subcore_parallel>], iteration_bounds = array<i64: 2, 16>, scalar_prefetch = 0 : i64, scratch_operands = 13 : i64, tpu.core_type = #tpu.core_type<sc_vector_subcore>, window_params = [{transform_indices = #map}, {transform_indices = #map1}, {transform_indices = #map1}, {transform_indices = #map2}, {transform_indices = #map2}, {transform_indices = #map2}]} {
    %mul3A = arith.constant 25000 : i32
    %mul3A_0 = arith.muli %arg0, %mul3A : i32
    tpu.enqueue_dma source(%arg2 : memref<784x16xi32, #tpu.memory_space<hbm>>) target(%arg8 : memref<784x16xi32, #tpu.memory_space<vmem>>) target_semaphore(%arg15 : memref<!tpu.dma_semaphore, #tpu.memory_space<semaphore_mem>>)
    "tpu.region"() ({
      %run_scoped3A = tpu.sem_alloc : memref<!tpu.dma_semaphore, #tpu.memory_space<semaphore_mem>>
      tpu.enqueue_dma source(%arg5 : memref<80xf32, #tpu.memory_space<hbm>>) target(%arg9 : memref<80xf32, #tpu.memory_space<vmem>>) target_semaphore(%run_scoped3A : memref<!tpu.dma_semaphore, #tpu.memory_space<semaphore_mem>>)
      tpu.wait_dma2 semaphore(%run_scoped3A : memref<!tpu.dma_semaphore, #tpu.memory_space<semaphore_mem>>) src(%arg5 : memref<80xf32, #tpu.memory_space<hbm>>) dst(%arg9 : memref<80xf32, #tpu.memory_space<vmem>>)
      tpu.yield
    }) : () -> ()
    %dma_start3A = arith.constant 0 : i32
    %dma_start3A_1 = arith.constant 0 : i32
    %dma_start3A_2 = tpu.memref_slice %arg3[%arg1, %dma_start3A, %dma_start3A_1] : memref<16x625x80xi32, #tpu.memory_space<hbm>> -> memref<1x25x80xi32, #tpu.memory_space<hbm>>
    %dma_start3A_3 = tpu.memref_squeeze %dma_start3A_2 : memref<1x25x80xi32, #tpu.memory_space<hbm>> -> memref<25x80xi32, #tpu.memory_space<hbm>>
    %dma_start3A_4 = arith.constant 0 : i32
    %dma_start3A_5 = arith.constant 0 : i32
    %dma_start3A_6 = tpu.memref_slice %arg3[%arg1, %dma_start3A_4, %dma_start3A_5] : memref<16x625x80xi32, #tpu.memory_space<hbm>> -> memref<1x25x80xi32, #tpu.memory_space<hbm>>
    %dma_start3A_7 = tpu.memref_squeeze %dma_start3A_6 : memref<1x25x80xi32, #tpu.memory_space<hbm>> -> memref<25x80xi32, #tpu.memory_space<hbm>>
    tpu.enqueue_dma source(%dma_start3A_7 : memref<25x80xi32, #tpu.memory_space<hbm>>) target(%arg10 : memref<25x80xi32, #tpu.memory_space<vmem>>) target_semaphore(%arg16 : memref<!tpu.dma_semaphore, #tpu.memory_space<semaphore_mem>>)
    %dma_start3A_8 = arith.constant 0 : i32
    %dma_start3A_9 = arith.constant 0 : i32
    %dma_start3A_10 = tpu.memref_slice %arg4[%arg1, %dma_start3A_8, %dma_start3A_9] : memref<16x625x80xi32, #tpu.memory_space<hbm>> -> memref<1x25x80xi32, #tpu.memory_space<hbm>>
    %dma_start3A_11 = tpu.memref_squeeze %dma_start3A_10 : memref<1x25x80xi32, #tpu.memory_space<hbm>> -> memref<25x80xi32, #tpu.memory_space<hbm>>
    %dma_start3A_12 = arith.constant 0 : i32
    %dma_start3A_13 = arith.constant 0 : i32
    %dma_start3A_14 = tpu.memref_slice %arg4[%arg1, %dma_start3A_12, %dma_start3A_13] : memref<16x625x80xi32, #tpu.memory_space<hbm>> -> memref<1x25x80xi32, #tpu.memory_space<hbm>>
    %dma_start3A_15 = tpu.memref_squeeze %dma_start3A_14 : memref<1x25x80xi32, #tpu.memory_space<hbm>> -> memref<25x80xi32, #tpu.memory_space<hbm>>
    tpu.enqueue_dma source(%dma_start3A_15 : memref<25x80xi32, #tpu.memory_space<hbm>>) target(%arg12 : memref<25x80xi32, #tpu.memory_space<vmem>>) target_semaphore(%arg18 : memref<!tpu.dma_semaphore, #tpu.memory_space<semaphore_mem>>)
    %dma_start3A_16 = arith.constant 25 : i32
    %dma_start3A_17 = arith.constant 0 : i32
    %dma_start3A_18 = tpu.memref_slice %arg3[%arg1, %dma_start3A_16, %dma_start3A_17] : memref<16x625x80xi32, #tpu.memory_space<hbm>> -> memref<1x25x80xi32, #tpu.memory_space<hbm>>
    %dma_start3A_19 = tpu.memref_squeeze %dma_start3A_18 : memref<1x25x80xi32, #tpu.memory_space<hbm>> -> memref<25x80xi32, #tpu.memory_space<hbm>>
    %dma_start3A_20 = arith.constant 25 : i32
    %dma_start3A_21 = arith.constant 0 : i32
    %dma_start3A_22 = tpu.memref_slice %arg3[%arg1, %dma_start3A_20, %dma_start3A_21] : memref<16x625x80xi32, #tpu.memory_space<hbm>> -> memref<1x25x80xi32, #tpu.memory_space<hbm>>
    %dma_start3A_23 = tpu.memref_squeeze %dma_start3A_22 : memref<1x25x80xi32, #tpu.memory_space<hbm>> -> memref<25x80xi32, #tpu.memory_space<hbm>>
    tpu.enqueue_dma source(%dma_start3A_23 : memref<25x80xi32, #tpu.memory_space<hbm>>) target(%arg11 : memref<25x80xi32, #tpu.memory_space<vmem>>) target_semaphore(%arg17 : memref<!tpu.dma_semaphore, #tpu.memory_space<semaphore_mem>>)
    %dma_start3A_24 = arith.constant 25 : i32
    %dma_start3A_25 = arith.constant 0 : i32
    %dma_start3A_26 = tpu.memref_slice %arg4[%arg1, %dma_start3A_24, %dma_start3A_25] : memref<16x625x80xi32, #tpu.memory_space<hbm>> -> memref<1x25x80xi32, #tpu.memory_space<hbm>>
    %dma_start3A_27 = tpu.memref_squeeze %dma_start3A_26 : memref<1x25x80xi32, #tpu.memory_space<hbm>> -> memref<25x80xi32, #tpu.memory_space<hbm>>
    %dma_start3A_28 = arith.constant 25 : i32
    %dma_start3A_29 = arith.constant 0 : i32
    %dma_start3A_30 = tpu.memref_slice %arg4[%arg1, %dma_start3A_28, %dma_start3A_29] : memref<16x625x80xi32, #tpu.memory_space<hbm>> -> memref<1x25x80xi32, #tpu.memory_space<hbm>>
    %dma_start3A_31 = tpu.memref_squeeze %dma_start3A_30 : memref<1x25x80xi32, #tpu.memory_space<hbm>> -> memref<25x80xi32, #tpu.memory_space<hbm>>
    tpu.enqueue_dma source(%dma_start3A_31 : memref<25x80xi32, #tpu.memory_space<hbm>>) target(%arg13 : memref<25x80xi32, #tpu.memory_space<vmem>>) target_semaphore(%arg19 : memref<!tpu.dma_semaphore, #tpu.memory_space<semaphore_mem>>)
    %mul3A_32 = arith.constant 102400 : i32
    %mul3A_33 = arith.muli %arg1, %mul3A_32 : i32
    "tpu.region"() ({
      %run_scoped3A = tpu.sem_alloc : memref<!tpu.dma_semaphore, #tpu.memory_space<semaphore_mem>>
      %dma_start3A_80 = tpu.memref_slice %arg14[%mul3A_33] : memref<1638400xf32, #tpu.memory_space<vmem_shared>> -> memref<102400xf32, #tpu.memory_space<vmem_shared>>
      %dma_start3A_81 = tpu.memref_slice %arg6[%mul3A_33] : memref<1638400xf32, #tpu.memory_space<hbm>> -> memref<102400xf32, #tpu.memory_space<hbm>>
      tpu.enqueue_dma source(%dma_start3A_81 : memref<102400xf32, #tpu.memory_space<hbm>>) target(%dma_start3A_80 : memref<102400xf32, #tpu.memory_space<vmem_shared>>) target_semaphore(%run_scoped3A : memref<!tpu.dma_semaphore, #tpu.memory_space<semaphore_mem>>)
      %dma_wait3A_82 = tpu.memref_slice %arg14[%mul3A_33] : memref<1638400xf32, #tpu.memory_space<vmem_shared>> -> memref<102400xf32, #tpu.memory_space<vmem_shared>>
      %dma_wait3A_83 = tpu.memref_slice %arg6[%mul3A_33] : memref<1638400xf32, #tpu.memory_space<hbm>> -> memref<102400xf32, #tpu.memory_space<hbm>>
      tpu.wait_dma2 semaphore(%run_scoped3A : memref<!tpu.dma_semaphore, #tpu.memory_space<semaphore_mem>>) src(%dma_wait3A_83 : memref<102400xf32, #tpu.memory_space<hbm>>) dst(%dma_wait3A_82 : memref<102400xf32, #tpu.memory_space<vmem_shared>>)
      tpu.yield
    }) : () -> ()
    tpu.wait_dma2 semaphore(%arg15 : memref<!tpu.dma_semaphore, #tpu.memory_space<semaphore_mem>>) src(%arg2 : memref<784x16xi32, #tpu.memory_space<hbm>>) dst(%arg8 : memref<784x16xi32, #tpu.memory_space<vmem>>)
    %barrier3A = arith.constant 0 : index
    tpu.barrier barrier_id(%barrier3A)
    %scan3A = arith.constant 0 : i32
    %scan3A_34 = arith.constant 0 : i32
    %scan3A_35 = arith.constant 12 : i32
    %scan3A_36 = arith.addi %scan3A_34, %scan3A_35 : i32
    %scan3A_37 = arith.constant 1 : i32
    scf.for %scan3A_80 = %scan3A_34 to %scan3A_36 step %scan3A_37  : i32 {
      %mul3A_81 = arith.constant 2 : i32
      %mul3A_82 = arith.muli %mul3A_81, %scan3A_80 : i32
      %dma_wait3A_83 = arith.constant 0 : i32
      %dma_wait3A_84 = arith.constant 0 : i32
      %dma_wait3A_85 = tpu.memref_slice %arg3[%arg1, %dma_wait3A_83, %dma_wait3A_84] : memref<16x625x80xi32, #tpu.memory_space<hbm>> -> memref<1x25x80xi32, #tpu.memory_space<hbm>>
      %dma_wait3A_86 = tpu.memref_squeeze %dma_wait3A_85 : memref<1x25x80xi32, #tpu.memory_space<hbm>> -> memref<25x80xi32, #tpu.memory_space<hbm>>
      %dma_wait3A_87 = arith.constant 0 : i32
      %dma_wait3A_88 = arith.constant 0 : i32
      %dma_wait3A_89 = tpu.memref_slice %arg3[%arg1, %dma_wait3A_87, %dma_wait3A_88] : memref<16x625x80xi32, #tpu.memory_space<hbm>> -> memref<1x25x80xi32, #tpu.memory_space<hbm>>
      %dma_wait3A_90 = tpu.memref_squeeze %dma_wait3A_89 : memref<1x25x80xi32, #tpu.memory_space<hbm>> -> memref<25x80xi32, #tpu.memory_space<hbm>>
      tpu.wait_dma2 semaphore(%arg16 : memref<!tpu.dma_semaphore, #tpu.memory_space<semaphore_mem>>) src(%dma_wait3A_90 : memref<25x80xi32, #tpu.memory_space<hbm>>) dst(%arg10 : memref<25x80xi32, #tpu.memory_space<vmem>>)
      %dma_wait3A_91 = arith.constant 0 : i32
      %dma_wait3A_92 = arith.constant 0 : i32
      %dma_wait3A_93 = tpu.memref_slice %arg4[%arg1, %dma_wait3A_91, %dma_wait3A_92] : memref<16x625x80xi32, #tpu.memory_space<hbm>> -> memref<1x25x80xi32, #tpu.memory_space<hbm>>
      %dma_wait3A_94 = tpu.memref_squeeze %dma_wait3A_93 : memref<1x25x80xi32, #tpu.memory_space<hbm>> -> memref<25x80xi32, #tpu.memory_space<hbm>>
      %dma_wait3A_95 = arith.constant 0 : i32
      %dma_wait3A_96 = arith.constant 0 : i32
      %dma_wait3A_97 = tpu.memref_slice %arg4[%arg1, %dma_wait3A_95, %dma_wait3A_96] : memref<16x625x80xi32, #tpu.memory_space<hbm>> -> memref<1x25x80xi32, #tpu.memory_space<hbm>>
      %dma_wait3A_98 = tpu.memref_squeeze %dma_wait3A_97 : memref<1x25x80xi32, #tpu.memory_space<hbm>> -> memref<25x80xi32, #tpu.memory_space<hbm>>
      tpu.wait_dma2 semaphore(%arg18 : memref<!tpu.dma_semaphore, #tpu.memory_space<semaphore_mem>>) src(%dma_wait3A_98 : memref<25x80xi32, #tpu.memory_space<hbm>>) dst(%arg12 : memref<25x80xi32, #tpu.memory_space<vmem>>)
      %scan3A_99 = arith.constant 0 : i32
      %scan3A_100 = arith.constant 0 : i32
      %scan3A_101 = arith.constant 25 : i32
      %scan3A_102 = arith.addi %scan3A_100, %scan3A_101 : i32
      %scan3A_103 = arith.constant 1 : i32
      scf.for %scan3A_156 = %scan3A_100 to %scan3A_102 step %scan3A_103  : i32 {
        %get3A = arith.index_cast %scan3A_156 : i32 to index
        %get3A_157 = arith.constant 0 : index
        %get3A_158 = tpu.vector_load %arg10[%get3A, %get3A_157] {strides = array<i32>} : memref<25x80xi32, #tpu.memory_space<vmem>>, vector<16xi32>,
        %shift_right_arithmetic3A = arith.constant 2 : i32
        %shift_right_arithmetic3A_159 = vector.broadcast %shift_right_arithmetic3A : i32 to vector<16xi32>
        %shift_right_arithmetic3A_160 = arith.shrsi %get3A_158, %shift_right_arithmetic3A_159 : vector<16xi32>
        %shift_right_arithmetic3A_161 = arith.constant 4 : i32
        %shift_right_arithmetic3A_162 = vector.broadcast %shift_right_arithmetic3A_161 : i32 to vector<16xi32>
        %shift_right_arithmetic3A_163 = arith.shrsi %shift_right_arithmetic3A_160, %shift_right_arithmetic3A_162 : vector<16xi32>
        %and3A_164 = arith.constant 15 : i32
        %and3A_165 = vector.broadcast %and3A_164 : i32 to vector<16xi32>
        %and3A_166 = arith.andi %shift_right_arithmetic3A_160, %and3A_165 : vector<16xi32>
        %gather3A = tpu.vector_load_idx %arg8[%shift_right_arithmetic3A_163, %and3A_166] : memref<784x16xi32, #tpu.memory_space<vmem>>[vector<16xi32>, vector<16xi32>], vector<16xi32>,
        %and3A_167 = arith.constant 3 : i32
        %and3A_168 = vector.broadcast %and3A_167 : i32 to vector<16xi32>
        %and3A_169 = arith.andi %get3A_158, %and3A_168 : vector<16xi32>
        %shift_left3A = arith.constant 3 : i32
        %shift_left3A_170 = vector.broadcast %shift_left3A : i32 to vector<16xi32>
        %shift_left3A_171 = arith.shli %and3A_169, %shift_left3A_170 : vector<16xi32>
        %shift_right_arithmetic3A_172 = arith.shrsi %gather3A, %shift_left3A_171 : vector<16xi32>
        %and3A_173 = arith.constant 63 : i32
        %and3A_174 = vector.broadcast %and3A_173 : i32 to vector<16xi32>
        %and3A_175 = arith.andi %shift_right_arithmetic3A_172, %and3A_174 : vector<16xi32>
        %get3A_176 = arith.index_cast %scan3A_156 : i32 to index
        %get3A_177 = arith.constant 0 : index
        %get3A_178 = tpu.vector_load %arg12[%get3A_176, %get3A_177] {strides = array<i32>} : memref<25x80xi32, #tpu.memory_space<vmem>>, vector<16xi32>,
        %sub3A = vector.broadcast %mul3A_0 : i32 to vector<16xi32>
        %sub3A_179 = arith.subi %get3A_178, %sub3A : vector<16xi32>
        %ge3A = arith.constant 0 : i32
        %ge3A_180 = vector.broadcast %ge3A : i32 to vector<16xi32>
        %ge3A_181 = arith.cmpi sge, %sub3A_179, %ge3A_180 : vector<16xi32>
        %lt3A_182 = arith.constant 25000 : i32
        %lt3A_183 = vector.broadcast %lt3A_182 : i32 to vector<16xi32>
        %lt3A_184 = arith.cmpi slt, %sub3A_179, %lt3A_183 : vector<16xi32>
        %and3A_185 = arith.andi %ge3A_181, %lt3A_184 : vector<16xi1>
        %mul3A_186 = arith.constant 64 : i32
        %mul3A_187 = vector.broadcast %mul3A_186 : i32 to vector<16xi32>
        %mul3A_188 = arith.muli %sub3A_179, %mul3A_187 : vector<16xi32>
        %add3A_189 = arith.addi %mul3A_188, %and3A_175 : vector<16xi32>
        %jit3A = arith.constant 1600000 : i32
        %broadcast_in_dim3A = vector.broadcast %jit3A : i32 to vector<16xi32>
        %select_n3A = arith.select %and3A_185, %add3A_189, %broadcast_in_dim3A : vector<16xi1>, vector<16xi32>
        %swap3A = arith.index_cast %scan3A_156 : i32 to index
        %swap3A_190 = arith.constant 0 : index
        %swap3A_191 = tpu.vector_load %arg12[%swap3A, %swap3A_190] {strides = array<i32>} : memref<25x80xi32, #tpu.memory_space<vmem>>, vector<16xi32>,
        tpu.vector_store %arg12[%swap3A, %swap3A_190], %select_n3A {strides = array<i32>} : memref<25x80xi32, #tpu.memory_space<vmem>>, vector<16xi32>,
        %get3A_192 = arith.index_cast %scan3A_156 : i32 to index
        %get3A_193 = arith.constant 16 : index
        %get3A_194 = tpu.vector_load %arg10[%get3A_192, %get3A_193] {strides = array<i32>} : memref<25x80xi32, #tpu.memory_space<vmem>>, vector<16xi32>,
        %shift_right_arithmetic3A_195 = arith.constant 2 : i32
        %shift_right_arithmetic3A_196 = vector.broadcast %shift_right_arithmetic3A_195 : i32 to vector<16xi32>
        %shift_right_arithmetic3A_197 = arith.shrsi %get3A_194, %shift_right_arithmetic3A_196 : vector<16xi32>
        %shift_right_arithmetic3A_198 = arith.constant 4 : i32
        %shift_right_arithmetic3A_199 = vector.broadcast %shift_right_arithmetic3A_198 : i32 to vector<16xi32>
        %shift_right_arithmetic3A_200 = arith.shrsi %shift_right_arithmetic3A_197, %shift_right_arithmetic3A_199 : vector<16xi32>
        %and3A_201 = arith.constant 15 : i32
        %and3A_202 = vector.broadcast %and3A_201 : i32 to vector<16xi32>
        %and3A_203 = arith.andi %shift_right_arithmetic3A_197, %and3A_202 : vector<16xi32>
        %gather3A_204 = tpu.vector_load_idx %arg8[%shift_right_arithmetic3A_200, %and3A_203] : memref<784x16xi32, #tpu.memory_space<vmem>>[vector<16xi32>, vector<16xi32>], vector<16xi32>,
        %and3A_205 = arith.constant 3 : i32
        %and3A_206 = vector.broadcast %and3A_205 : i32 to vector<16xi32>
        %and3A_207 = arith.andi %get3A_194, %and3A_206 : vector<16xi32>
        %shift_left3A_208 = arith.constant 3 : i32
        %shift_left3A_209 = vector.broadcast %shift_left3A_208 : i32 to vector<16xi32>
        %shift_left3A_210 = arith.shli %and3A_207, %shift_left3A_209 : vector<16xi32>
        %shift_right_arithmetic3A_211 = arith.shrsi %gather3A_204, %shift_left3A_210 : vector<16xi32>
        %and3A_212 = arith.constant 63 : i32
        %and3A_213 = vector.broadcast %and3A_212 : i32 to vector<16xi32>
        %and3A_214 = arith.andi %shift_right_arithmetic3A_211, %and3A_213 : vector<16xi32>
        %get3A_215 = arith.index_cast %scan3A_156 : i32 to index
        %get3A_216 = arith.constant 16 : index
        %get3A_217 = tpu.vector_load %arg12[%get3A_215, %get3A_216] {strides = array<i32>} : memref<25x80xi32, #tpu.memory_space<vmem>>, vector<16xi32>,
        %sub3A_218 = vector.broadcast %mul3A_0 : i32 to vector<16xi32>
        %sub3A_219 = arith.subi %get3A_217, %sub3A_218 : vector<16xi32>
        %ge3A_220 = arith.constant 0 : i32
        %ge3A_221 = vector.broadcast %ge3A_220 : i32 to vector<16xi32>
        %ge3A_222 = arith.cmpi sge, %sub3A_219, %ge3A_221 : vector<16xi32>
        %lt3A_223 = arith.constant 25000 : i32
        %lt3A_224 = vector.broadcast %lt3A_223 : i32 to vector<16xi32>
        %lt3A_225 = arith.cmpi slt, %sub3A_219, %lt3A_224 : vector<16xi32>
        %and3A_226 = arith.andi %ge3A_222, %lt3A_225 : vector<16xi1>
        %mul3A_227 = arith.constant 64 : i32
        %mul3A_228 = vector.broadcast %mul3A_227 : i32 to vector<16xi32>
        %mul3A_229 = arith.muli %sub3A_219, %mul3A_228 : vector<16xi32>
        %add3A_230 = arith.addi %mul3A_229, %and3A_214 : vector<16xi32>
        %jit3A_231 = arith.constant 1600000 : i32
        %broadcast_in_dim3A_232 = vector.broadcast %jit3A_231 : i32 to vector<16xi32>
        %select_n3A_233 = arith.select %and3A_226, %add3A_230, %broadcast_in_dim3A_232 : vector<16xi1>, vector<16xi32>
        %swap3A_234 = arith.index_cast %scan3A_156 : i32 to index
        %swap3A_235 = arith.constant 16 : index
        %swap3A_236 = tpu.vector_load %arg12[%swap3A_234, %swap3A_235] {strides = array<i32>} : memref<25x80xi32, #tpu.memory_space<vmem>>, vector<16xi32>,
        tpu.vector_store %arg12[%swap3A_234, %swap3A_235], %select_n3A_233 {strides = array<i32>} : memref<25x80xi32, #tpu.memory_space<vmem>>, vector<16xi32>,
        %get3A_237 = arith.index_cast %scan3A_156 : i32 to index
        %get3A_238 = arith.constant 32 : index
        %get3A_239 = tpu.vector_load %arg10[%get3A_237, %get3A_238] {strides = array<i32>} : memref<25x80xi32, #tpu.memory_space<vmem>>, vector<16xi32>,
        %shift_right_arithmetic3A_240 = arith.constant 2 : i32
        %shift_right_arithmetic3A_241 = vector.broadcast %shift_right_arithmetic3A_240 : i32 to vector<16xi32>
        %shift_right_arithmetic3A_242 = arith.shrsi %get3A_239, %shift_right_arithmetic3A_241 : vector<16xi32>
        %shift_right_arithmetic3A_243 = arith.constant 4 : i32
        %shift_right_arithmetic3A_244 = vector.broadcast %shift_right_arithmetic3A_243 : i32 to vector<16xi32>
        %shift_right_arithmetic3A_245 = arith.shrsi %shift_right_arithmetic3A_242, %shift_right_arithmetic3A_244 : vector<16xi32>
        %and3A_246 = arith.constant 15 : i32
        %and3A_247 = vector.broadcast %and3A_246 : i32 to vector<16xi32>
        %and3A_248 = arith.andi %shift_right_arithmetic3A_242, %and3A_247 : vector<16xi32>
        %gather3A_249 = tpu.vector_load_idx %arg8[%shift_right_arithmetic3A_245, %and3A_248] : memref<784x16xi32, #tpu.memory_space<vmem>>[vector<16xi32>, vector<16xi32>], vector<16xi32>,
        %and3A_250 = arith.constant 3 : i32
        %and3A_251 = vector.broadcast %and3A_250 : i32 to vector<16xi32>
        %and3A_252 = arith.andi %get3A_239, %and3A_251 : vector<16xi32>
        %shift_left3A_253 = arith.constant 3 : i32
        %shift_left3A_254 = vector.broadcast %shift_left3A_253 : i32 to vector<16xi32>
        %shift_left3A_255 = arith.shli %and3A_252, %shift_left3A_254 : vector<16xi32>
        %shift_right_arithmetic3A_256 = arith.shrsi %gather3A_249, %shift_left3A_255 : vector<16xi32>
        %and3A_257 = arith.constant 63 : i32
        %and3A_258 = vector.broadcast %and3A_257 : i32 to vector<16xi32>
        %and3A_259 = arith.andi %shift_right_arithmetic3A_256, %and3A_258 : vector<16xi32>
        %get3A_260 = arith.index_cast %scan3A_156 : i32 to index
        %get3A_261 = arith.constant 32 : index
        %get3A_262 = tpu.vector_load %arg12[%get3A_260, %get3A_261] {strides = array<i32>} : memref<25x80xi32, #tpu.memory_space<vmem>>, vector<16xi32>,
        %sub3A_263 = vector.broadcast %mul3A_0 : i32 to vector<16xi32>
        %sub3A_264 = arith.subi %get3A_262, %sub3A_263 : vector<16xi32>
        %ge3A_265 = arith.constant 0 : i32
        %ge3A_266 = vector.broadcast %ge3A_265 : i32 to vector<16xi32>
        %ge3A_267 = arith.cmpi sge, %sub3A_264, %ge3A_266 : vector<16xi32>
        %lt3A_268 = arith.constant 25000 : i32
        %lt3A_269 = vector.broadcast %lt3A_268 : i32 to vector<16xi32>
        %lt3A_270 = arith.cmpi slt, %sub3A_264, %lt3A_269 : vector<16xi32>
        %and3A_271 = arith.andi %ge3A_267, %lt3A_270 : vector<16xi1>
        %mul3A_272 = arith.constant 64 : i32
        %mul3A_273 = vector.broadcast %mul3A_272 : i32 to vector<16xi32>
        %mul3A_274 = arith.muli %sub3A_264, %mul3A_273 : vector<16xi32>
        %add3A_275 = arith.addi %mul3A_274, %and3A_259 : vector<16xi32>
        %jit3A_276 = arith.constant 1600000 : i32
        %broadcast_in_dim3A_277 = vector.broadcast %jit3A_276 : i32 to vector<16xi32>
        %select_n3A_278 = arith.select %and3A_271, %add3A_275, %broadcast_in_dim3A_277 : vector<16xi1>, vector<16xi32>
        %swap3A_279 = arith.index_cast %scan3A_156 : i32 to index
        %swap3A_280 = arith.constant 32 : index
        %swap3A_281 = tpu.vector_load %arg12[%swap3A_279, %swap3A_280] {strides = array<i32>} : memref<25x80xi32, #tpu.memory_space<vmem>>, vector<16xi32>,
        tpu.vector_store %arg12[%swap3A_279, %swap3A_280], %select_n3A_278 {strides = array<i32>} : memref<25x80xi32, #tpu.memory_space<vmem>>, vector<16xi32>,
        %get3A_282 = arith.index_cast %scan3A_156 : i32 to index
        %get3A_283 = arith.constant 48 : index
        %get3A_284 = tpu.vector_load %arg10[%get3A_282, %get3A_283] {strides = array<i32>} : memref<25x80xi32, #tpu.memory_space<vmem>>, vector<16xi32>,
        %shift_right_arithmetic3A_285 = arith.constant 2 : i32
        %shift_right_arithmetic3A_286 = vector.broadcast %shift_right_arithmetic3A_285 : i32 to vector<16xi32>
        %shift_right_arithmetic3A_287 = arith.shrsi %get3A_284, %shift_right_arithmetic3A_286 : vector<16xi32>
        %shift_right_arithmetic3A_288 = arith.constant 4 : i32
        %shift_right_arithmetic3A_289 = vector.broadcast %shift_right_arithmetic3A_288 : i32 to vector<16xi32>
        %shift_right_arithmetic3A_290 = arith.shrsi %shift_right_arithmetic3A_287, %shift_right_arithmetic3A_289 : vector<16xi32>
        %and3A_291 = arith.constant 15 : i32
        %and3A_292 = vector.broadcast %and3A_291 : i32 to vector<16xi32>
        %and3A_293 = arith.andi %shift_right_arithmetic3A_287, %and3A_292 : vector<16xi32>
        %gather3A_294 = tpu.vector_load_idx %arg8[%shift_right_arithmetic3A_290, %and3A_293] : memref<784x16xi32, #tpu.memory_space<vmem>>[vector<16xi32>, vector<16xi32>], vector<16xi32>,
        %and3A_295 = arith.constant 3 : i32
        %and3A_296 = vector.broadcast %and3A_295 : i32 to vector<16xi32>
        %and3A_297 = arith.andi %get3A_284, %and3A_296 : vector<16xi32>
        %shift_left3A_298 = arith.constant 3 : i32
        %shift_left3A_299 = vector.broadcast %shift_left3A_298 : i32 to vector<16xi32>
        %shift_left3A_300 = arith.shli %and3A_297, %shift_left3A_299 : vector<16xi32>
        %shift_right_arithmetic3A_301 = arith.shrsi %gather3A_294, %shift_left3A_300 : vector<16xi32>
        %and3A_302 = arith.constant 63 : i32
        %and3A_303 = vector.broadcast %and3A_302 : i32 to vector<16xi32>
        %and3A_304 = arith.andi %shift_right_arithmetic3A_301, %and3A_303 : vector<16xi32>
        %get3A_305 = arith.index_cast %scan3A_156 : i32 to index
        %get3A_306 = arith.constant 48 : index
        %get3A_307 = tpu.vector_load %arg12[%get3A_305, %get3A_306] {strides = array<i32>} : memref<25x80xi32, #tpu.memory_space<vmem>>, vector<16xi32>,
        %sub3A_308 = vector.broadcast %mul3A_0 : i32 to vector<16xi32>
        %sub3A_309 = arith.subi %get3A_307, %sub3A_308 : vector<16xi32>
        %ge3A_310 = arith.constant 0 : i32
        %ge3A_311 = vector.broadcast %ge3A_310 : i32 to vector<16xi32>
        %ge3A_312 = arith.cmpi sge, %sub3A_309, %ge3A_311 : vector<16xi32>
        %lt3A_313 = arith.constant 25000 : i32
        %lt3A_314 = vector.broadcast %lt3A_313 : i32 to vector<16xi32>
        %lt3A_315 = arith.cmpi slt, %sub3A_309, %lt3A_314 : vector<16xi32>
        %and3A_316 = arith.andi %ge3A_312, %lt3A_315 : vector<16xi1>
        %mul3A_317 = arith.constant 64 : i32
        %mul3A_318 = vector.broadcast %mul3A_317 : i32 to vector<16xi32>
        %mul3A_319 = arith.muli %sub3A_309, %mul3A_318 : vector<16xi32>
        %add3A_320 = arith.addi %mul3A_319, %and3A_304 : vector<16xi32>
        %jit3A_321 = arith.constant 1600000 : i32
        %broadcast_in_dim3A_322 = vector.broadcast %jit3A_321 : i32 to vector<16xi32>
        %select_n3A_323 = arith.select %and3A_316, %add3A_320, %broadcast_in_dim3A_322 : vector<16xi1>, vector<16xi32>
        %swap3A_324 = arith.index_cast %scan3A_156 : i32 to index
        %swap3A_325 = arith.constant 48 : index
        %swap3A_326 = tpu.vector_load %arg12[%swap3A_324, %swap3A_325] {strides = array<i32>} : memref<25x80xi32, #tpu.memory_space<vmem>>, vector<16xi32>,
        tpu.vector_store %arg12[%swap3A_324, %swap3A_325], %select_n3A_323 {strides = array<i32>} : memref<25x80xi32, #tpu.memory_space<vmem>>, vector<16xi32>,
        %get3A_327 = arith.index_cast %scan3A_156 : i32 to index
        %get3A_328 = arith.constant 64 : index
        %get3A_329 = tpu.vector_load %arg10[%get3A_327, %get3A_328] {strides = array<i32>} : memref<25x80xi32, #tpu.memory_space<vmem>>, vector<16xi32>,
        %shift_right_arithmetic3A_330 = arith.constant 2 : i32
        %shift_right_arithmetic3A_331 = vector.broadcast %shift_right_arithmetic3A_330 : i32 to vector<16xi32>
        %shift_right_arithmetic3A_332 = arith.shrsi %get3A_329, %shift_right_arithmetic3A_331 : vector<16xi32>
        %shift_right_arithmetic3A_333 = arith.constant 4 : i32
        %shift_right_arithmetic3A_334 = vector.broadcast %shift_right_arithmetic3A_333 : i32 to vector<16xi32>
        %shift_right_arithmetic3A_335 = arith.shrsi %shift_right_arithmetic3A_332, %shift_right_arithmetic3A_334 : vector<16xi32>
        %and3A_336 = arith.constant 15 : i32
        %and3A_337 = vector.broadcast %and3A_336 : i32 to vector<16xi32>
        %and3A_338 = arith.andi %shift_right_arithmetic3A_332, %and3A_337 : vector<16xi32>
        %gather3A_339 = tpu.vector_load_idx %arg8[%shift_right_arithmetic3A_335, %and3A_338] : memref<784x16xi32, #tpu.memory_space<vmem>>[vector<16xi32>, vector<16xi32>], vector<16xi32>,
        %and3A_340 = arith.constant 3 : i32
        %and3A_341 = vector.broadcast %and3A_340 : i32 to vector<16xi32>
        %and3A_342 = arith.andi %get3A_329, %and3A_341 : vector<16xi32>
        %shift_left3A_343 = arith.constant 3 : i32
        %shift_left3A_344 = vector.broadcast %shift_left3A_343 : i32 to vector<16xi32>
        %shift_left3A_345 = arith.shli %and3A_342, %shift_left3A_344 : vector<16xi32>
        %shift_right_arithmetic3A_346 = arith.shrsi %gather3A_339, %shift_left3A_345 : vector<16xi32>
        %and3A_347 = arith.constant 63 : i32
        %and3A_348 = vector.broadcast %and3A_347 : i32 to vector<16xi32>
        %and3A_349 = arith.andi %shift_right_arithmetic3A_346, %and3A_348 : vector<16xi32>
        %get3A_350 = arith.index_cast %scan3A_156 : i32 to index
        %get3A_351 = arith.constant 64 : index
        %get3A_352 = tpu.vector_load %arg12[%get3A_350, %get3A_351] {strides = array<i32>} : memref<25x80xi32, #tpu.memory_space<vmem>>, vector<16xi32>,
        %sub3A_353 = vector.broadcast %mul3A_0 : i32 to vector<16xi32>
        %sub3A_354 = arith.subi %get3A_352, %sub3A_353 : vector<16xi32>
        %ge3A_355 = arith.constant 0 : i32
        %ge3A_356 = vector.broadcast %ge3A_355 : i32 to vector<16xi32>
        %ge3A_357 = arith.cmpi sge, %sub3A_354, %ge3A_356 : vector<16xi32>
        %lt3A_358 = arith.constant 25000 : i32
        %lt3A_359 = vector.broadcast %lt3A_358 : i32 to vector<16xi32>
        %lt3A_360 = arith.cmpi slt, %sub3A_354, %lt3A_359 : vector<16xi32>
        %and3A_361 = arith.andi %ge3A_357, %lt3A_360 : vector<16xi1>
        %mul3A_362 = arith.constant 64 : i32
        %mul3A_363 = vector.broadcast %mul3A_362 : i32 to vector<16xi32>
        %mul3A_364 = arith.muli %sub3A_354, %mul3A_363 : vector<16xi32>
        %add3A_365 = arith.addi %mul3A_364, %and3A_349 : vector<16xi32>
        %jit3A_366 = arith.constant 1600000 : i32
        %broadcast_in_dim3A_367 = vector.broadcast %jit3A_366 : i32 to vector<16xi32>
        %select_n3A_368 = arith.select %and3A_361, %add3A_365, %broadcast_in_dim3A_367 : vector<16xi1>, vector<16xi32>
        %swap3A_369 = arith.index_cast %scan3A_156 : i32 to index
        %swap3A_370 = arith.constant 64 : index
        %swap3A_371 = tpu.vector_load %arg12[%swap3A_369, %swap3A_370] {strides = array<i32>} : memref<25x80xi32, #tpu.memory_space<vmem>>, vector<16xi32>,
        tpu.vector_store %arg12[%swap3A_369, %swap3A_370], %select_n3A_368 {strides = array<i32>} : memref<25x80xi32, #tpu.memory_space<vmem>>, vector<16xi32>,
        %dma_start3A_372 = arith.constant 0 : i32
        %dma_start3A_373 = tpu.memref_slice %arg12[%scan3A_156, %dma_start3A_372] : memref<25x80xi32, #tpu.memory_space<vmem>> -> memref<1x80xi32, #tpu.memory_space<vmem>>
        %dma_start3A_374 = tpu.memref_squeeze %dma_start3A_373 : memref<1x80xi32, #tpu.memory_space<vmem>> -> memref<80xi32, #tpu.memory_space<vmem>>
        %dma_start3A_375 = arith.constant 0 : i32
        %dma_start3A_376 = tpu.memref_slice %arg14[%dma_start3A_375] : memref<1638400xf32, #tpu.memory_space<vmem_shared>> -> memref<1638400xf32, #tpu.memory_space<vmem_shared>>
        tpu.enqueue_indirect_dma source(%arg9 : memref<80xf32, #tpu.memory_space<vmem>>) target(%dma_start3A_376 : memref<1638400xf32, #tpu.memory_space<vmem_shared>>) offsets(%dma_start3A_374 : memref<80xi32, #tpu.memory_space<vmem>>) semaphore(%arg20 : memref<!tpu.dma_semaphore, #tpu.memory_space<semaphore_mem>>) {add = true}
      }
      %scan3A_104 = arith.constant 25 : i32
      %scan3A_105 = arith.constant 0 : i32
      %scan3A_106 = arith.constant 0 : i32
      %scan3A_107 = arith.constant 25 : i32
      %scan3A_108 = arith.addi %scan3A_106, %scan3A_107 : i32
      %scan3A_109 = arith.constant 1 : i32
      scf.for %scan3A_156 = %scan3A_106 to %scan3A_108 step %scan3A_109  : i32 {
        %dma_wait3A_157 = arith.constant 0 : i32
        %dma_wait3A_158 = arith.constant 0 : i32
        %dma_wait3A_159 = tpu.memref_slice %arg12[%dma_wait3A_157, %dma_wait3A_158] : memref<25x80xi32, #tpu.memory_space<vmem>> -> memref<1x80xi32, #tpu.memory_space<vmem>>
        %dma_wait3A_160 = tpu.memref_squeeze %dma_wait3A_159 : memref<1x80xi32, #tpu.memory_space<vmem>> -> memref<80xi32, #tpu.memory_space<vmem>>
        %dma_wait3A_161 = arith.constant 0 : i32
        %dma_wait3A_162 = tpu.memref_slice %arg14[%dma_wait3A_161] : memref<1638400xf32, #tpu.memory_space<vmem_shared>> -> memref<1638400xf32, #tpu.memory_space<vmem_shared>>
        tpu.wait_indirect_dma semaphore(%arg20 : memref<!tpu.dma_semaphore, #tpu.memory_space<semaphore_mem>>) src(%arg9 : memref<80xf32, #tpu.memory_space<vmem>>) dst(%dma_wait3A_162 : memref<1638400xf32, #tpu.memory_space<vmem_shared>>)
      }
      %scan3A_110 = arith.constant 25 : i32
      %add3A_111 = arith.constant 2 : i32
      %add3A_112 = arith.addi %mul3A_82, %add3A_111 : i32
      %lt3A = arith.constant 25 : i32
      %lt3A_113 = arith.cmpi slt, %add3A_112, %lt3A : i32
      %convert_element_type3A_114 = arith.extui %lt3A_113 : i1 to i32
      %cond3A_115 = arith.constant 0 : i32
      %cond3A_116 = arith.cmpi ne, %convert_element_type3A_114, %cond3A_115 : i32
      scf.if %cond3A_116 {
        %add3A_156 = arith.constant 2 : i32
        %add3A_157 = arith.addi %mul3A_82, %add3A_156 : i32
        %mul3A_158 = arith.constant 25 : i32
        %mul3A_159 = arith.muli %add3A_157, %mul3A_158 : i32
        %dma_start3A_160 = arith.constant 0 : i32
        %dma_start3A_161 = tpu.memref_slice %arg3[%arg1, %mul3A_159, %dma_start3A_160] : memref<16x625x80xi32, #tpu.memory_space<hbm>> -> memref<1x25x80xi32, #tpu.memory_space<hbm>>
        %dma_start3A_162 = tpu.memref_squeeze %dma_start3A_161 : memref<1x25x80xi32, #tpu.memory_space<hbm>> -> memref<25x80xi32, #tpu.memory_space<hbm>>
        %dma_start3A_163 = arith.constant 0 : i32
        %dma_start3A_164 = tpu.memref_slice %arg3[%arg1, %mul3A_159, %dma_start3A_163] : memref<16x625x80xi32, #tpu.memory_space<hbm>> -> memref<1x25x80xi32, #tpu.memory_space<hbm>>
        %dma_start3A_165 = tpu.memref_squeeze %dma_start3A_164 : memref<1x25x80xi32, #tpu.memory_space<hbm>> -> memref<25x80xi32, #tpu.memory_space<hbm>>
        tpu.enqueue_dma source(%dma_start3A_165 : memref<25x80xi32, #tpu.memory_space<hbm>>) target(%arg10 : memref<25x80xi32, #tpu.memory_space<vmem>>) target_semaphore(%arg16 : memref<!tpu.dma_semaphore, #tpu.memory_space<semaphore_mem>>)
        %mul3A_166 = arith.constant 25 : i32
        %mul3A_167 = arith.muli %add3A_157, %mul3A_166 : i32
        %dma_start3A_168 = arith.constant 0 : i32
        %dma_start3A_169 = tpu.memref_slice %arg4[%arg1, %mul3A_167, %dma_start3A_168] : memref<16x625x80xi32, #tpu.memory_space<hbm>> -> memref<1x25x80xi32, #tpu.memory_space<hbm>>
        %dma_start3A_170 = tpu.memref_squeeze %dma_start3A_169 : memref<1x25x80xi32, #tpu.memory_space<hbm>> -> memref<25x80xi32, #tpu.memory_space<hbm>>
        %dma_start3A_171 = arith.constant 0 : i32
        %dma_start3A_172 = tpu.memref_slice %arg4[%arg1, %mul3A_167, %dma_start3A_171] : memref<16x625x80xi32, #tpu.memory_space<hbm>> -> memref<1x25x80xi32, #tpu.memory_space<hbm>>
        %dma_start3A_173 = tpu.memref_squeeze %dma_start3A_172 : memref<1x25x80xi32, #tpu.memory_space<hbm>> -> memref<25x80xi32, #tpu.memory_space<hbm>>
        tpu.enqueue_dma source(%dma_start3A_173 : memref<25x80xi32, #tpu.memory_space<hbm>>) target(%arg12 : memref<25x80xi32, #tpu.memory_space<vmem>>) target_semaphore(%arg18 : memref<!tpu.dma_semaphore, #tpu.memory_space<semaphore_mem>>)
      } else {
      }
      %mul3A_117 = arith.constant 2 : i32
      %mul3A_118 = arith.muli %mul3A_117, %scan3A_80 : i32
      %add3A_119 = arith.constant 1 : i32
      %add3A_120 = arith.addi %mul3A_118, %add3A_119 : i32
      %dma_wait3A_121 = arith.constant 0 : i32
      %dma_wait3A_122 = arith.constant 0 : i32
      %dma_wait3A_123 = tpu.memref_slice %arg3[%arg1, %dma_wait3A_121, %dma_wait3A_122] : memref<16x625x80xi32, #tpu.memory_space<hbm>> -> memref<1x25x80xi32, #tpu.memory_space<hbm>>
      %dma_wait3A_124 = tpu.memref_squeeze %dma_wait3A_123 : memref<1x25x80xi32, #tpu.memory_space<hbm>> -> memref<25x80xi32, #tpu.memory_space<hbm>>
      %dma_wait3A_125 = arith.constant 0 : i32
      %dma_wait3A_126 = arith.constant 0 : i32
      %dma_wait3A_127 = tpu.memref_slice %arg3[%arg1, %dma_wait3A_125, %dma_wait3A_126] : memref<16x625x80xi32, #tpu.memory_space<hbm>> -> memref<1x25x80xi32, #tpu.memory_space<hbm>>
      %dma_wait3A_128 = tpu.memref_squeeze %dma_wait3A_127 : memref<1x25x80xi32, #tpu.memory_space<hbm>> -> memref<25x80xi32, #tpu.memory_space<hbm>>
      tpu.wait_dma2 semaphore(%arg17 : memref<!tpu.dma_semaphore, #tpu.memory_space<semaphore_mem>>) src(%dma_wait3A_128 : memref<25x80xi32, #tpu.memory_space<hbm>>) dst(%arg11 : memref<25x80xi32, #tpu.memory_space<vmem>>)
      %dma_wait3A_129 = arith.constant 0 : i32
      %dma_wait3A_130 = arith.constant 0 : i32
      %dma_wait3A_131 = tpu.memref_slice %arg4[%arg1, %dma_wait3A_129, %dma_wait3A_130] : memref<16x625x80xi32, #tpu.memory_space<hbm>> -> memref<1x25x80xi32, #tpu.memory_space<hbm>>
      %dma_wait3A_132 = tpu.memref_squeeze %dma_wait3A_131 : memref<1x25x80xi32, #tpu.memory_space<hbm>> -> memref<25x80xi32, #tpu.memory_space<hbm>>
      %dma_wait3A_133 = arith.constant 0 : i32
      %dma_wait3A_134 = arith.constant 0 : i32
      %dma_wait3A_135 = tpu.memref_slice %arg4[%arg1, %dma_wait3A_133, %dma_wait3A_134] : memref<16x625x80xi32, #tpu.memory_space<hbm>> -> memref<1x25x80xi32, #tpu.memory_space<hbm>>
      %dma_wait3A_136 = tpu.memref_squeeze %dma_wait3A_135 : memref<1x25x80xi32, #tpu.memory_space<hbm>> -> memref<25x80xi32, #tpu.memory_space<hbm>>
      tpu.wait_dma2 semaphore(%arg19 : memref<!tpu.dma_semaphore, #tpu.memory_space<semaphore_mem>>) src(%dma_wait3A_136 : memref<25x80xi32, #tpu.memory_space<hbm>>) dst(%arg13 : memref<25x80xi32, #tpu.memory_space<vmem>>)
      %scan3A_137 = arith.constant 0 : i32
      %scan3A_138 = arith.constant 0 : i32
      %scan3A_139 = arith.constant 25 : i32
      %scan3A_140 = arith.addi %scan3A_138, %scan3A_139 : i32
      %scan3A_141 = arith.constant 1 : i32
      scf.for %scan3A_156 = %scan3A_138 to %scan3A_140 step %scan3A_141  : i32 {
        %get3A = arith.index_cast %scan3A_156 : i32 to index
        %get3A_157 = arith.constant 0 : index
        %get3A_158 = tpu.vector_load %arg11[%get3A, %get3A_157] {strides = array<i32>} : memref<25x80xi32, #tpu.memory_space<vmem>>, vector<16xi32>,
        %shift_right_arithmetic3A = arith.constant 2 : i32
        %shift_right_arithmetic3A_159 = vector.broadcast %shift_right_arithmetic3A : i32 to vector<16xi32>
        %shift_right_arithmetic3A_160 = arith.shrsi %get3A_158, %shift_right_arithmetic3A_159 : vector<16xi32>
        %shift_right_arithmetic3A_161 = arith.constant 4 : i32
        %shift_right_arithmetic3A_162 = vector.broadcast %shift_right_arithmetic3A_161 : i32 to vector<16xi32>
        %shift_right_arithmetic3A_163 = arith.shrsi %shift_right_arithmetic3A_160, %shift_right_arithmetic3A_162 : vector<16xi32>
        %and3A_164 = arith.constant 15 : i32
        %and3A_165 = vector.broadcast %and3A_164 : i32 to vector<16xi32>
        %and3A_166 = arith.andi %shift_right_arithmetic3A_160, %and3A_165 : vector<16xi32>
        %gather3A = tpu.vector_load_idx %arg8[%shift_right_arithmetic3A_163, %and3A_166] : memref<784x16xi32, #tpu.memory_space<vmem>>[vector<16xi32>, vector<16xi32>], vector<16xi32>,
        %and3A_167 = arith.constant 3 : i32
        %and3A_168 = vector.broadcast %and3A_167 : i32 to vector<16xi32>
        %and3A_169 = arith.andi %get3A_158, %and3A_168 : vector<16xi32>
        %shift_left3A = arith.constant 3 : i32
        %shift_left3A_170 = vector.broadcast %shift_left3A : i32 to vector<16xi32>
        %shift_left3A_171 = arith.shli %and3A_169, %shift_left3A_170 : vector<16xi32>
        %shift_right_arithmetic3A_172 = arith.shrsi %gather3A, %shift_left3A_171 : vector<16xi32>
        %and3A_173 = arith.constant 63 : i32
        %and3A_174 = vector.broadcast %and3A_173 : i32 to vector<16xi32>
        %and3A_175 = arith.andi %shift_right_arithmetic3A_172, %and3A_174 : vector<16xi32>
        %get3A_176 = arith.index_cast %scan3A_156 : i32 to index
        %get3A_177 = arith.constant 0 : index
        %get3A_178 = tpu.vector_load %arg13[%get3A_176, %get3A_177] {strides = array<i32>} : memref<25x80xi32, #tpu.memory_space<vmem>>, vector<16xi32>,
        %sub3A = vector.broadcast %mul3A_0 : i32 to vector<16xi32>
        %sub3A_179 = arith.subi %get3A_178, %sub3A : vector<16xi32>
        %ge3A = arith.constant 0 : i32
        %ge3A_180 = vector.broadcast %ge3A : i32 to vector<16xi32>
        %ge3A_181 = arith.cmpi sge, %sub3A_179, %ge3A_180 : vector<16xi32>
        %lt3A_182 = arith.constant 25000 : i32
        %lt3A_183 = vector.broadcast %lt3A_182 : i32 to vector<16xi32>
        %lt3A_184 = arith.cmpi slt, %sub3A_179, %lt3A_183 : vector<16xi32>
        %and3A_185 = arith.andi %ge3A_181, %lt3A_184 : vector<16xi1>
        %mul3A_186 = arith.constant 64 : i32
        %mul3A_187 = vector.broadcast %mul3A_186 : i32 to vector<16xi32>
        %mul3A_188 = arith.muli %sub3A_179, %mul3A_187 : vector<16xi32>
        %add3A_189 = arith.addi %mul3A_188, %and3A_175 : vector<16xi32>
        %jit3A = arith.constant 1600000 : i32
        %broadcast_in_dim3A = vector.broadcast %jit3A : i32 to vector<16xi32>
        %select_n3A = arith.select %and3A_185, %add3A_189, %broadcast_in_dim3A : vector<16xi1>, vector<16xi32>
        %swap3A = arith.index_cast %scan3A_156 : i32 to index
        %swap3A_190 = arith.constant 0 : index
        %swap3A_191 = tpu.vector_load %arg13[%swap3A, %swap3A_190] {strides = array<i32>} : memref<25x80xi32, #tpu.memory_space<vmem>>, vector<16xi32>,
        tpu.vector_store %arg13[%swap3A, %swap3A_190], %select_n3A {strides = array<i32>} : memref<25x80xi32, #tpu.memory_space<vmem>>, vector<16xi32>,
        %get3A_192 = arith.index_cast %scan3A_156 : i32 to index
        %get3A_193 = arith.constant 16 : index
        %get3A_194 = tpu.vector_load %arg11[%get3A_192, %get3A_193] {strides = array<i32>} : memref<25x80xi32, #tpu.memory_space<vmem>>, vector<16xi32>,
        %shift_right_arithmetic3A_195 = arith.constant 2 : i32
        %shift_right_arithmetic3A_196 = vector.broadcast %shift_right_arithmetic3A_195 : i32 to vector<16xi32>
        %shift_right_arithmetic3A_197 = arith.shrsi %get3A_194, %shift_right_arithmetic3A_196 : vector<16xi32>
        %shift_right_arithmetic3A_198 = arith.constant 4 : i32
        %shift_right_arithmetic3A_199 = vector.broadcast %shift_right_arithmetic3A_198 : i32 to vector<16xi32>
        %shift_right_arithmetic3A_200 = arith.shrsi %shift_right_arithmetic3A_197, %shift_right_arithmetic3A_199 : vector<16xi32>
        %and3A_201 = arith.constant 15 : i32
        %and3A_202 = vector.broadcast %and3A_201 : i32 to vector<16xi32>
        %and3A_203 = arith.andi %shift_right_arithmetic3A_197, %and3A_202 : vector<16xi32>
        %gather3A_204 = tpu.vector_load_idx %arg8[%shift_right_arithmetic3A_200, %and3A_203] : memref<784x16xi32, #tpu.memory_space<vmem>>[vector<16xi32>, vector<16xi32>], vector<16xi32>,
        %and3A_205 = arith.constant 3 : i32
        %and3A_206 = vector.broadcast %and3A_205 : i32 to vector<16xi32>
        %and3A_207 = arith.andi %get3A_194, %and3A_206 : vector<16xi32>
        %shift_left3A_208 = arith.constant 3 : i32
        %shift_left3A_209 = vector.broadcast %shift_left3A_208 : i32 to vector<16xi32>
        %shift_left3A_210 = arith.shli %and3A_207, %shift_left3A_209 : vector<16xi32>
        %shift_right_arithmetic3A_211 = arith.shrsi %gather3A_204, %shift_left3A_210 : vector<16xi32>
        %and3A_212 = arith.constant 63 : i32
        %and3A_213 = vector.broadcast %and3A_212 : i32 to vector<16xi32>
        %and3A_214 = arith.andi %shift_right_arithmetic3A_211, %and3A_213 : vector<16xi32>
        %get3A_215 = arith.index_cast %scan3A_156 : i32 to index
        %get3A_216 = arith.constant 16 : index
        %get3A_217 = tpu.vector_load %arg13[%get3A_215, %get3A_216] {strides = array<i32>} : memref<25x80xi32, #tpu.memory_space<vmem>>, vector<16xi32>,
        %sub3A_218 = vector.broadcast %mul3A_0 : i32 to vector<16xi32>
        %sub3A_219 = arith.subi %get3A_217, %sub3A_218 : vector<16xi32>
        %ge3A_220 = arith.constant 0 : i32
        %ge3A_221 = vector.broadcast %ge3A_220 : i32 to vector<16xi32>
        %ge3A_222 = arith.cmpi sge, %sub3A_219, %ge3A_221 : vector<16xi32>
        %lt3A_223 = arith.constant 25000 : i32
        %lt3A_224 = vector.broadcast %lt3A_223 : i32 to vector<16xi32>
        %lt3A_225 = arith.cmpi slt, %sub3A_219, %lt3A_224 : vector<16xi32>
        %and3A_226 = arith.andi %ge3A_222, %lt3A_225 : vector<16xi1>
        %mul3A_227 = arith.constant 64 : i32
        %mul3A_228 = vector.broadcast %mul3A_227 : i32 to vector<16xi32>
        %mul3A_229 = arith.muli %sub3A_219, %mul3A_228 : vector<16xi32>
        %add3A_230 = arith.addi %mul3A_229, %and3A_214 : vector<16xi32>
        %jit3A_231 = arith.constant 1600000 : i32
        %broadcast_in_dim3A_232 = vector.broadcast %jit3A_231 : i32 to vector<16xi32>
        %select_n3A_233 = arith.select %and3A_226, %add3A_230, %broadcast_in_dim3A_232 : vector<16xi1>, vector<16xi32>
        %swap3A_234 = arith.index_cast %scan3A_156 : i32 to index
        %swap3A_235 = arith.constant 16 : index
        %swap3A_236 = tpu.vector_load %arg13[%swap3A_234, %swap3A_235] {strides = array<i32>} : memref<25x80xi32, #tpu.memory_space<vmem>>, vector<16xi32>,
        tpu.vector_store %arg13[%swap3A_234, %swap3A_235], %select_n3A_233 {strides = array<i32>} : memref<25x80xi32, #tpu.memory_space<vmem>>, vector<16xi32>,
        %get3A_237 = arith.index_cast %scan3A_156 : i32 to index
        %get3A_238 = arith.constant 32 : index
        %get3A_239 = tpu.vector_load %arg11[%get3A_237, %get3A_238] {strides = array<i32>} : memref<25x80xi32, #tpu.memory_space<vmem>>, vector<16xi32>,
        %shift_right_arithmetic3A_240 = arith.constant 2 : i32
        %shift_right_arithmetic3A_241 = vector.broadcast %shift_right_arithmetic3A_240 : i32 to vector<16xi32>
        %shift_right_arithmetic3A_242 = arith.shrsi %get3A_239, %shift_right_arithmetic3A_241 : vector<16xi32>
        %shift_right_arithmetic3A_243 = arith.constant 4 : i32
        %shift_right_arithmetic3A_244 = vector.broadcast %shift_right_arithmetic3A_243 : i32 to vector<16xi32>
        %shift_right_arithmetic3A_245 = arith.shrsi %shift_right_arithmetic3A_242, %shift_right_arithmetic3A_244 : vector<16xi32>
        %and3A_246 = arith.constant 15 : i32
        %and3A_247 = vector.broadcast %and3A_246 : i32 to vector<16xi32>
        %and3A_248 = arith.andi %shift_right_arithmetic3A_242, %and3A_247 : vector<16xi32>
        %gather3A_249 = tpu.vector_load_idx %arg8[%shift_right_arithmetic3A_245, %and3A_248] : memref<784x16xi32, #tpu.memory_space<vmem>>[vector<16xi32>, vector<16xi32>], vector<16xi32>,
        %and3A_250 = arith.constant 3 : i32
        %and3A_251 = vector.broadcast %and3A_250 : i32 to vector<16xi32>
        %and3A_252 = arith.andi %get3A_239, %and3A_251 : vector<16xi32>
        %shift_left3A_253 = arith.constant 3 : i32
        %shift_left3A_254 = vector.broadcast %shift_left3A_253 : i32 to vector<16xi32>
        %shift_left3A_255 = arith.shli %and3A_252, %shift_left3A_254 : vector<16xi32>
        %shift_right_arithmetic3A_256 = arith.shrsi %gather3A_249, %shift_left3A_255 : vector<16xi32>
        %and3A_257 = arith.constant 63 : i32
        %and3A_258 = vector.broadcast %and3A_257 : i32 to vector<16xi32>
        %and3A_259 = arith.andi %shift_right_arithmetic3A_256, %and3A_258 : vector<16xi32>
        %get3A_260 = arith.index_cast %scan3A_156 : i32 to index
        %get3A_261 = arith.constant 32 : index
        %get3A_262 = tpu.vector_load %arg13[%get3A_260, %get3A_261] {strides = array<i32>} : memref<25x80xi32, #tpu.memory_space<vmem>>, vector<16xi32>,
        %sub3A_263 = vector.broadcast %mul3A_0 : i32 to vector<16xi32>
        %sub3A_264 = arith.subi %get3A_262, %sub3A_263 : vector<16xi32>
        %ge3A_265 = arith.constant 0 : i32
        %ge3A_266 = vector.broadcast %ge3A_265 : i32 to vector<16xi32>
        %ge3A_267 = arith.cmpi sge, %sub3A_264, %ge3A_266 : vector<16xi32>
        %lt3A_268 = arith.constant 25000 : i32
        %lt3A_269 = vector.broadcast %lt3A_268 : i32 to vector<16xi32>
        %lt3A_270 = arith.cmpi slt, %sub3A_264, %lt3A_269 : vector<16xi32>
        %and3A_271 = arith.andi %ge3A_267, %lt3A_270 : vector<16xi1>
        %mul3A_272 = arith.constant 64 : i32
        %mul3A_273 = vector.broadcast %mul3A_272 : i32 to vector<16xi32>
        %mul3A_274 = arith.muli %sub3A_264, %mul3A_273 : vector<16xi32>
        %add3A_275 = arith.addi %mul3A_274, %and3A_259 : vector<16xi32>
        %jit3A_276 = arith.constant 1600000 : i32
        %broadcast_in_dim3A_277 = vector.broadcast %jit3A_276 : i32 to vector<16xi32>
        %select_n3A_278 = arith.select %and3A_271, %add3A_275, %broadcast_in_dim3A_277 : vector<16xi1>, vector<16xi32>
        %swap3A_279 = arith.index_cast %scan3A_156 : i32 to index
        %swap3A_280 = arith.constant 32 : index
        %swap3A_281 = tpu.vector_load %arg13[%swap3A_279, %swap3A_280] {strides = array<i32>} : memref<25x80xi32, #tpu.memory_space<vmem>>, vector<16xi32>,
        tpu.vector_store %arg13[%swap3A_279, %swap3A_280], %select_n3A_278 {strides = array<i32>} : memref<25x80xi32, #tpu.memory_space<vmem>>, vector<16xi32>,
        %get3A_282 = arith.index_cast %scan3A_156 : i32 to index
        %get3A_283 = arith.constant 48 : index
        %get3A_284 = tpu.vector_load %arg11[%get3A_282, %get3A_283] {strides = array<i32>} : memref<25x80xi32, #tpu.memory_space<vmem>>, vector<16xi32>,
        %shift_right_arithmetic3A_285 = arith.constant 2 : i32
        %shift_right_arithmetic3A_286 = vector.broadcast %shift_right_arithmetic3A_285 : i32 to vector<16xi32>
        %shift_right_arithmetic3A_287 = arith.shrsi %get3A_284, %shift_right_arithmetic3A_286 : vector<16xi32>
        %shift_right_arithmetic3A_288 = arith.constant 4 : i32
        %shift_right_arithmetic3A_289 = vector.broadcast %shift_right_arithmetic3A_288 : i32 to vector<16xi32>
        %shift_right_arithmetic3A_290 = arith.shrsi %shift_right_arithmetic3A_287, %shift_right_arithmetic3A_289 : vector<16xi32>
        %and3A_291 = arith.constant 15 : i32
        %and3A_292 = vector.broadcast %and3A_291 : i32 to vector<16xi32>
        %and3A_293 = arith.andi %shift_right_arithmetic3A_287, %and3A_292 : vector<16xi32>
        %gather3A_294 = tpu.vector_load_idx %arg8[%shift_right_arithmetic3A_290, %and3A_293] : memref<784x16xi32, #tpu.memory_space<vmem>>[vector<16xi32>, vector<16xi32>], vector<16xi32>,
        %and3A_295 = arith.constant 3 : i32
        %and3A_296 = vector.broadcast %and3A_295 : i32 to vector<16xi32>
        %and3A_297 = arith.andi %get3A_284, %and3A_296 : vector<16xi32>
        %shift_left3A_298 = arith.constant 3 : i32
        %shift_left3A_299 = vector.broadcast %shift_left3A_298 : i32 to vector<16xi32>
        %shift_left3A_300 = arith.shli %and3A_297, %shift_left3A_299 : vector<16xi32>
        %shift_right_arithmetic3A_301 = arith.shrsi %gather3A_294, %shift_left3A_300 : vector<16xi32>
        %and3A_302 = arith.constant 63 : i32
        %and3A_303 = vector.broadcast %and3A_302 : i32 to vector<16xi32>
        %and3A_304 = arith.andi %shift_right_arithmetic3A_301, %and3A_303 : vector<16xi32>
        %get3A_305 = arith.index_cast %scan3A_156 : i32 to index
        %get3A_306 = arith.constant 48 : index
        %get3A_307 = tpu.vector_load %arg13[%get3A_305, %get3A_306] {strides = array<i32>} : memref<25x80xi32, #tpu.memory_space<vmem>>, vector<16xi32>,
        %sub3A_308 = vector.broadcast %mul3A_0 : i32 to vector<16xi32>
        %sub3A_309 = arith.subi %get3A_307, %sub3A_308 : vector<16xi32>
        %ge3A_310 = arith.constant 0 : i32
        %ge3A_311 = vector.broadcast %ge3A_310 : i32 to vector<16xi32>
        %ge3A_312 = arith.cmpi sge, %sub3A_309, %ge3A_311 : vector<16xi32>
        %lt3A_313 = arith.constant 25000 : i32
        %lt3A_314 = vector.broadcast %lt3A_313 : i32 to vector<16xi32>
        %lt3A_315 = arith.cmpi slt, %sub3A_309, %lt3A_314 : vector<16xi32>
        %and3A_316 = arith.andi %ge3A_312, %lt3A_315 : vector<16xi1>
        %mul3A_317 = arith.constant 64 : i32
        %mul3A_318 = vector.broadcast %mul3A_317 : i32 to vector<16xi32>
        %mul3A_319 = arith.muli %sub3A_309, %mul3A_318 : vector<16xi32>
        %add3A_320 = arith.addi %mul3A_319, %and3A_304 : vector<16xi32>
        %jit3A_321 = arith.constant 1600000 : i32
        %broadcast_in_dim3A_322 = vector.broadcast %jit3A_321 : i32 to vector<16xi32>
        %select_n3A_323 = arith.select %and3A_316, %add3A_320, %broadcast_in_dim3A_322 : vector<16xi1>, vector<16xi32>
        %swap3A_324 = arith.index_cast %scan3A_156 : i32 to index
        %swap3A_325 = arith.constant 48 : index
        %swap3A_326 = tpu.vector_load %arg13[%swap3A_324, %swap3A_325] {strides = array<i32>} : memref<25x80xi32, #tpu.memory_space<vmem>>, vector<16xi32>,
        tpu.vector_store %arg13[%swap3A_324, %swap3A_325], %select_n3A_323 {strides = array<i32>} : memref<25x80xi32, #tpu.memory_space<vmem>>, vector<16xi32>,
        %get3A_327 = arith.index_cast %scan3A_156 : i32 to index
        %get3A_328 = arith.constant 64 : index
        %get3A_329 = tpu.vector_load %arg11[%get3A_327, %get3A_328] {strides = array<i32>} : memref<25x80xi32, #tpu.memory_space<vmem>>, vector<16xi32>,
        %shift_right_arithmetic3A_330 = arith.constant 2 : i32
        %shift_right_arithmetic3A_331 = vector.broadcast %shift_right_arithmetic3A_330 : i32 to vector<16xi32>
        %shift_right_arithmetic3A_332 = arith.shrsi %get3A_329, %shift_right_arithmetic3A_331 : vector<16xi32>
        %shift_right_arithmetic3A_333 = arith.constant 4 : i32
        %shift_right_arithmetic3A_334 = vector.broadcast %shift_right_arithmetic3A_333 : i32 to vector<16xi32>
        %shift_right_arithmetic3A_335 = arith.shrsi %shift_right_arithmetic3A_332, %shift_right_arithmetic3A_334 : vector<16xi32>
        %and3A_336 = arith.constant 15 : i32
        %and3A_337 = vector.broadcast %and3A_336 : i32 to vector<16xi32>
        %and3A_338 = arith.andi %shift_right_arithmetic3A_332, %and3A_337 : vector<16xi32>
        %gather3A_339 = tpu.vector_load_idx %arg8[%shift_right_arithmetic3A_335, %and3A_338] : memref<784x16xi32, #tpu.memory_space<vmem>>[vector<16xi32>, vector<16xi32>], vector<16xi32>,
        %and3A_340 = arith.constant 3 : i32
        %and3A_341 = vector.broadcast %and3A_340 : i32 to vector<16xi32>
        %and3A_342 = arith.andi %get3A_329, %and3A_341 : vector<16xi32>
        %shift_left3A_343 = arith.constant 3 : i32
        %shift_left3A_344 = vector.broadcast %shift_left3A_343 : i32 to vector<16xi32>
        %shift_left3A_345 = arith.shli %and3A_342, %shift_left3A_344 : vector<16xi32>
        %shift_right_arithmetic3A_346 = arith.shrsi %gather3A_339, %shift_left3A_345 : vector<16xi32>
        %and3A_347 = arith.constant 63 : i32
        %and3A_348 = vector.broadcast %and3A_347 : i32 to vector<16xi32>
        %and3A_349 = arith.andi %shift_right_arithmetic3A_346, %and3A_348 : vector<16xi32>
        %get3A_350 = arith.index_cast %scan3A_156 : i32 to index
        %get3A_351 = arith.constant 64 : index
        %get3A_352 = tpu.vector_load %arg13[%get3A_350, %get3A_351] {strides = array<i32>} : memref<25x80xi32, #tpu.memory_space<vmem>>, vector<16xi32>,
        %sub3A_353 = vector.broadcast %mul3A_0 : i32 to vector<16xi32>
        %sub3A_354 = arith.subi %get3A_352, %sub3A_353 : vector<16xi32>
        %ge3A_355 = arith.constant 0 : i32
        %ge3A_356 = vector.broadcast %ge3A_355 : i32 to vector<16xi32>
        %ge3A_357 = arith.cmpi sge, %sub3A_354, %ge3A_356 : vector<16xi32>
        %lt3A_358 = arith.constant 25000 : i32
        %lt3A_359 = vector.broadcast %lt3A_358 : i32 to vector<16xi32>
        %lt3A_360 = arith.cmpi slt, %sub3A_354, %lt3A_359 : vector<16xi32>
        %and3A_361 = arith.andi %ge3A_357, %lt3A_360 : vector<16xi1>
        %mul3A_362 = arith.constant 64 : i32
        %mul3A_363 = vector.broadcast %mul3A_362 : i32 to vector<16xi32>
        %mul3A_364 = arith.muli %sub3A_354, %mul3A_363 : vector<16xi32>
        %add3A_365 = arith.addi %mul3A_364, %and3A_349 : vector<16xi32>
        %jit3A_366 = arith.constant 1600000 : i32
        %broadcast_in_dim3A_367 = vector.broadcast %jit3A_366 : i32 to vector<16xi32>
        %select_n3A_368 = arith.select %and3A_361, %add3A_365, %broadcast_in_dim3A_367 : vector<16xi1>, vector<16xi32>
        %swap3A_369 = arith.index_cast %scan3A_156 : i32 to index
        %swap3A_370 = arith.constant 64 : index
        %swap3A_371 = tpu.vector_load %arg13[%swap3A_369, %swap3A_370] {strides = array<i32>} : memref<25x80xi32, #tpu.memory_space<vmem>>, vector<16xi32>,
        tpu.vector_store %arg13[%swap3A_369, %swap3A_370], %select_n3A_368 {strides = array<i32>} : memref<25x80xi32, #tpu.memory_space<vmem>>, vector<16xi32>,
        %dma_start3A_372 = arith.constant 0 : i32
        %dma_start3A_373 = tpu.memref_slice %arg13[%scan3A_156, %dma_start3A_372] : memref<25x80xi32, #tpu.memory_space<vmem>> -> memref<1x80xi32, #tpu.memory_space<vmem>>
        %dma_start3A_374 = tpu.memref_squeeze %dma_start3A_373 : memref<1x80xi32, #tpu.memory_space<vmem>> -> memref<80xi32, #tpu.memory_space<vmem>>
        %dma_start3A_375 = arith.constant 0 : i32
        %dma_start3A_376 = tpu.memref_slice %arg14[%dma_start3A_375] : memref<1638400xf32, #tpu.memory_space<vmem_shared>> -> memref<1638400xf32, #tpu.memory_space<vmem_shared>>
        tpu.enqueue_indirect_dma source(%arg9 : memref<80xf32, #tpu.memory_space<vmem>>) target(%dma_start3A_376 : memref<1638400xf32, #tpu.memory_space<vmem_shared>>) offsets(%dma_start3A_374 : memref<80xi32, #tpu.memory_space<vmem>>) semaphore(%arg20 : memref<!tpu.dma_semaphore, #tpu.memory_space<semaphore_mem>>) {add = true}
      }
      %scan3A_142 = arith.constant 25 : i32
      %scan3A_143 = arith.constant 0 : i32
      %scan3A_144 = arith.constant 0 : i32
      %scan3A_145 = arith.constant 25 : i32
      %scan3A_146 = arith.addi %scan3A_144, %scan3A_145 : i32
      %scan3A_147 = arith.constant 1 : i32
      scf.for %scan3A_156 = %scan3A_144 to %scan3A_146 step %scan3A_147  : i32 {
        %dma_wait3A_157 = arith.constant 0 : i32
        %dma_wait3A_158 = arith.constant 0 : i32
        %dma_wait3A_159 = tpu.memref_slice %arg13[%dma_wait3A_157, %dma_wait3A_158] : memref<25x80xi32, #tpu.memory_space<vmem>> -> memref<1x80xi32, #tpu.memory_space<vmem>>
        %dma_wait3A_160 = tpu.memref_squeeze %dma_wait3A_159 : memref<1x80xi32, #tpu.memory_space<vmem>> -> memref<80xi32, #tpu.memory_space<vmem>>
        %dma_wait3A_161 = arith.constant 0 : i32
        %dma_wait3A_162 = tpu.memref_slice %arg14[%dma_wait3A_161] : memref<1638400xf32, #tpu.memory_space<vmem_shared>> -> memref<1638400xf32, #tpu.memory_space<vmem_shared>>
        tpu.wait_indirect_dma semaphore(%arg20 : memref<!tpu.dma_semaphore, #tpu.memory_space<semaphore_mem>>) src(%arg9 : memref<80xf32, #tpu.memory_space<vmem>>) dst(%dma_wait3A_162 : memref<1638400xf32, #tpu.memory_space<vmem_shared>>)
      }
      %scan3A_148 = arith.constant 25 : i32
      %add3A_149 = arith.constant 2 : i32
      %add3A_150 = arith.addi %add3A_120, %add3A_149 : i32
      %lt3A_151 = arith.constant 25 : i32
      %lt3A_152 = arith.cmpi slt, %add3A_150, %lt3A_151 : i32
      %convert_element_type3A_153 = arith.extui %lt3A_152 : i1 to i32
      %cond3A_154 = arith.constant 0 : i32
      %cond3A_155 = arith.cmpi ne, %convert_element_type3A_153, %cond3A_154 : i32
      scf.if %cond3A_155 {
        %add3A_156 = arith.constant 2 : i32
        %add3A_157 = arith.addi %add3A_120, %add3A_156 : i32
        %mul3A_158 = arith.constant 25 : i32
        %mul3A_159 = arith.muli %add3A_157, %mul3A_158 : i32
        %dma_start3A_160 = arith.constant 0 : i32
        %dma_start3A_161 = tpu.memref_slice %arg3[%arg1, %mul3A_159, %dma_start3A_160] : memref<16x625x80xi32, #tpu.memory_space<hbm>> -> memref<1x25x80xi32, #tpu.memory_space<hbm>>
        %dma_start3A_162 = tpu.memref_squeeze %dma_start3A_161 : memref<1x25x80xi32, #tpu.memory_space<hbm>> -> memref<25x80xi32, #tpu.memory_space<hbm>>
        %dma_start3A_163 = arith.constant 0 : i32
        %dma_start3A_164 = tpu.memref_slice %arg3[%arg1, %mul3A_159, %dma_start3A_163] : memref<16x625x80xi32, #tpu.memory_space<hbm>> -> memref<1x25x80xi32, #tpu.memory_space<hbm>>
        %dma_start3A_165 = tpu.memref_squeeze %dma_start3A_164 : memref<1x25x80xi32, #tpu.memory_space<hbm>> -> memref<25x80xi32, #tpu.memory_space<hbm>>
        tpu.enqueue_dma source(%dma_start3A_165 : memref<25x80xi32, #tpu.memory_space<hbm>>) target(%arg11 : memref<25x80xi32, #tpu.memory_space<vmem>>) target_semaphore(%arg17 : memref<!tpu.dma_semaphore, #tpu.memory_space<semaphore_mem>>)
        %mul3A_166 = arith.constant 25 : i32
        %mul3A_167 = arith.muli %add3A_157, %mul3A_166 : i32
        %dma_start3A_168 = arith.constant 0 : i32
        %dma_start3A_169 = tpu.memref_slice %arg4[%arg1, %mul3A_167, %dma_start3A_168] : memref<16x625x80xi32, #tpu.memory_space<hbm>> -> memref<1x25x80xi32, #tpu.memory_space<hbm>>
        %dma_start3A_170 = tpu.memref_squeeze %dma_start3A_169 : memref<1x25x80xi32, #tpu.memory_space<hbm>> -> memref<25x80xi32, #tpu.memory_space<hbm>>
        %dma_start3A_171 = arith.constant 0 : i32
        %dma_start3A_172 = tpu.memref_slice %arg4[%arg1, %mul3A_167, %dma_start3A_171] : memref<16x625x80xi32, #tpu.memory_space<hbm>> -> memref<1x25x80xi32, #tpu.memory_space<hbm>>
        %dma_start3A_173 = tpu.memref_squeeze %dma_start3A_172 : memref<1x25x80xi32, #tpu.memory_space<hbm>> -> memref<25x80xi32, #tpu.memory_space<hbm>>
        tpu.enqueue_dma source(%dma_start3A_173 : memref<25x80xi32, #tpu.memory_space<hbm>>) target(%arg13 : memref<25x80xi32, #tpu.memory_space<vmem>>) target_semaphore(%arg19 : memref<!tpu.dma_semaphore, #tpu.memory_space<semaphore_mem>>)
      } else {
      }
    }
    %scan3A_38 = arith.constant 12 : i32
    %dma_wait3A = arith.constant 0 : i32
    %dma_wait3A_39 = arith.constant 0 : i32
    %dma_wait3A_40 = tpu.memref_slice %arg3[%arg1, %dma_wait3A, %dma_wait3A_39] : memref<16x625x80xi32, #tpu.memory_space<hbm>> -> memref<1x25x80xi32, #tpu.memory_space<hbm>>
    %dma_wait3A_41 = tpu.memref_squeeze %dma_wait3A_40 : memref<1x25x80xi32, #tpu.memory_space<hbm>> -> memref<25x80xi32, #tpu.memory_space<hbm>>
    %dma_wait3A_42 = arith.constant 0 : i32
    %dma_wait3A_43 = arith.constant 0 : i32
    %dma_wait3A_44 = tpu.memref_slice %arg3[%arg1, %dma_wait3A_42, %dma_wait3A_43] : memref<16x625x80xi32, #tpu.memory_space<hbm>> -> memref<1x25x80xi32, #tpu.memory_space<hbm>>
    %dma_wait3A_45 = tpu.memref_squeeze %dma_wait3A_44 : memref<1x25x80xi32, #tpu.memory_space<hbm>> -> memref<25x80xi32, #tpu.memory_space<hbm>>
    tpu.wait_dma2 semaphore(%arg16 : memref<!tpu.dma_semaphore, #tpu.memory_space<semaphore_mem>>) src(%dma_wait3A_45 : memref<25x80xi32, #tpu.memory_space<hbm>>) dst(%arg10 : memref<25x80xi32, #tpu.memory_space<vmem>>)
    %dma_wait3A_46 = arith.constant 0 : i32
    %dma_wait3A_47 = arith.constant 0 : i32
    %dma_wait3A_48 = tpu.memref_slice %arg4[%arg1, %dma_wait3A_46, %dma_wait3A_47] : memref<16x625x80xi32, #tpu.memory_space<hbm>> -> memref<1x25x80xi32, #tpu.memory_space<hbm>>
    %dma_wait3A_49 = tpu.memref_squeeze %dma_wait3A_48 : memref<1x25x80xi32, #tpu.memory_space<hbm>> -> memref<25x80xi32, #tpu.memory_space<hbm>>
    %dma_wait3A_50 = arith.constant 0 : i32
    %dma_wait3A_51 = arith.constant 0 : i32
    %dma_wait3A_52 = tpu.memref_slice %arg4[%arg1, %dma_wait3A_50, %dma_wait3A_51] : memref<16x625x80xi32, #tpu.memory_space<hbm>> -> memref<1x25x80xi32, #tpu.memory_space<hbm>>
    %dma_wait3A_53 = tpu.memref_squeeze %dma_wait3A_52 : memref<1x25x80xi32, #tpu.memory_space<hbm>> -> memref<25x80xi32, #tpu.memory_space<hbm>>
    tpu.wait_dma2 semaphore(%arg18 : memref<!tpu.dma_semaphore, #tpu.memory_space<semaphore_mem>>) src(%dma_wait3A_53 : memref<25x80xi32, #tpu.memory_space<hbm>>) dst(%arg12 : memref<25x80xi32, #tpu.memory_space<vmem>>)
    %scan3A_54 = arith.constant 0 : i32
    %scan3A_55 = arith.constant 0 : i32
    %scan3A_56 = arith.constant 25 : i32
    %scan3A_57 = arith.addi %scan3A_55, %scan3A_56 : i32
    %scan3A_58 = arith.constant 1 : i32
    scf.for %scan3A_80 = %scan3A_55 to %scan3A_57 step %scan3A_58  : i32 {
      %get3A = arith.index_cast %scan3A_80 : i32 to index
      %get3A_81 = arith.constant 0 : index
      %get3A_82 = tpu.vector_load %arg10[%get3A, %get3A_81] {strides = array<i32>} : memref<25x80xi32, #tpu.memory_space<vmem>>, vector<16xi32>,
      %shift_right_arithmetic3A = arith.constant 2 : i32
      %shift_right_arithmetic3A_83 = vector.broadcast %shift_right_arithmetic3A : i32 to vector<16xi32>
      %shift_right_arithmetic3A_84 = arith.shrsi %get3A_82, %shift_right_arithmetic3A_83 : vector<16xi32>
      %shift_right_arithmetic3A_85 = arith.constant 4 : i32
      %shift_right_arithmetic3A_86 = vector.broadcast %shift_right_arithmetic3A_85 : i32 to vector<16xi32>
      %shift_right_arithmetic3A_87 = arith.shrsi %shift_right_arithmetic3A_84, %shift_right_arithmetic3A_86 : vector<16xi32>
      %and3A_88 = arith.constant 15 : i32
      %and3A_89 = vector.broadcast %and3A_88 : i32 to vector<16xi32>
      %and3A_90 = arith.andi %shift_right_arithmetic3A_84, %and3A_89 : vector<16xi32>
      %gather3A = tpu.vector_load_idx %arg8[%shift_right_arithmetic3A_87, %and3A_90] : memref<784x16xi32, #tpu.memory_space<vmem>>[vector<16xi32>, vector<16xi32>], vector<16xi32>,
      %and3A_91 = arith.constant 3 : i32
      %and3A_92 = vector.broadcast %and3A_91 : i32 to vector<16xi32>
      %and3A_93 = arith.andi %get3A_82, %and3A_92 : vector<16xi32>
      %shift_left3A = arith.constant 3 : i32
      %shift_left3A_94 = vector.broadcast %shift_left3A : i32 to vector<16xi32>
      %shift_left3A_95 = arith.shli %and3A_93, %shift_left3A_94 : vector<16xi32>
      %shift_right_arithmetic3A_96 = arith.shrsi %gather3A, %shift_left3A_95 : vector<16xi32>
      %and3A_97 = arith.constant 63 : i32
      %and3A_98 = vector.broadcast %and3A_97 : i32 to vector<16xi32>
      %and3A_99 = arith.andi %shift_right_arithmetic3A_96, %and3A_98 : vector<16xi32>
      %get3A_100 = arith.index_cast %scan3A_80 : i32 to index
      %get3A_101 = arith.constant 0 : index
      %get3A_102 = tpu.vector_load %arg12[%get3A_100, %get3A_101] {strides = array<i32>} : memref<25x80xi32, #tpu.memory_space<vmem>>, vector<16xi32>,
      %sub3A = vector.broadcast %mul3A_0 : i32 to vector<16xi32>
      %sub3A_103 = arith.subi %get3A_102, %sub3A : vector<16xi32>
      %ge3A = arith.constant 0 : i32
      %ge3A_104 = vector.broadcast %ge3A : i32 to vector<16xi32>
      %ge3A_105 = arith.cmpi sge, %sub3A_103, %ge3A_104 : vector<16xi32>
      %lt3A = arith.constant 25000 : i32
      %lt3A_106 = vector.broadcast %lt3A : i32 to vector<16xi32>
      %lt3A_107 = arith.cmpi slt, %sub3A_103, %lt3A_106 : vector<16xi32>
      %and3A_108 = arith.andi %ge3A_105, %lt3A_107 : vector<16xi1>
      %mul3A_109 = arith.constant 64 : i32
      %mul3A_110 = vector.broadcast %mul3A_109 : i32 to vector<16xi32>
      %mul3A_111 = arith.muli %sub3A_103, %mul3A_110 : vector<16xi32>
      %add3A_112 = arith.addi %mul3A_111, %and3A_99 : vector<16xi32>
      %jit3A = arith.constant 1600000 : i32
      %broadcast_in_dim3A = vector.broadcast %jit3A : i32 to vector<16xi32>
      %select_n3A = arith.select %and3A_108, %add3A_112, %broadcast_in_dim3A : vector<16xi1>, vector<16xi32>
      %swap3A = arith.index_cast %scan3A_80 : i32 to index
      %swap3A_113 = arith.constant 0 : index
      %swap3A_114 = tpu.vector_load %arg12[%swap3A, %swap3A_113] {strides = array<i32>} : memref<25x80xi32, #tpu.memory_space<vmem>>, vector<16xi32>,
      tpu.vector_store %arg12[%swap3A, %swap3A_113], %select_n3A {strides = array<i32>} : memref<25x80xi32, #tpu.memory_space<vmem>>, vector<16xi32>,
      %get3A_115 = arith.index_cast %scan3A_80 : i32 to index
      %get3A_116 = arith.constant 16 : index
      %get3A_117 = tpu.vector_load %arg10[%get3A_115, %get3A_116] {strides = array<i32>} : memref<25x80xi32, #tpu.memory_space<vmem>>, vector<16xi32>,
      %shift_right_arithmetic3A_118 = arith.constant 2 : i32
      %shift_right_arithmetic3A_119 = vector.broadcast %shift_right_arithmetic3A_118 : i32 to vector<16xi32>
      %shift_right_arithmetic3A_120 = arith.shrsi %get3A_117, %shift_right_arithmetic3A_119 : vector<16xi32>
      %shift_right_arithmetic3A_121 = arith.constant 4 : i32
      %shift_right_arithmetic3A_122 = vector.broadcast %shift_right_arithmetic3A_121 : i32 to vector<16xi32>
      %shift_right_arithmetic3A_123 = arith.shrsi %shift_right_arithmetic3A_120, %shift_right_arithmetic3A_122 : vector<16xi32>
      %and3A_124 = arith.constant 15 : i32
      %and3A_125 = vector.broadcast %and3A_124 : i32 to vector<16xi32>
      %and3A_126 = arith.andi %shift_right_arithmetic3A_120, %and3A_125 : vector<16xi32>
      %gather3A_127 = tpu.vector_load_idx %arg8[%shift_right_arithmetic3A_123, %and3A_126] : memref<784x16xi32, #tpu.memory_space<vmem>>[vector<16xi32>, vector<16xi32>], vector<16xi32>,
      %and3A_128 = arith.constant 3 : i32
      %and3A_129 = vector.broadcast %and3A_128 : i32 to vector<16xi32>
      %and3A_130 = arith.andi %get3A_117, %and3A_129 : vector<16xi32>
      %shift_left3A_131 = arith.constant 3 : i32
      %shift_left3A_132 = vector.broadcast %shift_left3A_131 : i32 to vector<16xi32>
      %shift_left3A_133 = arith.shli %and3A_130, %shift_left3A_132 : vector<16xi32>
      %shift_right_arithmetic3A_134 = arith.shrsi %gather3A_127, %shift_left3A_133 : vector<16xi32>
      %and3A_135 = arith.constant 63 : i32
      %and3A_136 = vector.broadcast %and3A_135 : i32 to vector<16xi32>
      %and3A_137 = arith.andi %shift_right_arithmetic3A_134, %and3A_136 : vector<16xi32>
      %get3A_138 = arith.index_cast %scan3A_80 : i32 to index
      %get3A_139 = arith.constant 16 : index
      %get3A_140 = tpu.vector_load %arg12[%get3A_138, %get3A_139] {strides = array<i32>} : memref<25x80xi32, #tpu.memory_space<vmem>>, vector<16xi32>,
      %sub3A_141 = vector.broadcast %mul3A_0 : i32 to vector<16xi32>
      %sub3A_142 = arith.subi %get3A_140, %sub3A_141 : vector<16xi32>
      %ge3A_143 = arith.constant 0 : i32
      %ge3A_144 = vector.broadcast %ge3A_143 : i32 to vector<16xi32>
      %ge3A_145 = arith.cmpi sge, %sub3A_142, %ge3A_144 : vector<16xi32>
      %lt3A_146 = arith.constant 25000 : i32
      %lt3A_147 = vector.broadcast %lt3A_146 : i32 to vector<16xi32>
      %lt3A_148 = arith.cmpi slt, %sub3A_142, %lt3A_147 : vector<16xi32>
      %and3A_149 = arith.andi %ge3A_145, %lt3A_148 : vector<16xi1>
      %mul3A_150 = arith.constant 64 : i32
      %mul3A_151 = vector.broadcast %mul3A_150 : i32 to vector<16xi32>
      %mul3A_152 = arith.muli %sub3A_142, %mul3A_151 : vector<16xi32>
      %add3A_153 = arith.addi %mul3A_152, %and3A_137 : vector<16xi32>
      %jit3A_154 = arith.constant 1600000 : i32
      %broadcast_in_dim3A_155 = vector.broadcast %jit3A_154 : i32 to vector<16xi32>
      %select_n3A_156 = arith.select %and3A_149, %add3A_153, %broadcast_in_dim3A_155 : vector<16xi1>, vector<16xi32>
      %swap3A_157 = arith.index_cast %scan3A_80 : i32 to index
      %swap3A_158 = arith.constant 16 : index
      %swap3A_159 = tpu.vector_load %arg12[%swap3A_157, %swap3A_158] {strides = array<i32>} : memref<25x80xi32, #tpu.memory_space<vmem>>, vector<16xi32>,
      tpu.vector_store %arg12[%swap3A_157, %swap3A_158], %select_n3A_156 {strides = array<i32>} : memref<25x80xi32, #tpu.memory_space<vmem>>, vector<16xi32>,
      %get3A_160 = arith.index_cast %scan3A_80 : i32 to index
      %get3A_161 = arith.constant 32 : index
      %get3A_162 = tpu.vector_load %arg10[%get3A_160, %get3A_161] {strides = array<i32>} : memref<25x80xi32, #tpu.memory_space<vmem>>, vector<16xi32>,
      %shift_right_arithmetic3A_163 = arith.constant 2 : i32
      %shift_right_arithmetic3A_164 = vector.broadcast %shift_right_arithmetic3A_163 : i32 to vector<16xi32>
      %shift_right_arithmetic3A_165 = arith.shrsi %get3A_162, %shift_right_arithmetic3A_164 : vector<16xi32>
      %shift_right_arithmetic3A_166 = arith.constant 4 : i32
      %shift_right_arithmetic3A_167 = vector.broadcast %shift_right_arithmetic3A_166 : i32 to vector<16xi32>
      %shift_right_arithmetic3A_168 = arith.shrsi %shift_right_arithmetic3A_165, %shift_right_arithmetic3A_167 : vector<16xi32>
      %and3A_169 = arith.constant 15 : i32
      %and3A_170 = vector.broadcast %and3A_169 : i32 to vector<16xi32>
      %and3A_171 = arith.andi %shift_right_arithmetic3A_165, %and3A_170 : vector<16xi32>
      %gather3A_172 = tpu.vector_load_idx %arg8[%shift_right_arithmetic3A_168, %and3A_171] : memref<784x16xi32, #tpu.memory_space<vmem>>[vector<16xi32>, vector<16xi32>], vector<16xi32>,
      %and3A_173 = arith.constant 3 : i32
      %and3A_174 = vector.broadcast %and3A_173 : i32 to vector<16xi32>
      %and3A_175 = arith.andi %get3A_162, %and3A_174 : vector<16xi32>
      %shift_left3A_176 = arith.constant 3 : i32
      %shift_left3A_177 = vector.broadcast %shift_left3A_176 : i32 to vector<16xi32>
      %shift_left3A_178 = arith.shli %and3A_175, %shift_left3A_177 : vector<16xi32>
      %shift_right_arithmetic3A_179 = arith.shrsi %gather3A_172, %shift_left3A_178 : vector<16xi32>
      %and3A_180 = arith.constant 63 : i32
      %and3A_181 = vector.broadcast %and3A_180 : i32 to vector<16xi32>
      %and3A_182 = arith.andi %shift_right_arithmetic3A_179, %and3A_181 : vector<16xi32>
      %get3A_183 = arith.index_cast %scan3A_80 : i32 to index
      %get3A_184 = arith.constant 32 : index
      %get3A_185 = tpu.vector_load %arg12[%get3A_183, %get3A_184] {strides = array<i32>} : memref<25x80xi32, #tpu.memory_space<vmem>>, vector<16xi32>,
      %sub3A_186 = vector.broadcast %mul3A_0 : i32 to vector<16xi32>
      %sub3A_187 = arith.subi %get3A_185, %sub3A_186 : vector<16xi32>
      %ge3A_188 = arith.constant 0 : i32
      %ge3A_189 = vector.broadcast %ge3A_188 : i32 to vector<16xi32>
      %ge3A_190 = arith.cmpi sge, %sub3A_187, %ge3A_189 : vector<16xi32>
      %lt3A_191 = arith.constant 25000 : i32
      %lt3A_192 = vector.broadcast %lt3A_191 : i32 to vector<16xi32>
      %lt3A_193 = arith.cmpi slt, %sub3A_187, %lt3A_192 : vector<16xi32>
      %and3A_194 = arith.andi %ge3A_190, %lt3A_193 : vector<16xi1>
      %mul3A_195 = arith.constant 64 : i32
      %mul3A_196 = vector.broadcast %mul3A_195 : i32 to vector<16xi32>
      %mul3A_197 = arith.muli %sub3A_187, %mul3A_196 : vector<16xi32>
      %add3A_198 = arith.addi %mul3A_197, %and3A_182 : vector<16xi32>
      %jit3A_199 = arith.constant 1600000 : i32
      %broadcast_in_dim3A_200 = vector.broadcast %jit3A_199 : i32 to vector<16xi32>
      %select_n3A_201 = arith.select %and3A_194, %add3A_198, %broadcast_in_dim3A_200 : vector<16xi1>, vector<16xi32>
      %swap3A_202 = arith.index_cast %scan3A_80 : i32 to index
      %swap3A_203 = arith.constant 32 : index
      %swap3A_204 = tpu.vector_load %arg12[%swap3A_202, %swap3A_203] {strides = array<i32>} : memref<25x80xi32, #tpu.memory_space<vmem>>, vector<16xi32>,
      tpu.vector_store %arg12[%swap3A_202, %swap3A_203], %select_n3A_201 {strides = array<i32>} : memref<25x80xi32, #tpu.memory_space<vmem>>, vector<16xi32>,
      %get3A_205 = arith.index_cast %scan3A_80 : i32 to index
      %get3A_206 = arith.constant 48 : index
      %get3A_207 = tpu.vector_load %arg10[%get3A_205, %get3A_206] {strides = array<i32>} : memref<25x80xi32, #tpu.memory_space<vmem>>, vector<16xi32>,
      %shift_right_arithmetic3A_208 = arith.constant 2 : i32
      %shift_right_arithmetic3A_209 = vector.broadcast %shift_right_arithmetic3A_208 : i32 to vector<16xi32>
      %shift_right_arithmetic3A_210 = arith.shrsi %get3A_207, %shift_right_arithmetic3A_209 : vector<16xi32>
      %shift_right_arithmetic3A_211 = arith.constant 4 : i32
      %shift_right_arithmetic3A_212 = vector.broadcast %shift_right_arithmetic3A_211 : i32 to vector<16xi32>
      %shift_right_arithmetic3A_213 = arith.shrsi %shift_right_arithmetic3A_210, %shift_right_arithmetic3A_212 : vector<16xi32>
      %and3A_214 = arith.constant 15 : i32
      %and3A_215 = vector.broadcast %and3A_214 : i32 to vector<16xi32>
      %and3A_216 = arith.andi %shift_right_arithmetic3A_210, %and3A_215 : vector<16xi32>
      %gather3A_217 = tpu.vector_load_idx %arg8[%shift_right_arithmetic3A_213, %and3A_216] : memref<784x16xi32, #tpu.memory_space<vmem>>[vector<16xi32>, vector<16xi32>], vector<16xi32>,
      %and3A_218 = arith.constant 3 : i32
      %and3A_219 = vector.broadcast %and3A_218 : i32 to vector<16xi32>
      %and3A_220 = arith.andi %get3A_207, %and3A_219 : vector<16xi32>
      %shift_left3A_221 = arith.constant 3 : i32
      %shift_left3A_222 = vector.broadcast %shift_left3A_221 : i32 to vector<16xi32>
      %shift_left3A_223 = arith.shli %and3A_220, %shift_left3A_222 : vector<16xi32>
      %shift_right_arithmetic3A_224 = arith.shrsi %gather3A_217, %shift_left3A_223 : vector<16xi32>
      %and3A_225 = arith.constant 63 : i32
      %and3A_226 = vector.broadcast %and3A_225 : i32 to vector<16xi32>
      %and3A_227 = arith.andi %shift_right_arithmetic3A_224, %and3A_226 : vector<16xi32>
      %get3A_228 = arith.index_cast %scan3A_80 : i32 to index
      %get3A_229 = arith.constant 48 : index
      %get3A_230 = tpu.vector_load %arg12[%get3A_228, %get3A_229] {strides = array<i32>} : memref<25x80xi32, #tpu.memory_space<vmem>>, vector<16xi32>,
      %sub3A_231 = vector.broadcast %mul3A_0 : i32 to vector<16xi32>
      %sub3A_232 = arith.subi %get3A_230, %sub3A_231 : vector<16xi32>
      %ge3A_233 = arith.constant 0 : i32
      %ge3A_234 = vector.broadcast %ge3A_233 : i32 to vector<16xi32>
      %ge3A_235 = arith.cmpi sge, %sub3A_232, %ge3A_234 : vector<16xi32>
      %lt3A_236 = arith.constant 25000 : i32
      %lt3A_237 = vector.broadcast %lt3A_236 : i32 to vector<16xi32>
      %lt3A_238 = arith.cmpi slt, %sub3A_232, %lt3A_237 : vector<16xi32>
      %and3A_239 = arith.andi %ge3A_235, %lt3A_238 : vector<16xi1>
      %mul3A_240 = arith.constant 64 : i32
      %mul3A_241 = vector.broadcast %mul3A_240 : i32 to vector<16xi32>
      %mul3A_242 = arith.muli %sub3A_232, %mul3A_241 : vector<16xi32>
      %add3A_243 = arith.addi %mul3A_242, %and3A_227 : vector<16xi32>
      %jit3A_244 = arith.constant 1600000 : i32
      %broadcast_in_dim3A_245 = vector.broadcast %jit3A_244 : i32 to vector<16xi32>
      %select_n3A_246 = arith.select %and3A_239, %add3A_243, %broadcast_in_dim3A_245 : vector<16xi1>, vector<16xi32>
      %swap3A_247 = arith.index_cast %scan3A_80 : i32 to index
      %swap3A_248 = arith.constant 48 : index
      %swap3A_249 = tpu.vector_load %arg12[%swap3A_247, %swap3A_248] {strides = array<i32>} : memref<25x80xi32, #tpu.memory_space<vmem>>, vector<16xi32>,
      tpu.vector_store %arg12[%swap3A_247, %swap3A_248], %select_n3A_246 {strides = array<i32>} : memref<25x80xi32, #tpu.memory_space<vmem>>, vector<16xi32>,
      %get3A_250 = arith.index_cast %scan3A_80 : i32 to index
      %get3A_251 = arith.constant 64 : index
      %get3A_252 = tpu.vector_load %arg10[%get3A_250, %get3A_251] {strides = array<i32>} : memref<25x80xi32, #tpu.memory_space<vmem>>, vector<16xi32>,
      %shift_right_arithmetic3A_253 = arith.constant 2 : i32
      %shift_right_arithmetic3A_254 = vector.broadcast %shift_right_arithmetic3A_253 : i32 to vector<16xi32>
      %shift_right_arithmetic3A_255 = arith.shrsi %get3A_252, %shift_right_arithmetic3A_254 : vector<16xi32>
      %shift_right_arithmetic3A_256 = arith.constant 4 : i32
      %shift_right_arithmetic3A_257 = vector.broadcast %shift_right_arithmetic3A_256 : i32 to vector<16xi32>
      %shift_right_arithmetic3A_258 = arith.shrsi %shift_right_arithmetic3A_255, %shift_right_arithmetic3A_257 : vector<16xi32>
      %and3A_259 = arith.constant 15 : i32
      %and3A_260 = vector.broadcast %and3A_259 : i32 to vector<16xi32>
      %and3A_261 = arith.andi %shift_right_arithmetic3A_255, %and3A_260 : vector<16xi32>
      %gather3A_262 = tpu.vector_load_idx %arg8[%shift_right_arithmetic3A_258, %and3A_261] : memref<784x16xi32, #tpu.memory_space<vmem>>[vector<16xi32>, vector<16xi32>], vector<16xi32>,
      %and3A_263 = arith.constant 3 : i32
      %and3A_264 = vector.broadcast %and3A_263 : i32 to vector<16xi32>
      %and3A_265 = arith.andi %get3A_252, %and3A_264 : vector<16xi32>
      %shift_left3A_266 = arith.constant 3 : i32
      %shift_left3A_267 = vector.broadcast %shift_left3A_266 : i32 to vector<16xi32>
      %shift_left3A_268 = arith.shli %and3A_265, %shift_left3A_267 : vector<16xi32>
      %shift_right_arithmetic3A_269 = arith.shrsi %gather3A_262, %shift_left3A_268 : vector<16xi32>
      %and3A_270 = arith.constant 63 : i32
      %and3A_271 = vector.broadcast %and3A_270 : i32 to vector<16xi32>
      %and3A_272 = arith.andi %shift_right_arithmetic3A_269, %and3A_271 : vector<16xi32>
      %get3A_273 = arith.index_cast %scan3A_80 : i32 to index
      %get3A_274 = arith.constant 64 : index
      %get3A_275 = tpu.vector_load %arg12[%get3A_273, %get3A_274] {strides = array<i32>} : memref<25x80xi32, #tpu.memory_space<vmem>>, vector<16xi32>,
      %sub3A_276 = vector.broadcast %mul3A_0 : i32 to vector<16xi32>
      %sub3A_277 = arith.subi %get3A_275, %sub3A_276 : vector<16xi32>
      %ge3A_278 = arith.constant 0 : i32
      %ge3A_279 = vector.broadcast %ge3A_278 : i32 to vector<16xi32>
      %ge3A_280 = arith.cmpi sge, %sub3A_277, %ge3A_279 : vector<16xi32>
      %lt3A_281 = arith.constant 25000 : i32
      %lt3A_282 = vector.broadcast %lt3A_281 : i32 to vector<16xi32>
      %lt3A_283 = arith.cmpi slt, %sub3A_277, %lt3A_282 : vector<16xi32>
      %and3A_284 = arith.andi %ge3A_280, %lt3A_283 : vector<16xi1>
      %mul3A_285 = arith.constant 64 : i32
      %mul3A_286 = vector.broadcast %mul3A_285 : i32 to vector<16xi32>
      %mul3A_287 = arith.muli %sub3A_277, %mul3A_286 : vector<16xi32>
      %add3A_288 = arith.addi %mul3A_287, %and3A_272 : vector<16xi32>
      %jit3A_289 = arith.constant 1600000 : i32
      %broadcast_in_dim3A_290 = vector.broadcast %jit3A_289 : i32 to vector<16xi32>
      %select_n3A_291 = arith.select %and3A_284, %add3A_288, %broadcast_in_dim3A_290 : vector<16xi1>, vector<16xi32>
      %swap3A_292 = arith.index_cast %scan3A_80 : i32 to index
      %swap3A_293 = arith.constant 64 : index
      %swap3A_294 = tpu.vector_load %arg12[%swap3A_292, %swap3A_293] {strides = array<i32>} : memref<25x80xi32, #tpu.memory_space<vmem>>, vector<16xi32>,
      tpu.vector_store %arg12[%swap3A_292, %swap3A_293], %select_n3A_291 {strides = array<i32>} : memref<25x80xi32, #tpu.memory_space<vmem>>, vector<16xi32>,
      %dma_start3A_295 = arith.constant 0 : i32
      %dma_start3A_296 = tpu.memref_slice %arg12[%scan3A_80, %dma_start3A_295] : memref<25x80xi32, #tpu.memory_space<vmem>> -> memref<1x80xi32, #tpu.memory_space<vmem>>
      %dma_start3A_297 = tpu.memref_squeeze %dma_start3A_296 : memref<1x80xi32, #tpu.memory_space<vmem>> -> memref<80xi32, #tpu.memory_space<vmem>>
      %dma_start3A_298 = arith.constant 0 : i32
      %dma_start3A_299 = tpu.memref_slice %arg14[%dma_start3A_298] : memref<1638400xf32, #tpu.memory_space<vmem_shared>> -> memref<1638400xf32, #tpu.memory_space<vmem_shared>>
      tpu.enqueue_indirect_dma source(%arg9 : memref<80xf32, #tpu.memory_space<vmem>>) target(%dma_start3A_299 : memref<1638400xf32, #tpu.memory_space<vmem_shared>>) offsets(%dma_start3A_297 : memref<80xi32, #tpu.memory_space<vmem>>) semaphore(%arg20 : memref<!tpu.dma_semaphore, #tpu.memory_space<semaphore_mem>>) {add = true}
    }
    %scan3A_59 = arith.constant 25 : i32
    %scan3A_60 = arith.constant 0 : i32
    %scan3A_61 = arith.constant 0 : i32
    %scan3A_62 = arith.constant 25 : i32
    %scan3A_63 = arith.addi %scan3A_61, %scan3A_62 : i32
    %scan3A_64 = arith.constant 1 : i32
    scf.for %scan3A_80 = %scan3A_61 to %scan3A_63 step %scan3A_64  : i32 {
      %dma_wait3A_81 = arith.constant 0 : i32
      %dma_wait3A_82 = arith.constant 0 : i32
      %dma_wait3A_83 = tpu.memref_slice %arg12[%dma_wait3A_81, %dma_wait3A_82] : memref<25x80xi32, #tpu.memory_space<vmem>> -> memref<1x80xi32, #tpu.memory_space<vmem>>
      %dma_wait3A_84 = tpu.memref_squeeze %dma_wait3A_83 : memref<1x80xi32, #tpu.memory_space<vmem>> -> memref<80xi32, #tpu.memory_space<vmem>>
      %dma_wait3A_85 = arith.constant 0 : i32
      %dma_wait3A_86 = tpu.memref_slice %arg14[%dma_wait3A_85] : memref<1638400xf32, #tpu.memory_space<vmem_shared>> -> memref<1638400xf32, #tpu.memory_space<vmem_shared>>
      tpu.wait_indirect_dma semaphore(%arg20 : memref<!tpu.dma_semaphore, #tpu.memory_space<semaphore_mem>>) src(%arg9 : memref<80xf32, #tpu.memory_space<vmem>>) dst(%dma_wait3A_86 : memref<1638400xf32, #tpu.memory_space<vmem_shared>>)
    }
    %scan3A_65 = arith.constant 25 : i32
    %barrier3A_66 = arith.constant 0 : index
    tpu.barrier barrier_id(%barrier3A_66)
    %mul3A_67 = arith.constant 1600 : i32
    %mul3A_68 = arith.muli %arg1, %mul3A_67 : i32
    %min3A = arith.constant 23400 : i32
    %min3A_69 = arith.minsi %mul3A_68, %min3A : i32
    %mul3A_70 = arith.constant 64 : i32
    %mul3A_71 = arith.muli %min3A_69, %mul3A_70 : i32
    %mul3A_72 = arith.constant 25000 : i32
    %mul3A_73 = arith.muli %arg0, %mul3A_72 : i32
    %mul3A_74 = arith.constant 64 : i32
    %mul3A_75 = arith.muli %mul3A_73, %mul3A_74 : i32
    %add3A = arith.addi %mul3A_75, %mul3A_71 : i32
    "tpu.region"() ({
      %run_scoped3A = tpu.sem_alloc : memref<!tpu.dma_semaphore, #tpu.memory_space<semaphore_mem>>
      %dma_start3A_80 = tpu.memref_slice %arg7[%add3A] : memref<3211264xf32, #tpu.memory_space<hbm>> -> memref<102400xf32, #tpu.memory_space<hbm>>
      %dma_start3A_81 = tpu.memref_slice %arg14[%mul3A_71] : memref<1638400xf32, #tpu.memory_space<vmem_shared>> -> memref<102400xf32, #tpu.memory_space<vmem_shared>>
      tpu.enqueue_dma source(%dma_start3A_81 : memref<102400xf32, #tpu.memory_space<vmem_shared>>) target(%dma_start3A_80 : memref<102400xf32, #tpu.memory_space<hbm>>) target_semaphore(%run_scoped3A : memref<!tpu.dma_semaphore, #tpu.memory_space<semaphore_mem>>)
      %dma_wait3A_82 = tpu.memref_slice %arg7[%add3A] : memref<3211264xf32, #tpu.memory_space<hbm>> -> memref<102400xf32, #tpu.memory_space<hbm>>
      %dma_wait3A_83 = tpu.memref_slice %arg14[%mul3A_71] : memref<1638400xf32, #tpu.memory_space<vmem_shared>> -> memref<102400xf32, #tpu.memory_space<vmem_shared>>
      tpu.wait_dma2 semaphore(%run_scoped3A : memref<!tpu.dma_semaphore, #tpu.memory_space<semaphore_mem>>) src(%dma_wait3A_83 : memref<102400xf32, #tpu.memory_space<vmem_shared>>) dst(%dma_wait3A_82 : memref<102400xf32, #tpu.memory_space<hbm>>)
      tpu.yield
    }) : () -> ()
    %eq3A = arith.constant 1 : i32
    %eq3A_76 = arith.cmpi eq, %arg0, %eq3A : i32
    %eq3A_77 = arith.constant 15 : i32
    %eq3A_78 = arith.cmpi eq, %arg1, %eq3A_77 : i32
    %and3A = arith.andi %eq3A_76, %eq3A_78 : i1
    %convert_element_type3A = arith.extui %and3A : i1 to i32
    %cond3A = arith.constant 0 : i32
    %cond3A_79 = arith.cmpi ne, %convert_element_type3A, %cond3A : i32
    scf.if %cond3A_79 {
      "tpu.region"() ({
        %run_scoped3A = tpu.sem_alloc : memref<!tpu.dma_semaphore, #tpu.memory_space<semaphore_mem>>
        %dma_start3A_80 = arith.constant 3200000 : i32
        %dma_start3A_81 = tpu.memref_slice %arg7[%dma_start3A_80] : memref<3211264xf32, #tpu.memory_space<hbm>> -> memref<11264xf32, #tpu.memory_space<hbm>>
        %dma_start3A_82 = arith.constant 1600000 : i32
        %dma_start3A_83 = tpu.memref_slice %arg14[%dma_start3A_82] : memref<1638400xf32, #tpu.memory_space<vmem_shared>> -> memref<11264xf32, #tpu.memory_space<vmem_shared>>
        tpu.enqueue_dma source(%dma_start3A_83 : memref<11264xf32, #tpu.memory_space<vmem_shared>>) target(%dma_start3A_81 : memref<11264xf32, #tpu.memory_space<hbm>>) target_semaphore(%run_scoped3A : memref<!tpu.dma_semaphore, #tpu.memory_space<semaphore_mem>>)
        %dma_wait3A_84 = arith.constant 3200000 : i32
        %dma_wait3A_85 = tpu.memref_slice %arg7[%dma_wait3A_84] : memref<3211264xf32, #tpu.memory_space<hbm>> -> memref<11264xf32, #tpu.memory_space<hbm>>
        %dma_wait3A_86 = arith.constant 1600000 : i32
        %dma_wait3A_87 = tpu.memref_slice %arg14[%dma_wait3A_86] : memref<1638400xf32, #tpu.memory_space<vmem_shared>> -> memref<11264xf32, #tpu.memory_space<vmem_shared>>
        tpu.wait_dma2 semaphore(%run_scoped3A : memref<!tpu.dma_semaphore, #tpu.memory_space<semaphore_mem>>) src(%dma_wait3A_87 : memref<11264xf32, #tpu.memory_space<vmem_shared>>) dst(%dma_wait3A_85 : memref<11264xf32, #tpu.memory_space<hbm>>)
        tpu.yield
      }) : () -> ()
    } else {
    }
    return
  }
}

#map = affine_map<(d0, d1) -> (0, 0)>
#map1 = affine_map<(d0, d1) -> (0, 0, 0)>
module attributes {stable_mosaic.version = 14 : i64} {
  func.func @_agg_body(%arg0: i32, %arg1: i32, %arg2: memref<50176x64xf32, #tpu.memory_space<hbm>>, %arg3: memref<16x625x80xi32, #tpu.memory_space<hbm>>, %arg4: memref<16x625x80xi32, #tpu.memory_space<hbm>>, %arg5: memref<25600x64xf32, #tpu.memory_space<hbm>>, %arg6: memref<50176x64xf32, #tpu.memory_space<hbm>>, %arg7: memref<25x80xi32, #tpu.memory_space<vmem>>, %arg8: memref<25x80xi32, #tpu.memory_space<vmem>>, %arg9: memref<25x80xi32, #tpu.memory_space<vmem>>, %arg10: memref<25x80xi32, #tpu.memory_space<vmem>>, %arg11: memref<80x64xf32, #tpu.memory_space<vmem>>, %arg12: memref<80x64xf32, #tpu.memory_space<vmem>>, %arg13: memref<25600x64xf32, #tpu.memory_space<vmem_shared>>, %arg14: memref<!tpu.dma_semaphore, #tpu.memory_space<semaphore_mem>>, %arg15: memref<!tpu.dma_semaphore, #tpu.memory_space<semaphore_mem>>, %arg16: memref<!tpu.dma_semaphore, #tpu.memory_space<semaphore_mem>>, %arg17: memref<!tpu.dma_semaphore, #tpu.memory_space<semaphore_mem>>, %arg18: memref<!tpu.dma_semaphore, #tpu.memory_space<semaphore_mem>>, %arg19: memref<!tpu.dma_semaphore, #tpu.memory_space<semaphore_mem>>, %arg20: memref<!tpu.dma_semaphore, #tpu.memory_space<semaphore_mem>>, %arg21: memref<!tpu.dma_semaphore, #tpu.memory_space<semaphore_mem>>) attributes {dimension_semantics = [#tpu.dimension_semantics<core_parallel>, #tpu.dimension_semantics<subcore_parallel>], iteration_bounds = array<i64: 2, 16>, scalar_prefetch = 0 : i64, scratch_operands = 15 : i64, tpu.core_type = #tpu.core_type<sc_vector_subcore>, window_params = [{transform_indices = #map}, {transform_indices = #map1}, {transform_indices = #map1}, {transform_indices = #map}, {transform_indices = #map}]} {
    %mul3A = arith.constant 25000 : i32
    %mul3A_0 = arith.muli %arg0, %mul3A : i32
    %dma_start3A = arith.constant 0 : i32
    %dma_start3A_1 = arith.constant 0 : i32
    %dma_start3A_2 = tpu.memref_slice %arg3[%arg1, %dma_start3A, %dma_start3A_1] : memref<16x625x80xi32, #tpu.memory_space<hbm>> -> memref<1x25x80xi32, #tpu.memory_space<hbm>>
    %dma_start3A_3 = tpu.memref_squeeze %dma_start3A_2 : memref<1x25x80xi32, #tpu.memory_space<hbm>> -> memref<25x80xi32, #tpu.memory_space<hbm>>
    %dma_start3A_4 = arith.constant 0 : i32
    %dma_start3A_5 = arith.constant 0 : i32
    %dma_start3A_6 = tpu.memref_slice %arg3[%arg1, %dma_start3A_4, %dma_start3A_5] : memref<16x625x80xi32, #tpu.memory_space<hbm>> -> memref<1x25x80xi32, #tpu.memory_space<hbm>>
    %dma_start3A_7 = tpu.memref_squeeze %dma_start3A_6 : memref<1x25x80xi32, #tpu.memory_space<hbm>> -> memref<25x80xi32, #tpu.memory_space<hbm>>
    tpu.enqueue_dma source(%dma_start3A_7 : memref<25x80xi32, #tpu.memory_space<hbm>>) target(%arg7 : memref<25x80xi32, #tpu.memory_space<vmem>>) target_semaphore(%arg14 : memref<!tpu.dma_semaphore, #tpu.memory_space<semaphore_mem>>)
    %dma_start3A_8 = arith.constant 0 : i32
    %dma_start3A_9 = arith.constant 0 : i32
    %dma_start3A_10 = tpu.memref_slice %arg4[%arg1, %dma_start3A_8, %dma_start3A_9] : memref<16x625x80xi32, #tpu.memory_space<hbm>> -> memref<1x25x80xi32, #tpu.memory_space<hbm>>
    %dma_start3A_11 = tpu.memref_squeeze %dma_start3A_10 : memref<1x25x80xi32, #tpu.memory_space<hbm>> -> memref<25x80xi32, #tpu.memory_space<hbm>>
    %dma_start3A_12 = arith.constant 0 : i32
    %dma_start3A_13 = arith.constant 0 : i32
    %dma_start3A_14 = tpu.memref_slice %arg4[%arg1, %dma_start3A_12, %dma_start3A_13] : memref<16x625x80xi32, #tpu.memory_space<hbm>> -> memref<1x25x80xi32, #tpu.memory_space<hbm>>
    %dma_start3A_15 = tpu.memref_squeeze %dma_start3A_14 : memref<1x25x80xi32, #tpu.memory_space<hbm>> -> memref<25x80xi32, #tpu.memory_space<hbm>>
    tpu.enqueue_dma source(%dma_start3A_15 : memref<25x80xi32, #tpu.memory_space<hbm>>) target(%arg9 : memref<25x80xi32, #tpu.memory_space<vmem>>) target_semaphore(%arg16 : memref<!tpu.dma_semaphore, #tpu.memory_space<semaphore_mem>>)
    %dma_start3A_16 = arith.constant 25 : i32
    %dma_start3A_17 = arith.constant 0 : i32
    %dma_start3A_18 = tpu.memref_slice %arg3[%arg1, %dma_start3A_16, %dma_start3A_17] : memref<16x625x80xi32, #tpu.memory_space<hbm>> -> memref<1x25x80xi32, #tpu.memory_space<hbm>>
    %dma_start3A_19 = tpu.memref_squeeze %dma_start3A_18 : memref<1x25x80xi32, #tpu.memory_space<hbm>> -> memref<25x80xi32, #tpu.memory_space<hbm>>
    %dma_start3A_20 = arith.constant 25 : i32
    %dma_start3A_21 = arith.constant 0 : i32
    %dma_start3A_22 = tpu.memref_slice %arg3[%arg1, %dma_start3A_20, %dma_start3A_21] : memref<16x625x80xi32, #tpu.memory_space<hbm>> -> memref<1x25x80xi32, #tpu.memory_space<hbm>>
    %dma_start3A_23 = tpu.memref_squeeze %dma_start3A_22 : memref<1x25x80xi32, #tpu.memory_space<hbm>> -> memref<25x80xi32, #tpu.memory_space<hbm>>
    tpu.enqueue_dma source(%dma_start3A_23 : memref<25x80xi32, #tpu.memory_space<hbm>>) target(%arg8 : memref<25x80xi32, #tpu.memory_space<vmem>>) target_semaphore(%arg15 : memref<!tpu.dma_semaphore, #tpu.memory_space<semaphore_mem>>)
    %dma_start3A_24 = arith.constant 25 : i32
    %dma_start3A_25 = arith.constant 0 : i32
    %dma_start3A_26 = tpu.memref_slice %arg4[%arg1, %dma_start3A_24, %dma_start3A_25] : memref<16x625x80xi32, #tpu.memory_space<hbm>> -> memref<1x25x80xi32, #tpu.memory_space<hbm>>
    %dma_start3A_27 = tpu.memref_squeeze %dma_start3A_26 : memref<1x25x80xi32, #tpu.memory_space<hbm>> -> memref<25x80xi32, #tpu.memory_space<hbm>>
    %dma_start3A_28 = arith.constant 25 : i32
    %dma_start3A_29 = arith.constant 0 : i32
    %dma_start3A_30 = tpu.memref_slice %arg4[%arg1, %dma_start3A_28, %dma_start3A_29] : memref<16x625x80xi32, #tpu.memory_space<hbm>> -> memref<1x25x80xi32, #tpu.memory_space<hbm>>
    %dma_start3A_31 = tpu.memref_squeeze %dma_start3A_30 : memref<1x25x80xi32, #tpu.memory_space<hbm>> -> memref<25x80xi32, #tpu.memory_space<hbm>>
    tpu.enqueue_dma source(%dma_start3A_31 : memref<25x80xi32, #tpu.memory_space<hbm>>) target(%arg10 : memref<25x80xi32, #tpu.memory_space<vmem>>) target_semaphore(%arg17 : memref<!tpu.dma_semaphore, #tpu.memory_space<semaphore_mem>>)
    %mul3A_32 = arith.constant 1600 : i32
    %mul3A_33 = arith.muli %arg1, %mul3A_32 : i32
    "tpu.region"() ({
      %run_scoped3A = tpu.sem_alloc : memref<!tpu.dma_semaphore, #tpu.memory_space<semaphore_mem>>
      %dma_start3A_160 = arith.constant 0 : i32
      %dma_start3A_161 = tpu.memref_slice %arg13[%mul3A_33, %dma_start3A_160] : memref<25600x64xf32, #tpu.memory_space<vmem_shared>> -> memref<1600x64xf32, #tpu.memory_space<vmem_shared>>
      %dma_start3A_162 = arith.constant 0 : i32
      %dma_start3A_163 = tpu.memref_slice %arg5[%mul3A_33, %dma_start3A_162] : memref<25600x64xf32, #tpu.memory_space<hbm>> -> memref<1600x64xf32, #tpu.memory_space<hbm>>
      tpu.enqueue_dma source(%dma_start3A_163 : memref<1600x64xf32, #tpu.memory_space<hbm>>) target(%dma_start3A_161 : memref<1600x64xf32, #tpu.memory_space<vmem_shared>>) target_semaphore(%run_scoped3A : memref<!tpu.dma_semaphore, #tpu.memory_space<semaphore_mem>>)
      %dma_wait3A_164 = arith.constant 0 : i32
      %dma_wait3A_165 = tpu.memref_slice %arg13[%mul3A_33, %dma_wait3A_164] : memref<25600x64xf32, #tpu.memory_space<vmem_shared>> -> memref<1600x64xf32, #tpu.memory_space<vmem_shared>>
      %dma_wait3A_166 = arith.constant 0 : i32
      %dma_wait3A_167 = tpu.memref_slice %arg5[%mul3A_33, %dma_wait3A_166] : memref<25600x64xf32, #tpu.memory_space<hbm>> -> memref<1600x64xf32, #tpu.memory_space<hbm>>
      tpu.wait_dma2 semaphore(%run_scoped3A : memref<!tpu.dma_semaphore, #tpu.memory_space<semaphore_mem>>) src(%dma_wait3A_167 : memref<1600x64xf32, #tpu.memory_space<hbm>>) dst(%dma_wait3A_165 : memref<1600x64xf32, #tpu.memory_space<vmem_shared>>)
      tpu.yield
    }) : () -> ()
    %barrier3A = arith.constant 0 : index
    tpu.barrier barrier_id(%barrier3A)
    %scan3A = arith.constant 0 : i32
    %scan3A_34 = arith.constant 0 : i32
    %scan3A_35 = arith.constant 12 : i32
    %scan3A_36 = arith.addi %scan3A_34, %scan3A_35 : i32
    %scan3A_37 = arith.constant 1 : i32
    scf.for %scan3A_160 = %scan3A_34 to %scan3A_36 step %scan3A_37  : i32 {
      %mul3A_161 = arith.constant 2 : i32
      %mul3A_162 = arith.muli %mul3A_161, %scan3A_160 : i32
      %dma_wait3A_163 = arith.constant 0 : i32
      %dma_wait3A_164 = arith.constant 0 : i32
      %dma_wait3A_165 = tpu.memref_slice %arg3[%arg1, %dma_wait3A_163, %dma_wait3A_164] : memref<16x625x80xi32, #tpu.memory_space<hbm>> -> memref<1x25x80xi32, #tpu.memory_space<hbm>>
      %dma_wait3A_166 = tpu.memref_squeeze %dma_wait3A_165 : memref<1x25x80xi32, #tpu.memory_space<hbm>> -> memref<25x80xi32, #tpu.memory_space<hbm>>
      %dma_wait3A_167 = arith.constant 0 : i32
      %dma_wait3A_168 = arith.constant 0 : i32
      %dma_wait3A_169 = tpu.memref_slice %arg3[%arg1, %dma_wait3A_167, %dma_wait3A_168] : memref<16x625x80xi32, #tpu.memory_space<hbm>> -> memref<1x25x80xi32, #tpu.memory_space<hbm>>
      %dma_wait3A_170 = tpu.memref_squeeze %dma_wait3A_169 : memref<1x25x80xi32, #tpu.memory_space<hbm>> -> memref<25x80xi32, #tpu.memory_space<hbm>>
      tpu.wait_dma2 semaphore(%arg14 : memref<!tpu.dma_semaphore, #tpu.memory_space<semaphore_mem>>) src(%dma_wait3A_170 : memref<25x80xi32, #tpu.memory_space<hbm>>) dst(%arg7 : memref<25x80xi32, #tpu.memory_space<vmem>>)
      %dma_start3A_171 = arith.constant 0 : i32
      %dma_start3A_172 = arith.constant 0 : i32
      %dma_start3A_173 = tpu.memref_slice %arg7[%dma_start3A_171, %dma_start3A_172] : memref<25x80xi32, #tpu.memory_space<vmem>> -> memref<1x80xi32, #tpu.memory_space<vmem>>
      %dma_start3A_174 = tpu.memref_squeeze %dma_start3A_173 : memref<1x80xi32, #tpu.memory_space<vmem>> -> memref<80xi32, #tpu.memory_space<vmem>>
      %dma_start3A_175 = arith.constant 0 : i32
      %dma_start3A_176 = arith.constant 0 : i32
      %dma_start3A_177 = tpu.memref_slice %arg2[%dma_start3A_175, %dma_start3A_176] : memref<50176x64xf32, #tpu.memory_space<hbm>> -> memref<50176x64xf32, #tpu.memory_space<hbm>>
      tpu.enqueue_indirect_dma source(%dma_start3A_177 : memref<50176x64xf32, #tpu.memory_space<hbm>>) target(%arg11 : memref<80x64xf32, #tpu.memory_space<vmem>>) offsets(%dma_start3A_174 : memref<80xi32, #tpu.memory_space<vmem>>) semaphore(%arg18 : memref<!tpu.dma_semaphore, #tpu.memory_space<semaphore_mem>>)
      %dma_start3A_178 = arith.constant 1 : i32
      %dma_start3A_179 = arith.constant 0 : i32
      %dma_start3A_180 = tpu.memref_slice %arg7[%dma_start3A_178, %dma_start3A_179] : memref<25x80xi32, #tpu.memory_space<vmem>> -> memref<1x80xi32, #tpu.memory_space<vmem>>
      %dma_start3A_181 = tpu.memref_squeeze %dma_start3A_180 : memref<1x80xi32, #tpu.memory_space<vmem>> -> memref<80xi32, #tpu.memory_space<vmem>>
      %dma_start3A_182 = arith.constant 0 : i32
      %dma_start3A_183 = arith.constant 0 : i32
      %dma_start3A_184 = tpu.memref_slice %arg2[%dma_start3A_182, %dma_start3A_183] : memref<50176x64xf32, #tpu.memory_space<hbm>> -> memref<50176x64xf32, #tpu.memory_space<hbm>>
      tpu.enqueue_indirect_dma source(%dma_start3A_184 : memref<50176x64xf32, #tpu.memory_space<hbm>>) target(%arg12 : memref<80x64xf32, #tpu.memory_space<vmem>>) offsets(%dma_start3A_181 : memref<80xi32, #tpu.memory_space<vmem>>) semaphore(%arg19 : memref<!tpu.dma_semaphore, #tpu.memory_space<semaphore_mem>>)
      %dma_wait3A_185 = arith.constant 0 : i32
      %dma_wait3A_186 = arith.constant 0 : i32
      %dma_wait3A_187 = tpu.memref_slice %arg4[%arg1, %dma_wait3A_185, %dma_wait3A_186] : memref<16x625x80xi32, #tpu.memory_space<hbm>> -> memref<1x25x80xi32, #tpu.memory_space<hbm>>
      %dma_wait3A_188 = tpu.memref_squeeze %dma_wait3A_187 : memref<1x25x80xi32, #tpu.memory_space<hbm>> -> memref<25x80xi32, #tpu.memory_space<hbm>>
      %dma_wait3A_189 = arith.constant 0 : i32
      %dma_wait3A_190 = arith.constant 0 : i32
      %dma_wait3A_191 = tpu.memref_slice %arg4[%arg1, %dma_wait3A_189, %dma_wait3A_190] : memref<16x625x80xi32, #tpu.memory_space<hbm>> -> memref<1x25x80xi32, #tpu.memory_space<hbm>>
      %dma_wait3A_192 = tpu.memref_squeeze %dma_wait3A_191 : memref<1x25x80xi32, #tpu.memory_space<hbm>> -> memref<25x80xi32, #tpu.memory_space<hbm>>
      tpu.wait_dma2 semaphore(%arg16 : memref<!tpu.dma_semaphore, #tpu.memory_space<semaphore_mem>>) src(%dma_wait3A_192 : memref<25x80xi32, #tpu.memory_space<hbm>>) dst(%arg9 : memref<25x80xi32, #tpu.memory_space<vmem>>)
      %scan3A_193 = arith.constant 0 : i32
      %scan3A_194 = arith.constant 0 : i32
      %scan3A_195 = arith.constant 25 : i32
      %scan3A_196 = arith.addi %scan3A_194, %scan3A_195 : i32
      %scan3A_197 = arith.constant 1 : i32
      scf.for %scan3A_404 = %scan3A_194 to %scan3A_196 step %scan3A_197  : i32 {
        %get3A = arith.index_cast %scan3A_404 : i32 to index
        %get3A_405 = arith.constant 0 : index
        %get3A_406 = tpu.vector_load %arg9[%get3A, %get3A_405] {strides = array<i32>} : memref<25x80xi32, #tpu.memory_space<vmem>>, vector<16xi32>,
        %sub3A = vector.broadcast %mul3A_0 : i32 to vector<16xi32>
        %sub3A_407 = arith.subi %get3A_406, %sub3A : vector<16xi32>
        %ge3A = arith.constant 0 : i32
        %ge3A_408 = vector.broadcast %ge3A : i32 to vector<16xi32>
        %ge3A_409 = arith.cmpi sge, %sub3A_407, %ge3A_408 : vector<16xi32>
        %lt3A_410 = arith.constant 25000 : i32
        %lt3A_411 = vector.broadcast %lt3A_410 : i32 to vector<16xi32>
        %lt3A_412 = arith.cmpi slt, %sub3A_407, %lt3A_411 : vector<16xi32>
        %and3A_413 = arith.andi %ge3A_409, %lt3A_412 : vector<16xi1>
        %jit3A = arith.constant 25000 : i32
        %broadcast_in_dim3A = vector.broadcast %jit3A : i32 to vector<16xi32>
        %select_n3A = arith.select %and3A_413, %sub3A_407, %broadcast_in_dim3A : vector<16xi1>, vector<16xi32>
        %swap3A = arith.index_cast %scan3A_404 : i32 to index
        %swap3A_414 = arith.constant 0 : index
        %swap3A_415 = tpu.vector_load %arg9[%swap3A, %swap3A_414] {strides = array<i32>} : memref<25x80xi32, #tpu.memory_space<vmem>>, vector<16xi32>,
        tpu.vector_store %arg9[%swap3A, %swap3A_414], %select_n3A {strides = array<i32>} : memref<25x80xi32, #tpu.memory_space<vmem>>, vector<16xi32>,
        %get3A_416 = arith.index_cast %scan3A_404 : i32 to index
        %get3A_417 = arith.constant 16 : index
        %get3A_418 = tpu.vector_load %arg9[%get3A_416, %get3A_417] {strides = array<i32>} : memref<25x80xi32, #tpu.memory_space<vmem>>, vector<16xi32>,
        %sub3A_419 = vector.broadcast %mul3A_0 : i32 to vector<16xi32>
        %sub3A_420 = arith.subi %get3A_418, %sub3A_419 : vector<16xi32>
        %ge3A_421 = arith.constant 0 : i32
        %ge3A_422 = vector.broadcast %ge3A_421 : i32 to vector<16xi32>
        %ge3A_423 = arith.cmpi sge, %sub3A_420, %ge3A_422 : vector<16xi32>
        %lt3A_424 = arith.constant 25000 : i32
        %lt3A_425 = vector.broadcast %lt3A_424 : i32 to vector<16xi32>
        %lt3A_426 = arith.cmpi slt, %sub3A_420, %lt3A_425 : vector<16xi32>
        %and3A_427 = arith.andi %ge3A_423, %lt3A_426 : vector<16xi1>
        %jit3A_428 = arith.constant 25000 : i32
        %broadcast_in_dim3A_429 = vector.broadcast %jit3A_428 : i32 to vector<16xi32>
        %select_n3A_430 = arith.select %and3A_427, %sub3A_420, %broadcast_in_dim3A_429 : vector<16xi1>, vector<16xi32>
        %swap3A_431 = arith.index_cast %scan3A_404 : i32 to index
        %swap3A_432 = arith.constant 16 : index
        %swap3A_433 = tpu.vector_load %arg9[%swap3A_431, %swap3A_432] {strides = array<i32>} : memref<25x80xi32, #tpu.memory_space<vmem>>, vector<16xi32>,
        tpu.vector_store %arg9[%swap3A_431, %swap3A_432], %select_n3A_430 {strides = array<i32>} : memref<25x80xi32, #tpu.memory_space<vmem>>, vector<16xi32>,
        %get3A_434 = arith.index_cast %scan3A_404 : i32 to index
        %get3A_435 = arith.constant 32 : index
        %get3A_436 = tpu.vector_load %arg9[%get3A_434, %get3A_435] {strides = array<i32>} : memref<25x80xi32, #tpu.memory_space<vmem>>, vector<16xi32>,
        %sub3A_437 = vector.broadcast %mul3A_0 : i32 to vector<16xi32>
        %sub3A_438 = arith.subi %get3A_436, %sub3A_437 : vector<16xi32>
        %ge3A_439 = arith.constant 0 : i32
        %ge3A_440 = vector.broadcast %ge3A_439 : i32 to vector<16xi32>
        %ge3A_441 = arith.cmpi sge, %sub3A_438, %ge3A_440 : vector<16xi32>
        %lt3A_442 = arith.constant 25000 : i32
        %lt3A_443 = vector.broadcast %lt3A_442 : i32 to vector<16xi32>
        %lt3A_444 = arith.cmpi slt, %sub3A_438, %lt3A_443 : vector<16xi32>
        %and3A_445 = arith.andi %ge3A_441, %lt3A_444 : vector<16xi1>
        %jit3A_446 = arith.constant 25000 : i32
        %broadcast_in_dim3A_447 = vector.broadcast %jit3A_446 : i32 to vector<16xi32>
        %select_n3A_448 = arith.select %and3A_445, %sub3A_438, %broadcast_in_dim3A_447 : vector<16xi1>, vector<16xi32>
        %swap3A_449 = arith.index_cast %scan3A_404 : i32 to index
        %swap3A_450 = arith.constant 32 : index
        %swap3A_451 = tpu.vector_load %arg9[%swap3A_449, %swap3A_450] {strides = array<i32>} : memref<25x80xi32, #tpu.memory_space<vmem>>, vector<16xi32>,
        tpu.vector_store %arg9[%swap3A_449, %swap3A_450], %select_n3A_448 {strides = array<i32>} : memref<25x80xi32, #tpu.memory_space<vmem>>, vector<16xi32>,
        %get3A_452 = arith.index_cast %scan3A_404 : i32 to index
        %get3A_453 = arith.constant 48 : index
        %get3A_454 = tpu.vector_load %arg9[%get3A_452, %get3A_453] {strides = array<i32>} : memref<25x80xi32, #tpu.memory_space<vmem>>, vector<16xi32>,
        %sub3A_455 = vector.broadcast %mul3A_0 : i32 to vector<16xi32>
        %sub3A_456 = arith.subi %get3A_454, %sub3A_455 : vector<16xi32>
        %ge3A_457 = arith.constant 0 : i32
        %ge3A_458 = vector.broadcast %ge3A_457 : i32 to vector<16xi32>
        %ge3A_459 = arith.cmpi sge, %sub3A_456, %ge3A_458 : vector<16xi32>
        %lt3A_460 = arith.constant 25000 : i32
        %lt3A_461 = vector.broadcast %lt3A_460 : i32 to vector<16xi32>
        %lt3A_462 = arith.cmpi slt, %sub3A_456, %lt3A_461 : vector<16xi32>
        %and3A_463 = arith.andi %ge3A_459, %lt3A_462 : vector<16xi1>
        %jit3A_464 = arith.constant 25000 : i32
        %broadcast_in_dim3A_465 = vector.broadcast %jit3A_464 : i32 to vector<16xi32>
        %select_n3A_466 = arith.select %and3A_463, %sub3A_456, %broadcast_in_dim3A_465 : vector<16xi1>, vector<16xi32>
        %swap3A_467 = arith.index_cast %scan3A_404 : i32 to index
        %swap3A_468 = arith.constant 48 : index
        %swap3A_469 = tpu.vector_load %arg9[%swap3A_467, %swap3A_468] {strides = array<i32>} : memref<25x80xi32, #tpu.memory_space<vmem>>, vector<16xi32>,
        tpu.vector_store %arg9[%swap3A_467, %swap3A_468], %select_n3A_466 {strides = array<i32>} : memref<25x80xi32, #tpu.memory_space<vmem>>, vector<16xi32>,
        %get3A_470 = arith.index_cast %scan3A_404 : i32 to index
        %get3A_471 = arith.constant 64 : index
        %get3A_472 = tpu.vector_load %arg9[%get3A_470, %get3A_471] {strides = array<i32>} : memref<25x80xi32, #tpu.memory_space<vmem>>, vector<16xi32>,
        %sub3A_473 = vector.broadcast %mul3A_0 : i32 to vector<16xi32>
        %sub3A_474 = arith.subi %get3A_472, %sub3A_473 : vector<16xi32>
        %ge3A_475 = arith.constant 0 : i32
        %ge3A_476 = vector.broadcast %ge3A_475 : i32 to vector<16xi32>
        %ge3A_477 = arith.cmpi sge, %sub3A_474, %ge3A_476 : vector<16xi32>
        %lt3A_478 = arith.constant 25000 : i32
        %lt3A_479 = vector.broadcast %lt3A_478 : i32 to vector<16xi32>
        %lt3A_480 = arith.cmpi slt, %sub3A_474, %lt3A_479 : vector<16xi32>
        %and3A_481 = arith.andi %ge3A_477, %lt3A_480 : vector<16xi1>
        %jit3A_482 = arith.constant 25000 : i32
        %broadcast_in_dim3A_483 = vector.broadcast %jit3A_482 : i32 to vector<16xi32>
        %select_n3A_484 = arith.select %and3A_481, %sub3A_474, %broadcast_in_dim3A_483 : vector<16xi1>, vector<16xi32>
        %swap3A_485 = arith.index_cast %scan3A_404 : i32 to index
        %swap3A_486 = arith.constant 64 : index
        %swap3A_487 = tpu.vector_load %arg9[%swap3A_485, %swap3A_486] {strides = array<i32>} : memref<25x80xi32, #tpu.memory_space<vmem>>, vector<16xi32>,
        tpu.vector_store %arg9[%swap3A_485, %swap3A_486], %select_n3A_484 {strides = array<i32>} : memref<25x80xi32, #tpu.memory_space<vmem>>, vector<16xi32>,
      }
      %scan3A_198 = arith.constant 25 : i32
      %scan3A_199 = arith.constant 0 : i32
      %scan3A_200 = arith.constant 0 : i32
      %scan3A_201 = arith.constant 11 : i32
      %scan3A_202 = arith.addi %scan3A_200, %scan3A_201 : i32
      %scan3A_203 = arith.constant 1 : i32
      scf.for %scan3A_404 = %scan3A_200 to %scan3A_202 step %scan3A_203  : i32 {
        %mul3A_405 = arith.constant 2 : i32
        %mul3A_406 = arith.muli %mul3A_405, %scan3A_404 : i32
        %dma_wait3A_407 = arith.constant 0 : i32
        %dma_wait3A_408 = arith.constant 0 : i32
        %dma_wait3A_409 = tpu.memref_slice %arg7[%dma_wait3A_407, %dma_wait3A_408] : memref<25x80xi32, #tpu.memory_space<vmem>> -> memref<1x80xi32, #tpu.memory_space<vmem>>
        %dma_wait3A_410 = tpu.memref_squeeze %dma_wait3A_409 : memref<1x80xi32, #tpu.memory_space<vmem>> -> memref<80xi32, #tpu.memory_space<vmem>>
        %dma_wait3A_411 = arith.constant 0 : i32
        %dma_wait3A_412 = arith.constant 0 : i32
        %dma_wait3A_413 = tpu.memref_slice %arg2[%dma_wait3A_411, %dma_wait3A_412] : memref<50176x64xf32, #tpu.memory_space<hbm>> -> memref<50176x64xf32, #tpu.memory_space<hbm>>
        tpu.wait_indirect_dma semaphore(%arg18 : memref<!tpu.dma_semaphore, #tpu.memory_space<semaphore_mem>>) src(%dma_wait3A_413 : memref<50176x64xf32, #tpu.memory_space<hbm>>) dst(%arg11 : memref<80x64xf32, #tpu.memory_space<vmem>>)
        %dma_start3A_414 = arith.constant 0 : i32
        %dma_start3A_415 = tpu.memref_slice %arg9[%mul3A_406, %dma_start3A_414] : memref<25x80xi32, #tpu.memory_space<vmem>> -> memref<1x80xi32, #tpu.memory_space<vmem>>
        %dma_start3A_416 = tpu.memref_squeeze %dma_start3A_415 : memref<1x80xi32, #tpu.memory_space<vmem>> -> memref<80xi32, #tpu.memory_space<vmem>>
        %dma_start3A_417 = arith.constant 0 : i32
        %dma_start3A_418 = arith.constant 0 : i32
        %dma_start3A_419 = tpu.memref_slice %arg13[%dma_start3A_417, %dma_start3A_418] : memref<25600x64xf32, #tpu.memory_space<vmem_shared>> -> memref<25600x64xf32, #tpu.memory_space<vmem_shared>>
        tpu.enqueue_indirect_dma source(%arg11 : memref<80x64xf32, #tpu.memory_space<vmem>>) target(%dma_start3A_419 : memref<25600x64xf32, #tpu.memory_space<vmem_shared>>) offsets(%dma_start3A_416 : memref<80xi32, #tpu.memory_space<vmem>>) semaphore(%arg20 : memref<!tpu.dma_semaphore, #tpu.memory_space<semaphore_mem>>) {add = true}
        %dma_wait3A_420 = arith.constant 0 : i32
        %dma_wait3A_421 = arith.constant 0 : i32
        %dma_wait3A_422 = tpu.memref_slice %arg7[%dma_wait3A_420, %dma_wait3A_421] : memref<25x80xi32, #tpu.memory_space<vmem>> -> memref<1x80xi32, #tpu.memory_space<vmem>>
        %dma_wait3A_423 = tpu.memref_squeeze %dma_wait3A_422 : memref<1x80xi32, #tpu.memory_space<vmem>> -> memref<80xi32, #tpu.memory_space<vmem>>
        %dma_wait3A_424 = arith.constant 0 : i32
        %dma_wait3A_425 = arith.constant 0 : i32
        %dma_wait3A_426 = tpu.memref_slice %arg2[%dma_wait3A_424, %dma_wait3A_425] : memref<50176x64xf32, #tpu.memory_space<hbm>> -> memref<50176x64xf32, #tpu.memory_space<hbm>>
        tpu.wait_indirect_dma semaphore(%arg19 : memref<!tpu.dma_semaphore, #tpu.memory_space<semaphore_mem>>) src(%dma_wait3A_426 : memref<50176x64xf32, #tpu.memory_space<hbm>>) dst(%arg12 : memref<80x64xf32, #tpu.memory_space<vmem>>)
        %add3A_427 = arith.constant 1 : i32
        %add3A_428 = arith.addi %mul3A_406, %add3A_427 : i32
        %dma_start3A_429 = arith.constant 0 : i32
        %dma_start3A_430 = tpu.memref_slice %arg9[%add3A_428, %dma_start3A_429] : memref<25x80xi32, #tpu.memory_space<vmem>> -> memref<1x80xi32, #tpu.memory_space<vmem>>
        %dma_start3A_431 = tpu.memref_squeeze %dma_start3A_430 : memref<1x80xi32, #tpu.memory_space<vmem>> -> memref<80xi32, #tpu.memory_space<vmem>>
        %dma_start3A_432 = arith.constant 0 : i32
        %dma_start3A_433 = arith.constant 0 : i32
        %dma_start3A_434 = tpu.memref_slice %arg13[%dma_start3A_432, %dma_start3A_433] : memref<25600x64xf32, #tpu.memory_space<vmem_shared>> -> memref<25600x64xf32, #tpu.memory_space<vmem_shared>>
        tpu.enqueue_indirect_dma source(%arg12 : memref<80x64xf32, #tpu.memory_space<vmem>>) target(%dma_start3A_434 : memref<25600x64xf32, #tpu.memory_space<vmem_shared>>) offsets(%dma_start3A_431 : memref<80xi32, #tpu.memory_space<vmem>>) semaphore(%arg21 : memref<!tpu.dma_semaphore, #tpu.memory_space<semaphore_mem>>) {add = true}
        %dma_wait3A_435 = arith.constant 0 : i32
        %dma_wait3A_436 = arith.constant 0 : i32
        %dma_wait3A_437 = tpu.memref_slice %arg9[%dma_wait3A_435, %dma_wait3A_436] : memref<25x80xi32, #tpu.memory_space<vmem>> -> memref<1x80xi32, #tpu.memory_space<vmem>>
        %dma_wait3A_438 = tpu.memref_squeeze %dma_wait3A_437 : memref<1x80xi32, #tpu.memory_space<vmem>> -> memref<80xi32, #tpu.memory_space<vmem>>
        %dma_wait3A_439 = arith.constant 0 : i32
        %dma_wait3A_440 = arith.constant 0 : i32
        %dma_wait3A_441 = tpu.memref_slice %arg13[%dma_wait3A_439, %dma_wait3A_440] : memref<25600x64xf32, #tpu.memory_space<vmem_shared>> -> memref<25600x64xf32, #tpu.memory_space<vmem_shared>>
        tpu.wait_indirect_dma semaphore(%arg20 : memref<!tpu.dma_semaphore, #tpu.memory_space<semaphore_mem>>) src(%arg11 : memref<80x64xf32, #tpu.memory_space<vmem>>) dst(%dma_wait3A_441 : memref<25600x64xf32, #tpu.memory_space<vmem_shared>>)
        %add3A_442 = arith.constant 2 : i32
        %add3A_443 = arith.addi %mul3A_406, %add3A_442 : i32
        %dma_start3A_444 = arith.constant 0 : i32
        %dma_start3A_445 = tpu.memref_slice %arg7[%add3A_443, %dma_start3A_444] : memref<25x80xi32, #tpu.memory_space<vmem>> -> memref<1x80xi32, #tpu.memory_space<vmem>>
        %dma_start3A_446 = tpu.memref_squeeze %dma_start3A_445 : memref<1x80xi32, #tpu.memory_space<vmem>> -> memref<80xi32, #tpu.memory_space<vmem>>
        %dma_start3A_447 = arith.constant 0 : i32
        %dma_start3A_448 = arith.constant 0 : i32
        %dma_start3A_449 = tpu.memref_slice %arg2[%dma_start3A_447, %dma_start3A_448] : memref<50176x64xf32, #tpu.memory_space<hbm>> -> memref<50176x64xf32, #tpu.memory_space<hbm>>
        tpu.enqueue_indirect_dma source(%dma_start3A_449 : memref<50176x64xf32, #tpu.memory_space<hbm>>) target(%arg11 : memref<80x64xf32, #tpu.memory_space<vmem>>) offsets(%dma_start3A_446 : memref<80xi32, #tpu.memory_space<vmem>>) semaphore(%arg18 : memref<!tpu.dma_semaphore, #tpu.memory_space<semaphore_mem>>)
        %dma_wait3A_450 = arith.constant 0 : i32
        %dma_wait3A_451 = arith.constant 0 : i32
        %dma_wait3A_452 = tpu.memref_slice %arg9[%dma_wait3A_450, %dma_wait3A_451] : memref<25x80xi32, #tpu.memory_space<vmem>> -> memref<1x80xi32, #tpu.memory_space<vmem>>
        %dma_wait3A_453 = tpu.memref_squeeze %dma_wait3A_452 : memref<1x80xi32, #tpu.memory_space<vmem>> -> memref<80xi32, #tpu.memory_space<vmem>>
        %dma_wait3A_454 = arith.constant 0 : i32
        %dma_wait3A_455 = arith.constant 0 : i32
        %dma_wait3A_456 = tpu.memref_slice %arg13[%dma_wait3A_454, %dma_wait3A_455] : memref<25600x64xf32, #tpu.memory_space<vmem_shared>> -> memref<25600x64xf32, #tpu.memory_space<vmem_shared>>
        tpu.wait_indirect_dma semaphore(%arg21 : memref<!tpu.dma_semaphore, #tpu.memory_space<semaphore_mem>>) src(%arg12 : memref<80x64xf32, #tpu.memory_space<vmem>>) dst(%dma_wait3A_456 : memref<25600x64xf32, #tpu.memory_space<vmem_shared>>)
        %add3A_457 = arith.constant 3 : i32
        %add3A_458 = arith.addi %mul3A_406, %add3A_457 : i32
        %dma_start3A_459 = arith.constant 0 : i32
        %dma_start3A_460 = tpu.memref_slice %arg7[%add3A_458, %dma_start3A_459] : memref<25x80xi32, #tpu.memory_space<vmem>> -> memref<1x80xi32, #tpu.memory_space<vmem>>
        %dma_start3A_461 = tpu.memref_squeeze %dma_start3A_460 : memref<1x80xi32, #tpu.memory_space<vmem>> -> memref<80xi32, #tpu.memory_space<vmem>>
        %dma_start3A_462 = arith.constant 0 : i32
        %dma_start3A_463 = arith.constant 0 : i32
        %dma_start3A_464 = tpu.memref_slice %arg2[%dma_start3A_462, %dma_start3A_463] : memref<50176x64xf32, #tpu.memory_space<hbm>> -> memref<50176x64xf32, #tpu.memory_space<hbm>>
        tpu.enqueue_indirect_dma source(%dma_start3A_464 : memref<50176x64xf32, #tpu.memory_space<hbm>>) target(%arg12 : memref<80x64xf32, #tpu.memory_space<vmem>>) offsets(%dma_start3A_461 : memref<80xi32, #tpu.memory_space<vmem>>) semaphore(%arg19 : memref<!tpu.dma_semaphore, #tpu.memory_space<semaphore_mem>>)
      }
      %scan3A_204 = arith.constant 11 : i32
      %dma_wait3A_205 = arith.constant 0 : i32
      %dma_wait3A_206 = arith.constant 0 : i32
      %dma_wait3A_207 = tpu.memref_slice %arg7[%dma_wait3A_205, %dma_wait3A_206] : memref<25x80xi32, #tpu.memory_space<vmem>> -> memref<1x80xi32, #tpu.memory_space<vmem>>
      %dma_wait3A_208 = tpu.memref_squeeze %dma_wait3A_207 : memref<1x80xi32, #tpu.memory_space<vmem>> -> memref<80xi32, #tpu.memory_space<vmem>>
      %dma_wait3A_209 = arith.constant 0 : i32
      %dma_wait3A_210 = arith.constant 0 : i32
      %dma_wait3A_211 = tpu.memref_slice %arg2[%dma_wait3A_209, %dma_wait3A_210] : memref<50176x64xf32, #tpu.memory_space<hbm>> -> memref<50176x64xf32, #tpu.memory_space<hbm>>
      tpu.wait_indirect_dma semaphore(%arg18 : memref<!tpu.dma_semaphore, #tpu.memory_space<semaphore_mem>>) src(%dma_wait3A_211 : memref<50176x64xf32, #tpu.memory_space<hbm>>) dst(%arg11 : memref<80x64xf32, #tpu.memory_space<vmem>>)
      %dma_start3A_212 = arith.constant 22 : i32
      %dma_start3A_213 = arith.constant 0 : i32
      %dma_start3A_214 = tpu.memref_slice %arg9[%dma_start3A_212, %dma_start3A_213] : memref<25x80xi32, #tpu.memory_space<vmem>> -> memref<1x80xi32, #tpu.memory_space<vmem>>
      %dma_start3A_215 = tpu.memref_squeeze %dma_start3A_214 : memref<1x80xi32, #tpu.memory_space<vmem>> -> memref<80xi32, #tpu.memory_space<vmem>>
      %dma_start3A_216 = arith.constant 0 : i32
      %dma_start3A_217 = arith.constant 0 : i32
      %dma_start3A_218 = tpu.memref_slice %arg13[%dma_start3A_216, %dma_start3A_217] : memref<25600x64xf32, #tpu.memory_space<vmem_shared>> -> memref<25600x64xf32, #tpu.memory_space<vmem_shared>>
      tpu.enqueue_indirect_dma source(%arg11 : memref<80x64xf32, #tpu.memory_space<vmem>>) target(%dma_start3A_218 : memref<25600x64xf32, #tpu.memory_space<vmem_shared>>) offsets(%dma_start3A_215 : memref<80xi32, #tpu.memory_space<vmem>>) semaphore(%arg20 : memref<!tpu.dma_semaphore, #tpu.memory_space<semaphore_mem>>) {add = true}
      %dma_wait3A_219 = arith.constant 0 : i32
      %dma_wait3A_220 = arith.constant 0 : i32
      %dma_wait3A_221 = tpu.memref_slice %arg7[%dma_wait3A_219, %dma_wait3A_220] : memref<25x80xi32, #tpu.memory_space<vmem>> -> memref<1x80xi32, #tpu.memory_space<vmem>>
      %dma_wait3A_222 = tpu.memref_squeeze %dma_wait3A_221 : memref<1x80xi32, #tpu.memory_space<vmem>> -> memref<80xi32, #tpu.memory_space<vmem>>
      %dma_wait3A_223 = arith.constant 0 : i32
      %dma_wait3A_224 = arith.constant 0 : i32
      %dma_wait3A_225 = tpu.memref_slice %arg2[%dma_wait3A_223, %dma_wait3A_224] : memref<50176x64xf32, #tpu.memory_space<hbm>> -> memref<50176x64xf32, #tpu.memory_space<hbm>>
      tpu.wait_indirect_dma semaphore(%arg19 : memref<!tpu.dma_semaphore, #tpu.memory_space<semaphore_mem>>) src(%dma_wait3A_225 : memref<50176x64xf32, #tpu.memory_space<hbm>>) dst(%arg12 : memref<80x64xf32, #tpu.memory_space<vmem>>)
      %dma_start3A_226 = arith.constant 23 : i32
      %dma_start3A_227 = arith.constant 0 : i32
      %dma_start3A_228 = tpu.memref_slice %arg9[%dma_start3A_226, %dma_start3A_227] : memref<25x80xi32, #tpu.memory_space<vmem>> -> memref<1x80xi32, #tpu.memory_space<vmem>>
      %dma_start3A_229 = tpu.memref_squeeze %dma_start3A_228 : memref<1x80xi32, #tpu.memory_space<vmem>> -> memref<80xi32, #tpu.memory_space<vmem>>
      %dma_start3A_230 = arith.constant 0 : i32
      %dma_start3A_231 = arith.constant 0 : i32
      %dma_start3A_232 = tpu.memref_slice %arg13[%dma_start3A_230, %dma_start3A_231] : memref<25600x64xf32, #tpu.memory_space<vmem_shared>> -> memref<25600x64xf32, #tpu.memory_space<vmem_shared>>
      tpu.enqueue_indirect_dma source(%arg12 : memref<80x64xf32, #tpu.memory_space<vmem>>) target(%dma_start3A_232 : memref<25600x64xf32, #tpu.memory_space<vmem_shared>>) offsets(%dma_start3A_229 : memref<80xi32, #tpu.memory_space<vmem>>) semaphore(%arg21 : memref<!tpu.dma_semaphore, #tpu.memory_space<semaphore_mem>>) {add = true}
      %dma_wait3A_233 = arith.constant 0 : i32
      %dma_wait3A_234 = arith.constant 0 : i32
      %dma_wait3A_235 = tpu.memref_slice %arg9[%dma_wait3A_233, %dma_wait3A_234] : memref<25x80xi32, #tpu.memory_space<vmem>> -> memref<1x80xi32, #tpu.memory_space<vmem>>
      %dma_wait3A_236 = tpu.memref_squeeze %dma_wait3A_235 : memref<1x80xi32, #tpu.memory_space<vmem>> -> memref<80xi32, #tpu.memory_space<vmem>>
      %dma_wait3A_237 = arith.constant 0 : i32
      %dma_wait3A_238 = arith.constant 0 : i32
      %dma_wait3A_239 = tpu.memref_slice %arg13[%dma_wait3A_237, %dma_wait3A_238] : memref<25600x64xf32, #tpu.memory_space<vmem_shared>> -> memref<25600x64xf32, #tpu.memory_space<vmem_shared>>
      tpu.wait_indirect_dma semaphore(%arg20 : memref<!tpu.dma_semaphore, #tpu.memory_space<semaphore_mem>>) src(%arg11 : memref<80x64xf32, #tpu.memory_space<vmem>>) dst(%dma_wait3A_239 : memref<25600x64xf32, #tpu.memory_space<vmem_shared>>)
      %dma_start3A_240 = arith.constant 24 : i32
      %dma_start3A_241 = arith.constant 0 : i32
      %dma_start3A_242 = tpu.memref_slice %arg7[%dma_start3A_240, %dma_start3A_241] : memref<25x80xi32, #tpu.memory_space<vmem>> -> memref<1x80xi32, #tpu.memory_space<vmem>>
      %dma_start3A_243 = tpu.memref_squeeze %dma_start3A_242 : memref<1x80xi32, #tpu.memory_space<vmem>> -> memref<80xi32, #tpu.memory_space<vmem>>
      %dma_start3A_244 = arith.constant 0 : i32
      %dma_start3A_245 = arith.constant 0 : i32
      %dma_start3A_246 = tpu.memref_slice %arg2[%dma_start3A_244, %dma_start3A_245] : memref<50176x64xf32, #tpu.memory_space<hbm>> -> memref<50176x64xf32, #tpu.memory_space<hbm>>
      tpu.enqueue_indirect_dma source(%dma_start3A_246 : memref<50176x64xf32, #tpu.memory_space<hbm>>) target(%arg11 : memref<80x64xf32, #tpu.memory_space<vmem>>) offsets(%dma_start3A_243 : memref<80xi32, #tpu.memory_space<vmem>>) semaphore(%arg18 : memref<!tpu.dma_semaphore, #tpu.memory_space<semaphore_mem>>)
      %dma_wait3A_247 = arith.constant 0 : i32
      %dma_wait3A_248 = arith.constant 0 : i32
      %dma_wait3A_249 = tpu.memref_slice %arg7[%dma_wait3A_247, %dma_wait3A_248] : memref<25x80xi32, #tpu.memory_space<vmem>> -> memref<1x80xi32, #tpu.memory_space<vmem>>
      %dma_wait3A_250 = tpu.memref_squeeze %dma_wait3A_249 : memref<1x80xi32, #tpu.memory_space<vmem>> -> memref<80xi32, #tpu.memory_space<vmem>>
      %dma_wait3A_251 = arith.constant 0 : i32
      %dma_wait3A_252 = arith.constant 0 : i32
      %dma_wait3A_253 = tpu.memref_slice %arg2[%dma_wait3A_251, %dma_wait3A_252] : memref<50176x64xf32, #tpu.memory_space<hbm>> -> memref<50176x64xf32, #tpu.memory_space<hbm>>
      tpu.wait_indirect_dma semaphore(%arg18 : memref<!tpu.dma_semaphore, #tpu.memory_space<semaphore_mem>>) src(%dma_wait3A_253 : memref<50176x64xf32, #tpu.memory_space<hbm>>) dst(%arg11 : memref<80x64xf32, #tpu.memory_space<vmem>>)
      %dma_start3A_254 = arith.constant 24 : i32
      %dma_start3A_255 = arith.constant 0 : i32
      %dma_start3A_256 = tpu.memref_slice %arg9[%dma_start3A_254, %dma_start3A_255] : memref<25x80xi32, #tpu.memory_space<vmem>> -> memref<1x80xi32, #tpu.memory_space<vmem>>
      %dma_start3A_257 = tpu.memref_squeeze %dma_start3A_256 : memref<1x80xi32, #tpu.memory_space<vmem>> -> memref<80xi32, #tpu.memory_space<vmem>>
      %dma_start3A_258 = arith.constant 0 : i32
      %dma_start3A_259 = arith.constant 0 : i32
      %dma_start3A_260 = tpu.memref_slice %arg13[%dma_start3A_258, %dma_start3A_259] : memref<25600x64xf32, #tpu.memory_space<vmem_shared>> -> memref<25600x64xf32, #tpu.memory_space<vmem_shared>>
      tpu.enqueue_indirect_dma source(%arg11 : memref<80x64xf32, #tpu.memory_space<vmem>>) target(%dma_start3A_260 : memref<25600x64xf32, #tpu.memory_space<vmem_shared>>) offsets(%dma_start3A_257 : memref<80xi32, #tpu.memory_space<vmem>>) semaphore(%arg20 : memref<!tpu.dma_semaphore, #tpu.memory_space<semaphore_mem>>) {add = true}
      %dma_wait3A_261 = arith.constant 0 : i32
      %dma_wait3A_262 = arith.constant 0 : i32
      %dma_wait3A_263 = tpu.memref_slice %arg9[%dma_wait3A_261, %dma_wait3A_262] : memref<25x80xi32, #tpu.memory_space<vmem>> -> memref<1x80xi32, #tpu.memory_space<vmem>>
      %dma_wait3A_264 = tpu.memref_squeeze %dma_wait3A_263 : memref<1x80xi32, #tpu.memory_space<vmem>> -> memref<80xi32, #tpu.memory_space<vmem>>
      %dma_wait3A_265 = arith.constant 0 : i32
      %dma_wait3A_266 = arith.constant 0 : i32
      %dma_wait3A_267 = tpu.memref_slice %arg13[%dma_wait3A_265, %dma_wait3A_266] : memref<25600x64xf32, #tpu.memory_space<vmem_shared>> -> memref<25600x64xf32, #tpu.memory_space<vmem_shared>>
      tpu.wait_indirect_dma semaphore(%arg21 : memref<!tpu.dma_semaphore, #tpu.memory_space<semaphore_mem>>) src(%arg12 : memref<80x64xf32, #tpu.memory_space<vmem>>) dst(%dma_wait3A_267 : memref<25600x64xf32, #tpu.memory_space<vmem_shared>>)
      %dma_wait3A_268 = arith.constant 0 : i32
      %dma_wait3A_269 = arith.constant 0 : i32
      %dma_wait3A_270 = tpu.memref_slice %arg9[%dma_wait3A_268, %dma_wait3A_269] : memref<25x80xi32, #tpu.memory_space<vmem>> -> memref<1x80xi32, #tpu.memory_space<vmem>>
      %dma_wait3A_271 = tpu.memref_squeeze %dma_wait3A_270 : memref<1x80xi32, #tpu.memory_space<vmem>> -> memref<80xi32, #tpu.memory_space<vmem>>
      %dma_wait3A_272 = arith.constant 0 : i32
      %dma_wait3A_273 = arith.constant 0 : i32
      %dma_wait3A_274 = tpu.memref_slice %arg13[%dma_wait3A_272, %dma_wait3A_273] : memref<25600x64xf32, #tpu.memory_space<vmem_shared>> -> memref<25600x64xf32, #tpu.memory_space<vmem_shared>>
      tpu.wait_indirect_dma semaphore(%arg20 : memref<!tpu.dma_semaphore, #tpu.memory_space<semaphore_mem>>) src(%arg11 : memref<80x64xf32, #tpu.memory_space<vmem>>) dst(%dma_wait3A_274 : memref<25600x64xf32, #tpu.memory_space<vmem_shared>>)
      %add3A_275 = arith.constant 2 : i32
      %add3A_276 = arith.addi %mul3A_162, %add3A_275 : i32
      %lt3A = arith.constant 25 : i32
      %lt3A_277 = arith.cmpi slt, %add3A_276, %lt3A : i32
      %convert_element_type3A_278 = arith.extui %lt3A_277 : i1 to i32
      %cond3A_279 = arith.constant 0 : i32
      %cond3A_280 = arith.cmpi ne, %convert_element_type3A_278, %cond3A_279 : i32
      scf.if %cond3A_280 {
        %add3A_404 = arith.constant 2 : i32
        %add3A_405 = arith.addi %mul3A_162, %add3A_404 : i32
        %mul3A_406 = arith.constant 25 : i32
        %mul3A_407 = arith.muli %add3A_405, %mul3A_406 : i32
        %dma_start3A_408 = arith.constant 0 : i32
        %dma_start3A_409 = tpu.memref_slice %arg3[%arg1, %mul3A_407, %dma_start3A_408] : memref<16x625x80xi32, #tpu.memory_space<hbm>> -> memref<1x25x80xi32, #tpu.memory_space<hbm>>
        %dma_start3A_410 = tpu.memref_squeeze %dma_start3A_409 : memref<1x25x80xi32, #tpu.memory_space<hbm>> -> memref<25x80xi32, #tpu.memory_space<hbm>>
        %dma_start3A_411 = arith.constant 0 : i32
        %dma_start3A_412 = tpu.memref_slice %arg3[%arg1, %mul3A_407, %dma_start3A_411] : memref<16x625x80xi32, #tpu.memory_space<hbm>> -> memref<1x25x80xi32, #tpu.memory_space<hbm>>
        %dma_start3A_413 = tpu.memref_squeeze %dma_start3A_412 : memref<1x25x80xi32, #tpu.memory_space<hbm>> -> memref<25x80xi32, #tpu.memory_space<hbm>>
        tpu.enqueue_dma source(%dma_start3A_413 : memref<25x80xi32, #tpu.memory_space<hbm>>) target(%arg7 : memref<25x80xi32, #tpu.memory_space<vmem>>) target_semaphore(%arg14 : memref<!tpu.dma_semaphore, #tpu.memory_space<semaphore_mem>>)
        %mul3A_414 = arith.constant 25 : i32
        %mul3A_415 = arith.muli %add3A_405, %mul3A_414 : i32
        %dma_start3A_416 = arith.constant 0 : i32
        %dma_start3A_417 = tpu.memref_slice %arg4[%arg1, %mul3A_415, %dma_start3A_416] : memref<16x625x80xi32, #tpu.memory_space<hbm>> -> memref<1x25x80xi32, #tpu.memory_space<hbm>>
        %dma_start3A_418 = tpu.memref_squeeze %dma_start3A_417 : memref<1x25x80xi32, #tpu.memory_space<hbm>> -> memref<25x80xi32, #tpu.memory_space<hbm>>
        %dma_start3A_419 = arith.constant 0 : i32
        %dma_start3A_420 = tpu.memref_slice %arg4[%arg1, %mul3A_415, %dma_start3A_419] : memref<16x625x80xi32, #tpu.memory_space<hbm>> -> memref<1x25x80xi32, #tpu.memory_space<hbm>>
        %dma_start3A_421 = tpu.memref_squeeze %dma_start3A_420 : memref<1x25x80xi32, #tpu.memory_space<hbm>> -> memref<25x80xi32, #tpu.memory_space<hbm>>
        tpu.enqueue_dma source(%dma_start3A_421 : memref<25x80xi32, #tpu.memory_space<hbm>>) target(%arg9 : memref<25x80xi32, #tpu.memory_space<vmem>>) target_semaphore(%arg16 : memref<!tpu.dma_semaphore, #tpu.memory_space<semaphore_mem>>)
      } else {
      }
      %mul3A_281 = arith.constant 2 : i32
      %mul3A_282 = arith.muli %mul3A_281, %scan3A_160 : i32
      %add3A_283 = arith.constant 1 : i32
      %add3A_284 = arith.addi %mul3A_282, %add3A_283 : i32
      %dma_wait3A_285 = arith.constant 0 : i32
      %dma_wait3A_286 = arith.constant 0 : i32
      %dma_wait3A_287 = tpu.memref_slice %arg3[%arg1, %dma_wait3A_285, %dma_wait3A_286] : memref<16x625x80xi32, #tpu.memory_space<hbm>> -> memref<1x25x80xi32, #tpu.memory_space<hbm>>
      %dma_wait3A_288 = tpu.memref_squeeze %dma_wait3A_287 : memref<1x25x80xi32, #tpu.memory_space<hbm>> -> memref<25x80xi32, #tpu.memory_space<hbm>>
      %dma_wait3A_289 = arith.constant 0 : i32
      %dma_wait3A_290 = arith.constant 0 : i32
      %dma_wait3A_291 = tpu.memref_slice %arg3[%arg1, %dma_wait3A_289, %dma_wait3A_290] : memref<16x625x80xi32, #tpu.memory_space<hbm>> -> memref<1x25x80xi32, #tpu.memory_space<hbm>>
      %dma_wait3A_292 = tpu.memref_squeeze %dma_wait3A_291 : memref<1x25x80xi32, #tpu.memory_space<hbm>> -> memref<25x80xi32, #tpu.memory_space<hbm>>
      tpu.wait_dma2 semaphore(%arg15 : memref<!tpu.dma_semaphore, #tpu.memory_space<semaphore_mem>>) src(%dma_wait3A_292 : memref<25x80xi32, #tpu.memory_space<hbm>>) dst(%arg8 : memref<25x80xi32, #tpu.memory_space<vmem>>)
      %dma_start3A_293 = arith.constant 0 : i32
      %dma_start3A_294 = arith.constant 0 : i32
      %dma_start3A_295 = tpu.memref_slice %arg8[%dma_start3A_293, %dma_start3A_294] : memref<25x80xi32, #tpu.memory_space<vmem>> -> memref<1x80xi32, #tpu.memory_space<vmem>>
      %dma_start3A_296 = tpu.memref_squeeze %dma_start3A_295 : memref<1x80xi32, #tpu.memory_space<vmem>> -> memref<80xi32, #tpu.memory_space<vmem>>
      %dma_start3A_297 = arith.constant 0 : i32
      %dma_start3A_298 = arith.constant 0 : i32
      %dma_start3A_299 = tpu.memref_slice %arg2[%dma_start3A_297, %dma_start3A_298] : memref<50176x64xf32, #tpu.memory_space<hbm>> -> memref<50176x64xf32, #tpu.memory_space<hbm>>
      tpu.enqueue_indirect_dma source(%dma_start3A_299 : memref<50176x64xf32, #tpu.memory_space<hbm>>) target(%arg11 : memref<80x64xf32, #tpu.memory_space<vmem>>) offsets(%dma_start3A_296 : memref<80xi32, #tpu.memory_space<vmem>>) semaphore(%arg18 : memref<!tpu.dma_semaphore, #tpu.memory_space<semaphore_mem>>)
      %dma_start3A_300 = arith.constant 1 : i32
      %dma_start3A_301 = arith.constant 0 : i32
      %dma_start3A_302 = tpu.memref_slice %arg8[%dma_start3A_300, %dma_start3A_301] : memref<25x80xi32, #tpu.memory_space<vmem>> -> memref<1x80xi32, #tpu.memory_space<vmem>>
      %dma_start3A_303 = tpu.memref_squeeze %dma_start3A_302 : memref<1x80xi32, #tpu.memory_space<vmem>> -> memref<80xi32, #tpu.memory_space<vmem>>
      %dma_start3A_304 = arith.constant 0 : i32
      %dma_start3A_305 = arith.constant 0 : i32
      %dma_start3A_306 = tpu.memref_slice %arg2[%dma_start3A_304, %dma_start3A_305] : memref<50176x64xf32, #tpu.memory_space<hbm>> -> memref<50176x64xf32, #tpu.memory_space<hbm>>
      tpu.enqueue_indirect_dma source(%dma_start3A_306 : memref<50176x64xf32, #tpu.memory_space<hbm>>) target(%arg12 : memref<80x64xf32, #tpu.memory_space<vmem>>) offsets(%dma_start3A_303 : memref<80xi32, #tpu.memory_space<vmem>>) semaphore(%arg19 : memref<!tpu.dma_semaphore, #tpu.memory_space<semaphore_mem>>)
      %dma_wait3A_307 = arith.constant 0 : i32
      %dma_wait3A_308 = arith.constant 0 : i32
      %dma_wait3A_309 = tpu.memref_slice %arg4[%arg1, %dma_wait3A_307, %dma_wait3A_308] : memref<16x625x80xi32, #tpu.memory_space<hbm>> -> memref<1x25x80xi32, #tpu.memory_space<hbm>>
      %dma_wait3A_310 = tpu.memref_squeeze %dma_wait3A_309 : memref<1x25x80xi32, #tpu.memory_space<hbm>> -> memref<25x80xi32, #tpu.memory_space<hbm>>
      %dma_wait3A_311 = arith.constant 0 : i32
      %dma_wait3A_312 = arith.constant 0 : i32
      %dma_wait3A_313 = tpu.memref_slice %arg4[%arg1, %dma_wait3A_311, %dma_wait3A_312] : memref<16x625x80xi32, #tpu.memory_space<hbm>> -> memref<1x25x80xi32, #tpu.memory_space<hbm>>
      %dma_wait3A_314 = tpu.memref_squeeze %dma_wait3A_313 : memref<1x25x80xi32, #tpu.memory_space<hbm>> -> memref<25x80xi32, #tpu.memory_space<hbm>>
      tpu.wait_dma2 semaphore(%arg17 : memref<!tpu.dma_semaphore, #tpu.memory_space<semaphore_mem>>) src(%dma_wait3A_314 : memref<25x80xi32, #tpu.memory_space<hbm>>) dst(%arg10 : memref<25x80xi32, #tpu.memory_space<vmem>>)
      %scan3A_315 = arith.constant 0 : i32
      %scan3A_316 = arith.constant 0 : i32
      %scan3A_317 = arith.constant 25 : i32
      %scan3A_318 = arith.addi %scan3A_316, %scan3A_317 : i32
      %scan3A_319 = arith.constant 1 : i32
      scf.for %scan3A_404 = %scan3A_316 to %scan3A_318 step %scan3A_319  : i32 {
        %get3A = arith.index_cast %scan3A_404 : i32 to index
        %get3A_405 = arith.constant 0 : index
        %get3A_406 = tpu.vector_load %arg10[%get3A, %get3A_405] {strides = array<i32>} : memref<25x80xi32, #tpu.memory_space<vmem>>, vector<16xi32>,
        %sub3A = vector.broadcast %mul3A_0 : i32 to vector<16xi32>
        %sub3A_407 = arith.subi %get3A_406, %sub3A : vector<16xi32>
        %ge3A = arith.constant 0 : i32
        %ge3A_408 = vector.broadcast %ge3A : i32 to vector<16xi32>
        %ge3A_409 = arith.cmpi sge, %sub3A_407, %ge3A_408 : vector<16xi32>
        %lt3A_410 = arith.constant 25000 : i32
        %lt3A_411 = vector.broadcast %lt3A_410 : i32 to vector<16xi32>
        %lt3A_412 = arith.cmpi slt, %sub3A_407, %lt3A_411 : vector<16xi32>
        %and3A_413 = arith.andi %ge3A_409, %lt3A_412 : vector<16xi1>
        %jit3A = arith.constant 25000 : i32
        %broadcast_in_dim3A = vector.broadcast %jit3A : i32 to vector<16xi32>
        %select_n3A = arith.select %and3A_413, %sub3A_407, %broadcast_in_dim3A : vector<16xi1>, vector<16xi32>
        %swap3A = arith.index_cast %scan3A_404 : i32 to index
        %swap3A_414 = arith.constant 0 : index
        %swap3A_415 = tpu.vector_load %arg10[%swap3A, %swap3A_414] {strides = array<i32>} : memref<25x80xi32, #tpu.memory_space<vmem>>, vector<16xi32>,
        tpu.vector_store %arg10[%swap3A, %swap3A_414], %select_n3A {strides = array<i32>} : memref<25x80xi32, #tpu.memory_space<vmem>>, vector<16xi32>,
        %get3A_416 = arith.index_cast %scan3A_404 : i32 to index
        %get3A_417 = arith.constant 16 : index
        %get3A_418 = tpu.vector_load %arg10[%get3A_416, %get3A_417] {strides = array<i32>} : memref<25x80xi32, #tpu.memory_space<vmem>>, vector<16xi32>,
        %sub3A_419 = vector.broadcast %mul3A_0 : i32 to vector<16xi32>
        %sub3A_420 = arith.subi %get3A_418, %sub3A_419 : vector<16xi32>
        %ge3A_421 = arith.constant 0 : i32
        %ge3A_422 = vector.broadcast %ge3A_421 : i32 to vector<16xi32>
        %ge3A_423 = arith.cmpi sge, %sub3A_420, %ge3A_422 : vector<16xi32>
        %lt3A_424 = arith.constant 25000 : i32
        %lt3A_425 = vector.broadcast %lt3A_424 : i32 to vector<16xi32>
        %lt3A_426 = arith.cmpi slt, %sub3A_420, %lt3A_425 : vector<16xi32>
        %and3A_427 = arith.andi %ge3A_423, %lt3A_426 : vector<16xi1>
        %jit3A_428 = arith.constant 25000 : i32
        %broadcast_in_dim3A_429 = vector.broadcast %jit3A_428 : i32 to vector<16xi32>
        %select_n3A_430 = arith.select %and3A_427, %sub3A_420, %broadcast_in_dim3A_429 : vector<16xi1>, vector<16xi32>
        %swap3A_431 = arith.index_cast %scan3A_404 : i32 to index
        %swap3A_432 = arith.constant 16 : index
        %swap3A_433 = tpu.vector_load %arg10[%swap3A_431, %swap3A_432] {strides = array<i32>} : memref<25x80xi32, #tpu.memory_space<vmem>>, vector<16xi32>,
        tpu.vector_store %arg10[%swap3A_431, %swap3A_432], %select_n3A_430 {strides = array<i32>} : memref<25x80xi32, #tpu.memory_space<vmem>>, vector<16xi32>,
        %get3A_434 = arith.index_cast %scan3A_404 : i32 to index
        %get3A_435 = arith.constant 32 : index
        %get3A_436 = tpu.vector_load %arg10[%get3A_434, %get3A_435] {strides = array<i32>} : memref<25x80xi32, #tpu.memory_space<vmem>>, vector<16xi32>,
        %sub3A_437 = vector.broadcast %mul3A_0 : i32 to vector<16xi32>
        %sub3A_438 = arith.subi %get3A_436, %sub3A_437 : vector<16xi32>
        %ge3A_439 = arith.constant 0 : i32
        %ge3A_440 = vector.broadcast %ge3A_439 : i32 to vector<16xi32>
        %ge3A_441 = arith.cmpi sge, %sub3A_438, %ge3A_440 : vector<16xi32>
        %lt3A_442 = arith.constant 25000 : i32
        %lt3A_443 = vector.broadcast %lt3A_442 : i32 to vector<16xi32>
        %lt3A_444 = arith.cmpi slt, %sub3A_438, %lt3A_443 : vector<16xi32>
        %and3A_445 = arith.andi %ge3A_441, %lt3A_444 : vector<16xi1>
        %jit3A_446 = arith.constant 25000 : i32
        %broadcast_in_dim3A_447 = vector.broadcast %jit3A_446 : i32 to vector<16xi32>
        %select_n3A_448 = arith.select %and3A_445, %sub3A_438, %broadcast_in_dim3A_447 : vector<16xi1>, vector<16xi32>
        %swap3A_449 = arith.index_cast %scan3A_404 : i32 to index
        %swap3A_450 = arith.constant 32 : index
        %swap3A_451 = tpu.vector_load %arg10[%swap3A_449, %swap3A_450] {strides = array<i32>} : memref<25x80xi32, #tpu.memory_space<vmem>>, vector<16xi32>,
        tpu.vector_store %arg10[%swap3A_449, %swap3A_450], %select_n3A_448 {strides = array<i32>} : memref<25x80xi32, #tpu.memory_space<vmem>>, vector<16xi32>,
        %get3A_452 = arith.index_cast %scan3A_404 : i32 to index
        %get3A_453 = arith.constant 48 : index
        %get3A_454 = tpu.vector_load %arg10[%get3A_452, %get3A_453] {strides = array<i32>} : memref<25x80xi32, #tpu.memory_space<vmem>>, vector<16xi32>,
        %sub3A_455 = vector.broadcast %mul3A_0 : i32 to vector<16xi32>
        %sub3A_456 = arith.subi %get3A_454, %sub3A_455 : vector<16xi32>
        %ge3A_457 = arith.constant 0 : i32
        %ge3A_458 = vector.broadcast %ge3A_457 : i32 to vector<16xi32>
        %ge3A_459 = arith.cmpi sge, %sub3A_456, %ge3A_458 : vector<16xi32>
        %lt3A_460 = arith.constant 25000 : i32
        %lt3A_461 = vector.broadcast %lt3A_460 : i32 to vector<16xi32>
        %lt3A_462 = arith.cmpi slt, %sub3A_456, %lt3A_461 : vector<16xi32>
        %and3A_463 = arith.andi %ge3A_459, %lt3A_462 : vector<16xi1>
        %jit3A_464 = arith.constant 25000 : i32
        %broadcast_in_dim3A_465 = vector.broadcast %jit3A_464 : i32 to vector<16xi32>
        %select_n3A_466 = arith.select %and3A_463, %sub3A_456, %broadcast_in_dim3A_465 : vector<16xi1>, vector<16xi32>
        %swap3A_467 = arith.index_cast %scan3A_404 : i32 to index
        %swap3A_468 = arith.constant 48 : index
        %swap3A_469 = tpu.vector_load %arg10[%swap3A_467, %swap3A_468] {strides = array<i32>} : memref<25x80xi32, #tpu.memory_space<vmem>>, vector<16xi32>,
        tpu.vector_store %arg10[%swap3A_467, %swap3A_468], %select_n3A_466 {strides = array<i32>} : memref<25x80xi32, #tpu.memory_space<vmem>>, vector<16xi32>,
        %get3A_470 = arith.index_cast %scan3A_404 : i32 to index
        %get3A_471 = arith.constant 64 : index
        %get3A_472 = tpu.vector_load %arg10[%get3A_470, %get3A_471] {strides = array<i32>} : memref<25x80xi32, #tpu.memory_space<vmem>>, vector<16xi32>,
        %sub3A_473 = vector.broadcast %mul3A_0 : i32 to vector<16xi32>
        %sub3A_474 = arith.subi %get3A_472, %sub3A_473 : vector<16xi32>
        %ge3A_475 = arith.constant 0 : i32
        %ge3A_476 = vector.broadcast %ge3A_475 : i32 to vector<16xi32>
        %ge3A_477 = arith.cmpi sge, %sub3A_474, %ge3A_476 : vector<16xi32>
        %lt3A_478 = arith.constant 25000 : i32
        %lt3A_479 = vector.broadcast %lt3A_478 : i32 to vector<16xi32>
        %lt3A_480 = arith.cmpi slt, %sub3A_474, %lt3A_479 : vector<16xi32>
        %and3A_481 = arith.andi %ge3A_477, %lt3A_480 : vector<16xi1>
        %jit3A_482 = arith.constant 25000 : i32
        %broadcast_in_dim3A_483 = vector.broadcast %jit3A_482 : i32 to vector<16xi32>
        %select_n3A_484 = arith.select %and3A_481, %sub3A_474, %broadcast_in_dim3A_483 : vector<16xi1>, vector<16xi32>
        %swap3A_485 = arith.index_cast %scan3A_404 : i32 to index
        %swap3A_486 = arith.constant 64 : index
        %swap3A_487 = tpu.vector_load %arg10[%swap3A_485, %swap3A_486] {strides = array<i32>} : memref<25x80xi32, #tpu.memory_space<vmem>>, vector<16xi32>,
        tpu.vector_store %arg10[%swap3A_485, %swap3A_486], %select_n3A_484 {strides = array<i32>} : memref<25x80xi32, #tpu.memory_space<vmem>>, vector<16xi32>,
      }
      %scan3A_320 = arith.constant 25 : i32
      %scan3A_321 = arith.constant 0 : i32
      %scan3A_322 = arith.constant 0 : i32
      %scan3A_323 = arith.constant 11 : i32
      %scan3A_324 = arith.addi %scan3A_322, %scan3A_323 : i32
      %scan3A_325 = arith.constant 1 : i32
      scf.for %scan3A_404 = %scan3A_322 to %scan3A_324 step %scan3A_325  : i32 {
        %mul3A_405 = arith.constant 2 : i32
        %mul3A_406 = arith.muli %mul3A_405, %scan3A_404 : i32
        %dma_wait3A_407 = arith.constant 0 : i32
        %dma_wait3A_408 = arith.constant 0 : i32
        %dma_wait3A_409 = tpu.memref_slice %arg8[%dma_wait3A_407, %dma_wait3A_408] : memref<25x80xi32, #tpu.memory_space<vmem>> -> memref<1x80xi32, #tpu.memory_space<vmem>>
        %dma_wait3A_410 = tpu.memref_squeeze %dma_wait3A_409 : memref<1x80xi32, #tpu.memory_space<vmem>> -> memref<80xi32, #tpu.memory_space<vmem>>
        %dma_wait3A_411 = arith.constant 0 : i32
        %dma_wait3A_412 = arith.constant 0 : i32
        %dma_wait3A_413 = tpu.memref_slice %arg2[%dma_wait3A_411, %dma_wait3A_412] : memref<50176x64xf32, #tpu.memory_space<hbm>> -> memref<50176x64xf32, #tpu.memory_space<hbm>>
        tpu.wait_indirect_dma semaphore(%arg18 : memref<!tpu.dma_semaphore, #tpu.memory_space<semaphore_mem>>) src(%dma_wait3A_413 : memref<50176x64xf32, #tpu.memory_space<hbm>>) dst(%arg11 : memref<80x64xf32, #tpu.memory_space<vmem>>)
        %dma_start3A_414 = arith.constant 0 : i32
        %dma_start3A_415 = tpu.memref_slice %arg10[%mul3A_406, %dma_start3A_414] : memref<25x80xi32, #tpu.memory_space<vmem>> -> memref<1x80xi32, #tpu.memory_space<vmem>>
        %dma_start3A_416 = tpu.memref_squeeze %dma_start3A_415 : memref<1x80xi32, #tpu.memory_space<vmem>> -> memref<80xi32, #tpu.memory_space<vmem>>
        %dma_start3A_417 = arith.constant 0 : i32
        %dma_start3A_418 = arith.constant 0 : i32
        %dma_start3A_419 = tpu.memref_slice %arg13[%dma_start3A_417, %dma_start3A_418] : memref<25600x64xf32, #tpu.memory_space<vmem_shared>> -> memref<25600x64xf32, #tpu.memory_space<vmem_shared>>
        tpu.enqueue_indirect_dma source(%arg11 : memref<80x64xf32, #tpu.memory_space<vmem>>) target(%dma_start3A_419 : memref<25600x64xf32, #tpu.memory_space<vmem_shared>>) offsets(%dma_start3A_416 : memref<80xi32, #tpu.memory_space<vmem>>) semaphore(%arg20 : memref<!tpu.dma_semaphore, #tpu.memory_space<semaphore_mem>>) {add = true}
        %dma_wait3A_420 = arith.constant 0 : i32
        %dma_wait3A_421 = arith.constant 0 : i32
        %dma_wait3A_422 = tpu.memref_slice %arg8[%dma_wait3A_420, %dma_wait3A_421] : memref<25x80xi32, #tpu.memory_space<vmem>> -> memref<1x80xi32, #tpu.memory_space<vmem>>
        %dma_wait3A_423 = tpu.memref_squeeze %dma_wait3A_422 : memref<1x80xi32, #tpu.memory_space<vmem>> -> memref<80xi32, #tpu.memory_space<vmem>>
        %dma_wait3A_424 = arith.constant 0 : i32
        %dma_wait3A_425 = arith.constant 0 : i32
        %dma_wait3A_426 = tpu.memref_slice %arg2[%dma_wait3A_424, %dma_wait3A_425] : memref<50176x64xf32, #tpu.memory_space<hbm>> -> memref<50176x64xf32, #tpu.memory_space<hbm>>
        tpu.wait_indirect_dma semaphore(%arg19 : memref<!tpu.dma_semaphore, #tpu.memory_space<semaphore_mem>>) src(%dma_wait3A_426 : memref<50176x64xf32, #tpu.memory_space<hbm>>) dst(%arg12 : memref<80x64xf32, #tpu.memory_space<vmem>>)
        %add3A_427 = arith.constant 1 : i32
        %add3A_428 = arith.addi %mul3A_406, %add3A_427 : i32
        %dma_start3A_429 = arith.constant 0 : i32
        %dma_start3A_430 = tpu.memref_slice %arg10[%add3A_428, %dma_start3A_429] : memref<25x80xi32, #tpu.memory_space<vmem>> -> memref<1x80xi32, #tpu.memory_space<vmem>>
        %dma_start3A_431 = tpu.memref_squeeze %dma_start3A_430 : memref<1x80xi32, #tpu.memory_space<vmem>> -> memref<80xi32, #tpu.memory_space<vmem>>
        %dma_start3A_432 = arith.constant 0 : i32
        %dma_start3A_433 = arith.constant 0 : i32
        %dma_start3A_434 = tpu.memref_slice %arg13[%dma_start3A_432, %dma_start3A_433] : memref<25600x64xf32, #tpu.memory_space<vmem_shared>> -> memref<25600x64xf32, #tpu.memory_space<vmem_shared>>
        tpu.enqueue_indirect_dma source(%arg12 : memref<80x64xf32, #tpu.memory_space<vmem>>) target(%dma_start3A_434 : memref<25600x64xf32, #tpu.memory_space<vmem_shared>>) offsets(%dma_start3A_431 : memref<80xi32, #tpu.memory_space<vmem>>) semaphore(%arg21 : memref<!tpu.dma_semaphore, #tpu.memory_space<semaphore_mem>>) {add = true}
        %dma_wait3A_435 = arith.constant 0 : i32
        %dma_wait3A_436 = arith.constant 0 : i32
        %dma_wait3A_437 = tpu.memref_slice %arg10[%dma_wait3A_435, %dma_wait3A_436] : memref<25x80xi32, #tpu.memory_space<vmem>> -> memref<1x80xi32, #tpu.memory_space<vmem>>
        %dma_wait3A_438 = tpu.memref_squeeze %dma_wait3A_437 : memref<1x80xi32, #tpu.memory_space<vmem>> -> memref<80xi32, #tpu.memory_space<vmem>>
        %dma_wait3A_439 = arith.constant 0 : i32
        %dma_wait3A_440 = arith.constant 0 : i32
        %dma_wait3A_441 = tpu.memref_slice %arg13[%dma_wait3A_439, %dma_wait3A_440] : memref<25600x64xf32, #tpu.memory_space<vmem_shared>> -> memref<25600x64xf32, #tpu.memory_space<vmem_shared>>
        tpu.wait_indirect_dma semaphore(%arg20 : memref<!tpu.dma_semaphore, #tpu.memory_space<semaphore_mem>>) src(%arg11 : memref<80x64xf32, #tpu.memory_space<vmem>>) dst(%dma_wait3A_441 : memref<25600x64xf32, #tpu.memory_space<vmem_shared>>)
        %add3A_442 = arith.constant 2 : i32
        %add3A_443 = arith.addi %mul3A_406, %add3A_442 : i32
        %dma_start3A_444 = arith.constant 0 : i32
        %dma_start3A_445 = tpu.memref_slice %arg8[%add3A_443, %dma_start3A_444] : memref<25x80xi32, #tpu.memory_space<vmem>> -> memref<1x80xi32, #tpu.memory_space<vmem>>
        %dma_start3A_446 = tpu.memref_squeeze %dma_start3A_445 : memref<1x80xi32, #tpu.memory_space<vmem>> -> memref<80xi32, #tpu.memory_space<vmem>>
        %dma_start3A_447 = arith.constant 0 : i32
        %dma_start3A_448 = arith.constant 0 : i32
        %dma_start3A_449 = tpu.memref_slice %arg2[%dma_start3A_447, %dma_start3A_448] : memref<50176x64xf32, #tpu.memory_space<hbm>> -> memref<50176x64xf32, #tpu.memory_space<hbm>>
        tpu.enqueue_indirect_dma source(%dma_start3A_449 : memref<50176x64xf32, #tpu.memory_space<hbm>>) target(%arg11 : memref<80x64xf32, #tpu.memory_space<vmem>>) offsets(%dma_start3A_446 : memref<80xi32, #tpu.memory_space<vmem>>) semaphore(%arg18 : memref<!tpu.dma_semaphore, #tpu.memory_space<semaphore_mem>>)
        %dma_wait3A_450 = arith.constant 0 : i32
        %dma_wait3A_451 = arith.constant 0 : i32
        %dma_wait3A_452 = tpu.memref_slice %arg10[%dma_wait3A_450, %dma_wait3A_451] : memref<25x80xi32, #tpu.memory_space<vmem>> -> memref<1x80xi32, #tpu.memory_space<vmem>>
        %dma_wait3A_453 = tpu.memref_squeeze %dma_wait3A_452 : memref<1x80xi32, #tpu.memory_space<vmem>> -> memref<80xi32, #tpu.memory_space<vmem>>
        %dma_wait3A_454 = arith.constant 0 : i32
        %dma_wait3A_455 = arith.constant 0 : i32
        %dma_wait3A_456 = tpu.memref_slice %arg13[%dma_wait3A_454, %dma_wait3A_455] : memref<25600x64xf32, #tpu.memory_space<vmem_shared>> -> memref<25600x64xf32, #tpu.memory_space<vmem_shared>>
        tpu.wait_indirect_dma semaphore(%arg21 : memref<!tpu.dma_semaphore, #tpu.memory_space<semaphore_mem>>) src(%arg12 : memref<80x64xf32, #tpu.memory_space<vmem>>) dst(%dma_wait3A_456 : memref<25600x64xf32, #tpu.memory_space<vmem_shared>>)
        %add3A_457 = arith.constant 3 : i32
        %add3A_458 = arith.addi %mul3A_406, %add3A_457 : i32
        %dma_start3A_459 = arith.constant 0 : i32
        %dma_start3A_460 = tpu.memref_slice %arg8[%add3A_458, %dma_start3A_459] : memref<25x80xi32, #tpu.memory_space<vmem>> -> memref<1x80xi32, #tpu.memory_space<vmem>>
        %dma_start3A_461 = tpu.memref_squeeze %dma_start3A_460 : memref<1x80xi32, #tpu.memory_space<vmem>> -> memref<80xi32, #tpu.memory_space<vmem>>
        %dma_start3A_462 = arith.constant 0 : i32
        %dma_start3A_463 = arith.constant 0 : i32
        %dma_start3A_464 = tpu.memref_slice %arg2[%dma_start3A_462, %dma_start3A_463] : memref<50176x64xf32, #tpu.memory_space<hbm>> -> memref<50176x64xf32, #tpu.memory_space<hbm>>
        tpu.enqueue_indirect_dma source(%dma_start3A_464 : memref<50176x64xf32, #tpu.memory_space<hbm>>) target(%arg12 : memref<80x64xf32, #tpu.memory_space<vmem>>) offsets(%dma_start3A_461 : memref<80xi32, #tpu.memory_space<vmem>>) semaphore(%arg19 : memref<!tpu.dma_semaphore, #tpu.memory_space<semaphore_mem>>)
      }
      %scan3A_326 = arith.constant 11 : i32
      %dma_wait3A_327 = arith.constant 0 : i32
      %dma_wait3A_328 = arith.constant 0 : i32
      %dma_wait3A_329 = tpu.memref_slice %arg8[%dma_wait3A_327, %dma_wait3A_328] : memref<25x80xi32, #tpu.memory_space<vmem>> -> memref<1x80xi32, #tpu.memory_space<vmem>>
      %dma_wait3A_330 = tpu.memref_squeeze %dma_wait3A_329 : memref<1x80xi32, #tpu.memory_space<vmem>> -> memref<80xi32, #tpu.memory_space<vmem>>
      %dma_wait3A_331 = arith.constant 0 : i32
      %dma_wait3A_332 = arith.constant 0 : i32
      %dma_wait3A_333 = tpu.memref_slice %arg2[%dma_wait3A_331, %dma_wait3A_332] : memref<50176x64xf32, #tpu.memory_space<hbm>> -> memref<50176x64xf32, #tpu.memory_space<hbm>>
      tpu.wait_indirect_dma semaphore(%arg18 : memref<!tpu.dma_semaphore, #tpu.memory_space<semaphore_mem>>) src(%dma_wait3A_333 : memref<50176x64xf32, #tpu.memory_space<hbm>>) dst(%arg11 : memref<80x64xf32, #tpu.memory_space<vmem>>)
      %dma_start3A_334 = arith.constant 22 : i32
      %dma_start3A_335 = arith.constant 0 : i32
      %dma_start3A_336 = tpu.memref_slice %arg10[%dma_start3A_334, %dma_start3A_335] : memref<25x80xi32, #tpu.memory_space<vmem>> -> memref<1x80xi32, #tpu.memory_space<vmem>>
      %dma_start3A_337 = tpu.memref_squeeze %dma_start3A_336 : memref<1x80xi32, #tpu.memory_space<vmem>> -> memref<80xi32, #tpu.memory_space<vmem>>
      %dma_start3A_338 = arith.constant 0 : i32
      %dma_start3A_339 = arith.constant 0 : i32
      %dma_start3A_340 = tpu.memref_slice %arg13[%dma_start3A_338, %dma_start3A_339] : memref<25600x64xf32, #tpu.memory_space<vmem_shared>> -> memref<25600x64xf32, #tpu.memory_space<vmem_shared>>
      tpu.enqueue_indirect_dma source(%arg11 : memref<80x64xf32, #tpu.memory_space<vmem>>) target(%dma_start3A_340 : memref<25600x64xf32, #tpu.memory_space<vmem_shared>>) offsets(%dma_start3A_337 : memref<80xi32, #tpu.memory_space<vmem>>) semaphore(%arg20 : memref<!tpu.dma_semaphore, #tpu.memory_space<semaphore_mem>>) {add = true}
      %dma_wait3A_341 = arith.constant 0 : i32
      %dma_wait3A_342 = arith.constant 0 : i32
      %dma_wait3A_343 = tpu.memref_slice %arg8[%dma_wait3A_341, %dma_wait3A_342] : memref<25x80xi32, #tpu.memory_space<vmem>> -> memref<1x80xi32, #tpu.memory_space<vmem>>
      %dma_wait3A_344 = tpu.memref_squeeze %dma_wait3A_343 : memref<1x80xi32, #tpu.memory_space<vmem>> -> memref<80xi32, #tpu.memory_space<vmem>>
      %dma_wait3A_345 = arith.constant 0 : i32
      %dma_wait3A_346 = arith.constant 0 : i32
      %dma_wait3A_347 = tpu.memref_slice %arg2[%dma_wait3A_345, %dma_wait3A_346] : memref<50176x64xf32, #tpu.memory_space<hbm>> -> memref<50176x64xf32, #tpu.memory_space<hbm>>
      tpu.wait_indirect_dma semaphore(%arg19 : memref<!tpu.dma_semaphore, #tpu.memory_space<semaphore_mem>>) src(%dma_wait3A_347 : memref<50176x64xf32, #tpu.memory_space<hbm>>) dst(%arg12 : memref<80x64xf32, #tpu.memory_space<vmem>>)
      %dma_start3A_348 = arith.constant 23 : i32
      %dma_start3A_349 = arith.constant 0 : i32
      %dma_start3A_350 = tpu.memref_slice %arg10[%dma_start3A_348, %dma_start3A_349] : memref<25x80xi32, #tpu.memory_space<vmem>> -> memref<1x80xi32, #tpu.memory_space<vmem>>
      %dma_start3A_351 = tpu.memref_squeeze %dma_start3A_350 : memref<1x80xi32, #tpu.memory_space<vmem>> -> memref<80xi32, #tpu.memory_space<vmem>>
      %dma_start3A_352 = arith.constant 0 : i32
      %dma_start3A_353 = arith.constant 0 : i32
      %dma_start3A_354 = tpu.memref_slice %arg13[%dma_start3A_352, %dma_start3A_353] : memref<25600x64xf32, #tpu.memory_space<vmem_shared>> -> memref<25600x64xf32, #tpu.memory_space<vmem_shared>>
      tpu.enqueue_indirect_dma source(%arg12 : memref<80x64xf32, #tpu.memory_space<vmem>>) target(%dma_start3A_354 : memref<25600x64xf32, #tpu.memory_space<vmem_shared>>) offsets(%dma_start3A_351 : memref<80xi32, #tpu.memory_space<vmem>>) semaphore(%arg21 : memref<!tpu.dma_semaphore, #tpu.memory_space<semaphore_mem>>) {add = true}
      %dma_wait3A_355 = arith.constant 0 : i32
      %dma_wait3A_356 = arith.constant 0 : i32
      %dma_wait3A_357 = tpu.memref_slice %arg10[%dma_wait3A_355, %dma_wait3A_356] : memref<25x80xi32, #tpu.memory_space<vmem>> -> memref<1x80xi32, #tpu.memory_space<vmem>>
      %dma_wait3A_358 = tpu.memref_squeeze %dma_wait3A_357 : memref<1x80xi32, #tpu.memory_space<vmem>> -> memref<80xi32, #tpu.memory_space<vmem>>
      %dma_wait3A_359 = arith.constant 0 : i32
      %dma_wait3A_360 = arith.constant 0 : i32
      %dma_wait3A_361 = tpu.memref_slice %arg13[%dma_wait3A_359, %dma_wait3A_360] : memref<25600x64xf32, #tpu.memory_space<vmem_shared>> -> memref<25600x64xf32, #tpu.memory_space<vmem_shared>>
      tpu.wait_indirect_dma semaphore(%arg20 : memref<!tpu.dma_semaphore, #tpu.memory_space<semaphore_mem>>) src(%arg11 : memref<80x64xf32, #tpu.memory_space<vmem>>) dst(%dma_wait3A_361 : memref<25600x64xf32, #tpu.memory_space<vmem_shared>>)
      %dma_start3A_362 = arith.constant 24 : i32
      %dma_start3A_363 = arith.constant 0 : i32
      %dma_start3A_364 = tpu.memref_slice %arg8[%dma_start3A_362, %dma_start3A_363] : memref<25x80xi32, #tpu.memory_space<vmem>> -> memref<1x80xi32, #tpu.memory_space<vmem>>
      %dma_start3A_365 = tpu.memref_squeeze %dma_start3A_364 : memref<1x80xi32, #tpu.memory_space<vmem>> -> memref<80xi32, #tpu.memory_space<vmem>>
      %dma_start3A_366 = arith.constant 0 : i32
      %dma_start3A_367 = arith.constant 0 : i32
      %dma_start3A_368 = tpu.memref_slice %arg2[%dma_start3A_366, %dma_start3A_367] : memref<50176x64xf32, #tpu.memory_space<hbm>> -> memref<50176x64xf32, #tpu.memory_space<hbm>>
      tpu.enqueue_indirect_dma source(%dma_start3A_368 : memref<50176x64xf32, #tpu.memory_space<hbm>>) target(%arg11 : memref<80x64xf32, #tpu.memory_space<vmem>>) offsets(%dma_start3A_365 : memref<80xi32, #tpu.memory_space<vmem>>) semaphore(%arg18 : memref<!tpu.dma_semaphore, #tpu.memory_space<semaphore_mem>>)
      %dma_wait3A_369 = arith.constant 0 : i32
      %dma_wait3A_370 = arith.constant 0 : i32
      %dma_wait3A_371 = tpu.memref_slice %arg8[%dma_wait3A_369, %dma_wait3A_370] : memref<25x80xi32, #tpu.memory_space<vmem>> -> memref<1x80xi32, #tpu.memory_space<vmem>>
      %dma_wait3A_372 = tpu.memref_squeeze %dma_wait3A_371 : memref<1x80xi32, #tpu.memory_space<vmem>> -> memref<80xi32, #tpu.memory_space<vmem>>
      %dma_wait3A_373 = arith.constant 0 : i32
      %dma_wait3A_374 = arith.constant 0 : i32
      %dma_wait3A_375 = tpu.memref_slice %arg2[%dma_wait3A_373, %dma_wait3A_374] : memref<50176x64xf32, #tpu.memory_space<hbm>> -> memref<50176x64xf32, #tpu.memory_space<hbm>>
      tpu.wait_indirect_dma semaphore(%arg18 : memref<!tpu.dma_semaphore, #tpu.memory_space<semaphore_mem>>) src(%dma_wait3A_375 : memref<50176x64xf32, #tpu.memory_space<hbm>>) dst(%arg11 : memref<80x64xf32, #tpu.memory_space<vmem>>)
      %dma_start3A_376 = arith.constant 24 : i32
      %dma_start3A_377 = arith.constant 0 : i32
      %dma_start3A_378 = tpu.memref_slice %arg10[%dma_start3A_376, %dma_start3A_377] : memref<25x80xi32, #tpu.memory_space<vmem>> -> memref<1x80xi32, #tpu.memory_space<vmem>>
      %dma_start3A_379 = tpu.memref_squeeze %dma_start3A_378 : memref<1x80xi32, #tpu.memory_space<vmem>> -> memref<80xi32, #tpu.memory_space<vmem>>
      %dma_start3A_380 = arith.constant 0 : i32
      %dma_start3A_381 = arith.constant 0 : i32
      %dma_start3A_382 = tpu.memref_slice %arg13[%dma_start3A_380, %dma_start3A_381] : memref<25600x64xf32, #tpu.memory_space<vmem_shared>> -> memref<25600x64xf32, #tpu.memory_space<vmem_shared>>
      tpu.enqueue_indirect_dma source(%arg11 : memref<80x64xf32, #tpu.memory_space<vmem>>) target(%dma_start3A_382 : memref<25600x64xf32, #tpu.memory_space<vmem_shared>>) offsets(%dma_start3A_379 : memref<80xi32, #tpu.memory_space<vmem>>) semaphore(%arg20 : memref<!tpu.dma_semaphore, #tpu.memory_space<semaphore_mem>>) {add = true}
      %dma_wait3A_383 = arith.constant 0 : i32
      %dma_wait3A_384 = arith.constant 0 : i32
      %dma_wait3A_385 = tpu.memref_slice %arg10[%dma_wait3A_383, %dma_wait3A_384] : memref<25x80xi32, #tpu.memory_space<vmem>> -> memref<1x80xi32, #tpu.memory_space<vmem>>
      %dma_wait3A_386 = tpu.memref_squeeze %dma_wait3A_385 : memref<1x80xi32, #tpu.memory_space<vmem>> -> memref<80xi32, #tpu.memory_space<vmem>>
      %dma_wait3A_387 = arith.constant 0 : i32
      %dma_wait3A_388 = arith.constant 0 : i32
      %dma_wait3A_389 = tpu.memref_slice %arg13[%dma_wait3A_387, %dma_wait3A_388] : memref<25600x64xf32, #tpu.memory_space<vmem_shared>> -> memref<25600x64xf32, #tpu.memory_space<vmem_shared>>
      tpu.wait_indirect_dma semaphore(%arg21 : memref<!tpu.dma_semaphore, #tpu.memory_space<semaphore_mem>>) src(%arg12 : memref<80x64xf32, #tpu.memory_space<vmem>>) dst(%dma_wait3A_389 : memref<25600x64xf32, #tpu.memory_space<vmem_shared>>)
      %dma_wait3A_390 = arith.constant 0 : i32
      %dma_wait3A_391 = arith.constant 0 : i32
      %dma_wait3A_392 = tpu.memref_slice %arg10[%dma_wait3A_390, %dma_wait3A_391] : memref<25x80xi32, #tpu.memory_space<vmem>> -> memref<1x80xi32, #tpu.memory_space<vmem>>
      %dma_wait3A_393 = tpu.memref_squeeze %dma_wait3A_392 : memref<1x80xi32, #tpu.memory_space<vmem>> -> memref<80xi32, #tpu.memory_space<vmem>>
      %dma_wait3A_394 = arith.constant 0 : i32
      %dma_wait3A_395 = arith.constant 0 : i32
      %dma_wait3A_396 = tpu.memref_slice %arg13[%dma_wait3A_394, %dma_wait3A_395] : memref<25600x64xf32, #tpu.memory_space<vmem_shared>> -> memref<25600x64xf32, #tpu.memory_space<vmem_shared>>
      tpu.wait_indirect_dma semaphore(%arg20 : memref<!tpu.dma_semaphore, #tpu.memory_space<semaphore_mem>>) src(%arg11 : memref<80x64xf32, #tpu.memory_space<vmem>>) dst(%dma_wait3A_396 : memref<25600x64xf32, #tpu.memory_space<vmem_shared>>)
      %add3A_397 = arith.constant 2 : i32
      %add3A_398 = arith.addi %add3A_284, %add3A_397 : i32
      %lt3A_399 = arith.constant 25 : i32
      %lt3A_400 = arith.cmpi slt, %add3A_398, %lt3A_399 : i32
      %convert_element_type3A_401 = arith.extui %lt3A_400 : i1 to i32
      %cond3A_402 = arith.constant 0 : i32
      %cond3A_403 = arith.cmpi ne, %convert_element_type3A_401, %cond3A_402 : i32
      scf.if %cond3A_403 {
        %add3A_404 = arith.constant 2 : i32
        %add3A_405 = arith.addi %add3A_284, %add3A_404 : i32
        %mul3A_406 = arith.constant 25 : i32
        %mul3A_407 = arith.muli %add3A_405, %mul3A_406 : i32
        %dma_start3A_408 = arith.constant 0 : i32
        %dma_start3A_409 = tpu.memref_slice %arg3[%arg1, %mul3A_407, %dma_start3A_408] : memref<16x625x80xi32, #tpu.memory_space<hbm>> -> memref<1x25x80xi32, #tpu.memory_space<hbm>>
        %dma_start3A_410 = tpu.memref_squeeze %dma_start3A_409 : memref<1x25x80xi32, #tpu.memory_space<hbm>> -> memref<25x80xi32, #tpu.memory_space<hbm>>
        %dma_start3A_411 = arith.constant 0 : i32
        %dma_start3A_412 = tpu.memref_slice %arg3[%arg1, %mul3A_407, %dma_start3A_411] : memref<16x625x80xi32, #tpu.memory_space<hbm>> -> memref<1x25x80xi32, #tpu.memory_space<hbm>>
        %dma_start3A_413 = tpu.memref_squeeze %dma_start3A_412 : memref<1x25x80xi32, #tpu.memory_space<hbm>> -> memref<25x80xi32, #tpu.memory_space<hbm>>
        tpu.enqueue_dma source(%dma_start3A_413 : memref<25x80xi32, #tpu.memory_space<hbm>>) target(%arg8 : memref<25x80xi32, #tpu.memory_space<vmem>>) target_semaphore(%arg15 : memref<!tpu.dma_semaphore, #tpu.memory_space<semaphore_mem>>)
        %mul3A_414 = arith.constant 25 : i32
        %mul3A_415 = arith.muli %add3A_405, %mul3A_414 : i32
        %dma_start3A_416 = arith.constant 0 : i32
        %dma_start3A_417 = tpu.memref_slice %arg4[%arg1, %mul3A_415, %dma_start3A_416] : memref<16x625x80xi32, #tpu.memory_space<hbm>> -> memref<1x25x80xi32, #tpu.memory_space<hbm>>
        %dma_start3A_418 = tpu.memref_squeeze %dma_start3A_417 : memref<1x25x80xi32, #tpu.memory_space<hbm>> -> memref<25x80xi32, #tpu.memory_space<hbm>>
        %dma_start3A_419 = arith.constant 0 : i32
        %dma_start3A_420 = tpu.memref_slice %arg4[%arg1, %mul3A_415, %dma_start3A_419] : memref<16x625x80xi32, #tpu.memory_space<hbm>> -> memref<1x25x80xi32, #tpu.memory_space<hbm>>
        %dma_start3A_421 = tpu.memref_squeeze %dma_start3A_420 : memref<1x25x80xi32, #tpu.memory_space<hbm>> -> memref<25x80xi32, #tpu.memory_space<hbm>>
        tpu.enqueue_dma source(%dma_start3A_421 : memref<25x80xi32, #tpu.memory_space<hbm>>) target(%arg10 : memref<25x80xi32, #tpu.memory_space<vmem>>) target_semaphore(%arg17 : memref<!tpu.dma_semaphore, #tpu.memory_space<semaphore_mem>>)
      } else {
      }
    }
    %scan3A_38 = arith.constant 12 : i32
    %dma_wait3A = arith.constant 0 : i32
    %dma_wait3A_39 = arith.constant 0 : i32
    %dma_wait3A_40 = tpu.memref_slice %arg3[%arg1, %dma_wait3A, %dma_wait3A_39] : memref<16x625x80xi32, #tpu.memory_space<hbm>> -> memref<1x25x80xi32, #tpu.memory_space<hbm>>
    %dma_wait3A_41 = tpu.memref_squeeze %dma_wait3A_40 : memref<1x25x80xi32, #tpu.memory_space<hbm>> -> memref<25x80xi32, #tpu.memory_space<hbm>>
    %dma_wait3A_42 = arith.constant 0 : i32
    %dma_wait3A_43 = arith.constant 0 : i32
    %dma_wait3A_44 = tpu.memref_slice %arg3[%arg1, %dma_wait3A_42, %dma_wait3A_43] : memref<16x625x80xi32, #tpu.memory_space<hbm>> -> memref<1x25x80xi32, #tpu.memory_space<hbm>>
    %dma_wait3A_45 = tpu.memref_squeeze %dma_wait3A_44 : memref<1x25x80xi32, #tpu.memory_space<hbm>> -> memref<25x80xi32, #tpu.memory_space<hbm>>
    tpu.wait_dma2 semaphore(%arg14 : memref<!tpu.dma_semaphore, #tpu.memory_space<semaphore_mem>>) src(%dma_wait3A_45 : memref<25x80xi32, #tpu.memory_space<hbm>>) dst(%arg7 : memref<25x80xi32, #tpu.memory_space<vmem>>)
    %dma_start3A_46 = arith.constant 0 : i32
    %dma_start3A_47 = arith.constant 0 : i32
    %dma_start3A_48 = tpu.memref_slice %arg7[%dma_start3A_46, %dma_start3A_47] : memref<25x80xi32, #tpu.memory_space<vmem>> -> memref<1x80xi32, #tpu.memory_space<vmem>>
    %dma_start3A_49 = tpu.memref_squeeze %dma_start3A_48 : memref<1x80xi32, #tpu.memory_space<vmem>> -> memref<80xi32, #tpu.memory_space<vmem>>
    %dma_start3A_50 = arith.constant 0 : i32
    %dma_start3A_51 = arith.constant 0 : i32
    %dma_start3A_52 = tpu.memref_slice %arg2[%dma_start3A_50, %dma_start3A_51] : memref<50176x64xf32, #tpu.memory_space<hbm>> -> memref<50176x64xf32, #tpu.memory_space<hbm>>
    tpu.enqueue_indirect_dma source(%dma_start3A_52 : memref<50176x64xf32, #tpu.memory_space<hbm>>) target(%arg11 : memref<80x64xf32, #tpu.memory_space<vmem>>) offsets(%dma_start3A_49 : memref<80xi32, #tpu.memory_space<vmem>>) semaphore(%arg18 : memref<!tpu.dma_semaphore, #tpu.memory_space<semaphore_mem>>)
    %dma_start3A_53 = arith.constant 1 : i32
    %dma_start3A_54 = arith.constant 0 : i32
    %dma_start3A_55 = tpu.memref_slice %arg7[%dma_start3A_53, %dma_start3A_54] : memref<25x80xi32, #tpu.memory_space<vmem>> -> memref<1x80xi32, #tpu.memory_space<vmem>>
    %dma_start3A_56 = tpu.memref_squeeze %dma_start3A_55 : memref<1x80xi32, #tpu.memory_space<vmem>> -> memref<80xi32, #tpu.memory_space<vmem>>
    %dma_start3A_57 = arith.constant 0 : i32
    %dma_start3A_58 = arith.constant 0 : i32
    %dma_start3A_59 = tpu.memref_slice %arg2[%dma_start3A_57, %dma_start3A_58] : memref<50176x64xf32, #tpu.memory_space<hbm>> -> memref<50176x64xf32, #tpu.memory_space<hbm>>
    tpu.enqueue_indirect_dma source(%dma_start3A_59 : memref<50176x64xf32, #tpu.memory_space<hbm>>) target(%arg12 : memref<80x64xf32, #tpu.memory_space<vmem>>) offsets(%dma_start3A_56 : memref<80xi32, #tpu.memory_space<vmem>>) semaphore(%arg19 : memref<!tpu.dma_semaphore, #tpu.memory_space<semaphore_mem>>)
    %dma_wait3A_60 = arith.constant 0 : i32
    %dma_wait3A_61 = arith.constant 0 : i32
    %dma_wait3A_62 = tpu.memref_slice %arg4[%arg1, %dma_wait3A_60, %dma_wait3A_61] : memref<16x625x80xi32, #tpu.memory_space<hbm>> -> memref<1x25x80xi32, #tpu.memory_space<hbm>>
    %dma_wait3A_63 = tpu.memref_squeeze %dma_wait3A_62 : memref<1x25x80xi32, #tpu.memory_space<hbm>> -> memref<25x80xi32, #tpu.memory_space<hbm>>
    %dma_wait3A_64 = arith.constant 0 : i32
    %dma_wait3A_65 = arith.constant 0 : i32
    %dma_wait3A_66 = tpu.memref_slice %arg4[%arg1, %dma_wait3A_64, %dma_wait3A_65] : memref<16x625x80xi32, #tpu.memory_space<hbm>> -> memref<1x25x80xi32, #tpu.memory_space<hbm>>
    %dma_wait3A_67 = tpu.memref_squeeze %dma_wait3A_66 : memref<1x25x80xi32, #tpu.memory_space<hbm>> -> memref<25x80xi32, #tpu.memory_space<hbm>>
    tpu.wait_dma2 semaphore(%arg16 : memref<!tpu.dma_semaphore, #tpu.memory_space<semaphore_mem>>) src(%dma_wait3A_67 : memref<25x80xi32, #tpu.memory_space<hbm>>) dst(%arg9 : memref<25x80xi32, #tpu.memory_space<vmem>>)
    %scan3A_68 = arith.constant 0 : i32
    %scan3A_69 = arith.constant 0 : i32
    %scan3A_70 = arith.constant 25 : i32
    %scan3A_71 = arith.addi %scan3A_69, %scan3A_70 : i32
    %scan3A_72 = arith.constant 1 : i32
    scf.for %scan3A_160 = %scan3A_69 to %scan3A_71 step %scan3A_72  : i32 {
      %get3A = arith.index_cast %scan3A_160 : i32 to index
      %get3A_161 = arith.constant 0 : index
      %get3A_162 = tpu.vector_load %arg9[%get3A, %get3A_161] {strides = array<i32>} : memref<25x80xi32, #tpu.memory_space<vmem>>, vector<16xi32>,
      %sub3A = vector.broadcast %mul3A_0 : i32 to vector<16xi32>
      %sub3A_163 = arith.subi %get3A_162, %sub3A : vector<16xi32>
      %ge3A = arith.constant 0 : i32
      %ge3A_164 = vector.broadcast %ge3A : i32 to vector<16xi32>
      %ge3A_165 = arith.cmpi sge, %sub3A_163, %ge3A_164 : vector<16xi32>
      %lt3A = arith.constant 25000 : i32
      %lt3A_166 = vector.broadcast %lt3A : i32 to vector<16xi32>
      %lt3A_167 = arith.cmpi slt, %sub3A_163, %lt3A_166 : vector<16xi32>
      %and3A_168 = arith.andi %ge3A_165, %lt3A_167 : vector<16xi1>
      %jit3A = arith.constant 25000 : i32
      %broadcast_in_dim3A = vector.broadcast %jit3A : i32 to vector<16xi32>
      %select_n3A = arith.select %and3A_168, %sub3A_163, %broadcast_in_dim3A : vector<16xi1>, vector<16xi32>
      %swap3A = arith.index_cast %scan3A_160 : i32 to index
      %swap3A_169 = arith.constant 0 : index
      %swap3A_170 = tpu.vector_load %arg9[%swap3A, %swap3A_169] {strides = array<i32>} : memref<25x80xi32, #tpu.memory_space<vmem>>, vector<16xi32>,
      tpu.vector_store %arg9[%swap3A, %swap3A_169], %select_n3A {strides = array<i32>} : memref<25x80xi32, #tpu.memory_space<vmem>>, vector<16xi32>,
      %get3A_171 = arith.index_cast %scan3A_160 : i32 to index
      %get3A_172 = arith.constant 16 : index
      %get3A_173 = tpu.vector_load %arg9[%get3A_171, %get3A_172] {strides = array<i32>} : memref<25x80xi32, #tpu.memory_space<vmem>>, vector<16xi32>,
      %sub3A_174 = vector.broadcast %mul3A_0 : i32 to vector<16xi32>
      %sub3A_175 = arith.subi %get3A_173, %sub3A_174 : vector<16xi32>
      %ge3A_176 = arith.constant 0 : i32
      %ge3A_177 = vector.broadcast %ge3A_176 : i32 to vector<16xi32>
      %ge3A_178 = arith.cmpi sge, %sub3A_175, %ge3A_177 : vector<16xi32>
      %lt3A_179 = arith.constant 25000 : i32
      %lt3A_180 = vector.broadcast %lt3A_179 : i32 to vector<16xi32>
      %lt3A_181 = arith.cmpi slt, %sub3A_175, %lt3A_180 : vector<16xi32>
      %and3A_182 = arith.andi %ge3A_178, %lt3A_181 : vector<16xi1>
      %jit3A_183 = arith.constant 25000 : i32
      %broadcast_in_dim3A_184 = vector.broadcast %jit3A_183 : i32 to vector<16xi32>
      %select_n3A_185 = arith.select %and3A_182, %sub3A_175, %broadcast_in_dim3A_184 : vector<16xi1>, vector<16xi32>
      %swap3A_186 = arith.index_cast %scan3A_160 : i32 to index
      %swap3A_187 = arith.constant 16 : index
      %swap3A_188 = tpu.vector_load %arg9[%swap3A_186, %swap3A_187] {strides = array<i32>} : memref<25x80xi32, #tpu.memory_space<vmem>>, vector<16xi32>,
      tpu.vector_store %arg9[%swap3A_186, %swap3A_187], %select_n3A_185 {strides = array<i32>} : memref<25x80xi32, #tpu.memory_space<vmem>>, vector<16xi32>,
      %get3A_189 = arith.index_cast %scan3A_160 : i32 to index
      %get3A_190 = arith.constant 32 : index
      %get3A_191 = tpu.vector_load %arg9[%get3A_189, %get3A_190] {strides = array<i32>} : memref<25x80xi32, #tpu.memory_space<vmem>>, vector<16xi32>,
      %sub3A_192 = vector.broadcast %mul3A_0 : i32 to vector<16xi32>
      %sub3A_193 = arith.subi %get3A_191, %sub3A_192 : vector<16xi32>
      %ge3A_194 = arith.constant 0 : i32
      %ge3A_195 = vector.broadcast %ge3A_194 : i32 to vector<16xi32>
      %ge3A_196 = arith.cmpi sge, %sub3A_193, %ge3A_195 : vector<16xi32>
      %lt3A_197 = arith.constant 25000 : i32
      %lt3A_198 = vector.broadcast %lt3A_197 : i32 to vector<16xi32>
      %lt3A_199 = arith.cmpi slt, %sub3A_193, %lt3A_198 : vector<16xi32>
      %and3A_200 = arith.andi %ge3A_196, %lt3A_199 : vector<16xi1>
      %jit3A_201 = arith.constant 25000 : i32
      %broadcast_in_dim3A_202 = vector.broadcast %jit3A_201 : i32 to vector<16xi32>
      %select_n3A_203 = arith.select %and3A_200, %sub3A_193, %broadcast_in_dim3A_202 : vector<16xi1>, vector<16xi32>
      %swap3A_204 = arith.index_cast %scan3A_160 : i32 to index
      %swap3A_205 = arith.constant 32 : index
      %swap3A_206 = tpu.vector_load %arg9[%swap3A_204, %swap3A_205] {strides = array<i32>} : memref<25x80xi32, #tpu.memory_space<vmem>>, vector<16xi32>,
      tpu.vector_store %arg9[%swap3A_204, %swap3A_205], %select_n3A_203 {strides = array<i32>} : memref<25x80xi32, #tpu.memory_space<vmem>>, vector<16xi32>,
      %get3A_207 = arith.index_cast %scan3A_160 : i32 to index
      %get3A_208 = arith.constant 48 : index
      %get3A_209 = tpu.vector_load %arg9[%get3A_207, %get3A_208] {strides = array<i32>} : memref<25x80xi32, #tpu.memory_space<vmem>>, vector<16xi32>,
      %sub3A_210 = vector.broadcast %mul3A_0 : i32 to vector<16xi32>
      %sub3A_211 = arith.subi %get3A_209, %sub3A_210 : vector<16xi32>
      %ge3A_212 = arith.constant 0 : i32
      %ge3A_213 = vector.broadcast %ge3A_212 : i32 to vector<16xi32>
      %ge3A_214 = arith.cmpi sge, %sub3A_211, %ge3A_213 : vector<16xi32>
      %lt3A_215 = arith.constant 25000 : i32
      %lt3A_216 = vector.broadcast %lt3A_215 : i32 to vector<16xi32>
      %lt3A_217 = arith.cmpi slt, %sub3A_211, %lt3A_216 : vector<16xi32>
      %and3A_218 = arith.andi %ge3A_214, %lt3A_217 : vector<16xi1>
      %jit3A_219 = arith.constant 25000 : i32
      %broadcast_in_dim3A_220 = vector.broadcast %jit3A_219 : i32 to vector<16xi32>
      %select_n3A_221 = arith.select %and3A_218, %sub3A_211, %broadcast_in_dim3A_220 : vector<16xi1>, vector<16xi32>
      %swap3A_222 = arith.index_cast %scan3A_160 : i32 to index
      %swap3A_223 = arith.constant 48 : index
      %swap3A_224 = tpu.vector_load %arg9[%swap3A_222, %swap3A_223] {strides = array<i32>} : memref<25x80xi32, #tpu.memory_space<vmem>>, vector<16xi32>,
      tpu.vector_store %arg9[%swap3A_222, %swap3A_223], %select_n3A_221 {strides = array<i32>} : memref<25x80xi32, #tpu.memory_space<vmem>>, vector<16xi32>,
      %get3A_225 = arith.index_cast %scan3A_160 : i32 to index
      %get3A_226 = arith.constant 64 : index
      %get3A_227 = tpu.vector_load %arg9[%get3A_225, %get3A_226] {strides = array<i32>} : memref<25x80xi32, #tpu.memory_space<vmem>>, vector<16xi32>,
      %sub3A_228 = vector.broadcast %mul3A_0 : i32 to vector<16xi32>
      %sub3A_229 = arith.subi %get3A_227, %sub3A_228 : vector<16xi32>
      %ge3A_230 = arith.constant 0 : i32
      %ge3A_231 = vector.broadcast %ge3A_230 : i32 to vector<16xi32>
      %ge3A_232 = arith.cmpi sge, %sub3A_229, %ge3A_231 : vector<16xi32>
      %lt3A_233 = arith.constant 25000 : i32
      %lt3A_234 = vector.broadcast %lt3A_233 : i32 to vector<16xi32>
      %lt3A_235 = arith.cmpi slt, %sub3A_229, %lt3A_234 : vector<16xi32>
      %and3A_236 = arith.andi %ge3A_232, %lt3A_235 : vector<16xi1>
      %jit3A_237 = arith.constant 25000 : i32
      %broadcast_in_dim3A_238 = vector.broadcast %jit3A_237 : i32 to vector<16xi32>
      %select_n3A_239 = arith.select %and3A_236, %sub3A_229, %broadcast_in_dim3A_238 : vector<16xi1>, vector<16xi32>
      %swap3A_240 = arith.index_cast %scan3A_160 : i32 to index
      %swap3A_241 = arith.constant 64 : index
      %swap3A_242 = tpu.vector_load %arg9[%swap3A_240, %swap3A_241] {strides = array<i32>} : memref<25x80xi32, #tpu.memory_space<vmem>>, vector<16xi32>,
      tpu.vector_store %arg9[%swap3A_240, %swap3A_241], %select_n3A_239 {strides = array<i32>} : memref<25x80xi32, #tpu.memory_space<vmem>>, vector<16xi32>,
    }
    %scan3A_73 = arith.constant 25 : i32
    %scan3A_74 = arith.constant 0 : i32
    %scan3A_75 = arith.constant 0 : i32
    %scan3A_76 = arith.constant 11 : i32
    %scan3A_77 = arith.addi %scan3A_75, %scan3A_76 : i32
    %scan3A_78 = arith.constant 1 : i32
    scf.for %scan3A_160 = %scan3A_75 to %scan3A_77 step %scan3A_78  : i32 {
      %mul3A_161 = arith.constant 2 : i32
      %mul3A_162 = arith.muli %mul3A_161, %scan3A_160 : i32
      %dma_wait3A_163 = arith.constant 0 : i32
      %dma_wait3A_164 = arith.constant 0 : i32
      %dma_wait3A_165 = tpu.memref_slice %arg7[%dma_wait3A_163, %dma_wait3A_164] : memref<25x80xi32, #tpu.memory_space<vmem>> -> memref<1x80xi32, #tpu.memory_space<vmem>>
      %dma_wait3A_166 = tpu.memref_squeeze %dma_wait3A_165 : memref<1x80xi32, #tpu.memory_space<vmem>> -> memref<80xi32, #tpu.memory_space<vmem>>
      %dma_wait3A_167 = arith.constant 0 : i32
      %dma_wait3A_168 = arith.constant 0 : i32
      %dma_wait3A_169 = tpu.memref_slice %arg2[%dma_wait3A_167, %dma_wait3A_168] : memref<50176x64xf32, #tpu.memory_space<hbm>> -> memref<50176x64xf32, #tpu.memory_space<hbm>>
      tpu.wait_indirect_dma semaphore(%arg18 : memref<!tpu.dma_semaphore, #tpu.memory_space<semaphore_mem>>) src(%dma_wait3A_169 : memref<50176x64xf32, #tpu.memory_space<hbm>>) dst(%arg11 : memref<80x64xf32, #tpu.memory_space<vmem>>)
      %dma_start3A_170 = arith.constant 0 : i32
      %dma_start3A_171 = tpu.memref_slice %arg9[%mul3A_162, %dma_start3A_170] : memref<25x80xi32, #tpu.memory_space<vmem>> -> memref<1x80xi32, #tpu.memory_space<vmem>>
      %dma_start3A_172 = tpu.memref_squeeze %dma_start3A_171 : memref<1x80xi32, #tpu.memory_space<vmem>> -> memref<80xi32, #tpu.memory_space<vmem>>
      %dma_start3A_173 = arith.constant 0 : i32
      %dma_start3A_174 = arith.constant 0 : i32
      %dma_start3A_175 = tpu.memref_slice %arg13[%dma_start3A_173, %dma_start3A_174] : memref<25600x64xf32, #tpu.memory_space<vmem_shared>> -> memref<25600x64xf32, #tpu.memory_space<vmem_shared>>
      tpu.enqueue_indirect_dma source(%arg11 : memref<80x64xf32, #tpu.memory_space<vmem>>) target(%dma_start3A_175 : memref<25600x64xf32, #tpu.memory_space<vmem_shared>>) offsets(%dma_start3A_172 : memref<80xi32, #tpu.memory_space<vmem>>) semaphore(%arg20 : memref<!tpu.dma_semaphore, #tpu.memory_space<semaphore_mem>>) {add = true}
      %dma_wait3A_176 = arith.constant 0 : i32
      %dma_wait3A_177 = arith.constant 0 : i32
      %dma_wait3A_178 = tpu.memref_slice %arg7[%dma_wait3A_176, %dma_wait3A_177] : memref<25x80xi32, #tpu.memory_space<vmem>> -> memref<1x80xi32, #tpu.memory_space<vmem>>
      %dma_wait3A_179 = tpu.memref_squeeze %dma_wait3A_178 : memref<1x80xi32, #tpu.memory_space<vmem>> -> memref<80xi32, #tpu.memory_space<vmem>>
      %dma_wait3A_180 = arith.constant 0 : i32
      %dma_wait3A_181 = arith.constant 0 : i32
      %dma_wait3A_182 = tpu.memref_slice %arg2[%dma_wait3A_180, %dma_wait3A_181] : memref<50176x64xf32, #tpu.memory_space<hbm>> -> memref<50176x64xf32, #tpu.memory_space<hbm>>
      tpu.wait_indirect_dma semaphore(%arg19 : memref<!tpu.dma_semaphore, #tpu.memory_space<semaphore_mem>>) src(%dma_wait3A_182 : memref<50176x64xf32, #tpu.memory_space<hbm>>) dst(%arg12 : memref<80x64xf32, #tpu.memory_space<vmem>>)
      %add3A_183 = arith.constant 1 : i32
      %add3A_184 = arith.addi %mul3A_162, %add3A_183 : i32
      %dma_start3A_185 = arith.constant 0 : i32
      %dma_start3A_186 = tpu.memref_slice %arg9[%add3A_184, %dma_start3A_185] : memref<25x80xi32, #tpu.memory_space<vmem>> -> memref<1x80xi32, #tpu.memory_space<vmem>>
      %dma_start3A_187 = tpu.memref_squeeze %dma_start3A_186 : memref<1x80xi32, #tpu.memory_space<vmem>> -> memref<80xi32, #tpu.memory_space<vmem>>
      %dma_start3A_188 = arith.constant 0 : i32
      %dma_start3A_189 = arith.constant 0 : i32
      %dma_start3A_190 = tpu.memref_slice %arg13[%dma_start3A_188, %dma_start3A_189] : memref<25600x64xf32, #tpu.memory_space<vmem_shared>> -> memref<25600x64xf32, #tpu.memory_space<vmem_shared>>
      tpu.enqueue_indirect_dma source(%arg12 : memref<80x64xf32, #tpu.memory_space<vmem>>) target(%dma_start3A_190 : memref<25600x64xf32, #tpu.memory_space<vmem_shared>>) offsets(%dma_start3A_187 : memref<80xi32, #tpu.memory_space<vmem>>) semaphore(%arg21 : memref<!tpu.dma_semaphore, #tpu.memory_space<semaphore_mem>>) {add = true}
      %dma_wait3A_191 = arith.constant 0 : i32
      %dma_wait3A_192 = arith.constant 0 : i32
      %dma_wait3A_193 = tpu.memref_slice %arg9[%dma_wait3A_191, %dma_wait3A_192] : memref<25x80xi32, #tpu.memory_space<vmem>> -> memref<1x80xi32, #tpu.memory_space<vmem>>
      %dma_wait3A_194 = tpu.memref_squeeze %dma_wait3A_193 : memref<1x80xi32, #tpu.memory_space<vmem>> -> memref<80xi32, #tpu.memory_space<vmem>>
      %dma_wait3A_195 = arith.constant 0 : i32
      %dma_wait3A_196 = arith.constant 0 : i32
      %dma_wait3A_197 = tpu.memref_slice %arg13[%dma_wait3A_195, %dma_wait3A_196] : memref<25600x64xf32, #tpu.memory_space<vmem_shared>> -> memref<25600x64xf32, #tpu.memory_space<vmem_shared>>
      tpu.wait_indirect_dma semaphore(%arg20 : memref<!tpu.dma_semaphore, #tpu.memory_space<semaphore_mem>>) src(%arg11 : memref<80x64xf32, #tpu.memory_space<vmem>>) dst(%dma_wait3A_197 : memref<25600x64xf32, #tpu.memory_space<vmem_shared>>)
      %add3A_198 = arith.constant 2 : i32
      %add3A_199 = arith.addi %mul3A_162, %add3A_198 : i32
      %dma_start3A_200 = arith.constant 0 : i32
      %dma_start3A_201 = tpu.memref_slice %arg7[%add3A_199, %dma_start3A_200] : memref<25x80xi32, #tpu.memory_space<vmem>> -> memref<1x80xi32, #tpu.memory_space<vmem>>
      %dma_start3A_202 = tpu.memref_squeeze %dma_start3A_201 : memref<1x80xi32, #tpu.memory_space<vmem>> -> memref<80xi32, #tpu.memory_space<vmem>>
      %dma_start3A_203 = arith.constant 0 : i32
      %dma_start3A_204 = arith.constant 0 : i32
      %dma_start3A_205 = tpu.memref_slice %arg2[%dma_start3A_203, %dma_start3A_204] : memref<50176x64xf32, #tpu.memory_space<hbm>> -> memref<50176x64xf32, #tpu.memory_space<hbm>>
      tpu.enqueue_indirect_dma source(%dma_start3A_205 : memref<50176x64xf32, #tpu.memory_space<hbm>>) target(%arg11 : memref<80x64xf32, #tpu.memory_space<vmem>>) offsets(%dma_start3A_202 : memref<80xi32, #tpu.memory_space<vmem>>) semaphore(%arg18 : memref<!tpu.dma_semaphore, #tpu.memory_space<semaphore_mem>>)
      %dma_wait3A_206 = arith.constant 0 : i32
      %dma_wait3A_207 = arith.constant 0 : i32
      %dma_wait3A_208 = tpu.memref_slice %arg9[%dma_wait3A_206, %dma_wait3A_207] : memref<25x80xi32, #tpu.memory_space<vmem>> -> memref<1x80xi32, #tpu.memory_space<vmem>>
      %dma_wait3A_209 = tpu.memref_squeeze %dma_wait3A_208 : memref<1x80xi32, #tpu.memory_space<vmem>> -> memref<80xi32, #tpu.memory_space<vmem>>
      %dma_wait3A_210 = arith.constant 0 : i32
      %dma_wait3A_211 = arith.constant 0 : i32
      %dma_wait3A_212 = tpu.memref_slice %arg13[%dma_wait3A_210, %dma_wait3A_211] : memref<25600x64xf32, #tpu.memory_space<vmem_shared>> -> memref<25600x64xf32, #tpu.memory_space<vmem_shared>>
      tpu.wait_indirect_dma semaphore(%arg21 : memref<!tpu.dma_semaphore, #tpu.memory_space<semaphore_mem>>) src(%arg12 : memref<80x64xf32, #tpu.memory_space<vmem>>) dst(%dma_wait3A_212 : memref<25600x64xf32, #tpu.memory_space<vmem_shared>>)
      %add3A_213 = arith.constant 3 : i32
      %add3A_214 = arith.addi %mul3A_162, %add3A_213 : i32
      %dma_start3A_215 = arith.constant 0 : i32
      %dma_start3A_216 = tpu.memref_slice %arg7[%add3A_214, %dma_start3A_215] : memref<25x80xi32, #tpu.memory_space<vmem>> -> memref<1x80xi32, #tpu.memory_space<vmem>>
      %dma_start3A_217 = tpu.memref_squeeze %dma_start3A_216 : memref<1x80xi32, #tpu.memory_space<vmem>> -> memref<80xi32, #tpu.memory_space<vmem>>
      %dma_start3A_218 = arith.constant 0 : i32
      %dma_start3A_219 = arith.constant 0 : i32
      %dma_start3A_220 = tpu.memref_slice %arg2[%dma_start3A_218, %dma_start3A_219] : memref<50176x64xf32, #tpu.memory_space<hbm>> -> memref<50176x64xf32, #tpu.memory_space<hbm>>
      tpu.enqueue_indirect_dma source(%dma_start3A_220 : memref<50176x64xf32, #tpu.memory_space<hbm>>) target(%arg12 : memref<80x64xf32, #tpu.memory_space<vmem>>) offsets(%dma_start3A_217 : memref<80xi32, #tpu.memory_space<vmem>>) semaphore(%arg19 : memref<!tpu.dma_semaphore, #tpu.memory_space<semaphore_mem>>)
    }
    %scan3A_79 = arith.constant 11 : i32
    %dma_wait3A_80 = arith.constant 0 : i32
    %dma_wait3A_81 = arith.constant 0 : i32
    %dma_wait3A_82 = tpu.memref_slice %arg7[%dma_wait3A_80, %dma_wait3A_81] : memref<25x80xi32, #tpu.memory_space<vmem>> -> memref<1x80xi32, #tpu.memory_space<vmem>>
    %dma_wait3A_83 = tpu.memref_squeeze %dma_wait3A_82 : memref<1x80xi32, #tpu.memory_space<vmem>> -> memref<80xi32, #tpu.memory_space<vmem>>
    %dma_wait3A_84 = arith.constant 0 : i32
    %dma_wait3A_85 = arith.constant 0 : i32
    %dma_wait3A_86 = tpu.memref_slice %arg2[%dma_wait3A_84, %dma_wait3A_85] : memref<50176x64xf32, #tpu.memory_space<hbm>> -> memref<50176x64xf32, #tpu.memory_space<hbm>>
    tpu.wait_indirect_dma semaphore(%arg18 : memref<!tpu.dma_semaphore, #tpu.memory_space<semaphore_mem>>) src(%dma_wait3A_86 : memref<50176x64xf32, #tpu.memory_space<hbm>>) dst(%arg11 : memref<80x64xf32, #tpu.memory_space<vmem>>)
    %dma_start3A_87 = arith.constant 22 : i32
    %dma_start3A_88 = arith.constant 0 : i32
    %dma_start3A_89 = tpu.memref_slice %arg9[%dma_start3A_87, %dma_start3A_88] : memref<25x80xi32, #tpu.memory_space<vmem>> -> memref<1x80xi32, #tpu.memory_space<vmem>>
    %dma_start3A_90 = tpu.memref_squeeze %dma_start3A_89 : memref<1x80xi32, #tpu.memory_space<vmem>> -> memref<80xi32, #tpu.memory_space<vmem>>
    %dma_start3A_91 = arith.constant 0 : i32
    %dma_start3A_92 = arith.constant 0 : i32
    %dma_start3A_93 = tpu.memref_slice %arg13[%dma_start3A_91, %dma_start3A_92] : memref<25600x64xf32, #tpu.memory_space<vmem_shared>> -> memref<25600x64xf32, #tpu.memory_space<vmem_shared>>
    tpu.enqueue_indirect_dma source(%arg11 : memref<80x64xf32, #tpu.memory_space<vmem>>) target(%dma_start3A_93 : memref<25600x64xf32, #tpu.memory_space<vmem_shared>>) offsets(%dma_start3A_90 : memref<80xi32, #tpu.memory_space<vmem>>) semaphore(%arg20 : memref<!tpu.dma_semaphore, #tpu.memory_space<semaphore_mem>>) {add = true}
    %dma_wait3A_94 = arith.constant 0 : i32
    %dma_wait3A_95 = arith.constant 0 : i32
    %dma_wait3A_96 = tpu.memref_slice %arg7[%dma_wait3A_94, %dma_wait3A_95] : memref<25x80xi32, #tpu.memory_space<vmem>> -> memref<1x80xi32, #tpu.memory_space<vmem>>
    %dma_wait3A_97 = tpu.memref_squeeze %dma_wait3A_96 : memref<1x80xi32, #tpu.memory_space<vmem>> -> memref<80xi32, #tpu.memory_space<vmem>>
    %dma_wait3A_98 = arith.constant 0 : i32
    %dma_wait3A_99 = arith.constant 0 : i32
    %dma_wait3A_100 = tpu.memref_slice %arg2[%dma_wait3A_98, %dma_wait3A_99] : memref<50176x64xf32, #tpu.memory_space<hbm>> -> memref<50176x64xf32, #tpu.memory_space<hbm>>
    tpu.wait_indirect_dma semaphore(%arg19 : memref<!tpu.dma_semaphore, #tpu.memory_space<semaphore_mem>>) src(%dma_wait3A_100 : memref<50176x64xf32, #tpu.memory_space<hbm>>) dst(%arg12 : memref<80x64xf32, #tpu.memory_space<vmem>>)
    %dma_start3A_101 = arith.constant 23 : i32
    %dma_start3A_102 = arith.constant 0 : i32
    %dma_start3A_103 = tpu.memref_slice %arg9[%dma_start3A_101, %dma_start3A_102] : memref<25x80xi32, #tpu.memory_space<vmem>> -> memref<1x80xi32, #tpu.memory_space<vmem>>
    %dma_start3A_104 = tpu.memref_squeeze %dma_start3A_103 : memref<1x80xi32, #tpu.memory_space<vmem>> -> memref<80xi32, #tpu.memory_space<vmem>>
    %dma_start3A_105 = arith.constant 0 : i32
    %dma_start3A_106 = arith.constant 0 : i32
    %dma_start3A_107 = tpu.memref_slice %arg13[%dma_start3A_105, %dma_start3A_106] : memref<25600x64xf32, #tpu.memory_space<vmem_shared>> -> memref<25600x64xf32, #tpu.memory_space<vmem_shared>>
    tpu.enqueue_indirect_dma source(%arg12 : memref<80x64xf32, #tpu.memory_space<vmem>>) target(%dma_start3A_107 : memref<25600x64xf32, #tpu.memory_space<vmem_shared>>) offsets(%dma_start3A_104 : memref<80xi32, #tpu.memory_space<vmem>>) semaphore(%arg21 : memref<!tpu.dma_semaphore, #tpu.memory_space<semaphore_mem>>) {add = true}
    %dma_wait3A_108 = arith.constant 0 : i32
    %dma_wait3A_109 = arith.constant 0 : i32
    %dma_wait3A_110 = tpu.memref_slice %arg9[%dma_wait3A_108, %dma_wait3A_109] : memref<25x80xi32, #tpu.memory_space<vmem>> -> memref<1x80xi32, #tpu.memory_space<vmem>>
    %dma_wait3A_111 = tpu.memref_squeeze %dma_wait3A_110 : memref<1x80xi32, #tpu.memory_space<vmem>> -> memref<80xi32, #tpu.memory_space<vmem>>
    %dma_wait3A_112 = arith.constant 0 : i32
    %dma_wait3A_113 = arith.constant 0 : i32
    %dma_wait3A_114 = tpu.memref_slice %arg13[%dma_wait3A_112, %dma_wait3A_113] : memref<25600x64xf32, #tpu.memory_space<vmem_shared>> -> memref<25600x64xf32, #tpu.memory_space<vmem_shared>>
    tpu.wait_indirect_dma semaphore(%arg20 : memref<!tpu.dma_semaphore, #tpu.memory_space<semaphore_mem>>) src(%arg11 : memref<80x64xf32, #tpu.memory_space<vmem>>) dst(%dma_wait3A_114 : memref<25600x64xf32, #tpu.memory_space<vmem_shared>>)
    %dma_start3A_115 = arith.constant 24 : i32
    %dma_start3A_116 = arith.constant 0 : i32
    %dma_start3A_117 = tpu.memref_slice %arg7[%dma_start3A_115, %dma_start3A_116] : memref<25x80xi32, #tpu.memory_space<vmem>> -> memref<1x80xi32, #tpu.memory_space<vmem>>
    %dma_start3A_118 = tpu.memref_squeeze %dma_start3A_117 : memref<1x80xi32, #tpu.memory_space<vmem>> -> memref<80xi32, #tpu.memory_space<vmem>>
    %dma_start3A_119 = arith.constant 0 : i32
    %dma_start3A_120 = arith.constant 0 : i32
    %dma_start3A_121 = tpu.memref_slice %arg2[%dma_start3A_119, %dma_start3A_120] : memref<50176x64xf32, #tpu.memory_space<hbm>> -> memref<50176x64xf32, #tpu.memory_space<hbm>>
    tpu.enqueue_indirect_dma source(%dma_start3A_121 : memref<50176x64xf32, #tpu.memory_space<hbm>>) target(%arg11 : memref<80x64xf32, #tpu.memory_space<vmem>>) offsets(%dma_start3A_118 : memref<80xi32, #tpu.memory_space<vmem>>) semaphore(%arg18 : memref<!tpu.dma_semaphore, #tpu.memory_space<semaphore_mem>>)
    %dma_wait3A_122 = arith.constant 0 : i32
    %dma_wait3A_123 = arith.constant 0 : i32
    %dma_wait3A_124 = tpu.memref_slice %arg7[%dma_wait3A_122, %dma_wait3A_123] : memref<25x80xi32, #tpu.memory_space<vmem>> -> memref<1x80xi32, #tpu.memory_space<vmem>>
    %dma_wait3A_125 = tpu.memref_squeeze %dma_wait3A_124 : memref<1x80xi32, #tpu.memory_space<vmem>> -> memref<80xi32, #tpu.memory_space<vmem>>
    %dma_wait3A_126 = arith.constant 0 : i32
    %dma_wait3A_127 = arith.constant 0 : i32
    %dma_wait3A_128 = tpu.memref_slice %arg2[%dma_wait3A_126, %dma_wait3A_127] : memref<50176x64xf32, #tpu.memory_space<hbm>> -> memref<50176x64xf32, #tpu.memory_space<hbm>>
    tpu.wait_indirect_dma semaphore(%arg18 : memref<!tpu.dma_semaphore, #tpu.memory_space<semaphore_mem>>) src(%dma_wait3A_128 : memref<50176x64xf32, #tpu.memory_space<hbm>>) dst(%arg11 : memref<80x64xf32, #tpu.memory_space<vmem>>)
    %dma_start3A_129 = arith.constant 24 : i32
    %dma_start3A_130 = arith.constant 0 : i32
    %dma_start3A_131 = tpu.memref_slice %arg9[%dma_start3A_129, %dma_start3A_130] : memref<25x80xi32, #tpu.memory_space<vmem>> -> memref<1x80xi32, #tpu.memory_space<vmem>>
    %dma_start3A_132 = tpu.memref_squeeze %dma_start3A_131 : memref<1x80xi32, #tpu.memory_space<vmem>> -> memref<80xi32, #tpu.memory_space<vmem>>
    %dma_start3A_133 = arith.constant 0 : i32
    %dma_start3A_134 = arith.constant 0 : i32
    %dma_start3A_135 = tpu.memref_slice %arg13[%dma_start3A_133, %dma_start3A_134] : memref<25600x64xf32, #tpu.memory_space<vmem_shared>> -> memref<25600x64xf32, #tpu.memory_space<vmem_shared>>
    tpu.enqueue_indirect_dma source(%arg11 : memref<80x64xf32, #tpu.memory_space<vmem>>) target(%dma_start3A_135 : memref<25600x64xf32, #tpu.memory_space<vmem_shared>>) offsets(%dma_start3A_132 : memref<80xi32, #tpu.memory_space<vmem>>) semaphore(%arg20 : memref<!tpu.dma_semaphore, #tpu.memory_space<semaphore_mem>>) {add = true}
    %dma_wait3A_136 = arith.constant 0 : i32
    %dma_wait3A_137 = arith.constant 0 : i32
    %dma_wait3A_138 = tpu.memref_slice %arg9[%dma_wait3A_136, %dma_wait3A_137] : memref<25x80xi32, #tpu.memory_space<vmem>> -> memref<1x80xi32, #tpu.memory_space<vmem>>
    %dma_wait3A_139 = tpu.memref_squeeze %dma_wait3A_138 : memref<1x80xi32, #tpu.memory_space<vmem>> -> memref<80xi32, #tpu.memory_space<vmem>>
    %dma_wait3A_140 = arith.constant 0 : i32
    %dma_wait3A_141 = arith.constant 0 : i32
    %dma_wait3A_142 = tpu.memref_slice %arg13[%dma_wait3A_140, %dma_wait3A_141] : memref<25600x64xf32, #tpu.memory_space<vmem_shared>> -> memref<25600x64xf32, #tpu.memory_space<vmem_shared>>
    tpu.wait_indirect_dma semaphore(%arg21 : memref<!tpu.dma_semaphore, #tpu.memory_space<semaphore_mem>>) src(%arg12 : memref<80x64xf32, #tpu.memory_space<vmem>>) dst(%dma_wait3A_142 : memref<25600x64xf32, #tpu.memory_space<vmem_shared>>)
    %dma_wait3A_143 = arith.constant 0 : i32
    %dma_wait3A_144 = arith.constant 0 : i32
    %dma_wait3A_145 = tpu.memref_slice %arg9[%dma_wait3A_143, %dma_wait3A_144] : memref<25x80xi32, #tpu.memory_space<vmem>> -> memref<1x80xi32, #tpu.memory_space<vmem>>
    %dma_wait3A_146 = tpu.memref_squeeze %dma_wait3A_145 : memref<1x80xi32, #tpu.memory_space<vmem>> -> memref<80xi32, #tpu.memory_space<vmem>>
    %dma_wait3A_147 = arith.constant 0 : i32
    %dma_wait3A_148 = arith.constant 0 : i32
    %dma_wait3A_149 = tpu.memref_slice %arg13[%dma_wait3A_147, %dma_wait3A_148] : memref<25600x64xf32, #tpu.memory_space<vmem_shared>> -> memref<25600x64xf32, #tpu.memory_space<vmem_shared>>
    tpu.wait_indirect_dma semaphore(%arg20 : memref<!tpu.dma_semaphore, #tpu.memory_space<semaphore_mem>>) src(%arg11 : memref<80x64xf32, #tpu.memory_space<vmem>>) dst(%dma_wait3A_149 : memref<25600x64xf32, #tpu.memory_space<vmem_shared>>)
    %barrier3A_150 = arith.constant 0 : index
    tpu.barrier barrier_id(%barrier3A_150)
    %mul3A_151 = arith.constant 1600 : i32
    %mul3A_152 = arith.muli %arg1, %mul3A_151 : i32
    %min3A = arith.constant 23400 : i32
    %min3A_153 = arith.minsi %mul3A_152, %min3A : i32
    %mul3A_154 = arith.constant 25000 : i32
    %mul3A_155 = arith.muli %arg0, %mul3A_154 : i32
    %add3A = arith.addi %mul3A_155, %min3A_153 : i32
    "tpu.region"() ({
      %run_scoped3A = tpu.sem_alloc : memref<!tpu.dma_semaphore, #tpu.memory_space<semaphore_mem>>
      %dma_start3A_160 = arith.constant 0 : i32
      %dma_start3A_161 = tpu.memref_slice %arg6[%add3A, %dma_start3A_160] : memref<50176x64xf32, #tpu.memory_space<hbm>> -> memref<1600x64xf32, #tpu.memory_space<hbm>>
      %dma_start3A_162 = arith.constant 0 : i32
      %dma_start3A_163 = tpu.memref_slice %arg13[%min3A_153, %dma_start3A_162] : memref<25600x64xf32, #tpu.memory_space<vmem_shared>> -> memref<1600x64xf32, #tpu.memory_space<vmem_shared>>
      tpu.enqueue_dma source(%dma_start3A_163 : memref<1600x64xf32, #tpu.memory_space<vmem_shared>>) target(%dma_start3A_161 : memref<1600x64xf32, #tpu.memory_space<hbm>>) target_semaphore(%run_scoped3A : memref<!tpu.dma_semaphore, #tpu.memory_space<semaphore_mem>>)
      %dma_wait3A_164 = arith.constant 0 : i32
      %dma_wait3A_165 = tpu.memref_slice %arg6[%add3A, %dma_wait3A_164] : memref<50176x64xf32, #tpu.memory_space<hbm>> -> memref<1600x64xf32, #tpu.memory_space<hbm>>
      %dma_wait3A_166 = arith.constant 0 : i32
      %dma_wait3A_167 = tpu.memref_slice %arg13[%min3A_153, %dma_wait3A_166] : memref<25600x64xf32, #tpu.memory_space<vmem_shared>> -> memref<1600x64xf32, #tpu.memory_space<vmem_shared>>
      tpu.wait_dma2 semaphore(%run_scoped3A : memref<!tpu.dma_semaphore, #tpu.memory_space<semaphore_mem>>) src(%dma_wait3A_167 : memref<1600x64xf32, #tpu.memory_space<vmem_shared>>) dst(%dma_wait3A_165 : memref<1600x64xf32, #tpu.memory_space<hbm>>)
      tpu.yield
    }) : () -> ()
    %eq3A = arith.constant 1 : i32
    %eq3A_156 = arith.cmpi eq, %arg0, %eq3A : i32
    %eq3A_157 = arith.constant 15 : i32
    %eq3A_158 = arith.cmpi eq, %arg1, %eq3A_157 : i32
    %and3A = arith.andi %eq3A_156, %eq3A_158 : i1
    %convert_element_type3A = arith.extui %and3A : i1 to i32
    %cond3A = arith.constant 0 : i32
    %cond3A_159 = arith.cmpi ne, %convert_element_type3A, %cond3A : i32
    scf.if %cond3A_159 {
      "tpu.region"() ({
        %run_scoped3A = tpu.sem_alloc : memref<!tpu.dma_semaphore, #tpu.memory_space<semaphore_mem>>
        %dma_start3A_160 = arith.constant 50000 : i32
        %dma_start3A_161 = arith.constant 0 : i32
        %dma_start3A_162 = tpu.memref_slice %arg6[%dma_start3A_160, %dma_start3A_161] : memref<50176x64xf32, #tpu.memory_space<hbm>> -> memref<176x64xf32, #tpu.memory_space<hbm>>
        %dma_start3A_163 = arith.constant 25000 : i32
        %dma_start3A_164 = arith.constant 0 : i32
        %dma_start3A_165 = tpu.memref_slice %arg13[%dma_start3A_163, %dma_start3A_164] : memref<25600x64xf32, #tpu.memory_space<vmem_shared>> -> memref<176x64xf32, #tpu.memory_space<vmem_shared>>
        tpu.enqueue_dma source(%dma_start3A_165 : memref<176x64xf32, #tpu.memory_space<vmem_shared>>) target(%dma_start3A_162 : memref<176x64xf32, #tpu.memory_space<hbm>>) target_semaphore(%run_scoped3A : memref<!tpu.dma_semaphore, #tpu.memory_space<semaphore_mem>>)
        %dma_wait3A_166 = arith.constant 50000 : i32
        %dma_wait3A_167 = arith.constant 0 : i32
        %dma_wait3A_168 = tpu.memref_slice %arg6[%dma_wait3A_166, %dma_wait3A_167] : memref<50176x64xf32, #tpu.memory_space<hbm>> -> memref<176x64xf32, #tpu.memory_space<hbm>>
        %dma_wait3A_169 = arith.constant 25000 : i32
        %dma_wait3A_170 = arith.constant 0 : i32
        %dma_wait3A_171 = tpu.memref_slice %arg13[%dma_wait3A_169, %dma_wait3A_170] : memref<25600x64xf32, #tpu.memory_space<vmem_shared>> -> memref<176x64xf32, #tpu.memory_space<vmem_shared>>
        tpu.wait_dma2 semaphore(%run_scoped3A : memref<!tpu.dma_semaphore, #tpu.memory_space<semaphore_mem>>) src(%dma_wait3A_171 : memref<176x64xf32, #tpu.memory_space<vmem_shared>>) dst(%dma_wait3A_168 : memref<176x64xf32, #tpu.memory_space<hbm>>)
        tpu.yield
      }) : () -> ()
    } else {
    }
    return
  }
}

module attributes {stable_mosaic.version = 14 : i64} {
  func.func @_layer1_body(%arg0: i32, %arg1: memref<256x64xf32, #tpu.memory_space<vmem>>, %arg2: memref<1x1x256xi32, #tpu.memory_space<vmem>>, %arg3: memref<64x64xf32, #tpu.memory_space<vmem>>, %arg4: memref<64x64xf32, #tpu.memory_space<vmem>>, %arg5: memref<64x64xf32, #tpu.memory_space<vmem>>, %arg6: memref<1x64xf32, #tpu.memory_space<vmem>>, %arg7: memref<256x64xf32, #tpu.memory_space<vmem>>) attributes {dimension_semantics = [#tpu.dimension_semantics<arbitrary>], iteration_bounds = array<i64: 196>, scalar_prefetch = 0 : i64, scratch_operands = 0 : i64, tpu.core_type = #tpu.core_type<tc>, window_params = [{transform_indices = @transform_0, window_bounds = array<i64: 256, 64>}, {transform_indices = @transform_1, window_bounds = array<i64: 1, 1, 256>}, {pipeline_mode = #tpu.pipeline_mode<synchronous>, transform_indices = @transform_2, window_bounds = array<i64: 64, 64>}, {pipeline_mode = #tpu.pipeline_mode<synchronous>, transform_indices = @transform_3, window_bounds = array<i64: 64, 64>}, {pipeline_mode = #tpu.pipeline_mode<synchronous>, transform_indices = @transform_4, window_bounds = array<i64: 64, 64>}, {pipeline_mode = #tpu.pipeline_mode<synchronous>, transform_indices = @transform_5, window_bounds = array<i64: 1, 64>}, {transform_indices = @transform_6, window_bounds = array<i64: 256, 64>}]} {
    %get3A = arith.constant 0 : index
    %get3A_0 = arith.constant 0 : index
    %get3A_1 = vector.load %arg1[%get3A, %get3A_0] : memref<256x64xf32, #tpu.memory_space<vmem>>, vector<256x64xf32>
    %reduce_sum3A = arith.constant dense<0.000000e+00> : vector<256xf32>
    %reduce_sum3A_2 = vector.multi_reduction <add>, %get3A_1, %reduce_sum3A [1] : vector<256x64xf32> to vector<256xf32>
    %broadcast_in_dim3A = vector.shape_cast %reduce_sum3A_2 : vector<256xf32> to vector<256x1xf32>
    %max3A = arith.constant 1.000000e+00 : f32
    %max3A_3 = vector.broadcast %max3A : f32 to vector<256x1xf32>
    %max3A_4 = arith.maximumf %broadcast_in_dim3A, %max3A_3 : vector<256x1xf32>
    %div3A = vector.broadcast %max3A_4 : vector<256x1xf32> to vector<256x64xf32>
    %div3A_5 = arith.divf %get3A_1, %div3A : vector<256x64xf32>
    %get3A_6 = arith.constant 0 : index
    %get3A_7 = arith.constant 0 : index
    %get3A_8 = vector.load %arg3[%get3A_6, %get3A_7] : memref<64x64xf32, #tpu.memory_space<vmem>>, vector<64x64xf32>
    %get3A_9 = arith.constant 0 : index
    %get3A_10 = arith.constant 0 : index
    %get3A_11 = vector.load %arg4[%get3A_9, %get3A_10] : memref<64x64xf32, #tpu.memory_space<vmem>>, vector<64x64xf32>
    %dot_general3A = arith.constant dense<0.000000e+00> : vector<64x64xf32>
    %dot_general3A_12 = tpu.matmul %get3A_8, %get3A_11, %dot_general3A {dimension_numbers = #tpu.dot_dimension_numbers<[1], [1], [0], [0], [0, 0, 1, 0], [], []>, transpose_lhs_hint = false} : vector<64x64xf32>, vector<64x64xf32>, vector<64x64xf32> -> vector<64x64xf32>
    %get3A_13 = arith.constant 0 : index
    %get3A_14 = arith.constant 0 : index
    %get3A_15 = vector.load %arg5[%get3A_13, %get3A_14] : memref<64x64xf32, #tpu.memory_space<vmem>>, vector<64x64xf32>
    %dot_general3A_16 = arith.constant dense<0.000000e+00> : vector<64x64xf32>
    %dot_general3A_17 = tpu.matmul %get3A_8, %get3A_15, %dot_general3A_16 {dimension_numbers = #tpu.dot_dimension_numbers<[1], [1], [0], [0], [0, 0, 1, 0], [], []>, transpose_lhs_hint = false} : vector<64x64xf32>, vector<64x64xf32>, vector<64x64xf32> -> vector<64x64xf32>
    %get3A_18 = arith.constant 0 : index
    %get3A_19 = arith.constant 0 : index
    %get3A_20 = arith.constant 0 : index
    %get3A_21 = vector.load %arg2[%get3A_18, %get3A_19, %get3A_20] : memref<1x1x256xi32, #tpu.memory_space<vmem>>, vector<1x1x256xi32>
    %reshape3A = vector.shape_cast %get3A_21 : vector<1x1x256xi32> to vector<256xi32>
    %broadcast_in_dim3A_22 = vector.shape_cast %reshape3A : vector<256xi32> to vector<256x1xi32>
    %iota3A = tpu.iota {dimensions = array<i32: 1>} : vector<256x64xi32>
    %eq3A = vector.broadcast %broadcast_in_dim3A_22 : vector<256x1xi32> to vector<256x64xi32>
    %eq3A_23 = arith.cmpi eq, %eq3A, %iota3A : vector<256x64xi32>
    %convert_element_type3A = arith.extui %eq3A_23 : vector<256x64xi1> to vector<256x64xi32>
    %convert_element_type3A_24 = arith.sitofp %convert_element_type3A : vector<256x64xi32> to vector<256x64xf32>
    %dot_general3A_25 = arith.constant dense<0.000000e+00> : vector<256x64xf32>
    %dot_general3A_26 = tpu.matmul %div3A_5, %dot_general3A_12, %dot_general3A_25 {dimension_numbers = #tpu.dot_dimension_numbers<[1], [0], [0], [1], [0, 0, 1, 1], [], []>, transpose_lhs_hint = false} : vector<256x64xf32>, vector<64x64xf32>, vector<256x64xf32> -> vector<256x64xf32>
    %dot_general3A_27 = arith.constant dense<0.000000e+00> : vector<256x64xf32>
    %dot_general3A_28 = tpu.matmul %convert_element_type3A_24, %dot_general3A_17, %dot_general3A_27 {dimension_numbers = #tpu.dot_dimension_numbers<[1], [0], [0], [1], [0, 0, 1, 1], [], []>, transpose_lhs_hint = false} : vector<256x64xf32>, vector<64x64xf32>, vector<256x64xf32> -> vector<256x64xf32>
    %add3A = arith.addf %dot_general3A_26, %dot_general3A_28 : vector<256x64xf32>
    %get3A_29 = arith.constant 0 : index
    %get3A_30 = arith.constant 0 : index
    %get3A_31 = vector.load %arg6[%get3A_29, %get3A_30] : memref<1x64xf32, #tpu.memory_space<vmem>>, vector<1x64xf32>
    %add3A_32 = vector.broadcast %get3A_31 : vector<1x64xf32> to vector<256x64xf32>
    %add3A_33 = arith.addf %add3A, %add3A_32 : vector<256x64xf32>
    %max3A_34 = arith.constant 0.000000e+00 : f32
    %max3A_35 = vector.broadcast %max3A_34 : f32 to vector<256x64xf32>
    %max3A_36 = arith.maximumf %add3A_33, %max3A_35 : vector<256x64xf32>
    %swap3A = arith.constant 0 : index
    %swap3A_37 = arith.constant 0 : index
    %swap3A_38 = vector.load %arg7[%swap3A, %swap3A_37] : memref<256x64xf32, #tpu.memory_space<vmem>>, vector<256x64xf32>
    tpu.vector_store %arg7[%swap3A, %swap3A_37], %max3A_36 {strides = array<i32>} : memref<256x64xf32, #tpu.memory_space<vmem>>, vector<256x64xf32>,
    return
  }
  func.func @transform_0(%arg0: i32) -> (i32, i32) {
    %c0_i32 = arith.constant 0 : i32
    %c0_i32_0 = arith.constant 0 : i32
    return %arg0, %c0_i32 : i32, i32
  }
  func.func @transform_1(%arg0: i32) -> (i32, i32, i32) {
    %c0_i32 = arith.constant 0 : i32
    %c0_i32_0 = arith.constant 0 : i32
    %c0_i32_1 = arith.constant 0 : i32
    return %arg0, %c0_i32, %c0_i32_0 : i32, i32, i32
  }
  func.func @transform_2(%arg0: i32) -> (i32, i32) {
    %c0_i32 = arith.constant 0 : i32
    %c0_i32_0 = arith.constant 0 : i32
    %c0_i32_1 = arith.constant 0 : i32
    return %c0_i32, %c0_i32_0 : i32, i32
  }
  func.func @transform_3(%arg0: i32) -> (i32, i32) {
    %c0_i32 = arith.constant 0 : i32
    %c0_i32_0 = arith.constant 0 : i32
    %c0_i32_1 = arith.constant 0 : i32
    return %c0_i32, %c0_i32_0 : i32, i32
  }
  func.func @transform_4(%arg0: i32) -> (i32, i32) {
    %c0_i32 = arith.constant 0 : i32
    %c0_i32_0 = arith.constant 0 : i32
    %c0_i32_1 = arith.constant 0 : i32
    return %c0_i32, %c0_i32_0 : i32, i32
  }
  func.func @transform_5(%arg0: i32) -> (i32, i32) {
    %c0_i32 = arith.constant 0 : i32
    %c0_i32_0 = arith.constant 0 : i32
    %c0_i32_1 = arith.constant 0 : i32
    return %c0_i32, %c0_i32_0 : i32, i32
  }
  func.func @transform_6(%arg0: i32) -> (i32, i32) {
    %c0_i32 = arith.constant 0 : i32
    %c0_i32_0 = arith.constant 0 : i32
    return %arg0, %c0_i32 : i32, i32
  }
}

module attributes {stable_mosaic.version = 14 : i64} {
  func.func @_layer2_body(%arg0: i32, %arg1: memref<256x64xf32, #tpu.memory_space<vmem>>, %arg2: memref<256x64xf32, #tpu.memory_space<vmem>>, %arg3: memref<256x64xf32, #tpu.memory_space<vmem>>, %arg4: memref<1x1x256xi32, #tpu.memory_space<vmem>>, %arg5: memref<64x64xf32, #tpu.memory_space<vmem>>, %arg6: memref<64x64xf32, #tpu.memory_space<vmem>>, %arg7: memref<1x64xf32, #tpu.memory_space<vmem>>, %arg8: memref<10x64xf32, #tpu.memory_space<vmem>>, %arg9: memref<1x10xf32, #tpu.memory_space<vmem>>, %arg10: memref<1024x10xf32, #tpu.memory_space<vmem>>, %arg11: memref<1024x128xf32, #tpu.memory_space<vmem>>) attributes {dimension_semantics = [#tpu.dimension_semantics<arbitrary>], iteration_bounds = array<i64: 196>, scalar_prefetch = 0 : i64, scratch_operands = 1 : i64, tpu.core_type = #tpu.core_type<tc>, window_params = [{transform_indices = @transform_0, window_bounds = array<i64: 256, 64>}, {transform_indices = @transform_1, window_bounds = array<i64: 256, 64>}, {transform_indices = @transform_2, window_bounds = array<i64: 256, 64>}, {transform_indices = @transform_3, window_bounds = array<i64: 1, 1, 256>}, {pipeline_mode = #tpu.pipeline_mode<synchronous>, transform_indices = @transform_4, window_bounds = array<i64: 64, 64>}, {pipeline_mode = #tpu.pipeline_mode<synchronous>, transform_indices = @transform_5, window_bounds = array<i64: 64, 64>}, {pipeline_mode = #tpu.pipeline_mode<synchronous>, transform_indices = @transform_6, window_bounds = array<i64: 1, 64>}, {pipeline_mode = #tpu.pipeline_mode<synchronous>, transform_indices = @transform_7, window_bounds = array<i64: 10, 64>}, {pipeline_mode = #tpu.pipeline_mode<synchronous>, transform_indices = @transform_8, window_bounds = array<i64: 1, 10>}, {pipeline_mode = #tpu.pipeline_mode<synchronous>, transform_indices = @transform_9, window_bounds = array<i64: 1024, 10>}]} {
    %eq3A = arith.constant 0 : i32
    %eq3A_0 = arith.cmpi eq, %arg0, %eq3A : i32
    %convert_element_type3A = arith.extui %eq3A_0 : i1 to i32
    %cond3A = arith.constant 0 : i32
    %cond3A_1 = arith.cmpi ne, %convert_element_type3A, %cond3A : i32
    scf.if %cond3A_1 {
      %broadcast_in_dim3A_60 = arith.constant 0.000000e+00 : f32
      %broadcast_in_dim3A_61 = vector.broadcast %broadcast_in_dim3A_60 : f32 to vector<1024x128xf32>
      %swap3A_62 = arith.constant 0 : index
      %swap3A_63 = arith.constant 0 : index
      %swap3A_64 = vector.load %arg11[%swap3A_62, %swap3A_63] : memref<1024x128xf32, #tpu.memory_space<vmem>>, vector<1024x128xf32>
      tpu.vector_store %arg11[%swap3A_62, %swap3A_63], %broadcast_in_dim3A_61 {strides = array<i32>} : memref<1024x128xf32, #tpu.memory_space<vmem>>, vector<1024x128xf32>,
    } else {
    }
    %get3A = arith.constant 0 : index
    %get3A_2 = arith.constant 0 : index
    %get3A_3 = vector.load %arg3[%get3A, %get3A_2] : memref<256x64xf32, #tpu.memory_space<vmem>>, vector<256x64xf32>
    %reduce_sum3A = arith.constant dense<0.000000e+00> : vector<256xf32>
    %reduce_sum3A_4 = vector.multi_reduction <add>, %get3A_3, %reduce_sum3A [1] : vector<256x64xf32> to vector<256xf32>
    %broadcast_in_dim3A = vector.shape_cast %reduce_sum3A_4 : vector<256xf32> to vector<256x1xf32>
    %max3A = arith.constant 1.000000e+00 : f32
    %max3A_5 = vector.broadcast %max3A : f32 to vector<256x1xf32>
    %max3A_6 = arith.maximumf %broadcast_in_dim3A, %max3A_5 : vector<256x1xf32>
    %get3A_7 = arith.constant 0 : index
    %get3A_8 = arith.constant 0 : index
    %get3A_9 = vector.load %arg1[%get3A_7, %get3A_8] : memref<256x64xf32, #tpu.memory_space<vmem>>, vector<256x64xf32>
    %div3A = vector.broadcast %max3A_6 : vector<256x1xf32> to vector<256x64xf32>
    %div3A_10 = arith.divf %get3A_9, %div3A : vector<256x64xf32>
    %get3A_11 = arith.constant 0 : index
    %get3A_12 = arith.constant 0 : index
    %get3A_13 = vector.load %arg5[%get3A_11, %get3A_12] : memref<64x64xf32, #tpu.memory_space<vmem>>, vector<64x64xf32>
    %dot_general3A = arith.constant dense<0.000000e+00> : vector<256x64xf32>
    %dot_general3A_14 = tpu.matmul %div3A_10, %get3A_13, %dot_general3A {dimension_numbers = #tpu.dot_dimension_numbers<[1], [1], [0], [0], [0, 0, 1, 0], [], []>, transpose_lhs_hint = false} : vector<256x64xf32>, vector<64x64xf32>, vector<256x64xf32> -> vector<256x64xf32>
    %get3A_15 = arith.constant 0 : index
    %get3A_16 = arith.constant 0 : index
    %get3A_17 = vector.load %arg2[%get3A_15, %get3A_16] : memref<256x64xf32, #tpu.memory_space<vmem>>, vector<256x64xf32>
    %get3A_18 = arith.constant 0 : index
    %get3A_19 = arith.constant 0 : index
    %get3A_20 = vector.load %arg6[%get3A_18, %get3A_19] : memref<64x64xf32, #tpu.memory_space<vmem>>, vector<64x64xf32>
    %dot_general3A_21 = arith.constant dense<0.000000e+00> : vector<256x64xf32>
    %dot_general3A_22 = tpu.matmul %get3A_17, %get3A_20, %dot_general3A_21 {dimension_numbers = #tpu.dot_dimension_numbers<[1], [1], [0], [0], [0, 0, 1, 0], [], []>, transpose_lhs_hint = false} : vector<256x64xf32>, vector<64x64xf32>, vector<256x64xf32> -> vector<256x64xf32>
    %add3A = arith.addf %dot_general3A_14, %dot_general3A_22 : vector<256x64xf32>
    %get3A_23 = arith.constant 0 : index
    %get3A_24 = arith.constant 0 : index
    %get3A_25 = vector.load %arg7[%get3A_23, %get3A_24] : memref<1x64xf32, #tpu.memory_space<vmem>>, vector<1x64xf32>
    %add3A_26 = vector.broadcast %get3A_25 : vector<1x64xf32> to vector<256x64xf32>
    %add3A_27 = arith.addf %add3A, %add3A_26 : vector<256x64xf32>
    %max3A_28 = arith.constant 0.000000e+00 : f32
    %max3A_29 = vector.broadcast %max3A_28 : f32 to vector<256x64xf32>
    %max3A_30 = arith.maximumf %add3A_27, %max3A_29 : vector<256x64xf32>
    %get3A_31 = arith.constant 0 : index
    %get3A_32 = arith.constant 0 : index
    %get3A_33 = arith.constant 0 : index
    %get3A_34 = vector.load %arg4[%get3A_31, %get3A_32, %get3A_33] : memref<1x1x256xi32, #tpu.memory_space<vmem>>, vector<1x1x256xi32>
    %reshape3A = vector.shape_cast %get3A_34 : vector<1x1x256xi32> to vector<256xi32>
    %broadcast_in_dim3A_35 = vector.shape_cast %reshape3A : vector<256xi32> to vector<256x1xi32>
    %iota3A = tpu.iota {dimensions = array<i32: 1>} : vector<256x1024xi32>
    %eq3A_36 = vector.broadcast %broadcast_in_dim3A_35 : vector<256x1xi32> to vector<256x1024xi32>
    %eq3A_37 = arith.cmpi eq, %eq3A_36, %iota3A : vector<256x1024xi32>
    %convert_element_type3A_38 = arith.extui %eq3A_37 : vector<256x1024xi1> to vector<256x1024xi32>
    %convert_element_type3A_39 = arith.sitofp %convert_element_type3A_38 : vector<256x1024xi32> to vector<256x1024xf32>
    %broadcast_in_dim3A_40 = arith.constant 0.000000e+00 : f32
    %broadcast_in_dim3A_41 = vector.broadcast %broadcast_in_dim3A_40 : f32 to vector<256x64xf32>
    %concatenate3A = tpu.concatenate %max3A_30, %broadcast_in_dim3A_41 in 1 : vector<256x64xf32>, vector<256x64xf32> -> vector<256x128xf32>
    %iota3A_42 = tpu.iota {dimensions = array<i32: 1>} : vector<256x128xi32>
    %eq3A_43 = arith.constant 64 : i32
    %eq3A_44 = vector.broadcast %eq3A_43 : i32 to vector<256x128xi32>
    %eq3A_45 = arith.cmpi eq, %iota3A_42, %eq3A_44 : vector<256x128xi32>
    %jit3A = arith.constant 1.000000e+00 : f32
    %broadcast_in_dim3A_46 = vector.broadcast %jit3A : f32 to vector<256x128xf32>
    %select_n3A = arith.select %eq3A_45, %broadcast_in_dim3A_46, %concatenate3A : vector<256x128xi1>, vector<256x128xf32>
    %get3A_47 = arith.constant 0 : index
    %get3A_48 = arith.constant 0 : index
    %get3A_49 = vector.load %arg11[%get3A_47, %get3A_48] : memref<1024x128xf32, #tpu.memory_space<vmem>>, vector<1024x128xf32>
    %dot_general3A_50 = arith.constant dense<0.000000e+00> : vector<1024x128xf32>
    %dot_general3A_51 = tpu.matmul %convert_element_type3A_39, %select_n3A, %dot_general3A_50 {dimension_numbers = #tpu.dot_dimension_numbers<[0], [0], [1], [1], [0, 1, 1, 1], [], []>, transpose_lhs_hint = false} : vector<256x1024xf32>, vector<256x128xf32>, vector<1024x128xf32> -> vector<1024x128xf32>
    %add3A_52 = arith.addf %get3A_49, %dot_general3A_51 : vector<1024x128xf32>
    %swap3A = arith.constant 0 : index
    %swap3A_53 = arith.constant 0 : index
    %swap3A_54 = vector.load %arg11[%swap3A, %swap3A_53] : memref<1024x128xf32, #tpu.memory_space<vmem>>, vector<1024x128xf32>
    tpu.vector_store %arg11[%swap3A, %swap3A_53], %add3A_52 {strides = array<i32>} : memref<1024x128xf32, #tpu.memory_space<vmem>>, vector<1024x128xf32>,
    %eq3A_55 = arith.constant 195 : i32
    %eq3A_56 = arith.cmpi eq, %arg0, %eq3A_55 : i32
    %convert_element_type3A_57 = arith.extui %eq3A_56 : i1 to i32
    %cond3A_58 = arith.constant 0 : i32
    %cond3A_59 = arith.cmpi ne, %convert_element_type3A_57, %cond3A_58 : i32
    scf.if %cond3A_59 {
      %get3A_60 = arith.constant 0 : index
      %get3A_61 = arith.constant 0 : index
      %get3A_62 = vector.load %arg11[%get3A_60, %get3A_61] : memref<1024x128xf32, #tpu.memory_space<vmem>>, vector<1024x128xf32>
      %slice3A = vector.extract_strided_slice %get3A_62 {offsets = [0, 64], sizes = [1024, 1], strides = [1, 1]} : vector<1024x128xf32> to vector<1024x1xf32>
      %max3A_63 = arith.constant 1.000000e+00 : f32
      %max3A_64 = vector.broadcast %max3A_63 : f32 to vector<1024x1xf32>
      %max3A_65 = arith.maximumf %slice3A, %max3A_64 : vector<1024x1xf32>
      %slice3A_66 = vector.extract_strided_slice %get3A_62 {offsets = [0, 0], sizes = [1024, 64], strides = [1, 1]} : vector<1024x128xf32> to vector<1024x64xf32>
      %div3A_67 = vector.broadcast %max3A_65 : vector<1024x1xf32> to vector<1024x64xf32>
      %div3A_68 = arith.divf %slice3A_66, %div3A_67 : vector<1024x64xf32>
      %get3A_69 = arith.constant 0 : index
      %get3A_70 = arith.constant 0 : index
      %get3A_71 = vector.load %arg8[%get3A_69, %get3A_70] : memref<10x64xf32, #tpu.memory_space<vmem>>, vector<10x64xf32>
      %dot_general3A_72 = arith.constant dense<0.000000e+00> : vector<1024x10xf32>
      %dot_general3A_73 = tpu.matmul %div3A_68, %get3A_71, %dot_general3A_72 {dimension_numbers = #tpu.dot_dimension_numbers<[1], [1], [0], [0], [0, 0, 1, 0], [], []>, transpose_lhs_hint = false} : vector<1024x64xf32>, vector<10x64xf32>, vector<1024x10xf32> -> vector<1024x10xf32>
      %get3A_74 = arith.constant 0 : index
      %get3A_75 = arith.constant 0 : index
      %get3A_76 = vector.load %arg9[%get3A_74, %get3A_75] : memref<1x10xf32, #tpu.memory_space<vmem>>, vector<1x10xf32>
      %add3A_77 = vector.broadcast %get3A_76 : vector<1x10xf32> to vector<1024x10xf32>
      %add3A_78 = arith.addf %dot_general3A_73, %add3A_77 : vector<1024x10xf32>
      %swap3A_79 = arith.constant 0 : index
      %swap3A_80 = arith.constant 0 : index
      %swap3A_81 = vector.load %arg10[%swap3A_79, %swap3A_80] : memref<1024x10xf32, #tpu.memory_space<vmem>>, vector<1024x10xf32>
      tpu.vector_store %arg10[%swap3A_79, %swap3A_80], %add3A_78 {strides = array<i32>} : memref<1024x10xf32, #tpu.memory_space<vmem>>, vector<1024x10xf32>,
    } else {
    }
    return
  }
  func.func @transform_0(%arg0: i32) -> (i32, i32) {
    %c0_i32 = arith.constant 0 : i32
    %c0_i32_0 = arith.constant 0 : i32
    return %arg0, %c0_i32 : i32, i32
  }
  func.func @transform_1(%arg0: i32) -> (i32, i32) {
    %c0_i32 = arith.constant 0 : i32
    %c0_i32_0 = arith.constant 0 : i32
    return %arg0, %c0_i32 : i32, i32
  }
  func.func @transform_2(%arg0: i32) -> (i32, i32) {
    %c0_i32 = arith.constant 0 : i32
    %c0_i32_0 = arith.constant 0 : i32
    return %arg0, %c0_i32 : i32, i32
  }
  func.func @transform_3(%arg0: i32) -> (i32, i32, i32) {
    %c0_i32 = arith.constant 0 : i32
    %c0_i32_0 = arith.constant 0 : i32
    %c0_i32_1 = arith.constant 0 : i32
    return %arg0, %c0_i32, %c0_i32_0 : i32, i32, i32
  }
  func.func @transform_4(%arg0: i32) -> (i32, i32) {
    %c0_i32 = arith.constant 0 : i32
    %c0_i32_0 = arith.constant 0 : i32
    %c0_i32_1 = arith.constant 0 : i32
    return %c0_i32, %c0_i32_0 : i32, i32
  }
  func.func @transform_5(%arg0: i32) -> (i32, i32) {
    %c0_i32 = arith.constant 0 : i32
    %c0_i32_0 = arith.constant 0 : i32
    %c0_i32_1 = arith.constant 0 : i32
    return %c0_i32, %c0_i32_0 : i32, i32
  }
  func.func @transform_6(%arg0: i32) -> (i32, i32) {
    %c0_i32 = arith.constant 0 : i32
    %c0_i32_0 = arith.constant 0 : i32
    %c0_i32_1 = arith.constant 0 : i32
    return %c0_i32, %c0_i32_0 : i32, i32
  }
  func.func @transform_7(%arg0: i32) -> (i32, i32) {
    %c0_i32 = arith.constant 0 : i32
    %c0_i32_0 = arith.constant 0 : i32
    %c0_i32_1 = arith.constant 0 : i32
    return %c0_i32, %c0_i32_0 : i32, i32
  }
  func.func @transform_8(%arg0: i32) -> (i32, i32) {
    %c0_i32 = arith.constant 0 : i32
    %c0_i32_0 = arith.constant 0 : i32
    %c0_i32_1 = arith.constant 0 : i32
    return %c0_i32, %c0_i32_0 : i32, i32
  }
  func.func @transform_9(%arg0: i32) -> (i32, i32) {
    %c0_i32 = arith.constant 0 : i32
    %c0_i32_0 = arith.constant 0 : i32
    %c0_i32_1 = arith.constant 0 : i32
    return %c0_i32, %c0_i32_0 : i32, i32
  }
}

</mosaic_0001>

<sc_bundles>
// kernel: kernel.6.cloned.1.call-start
scs
__scs_entry_jumppad:
0x0: {  	(pc) =	sbr.rel $0x88, $3  }
0x1: {  	(tag) =	ssettag $0x0;
	lr =	simm.s32 $0x1  }
0x2: {  	[smem:$0x3F95] =	sst lr;
	_ =	strace $0xD0000000  }
0x3: {  	_ = 	snop  }
0x4: {  	_ = 	snop  }
0x5: {  	_ = 	snop  }
0x6: {  	_ = 	snop  }
0x7: {  	_ = 	snop  }
__scs_overlays_trampoline_lowered:
0x8: {  	[smem:$0x3FA4] =	sst s0  }
0x9: {  	[smem:$0x3FA5] =	sst s1  }
0xa: {  	[smem:$0x3FA6] =	sst s2  }
0xb: {  	[smem:$0x3FA7] =	sst s3  }
0xc: {  	[smem:$0x3FA8] =	sst s4  }
0xd: {  	[smem:$0x3FA9] =	sst s5  }
0xe: {  	[smem:$0x3FAA] =	sst s6  }
0xf: {  	[smem:$0x3FAB] =	sst s7  }
0x10: {  	[smem:$0x3FAC] =	sst s8  }
0x11: {  	[smem:$0x3FAD] =	sst s9;
	s0 =	simm.s32 @!p0 $0x0  }
0x12: {  	s1 =	sld [smem:$0x3F93];
	s0 =	simm.s32 @p0 $0x1  }
0x13: {  	[smem:$0x3FAE] =	sst s0;
	s0 =	simm.s32 @!p1 $0x0  }
0x14: {  	s2 =	sld [smem:$0x3F92];
	s0 =	simm.s32 @p1 $0x1  }
0x15: {  	[smem:$0x3FAF] =	sst s0;
	s0 =	simm.s32 @!p2 $0x0  }
0x16: {  	s3 =	sld [smem:$0x3FDB];
	s0 =	simm.s32 @p2 $0x1  }
0x17: {  	s4 =	simm.s32 $0x1BF5;
	[smem:$0x3FB1] =	sst s0  }
0x18: {  	s0 =	sld [smem:$0x3F94];
	_ =	swait.ge [sflag:s4], $0x0  }
0x19: {  	s7 =	sld [smem:$0x3F95]  }
0x1a: {  	s8 =	sadd.s32 $0xFFFFE003, lr  }
0x1b: {  	s9 =	sadd.s32 $0xFFFFFEF7, lr;
	s5 =	simm.s32 $0xFFFFFFFF;
	p2 =	slt.u32 s8, $0xFFFFF086  }
0x1c: {  	p1 =	slt.u32 s9, $0xF7A;
	s5 =	simm.s32 @!p2 $0x0  }
0x1d: {  	s5 =	simm.s32 @p1 $0x1;
	p0 =	seq.s32 s7, s2  }
0x1e: {  	s7 =	smul.u32 @!p0 $0xF7A, s2;
	p2 =	seq.s32 @!p0 s5, $0x0  }
0x1f: {  	s9 =	smul.u32 $0xF7A, s1;
	s8 =	simm.s32 @!p0 $0x1BF5;
	p2 =	por !p2, p0  }
0x20: {  	[sflag:s8] =	ssyncset.s32 @!p0 $0xFFFFF086;
	s6 =	sadd.s32 @!p0 s3, s7;
	s7 =	simm.s32 @!p0 $0x108  }
0x21: {  	s3 =	sadd.s32 s3, s9;
	s6 =	sadd.s32 @!p0 $0x88, s6;
	s7 =	simm.s32 @p2 $0x1082  }
0x22: {  	[simem:s7], [sflag:s8] =	dma.local @!p0 [hbm:s6], $0xF7A  }
0x23: {  	s9 =	sor.u32 $0xD0000000, s2;
	s6 =	simm.s32 $0x108;
	_ =	swait.ge @!p0 [sflag:s8], $0x0  }
0x24: {  	s3 =	sadd.s32 $0x88, s3;
	s6 =	simm.s32 @!p1 $0x1082;
	[sflag:s4] =	ssyncset.s32 $0xFFFFF086  }
0x25: {  	[simem:s6], [sflag:s4] =	dma.local [hbm:s3], $0xF7A  }
0x26: {  	[smem:$0x3F95] =	sst s1;
	(tag) =	ssettag s2;
	_ =	strace s9  }
0x27: {  	s1 =	sld [smem:$0x3FA5]  }
0x28: {  	s2 =	sld [smem:$0x3FA6]  }
0x29: {  	s4 =	sld [smem:$0x3FA8]  }
0x2a: {  	p0 =	seq.s32 s5, $0x0;
	s5 =	sld [smem:$0x3FA9]  }
0x2b: {  	s6 =	sld [smem:$0x3FAA]  }
0x2c: {  	s7 =	sld [smem:$0x3FAB]  }
0x2d: {  	s3 =	simm.s32 $0x108;
	s8 =	sld [smem:$0x3FAC]  }
0x2e: {  	s3 =	simm.s32 @!p0 $0x1082;
	s9 =	sld [smem:$0x3FAD]  }
0x2f: {  	lr =	sadd.s32 s0, s3;
	s0 =	sld [smem:$0x3FA4]  }
0x30: {  	s3 =	sld [smem:$0x3FA7]  }
0x31: {  	[smem:$0x3FB0] =	sst s10  }
0x32: {  	s10 =	sld [smem:$0x3FAE];
	_ =	sdelay $0x3  }
0x33: {  	p0 =	seq.s32 s10, $0x1;
	s10 =	sld [smem:$0x3FB0];
	_ =	sdelay $0x3  }
0x34: {  	[smem:$0x3FB0] =	sst s10  }
0x35: {  	s10 =	sld [smem:$0x3FAF];
	_ =	sdelay $0x3  }
0x36: {  	p1 =	seq.s32 s10, $0x1;
	s10 =	sld [smem:$0x3FB0];
	_ =	sdelay $0x3  }
0x37: {  	[smem:$0x3FB0] =	sst s10  }
0x38: {  	s10 =	sld [smem:$0x3FB1]  }
0x39: {  	_ = 	snop;
	(pc) =	sbr.ind lr, $3  }
0x3a: {  	_ = 	snop  }
0x3b: {  	_ = 	snop  }
0x3c: {  	p2 =	seq.s32 s10, $0x1;
	s10 =	sld [smem:$0x3FB0]  }
0x3d: {  	_ =	shalt  }
0x3e: {  	_ =	shalt  }
0x3f: {  	_ =	shalt  }
0x40: {  	_ =	shalt  }
0x41: {  	_ =	shalt  }
0x42: {  	_ =	shalt  }
0x43: {  	_ =	shalt  }
0x44: {  	_ =	shalt  }
0x45: {  	_ =	shalt  }
0x46: {  	_ =	shalt  }
0x47: {  	_ =	shalt  }
0x48: {  	_ =	shalt  }
0x49: {  	_ =	shalt  }
0x4a: {  	_ =	shalt  }
0x4b: {  	_ =	shalt  }
0x4c: {  	_ =	shalt  }
0x4d: {  	_ =	shalt  }
0x4e: {  	_ =	shalt  }
0x4f: {  	_ =	shalt  }
0x50: {  	_ =	shalt  }
0x51: {  	_ =	shalt  }
0x52: {  	_ =	shalt  }
0x53: {  	_ =	shalt  }
0x54: {  	_ =	shalt  }
0x55: {  	_ =	shalt  }
0x56: {  	_ =	shalt  }
0x57: {  	_ =	shalt  }
0x58: {  	_ =	shalt  }
0x59: {  	_ =	shalt  }
0x5a: {  	_ =	shalt  }
0x5b: {  	_ =	shalt  }
0x5c: {  	_ =	shalt  }
0x5d: {  	_ =	shalt  }
0x5e: {  	_ =	shalt  }
0x5f: {  	_ =	shalt  }
0x60: {  	_ =	shalt  }
0x61: {  	_ =	shalt  }
0x62: {  	_ =	shalt  }
0x63: {  	_ =	shalt  }
0x64: {  	_ =	shalt  }
0x65: {  	_ =	shalt  }
0x66: {  	_ =	shalt  }
0x67: {  	_ =	shalt  }
0x68: {  	_ =	shalt  }
0x69: {  	_ =	shalt  }
0x6a: {  	_ =	shalt  }
0x6b: {  	_ =	shalt  }
0x6c: {  	_ =	shalt  }
0x6d: {  	_ =	shalt  }
0x6e: {  	_ =	shalt  }
0x6f: {  	_ =	shalt  }
0x70: {  	_ =	shalt  }
0x71: {  	_ =	shalt  }
0x72: {  	_ =	shalt  }
0x73: {  	_ =	shalt  }
0x74: {  	_ =	shalt  }
0x75: {  	_ =	shalt  }
0x76: {  	_ =	shalt  }
0x77: {  	_ =	shalt  }
0x78: {  	_ =	shalt  }
0x79: {  	_ =	shalt  }
0x7a: {  	_ =	shalt  }
0x7b: {  	_ =	shalt  }
0x7c: {  	_ =	shalt  }
0x7d: {  	_ =	shalt  }
0x7e: {  	_ =	shalt  }
0x7f: {  	_ =	shalt  }
0x80: {  	_ =	shalt  }
0x81: {  	_ =	shalt  }
0x82: {  	_ =	shalt  }
0x83: {  	_ =	shalt  }
0x84: {  	_ =	shalt  }
0x85: {  	_ =	shalt  }
0x86: {  	_ =	shalt  }
0x87: {  	_ =	shalt  }
.Lfunc_end0:
.L_simem_size_0:
called_computation_lowered:
.L_overlay_start_0:
0x88: {  	s2 =	sld [smem:$0x3FD9]  }
0x89: {  	s3 =	sld [smem:$0x3FFE];
	_ =	sdelay $0x1  }
0x8a: {  	s1 =	srdreg.scid  }
0x8b: {  	s0 =	sand.u32 $0x1, s1  }
0x8c: {  	s17 =	sshll.u32 s0, $0xA;
	s2 =	sadd.s32 s3, s2  }
0x8d: {  	s2 =	sadd.s32 s2, s17  }
0x8e: {  	[smem:$0x3FBC] =	sst s2  }
0x8f: {  	_ = 	snop  }
0x90: {  	s2 =	sld [smem:$0x3FD0];
	(tm) =	ssettm $0x1  }
0x91: {  	s18 =	sld [smem:$0x3FFB];
	_ =	sdelay $0x3  }
0x92: {  	_ =	strace s18  }
0x93: {  	s3 =	sld [smem:$0x3FFC];
	_ =	sdelay $0x3  }
0x94: {  	_ =	strace s3  }
0x95: {  	s3 =	sld [smem:$0x3FFD];
	_ =	sdelay $0x3  }
0x96: {  	_ =	strace s3  }
0x97: {  	_ =	strace $0x8FFFFFFF  }
0x98: {  	s19 =	sld [smem:$0x3FDB];
	_ =	sdelay $0x1  }
0x99: {  	s4 =	simm.s32 $_scs_section_size  }
0x9a: {  	s5 =	simm.s32 $_size__tile_overlayer_lowered;
	s6 =	simm.s32 $_tile_overlayer_lowered  }
0x9b: {  	s22 =	simm.s32 $0x1BFF;
	s21 =	sshll.u32 s6, $0x1;
	s3 =	sadd.s32 s4, s19  }
0x9c: {  	s7 =	simm.s32 $0x0;
	s20 =	sshll.u32 s5, $0x1;
	s5 =	sadd.s32 s21, s3  }
0x9d: {  	[timem:s7], [sflag:s22] =	dma.local [hbm:s5], s20  }
0x9e: {  	_ =	swait.ge [sflag:s22], s20  }
0x9f: {  	s4 =	ssub.s32 $0x0, s20;
	[sflag:s22] =	ssyncset.done $0x0  }
0xa0: {  	[sflag:s22] =	ssyncadd.s32 s4;
	_ =	sdelay $0x1  }
0xa1: {  	s23 =	simm.s32 $0x1B8B  }
0xa2: {  	_ =	swait.ge [sflag:s23], $0x1  }
0xa3: {  	[sflag:s23] =	ssyncset.done $0x0  }
0xa4: {  	s25 =	simm.s32 $0x1B8E;
	s24 =	sld [smem:$0x3FFE];
	[sflag:s23] =	ssyncadd.s32 $0xFFFFFFFF  }
0xa5: {  	s26 =	simm.s32 $execute0_lowered;
	[smem:$0x3FD2] =	sst s25  }
0xa6: {  	s5 =	sshll.u32 s26, $0x1;
	_ =	strace $0x80000046;
	[dreg:$0x1] =	wrdreg $0xFFFFFFFF  }
0xa7: {  	s28 =	simm.s32 $_size_execute0_lowered;
	s3 =	sadd.s32 s3, s5;
	[dreg:$0x0] =	wrdreg $0x0  }
0xa8: {  	s5 =	sshll.u32 s28, $0x1;
	[dreg:$0x2] =	wrdreg s3  }
0xa9: {  	[dreg:$0x3] =	wrdreg s5  }
0xaa: {  	[dreg:$0x4] =	wrdreg $0xC0  }
0xab: {  	_ =	task [dreg:s7], $0x5FFFF  }
0xac: {  	[dreg:$0x1] =	wrdreg $0xFFFFFFFF  }
0xad: {  	[dreg:$0x0] =	wrdreg $0x60  }
0xae: {  	[dreg:$0x2] =	wrdreg s2  }
0xaf: {  	[dreg:$0x3] =	wrdreg s24  }
0xb0: {  	[dreg:$0x4] =	wrdreg $0x50900  }
0xb1: {  	[dreg:$0x5] =	wrdreg $0x9  }
0xb2: {  	_ =	task.clear_ibuf [dreg:s7], $0x6FFFF;
	_ =	strace $0x90000046  }
0xb3: {  	s29 =	simm.s32 $0x9;
	_ =	strace $0x80000048  }
0xb4: {  	_ =	swait.ge [sflag:s29], $0x1  }
0xb5: {  	[sflag:s29] =	ssyncadd.s32 $0xFFFFFFFF  }
0xb6: {  	_ =	strace $0x90000048  }
0xb7: {  	_ =	sfence  }
0xb8: {  	s30 =	sld [smem:$0x0];
	_ =	sdelay $0x2  }
0xb9: {  	s31 =	sshll.u32 s1, $0xD;
	s1 =	sshrl.u32 s1, $0x2  }
0xba: {  	s3 =	sand.u32 $0x4000, s31;
	s1 =	sadd.s32 s1, s30  }
0xbb: {  	s0 =	sor.u32 s3, s0;
	s1 =	sshll.u32 s1, $0x11  }
0xbc: {  	s0 =	sor.u32 s1, s0  }
0xbd: {  	s0 =	sadd.s32 $0x8F2B, s0  }
0xbe: {  	[sflag:s0] =	ssyncadd.remote.s32 $0x1  }
0xbf: {  	_ =	sfence.sel $0xFFFF  }
0xc0: {  	[dreg:$0x0] =	wrdreg $0xFFFFFFFF;
	(pc) =	sbr.abs _section_cstart, $3  }
0xc1: {  	[dreg:$0x1] =	wrdreg $0xFFFFFFFF  }
0xc2: {  	_ =	task.clear_ibuf [dreg:s7], $0x2FFFF;
	_ =	strace $0x9FFFFFFF  }
0xc3: {  	(tm) =	ssettm $0x7FFFFFFF  }
tec
execute0_lowered:
.L_overlay_start_1:
0x0: {  	(tag) =	ssettag $0x1  }
0x1: {  	s0 =	rddreg [dreg:$0x1]  }
0x2: {  	s3 =	rddreg [dreg:$0x2];
	s4 =	simm.s32 $0x0;
	s16 =	stileid.u32  }
0x3: {  	s1 =	srdreg.scid;
	s18 =	simm.s32 $0x3100;
	s19 =	simm.s32 $0x7  }
0x4: {  	s28 =	simm.s32 $0x1;
	s29 =	simm.s32 $0x2;
	s31 =	simm.s32 $0x50  }
0x5: {  	[smem:$0x7FF] =	sst s4;
	s2 =	smul.u32 $0x640, s16;
	s5 =	sadd.s32 $0x19800, s0  }
0x6: {  	s7 =	smul.u32 $0x19000, s16;
	s1 =	sand.u32 $0x1, s1;
	s6 =	sadd.s32 $0x1000, s0  }
0x7: {  	s9 =	sadd.s32 $0x64000, s0;
	s11 =	smul.u32 $0xC350, s16;
	p1 =	seq.s32 s16, $0xF  }
0x8: {  	s30 =	simm.s32 $0x4;
	_ =	strace $0x80000047;
	s8 =	smul.u32 $0x186A00, s1  }
0x9: {  	[dreg:$0x4] =	wrdreg s9;
	s10 =	ssub.s32 $0x2, s1;
	s15 =	smul.u32 $0x61A8, s1  }
0xa: {  	p0 =	seq.s32 s1, $0x1;
	s1 =	simm.s32 $0x3;
	s2 =	smin.u32 s2, $0x5B68  }
0xb: {  	s20 =	sshrl.u32 s7, $0x3;
	s12 =	sshrl.u32 s10, $0x1;
	s21 =	sshrl.u32 s11, $0x3  }
0xc: {  	s7 =	sadd.s32 s7, s3;
	s14 =	sadd.s32 $0x1770, s11;
	p0 =	por !p1, !p0  }
0xd: {  	s2 =	sshll.u32 s2, $0x6;
	s9 =	sadd.s32 s20, s0;
	s10 =	ssub.s32 s10, s12  }
0xe: {  	s13 =	sadd.s32 s5, s21;
	s22 =	sadd.s32 $0xFA, s21;
	s12 =	sadd.s32 s6, s21  }
0xf: {  	p0 =	por !p0, !p0;
	s20 =	simm.s32 $0x3150;
	[dreg:$0x5] =	wrdreg s13  }
0x10: {  	s21 =	simm.s32 $0x40F0;
	s8 =	sadd.s32 s8, s2;
	[dreg:$0x6] =	wrdreg s12  }
0x11: {  	s23 =	sadd.s32 s5, s22;
	s24 =	sadd.s32 s6, s22;
	s9 =	sadd.s32 $0x32000, s9  }
0x12: {  	s13 =	sadd.s32 $0xFA0, s11;
	s26 =	sadd.s32 s2, s3;
	s17 =	smax.u32 s10, $0x1  }
0x13: {  	s22 =	sshrl.u32 s7, $0x3;
	s2 =	simm.s32 $0x5;
	[dreg:$0x7] =	wrdreg s23  }
0x14: {  	s7 =	simm.s32 $0x0;
	s8 =	sshrl.u32 s8, $0x3;
	[dreg:$0x8] =	wrdreg s24  }
0x15: {  	[dreg:$0x9] =	wrdreg s9;
	s8 =	sadd.s32 s8, s0;
	s0 =	sadd.s32 $0xC5C80, s0  }
0x16: {  	s23 =	sshrl.u32 s26, $0x3;
	s25 =	sadd.s32 $0x64200, s8;
	[dreg:$0xb] =	wrdreg s0  }
0x17: {  	s26 =	simm.s32 $0x48C0;
	s0 =	sadd.s32 $0x186A00, s3;
	[dreg:$0xa] =	wrdreg s25  }
0x18: {  	v0 =	vmov s15;
	s24 =	sshrl.u32 @p0 s0, $0x3;
	s25 =	simm.s32 $0x3920;
	s0 =	simm.s32 $0x6  }
.LBB2_1:
0x19: {  	s8 =	rddreg [dreg:$0x0]  }
0x1a: {  	[tilespmem:s4], [sflag:$0x1] =	stream.linear.gather [hbm4b:s8+s4], $0x3100, $0x38;
	[tilespmem:$0x1E090] =	vst v63  }
0x1b: {  	s9 =	rddreg [dreg:$0x4]  }
0x1c: {  	[tilespmem:s18], [sflag:$0x7] =	stream.linear.gather [hbm4b:s9+s4], $0x50, $0x38;
	[tilespmem:$0x1E090] =	vst v63  }
0x1d: {  	_ =	swait.ge [sflag:s19], $0x50  }
0x1e: {  	[sflag:s19] =	ssyncset.done $0x0;
	s10 =	rddreg [dreg:$0x5]  }
0x1f: {  	s11 =	rddreg [dreg:$0x6];
	[sflag:s19] =	ssyncadd.s32 $0xFFFFFFB0  }
0x20: {  	[tilespmem:s20], [sflag:$0x2] =	stream.linear.gather [hbm4b:s10+s4], $0x7D0, $0x38;
	[tilespmem:$0x1E090] =	vst v63  }
0x21: {  	s16 =	stileid.u32;
	s12 =	rddreg [dreg:$0x7]  }
0x22: {  	[tilespmem:s21], [sflag:$0x4] =	stream.linear.gather [hbm4b:s11+s4], $0x7D0, $0x38;
	[tilespmem:$0x1E090] =	vst v63  }
0x23: {  	s8 =	sshll.u32 s16, $0x6;
	s15 =	rddreg [dreg:$0x8]  }
0x24: {  	[tilespmem:s25], [sflag:$0x3] =	stream.linear.gather [hbm4b:s12+s4], $0x7D0, $0x38;
	[tilespmem:$0x1E090] =	vst v63  }
0x25: {  	s8 =	sor.u32 $0x1C07, s8;
	s9 =	rddreg [dreg:$0x9]  }
0x26: {  	[tilespmem:s26], [sflag:$0x5] =	stream.linear.gather [hbm4b:s15+s4], $0x7D0, $0x38;
	[tilespmem:$0x1E090] =	vst v63  }
0x27: {  	[spmem:s22], [sflag:s8] =	dma.local [hbm:s9], $0x3200  }
0x28: {  	_ =	swait.ge [sflag:s19], $0x3200  }
0x29: {  	[sflag:s19] =	ssyncset.done $0x0  }
0x2a: {  	[sflag:s19] =	ssyncadd.s32 $0xFFFFCE00  }
0x2b: {  	_ =	swait.ge [sflag:s28], $0x3100  }
0x2c: {  	[sflag:s28] =	ssyncset.done $0x0  }
0x2d: {  	[sflag:s28] =	ssyncadd.s32 $0xFFFFCF00  }
0x2e: {  	s9 =	simm.s32 $0x0;
	[bflag:$0x0] =	sbarrier.arrive $0xFFFF  }
.LBB2_2:
0x2f: {  	_ =	swait.ge [sflag:s29], $0x7D0  }
0x30: {  	[sflag:s29] =	ssyncset.done $0x0  }
0x31: {  	[sflag:s29] =	ssyncadd.s32 $0xFFFFF830  }
0x32: {  	_ =	swait.ge [sflag:s30], $0x7D0  }
0x33: {  	[sflag:s30] =	ssyncset.done $0x0  }
0x34: {  	s12 =	simm.s32 $0x0;
	[sflag:s30] =	ssyncadd.s32 $0xFFFFF830  }
0x35: {  	v1 =	vld [tilespmem:s12+$0x3150];
	_ =	sdelay $0x4  }
0x36: {  	v2 =	vshrl.u32 v1, $0x2;
	v3 =	vshra.s32 v1, $0x2  }
0x37: {  	v3 =	vand.u32 $0xFFFFFFF0, v3;
	v2 =	vand.u32 $0xF, v2  }
0x38: {  	v2 =	vor.u32 v2, v3;
	_ =	sdelay $0x2  }
0x39: {  	v3 =	vld [tilespmem:s12+$0x3160]  }
0x3a: {  	v4 =	vld [tilespmem:s12+$0x40F0]  }
0x3b: {  	v2 =	vld.idx.msk [tilespmem:v2+s4+$0x0], $0xffff;
	_ =	sdelay $0x2  }
0x3c: {  	v1 =	vshll.u32 v1, $0x3;
	v6 =	vshra.s32 v3, $0x2  }
0x3d: {  	v1 =	vand.u32 $0x18, v1;
	v5 =	vshrl.u32 v3, $0x2;
	v6 =	vand.u32 $0xFFFFFFF0, v6  }
0x3e: {  	v5 =	vand.u32 $0xF, v5;
	v1 =	vshra.s32 v2, v1;
	v2 =	vsub.s32 v4, v0  }
0x3f: {  	v47 =	vor.u32 v5, v6;
	v1 =	vand.u32 $0x3F, v1;
	v48 =	vshll.u32 v2, $0x6  }
0x40: {  	vm0 =	vlt.u32 v2, $0x61A8;
	v1 =	vor.u32 v1, v48  }
0x41: {  	v1 =	vnsel vm0, $0x186A00, v1  }
0x42: {  	[tilespmem:s12+$0x40F0] =	vst v1;
	v1 =	vld [tilespmem:s12+$0x3170]  }
0x43: {  	v49 =	vld [tilespmem:s12+$0x4100]  }
0x44: {  	v2 =	vld.idx.msk [tilespmem:v47+s4+$0x0], $0xffff;
	_ =	sdelay $0x2  }
0x45: {  	v3 =	vshll.u32 v3, $0x3;
	v51 =	vshra.s32 v1, $0x2  }
0x46: {  	v3 =	vand.u32 $0x18, v3;
	v50 =	vshrl.u32 v1, $0x2;
	v6 =	vand.u32 $0xFFFFFFF0, v51  }
0x47: {  	v5 =	vand.u32 $0xF, v50;
	v2 =	vshra.s32 v2, v3;
	v3 =	vsub.s32 v49, v0  }
0x48: {  	v52 =	vor.u32 v5, v6;
	v2 =	vand.u32 $0x3F, v2;
	v53 =	vshll.u32 v3, $0x6  }
0x49: {  	vm12 =	vlt.u32 v3, $0x61A8;
	v2 =	vor.u32 v2, v53  }
0x4a: {  	v2 =	vnsel vm12, $0x186A00, v2  }
0x4b: {  	[tilespmem:s12+$0x4100] =	vst v2;
	v2 =	vld [tilespmem:s12+$0x3180]  }
0x4c: {  	v54 =	vld [tilespmem:s12+$0x4110]  }
0x4d: {  	v3 =	vld.idx.msk [tilespmem:v52+s4+$0x0], $0xffff;
	_ =	sdelay $0x2  }
0x4e: {  	v1 =	vshll.u32 v1, $0x3;
	v56 =	vshra.s32 v2, $0x2  }
0x4f: {  	v1 =	vand.u32 $0x18, v1;
	v55 =	vshrl.u32 v2, $0x2;
	v6 =	vand.u32 $0xFFFFFFF0, v56  }
0x50: {  	v5 =	vand.u32 $0xF, v55;
	v1 =	vshra.s32 v3, v1;
	v3 =	vsub.s32 v54, v0  }
0x51: {  	v57 =	vor.u32 v5, v6;
	v1 =	vand.u32 $0x3F, v1;
	v58 =	vshll.u32 v3, $0x6  }
0x52: {  	vm13 =	vlt.u32 v3, $0x61A8;
	v1 =	vor.u32 v1, v58  }
0x53: {  	v1 =	vnsel vm13, $0x186A00, v1  }
0x54: {  	[tilespmem:s12+$0x4110] =	vst v1;
	v1 =	vld [tilespmem:s12+$0x3190]  }
0x55: {  	v59 =	vld [tilespmem:s12+$0x4120]  }
0x56: {  	v3 =	vld.idx.msk [tilespmem:v57+s4+$0x0], $0xffff;
	_ =	sdelay $0x2  }
0x57: {  	v2 =	vshll.u32 v2, $0x3;
	v60 =	vshrl.u32 v1, $0x2;
	v61 =	vshra.s32 v1, $0x2  }
0x58: {  	v2 =	vand.u32 $0x18, v2;
	v6 =	vand.u32 $0xFFFFFFF0, v61;
	v5 =	vand.u32 $0xF, v60  }
0x59: {  	v2 =	vshra.s32 v3, v2;
	v3 =	vsub.s32 v59, v0;
	v62 =	vor.u32 v5, v6  }
0x5a: {  	v2 =	vand.u32 $0x3F, v2;
	v63 =	vshll.u32 v3, $0x6  }
0x5b: {  	vm14 =	vlt.u32 v3, $0x61A8;
	v2 =	vor.u32 v2, v63  }
0x5c: {  	v2 =	vnsel vm14, $0x186A00, v2  }
0x5d: {  	v3 =	vld [tilespmem:s12+$0x4130];
	[tilespmem:s12+$0x4120] =	vst v2  }
0x5e: {  	v2 =	vld.idx.msk [tilespmem:v62+s4+$0x0], $0xffff;
	_ =	sdelay $0x2  }
0x5f: {  	v1 =	vshll.u32 v1, $0x3  }
0x60: {  	v1 =	vand.u32 $0x18, v1  }
0x61: {  	v1 =	vshra.s32 v2, v1;
	v2 =	vsub.s32 v3, v0  }
0x62: {  	v1 =	vand.u32 $0x3F, v1;
	v3 =	vshll.u32 v2, $0x6  }
0x63: {  	vm15 =	vlt.u32 v2, $0x61A8;
	v1 =	vor.u32 v1, v3  }
0x64: {  	v1 =	vnsel vm15, $0x186A00, v1  }
0x65: {  	s10 =	simm.s32 $0x50;
	s11 =	simm.s32 $0x280;
	s15 =	simm.s32 $0x40F0;
	[tilespmem:s12+$0x4130] =	vst v1  }
.LBB2_3:
0x66: {  	[spmem:s3] =	stream.indirect.scatter.add.f32 [tilespmem:s18], [sflag:$0x6], $0x1, s15, s31, $0xb8;
	[tilespmem:$0x1E090] =	vst v63  }
0x67: {  	s12 =	sshra.s32 s11, $0x2;
	p1 =	sne.s32 s11, $0x1E00;
	s11 =	sadd.s32 $0x140, s11;
	v1 =	vld [tilespmem:s10+$0x3150]  }
0x68: {  	_ =	sdelay $0x3  }
0x69: {  	v2 =	vshrl.u32 v1, $0x2;
	v3 =	vshra.s32 v1, $0x2;
	v1 =	vshll.u32 v1, $0x3  }
0x6a: {  	v3 =	vand.u32 $0xFFFFFFF0, v3;
	v2 =	vand.u32 $0xF, v2  }
0x6b: {  	v2 =	vor.u32 v2, v3;
	_ =	sdelay $0x3  }
0x6c: {  	v3 =	vld [tilespmem:s10+$0x3160]  }
0x6d: {  	v2 =	vld.idx.msk [tilespmem:v2+s4+$0x0], $0xffff  }
0x6e: {  	v4 =	vld [tilespmem:s10+$0x40F0];
	_ =	sdelay $0x2  }
0x6f: {  	v5 =	vshrl.u32 v3, $0x2;
	v6 =	vshra.s32 v3, $0x2;
	v3 =	vshll.u32 v3, $0x3  }
0x70: {  	v1 =	vand.u32 $0x18, v1;
	v6 =	vand.u32 $0xFFFFFFF0, v6;
	v5 =	vand.u32 $0xF, v5  }
0x71: {  	v1 =	vshra.s32 v2, v1;
	v2 =	vsub.s32 v4, v0;
	v4 =	vor.u32 v5, v6  }
0x72: {  	v1 =	vand.u32 $0x3F, v1;
	v5 =	vshll.u32 v2, $0x6  }
0x73: {  	vm0 =	vlt.u32 v2, $0x61A8;
	v1 =	vor.u32 v1, v5  }
0x74: {  	v1 =	vnsel vm0, $0x186A00, v1  }
0x75: {  	[tilespmem:s10+$0x40F0] =	vst v1;
	v1 =	vld [tilespmem:s10+$0x3170]  }
0x76: {  	v2 =	vld.idx.msk [tilespmem:v4+s4+$0x0], $0xffff  }
0x77: {  	v4 =	vld [tilespmem:s10+$0x4100];
	_ =	sdelay $0x2  }
0x78: {  	v5 =	vshrl.u32 v1, $0x2;
	v6 =	vshra.s32 v1, $0x2;
	v1 =	vshll.u32 v1, $0x3  }
0x79: {  	v3 =	vand.u32 $0x18, v3;
	v6 =	vand.u32 $0xFFFFFFF0, v6;
	v5 =	vand.u32 $0xF, v5  }
0x7a: {  	v2 =	vshra.s32 v2, v3;
	v3 =	vsub.s32 v4, v0;
	v4 =	vor.u32 v5, v6  }
0x7b: {  	v2 =	vand.u32 $0x3F, v2;
	v5 =	vshll.u32 v3, $0x6  }
0x7c: {  	vm0 =	vlt.u32 v3, $0x61A8;
	v2 =	vor.u32 v2, v5  }
0x7d: {  	v2 =	vnsel vm0, $0x186A00, v2  }
0x7e: {  	[tilespmem:s10+$0x4100] =	vst v2;
	v2 =	vld [tilespmem:s10+$0x3180]  }
0x7f: {  	v3 =	vld.idx.msk [tilespmem:v4+s4+$0x0], $0xffff  }
0x80: {  	v4 =	vld [tilespmem:s10+$0x4110];
	_ =	sdelay $0x2  }
0x81: {  	v5 =	vshrl.u32 v2, $0x2;
	v6 =	vshra.s32 v2, $0x2;
	v2 =	vshll.u32 v2, $0x3  }
0x82: {  	v1 =	vand.u32 $0x18, v1;
	v6 =	vand.u32 $0xFFFFFFF0, v6;
	v5 =	vand.u32 $0xF, v5  }
0x83: {  	v1 =	vshra.s32 v3, v1;
	v3 =	vsub.s32 v4, v0;
	v4 =	vor.u32 v5, v6  }
0x84: {  	v1 =	vand.u32 $0x3F, v1;
	v5 =	vshll.u32 v3, $0x6  }
0x85: {  	vm0 =	vlt.u32 v3, $0x61A8;
	v1 =	vor.u32 v1, v5  }
0x86: {  	v1 =	vnsel vm0, $0x186A00, v1  }
0x87: {  	[tilespmem:s10+$0x4110] =	vst v1;
	v1 =	vld [tilespmem:s10+$0x3190]  }
0x88: {  	v3 =	vld.idx.msk [tilespmem:v4+s4+$0x0], $0xffff  }
0x89: {  	v4 =	vld [tilespmem:s10+$0x4120];
	_ =	sdelay $0x2  }
0x8a: {  	v5 =	vshrl.u32 v1, $0x2;
	v6 =	vshra.s32 v1, $0x2;
	v1 =	vshll.u32 v1, $0x3  }
0x8b: {  	v2 =	vand.u32 $0x18, v2;
	v6 =	vand.u32 $0xFFFFFFF0, v6;
	v5 =	vand.u32 $0xF, v5  }
0x8c: {  	v2 =	vshra.s32 v3, v2;
	v3 =	vsub.s32 v4, v0;
	v4 =	vor.u32 v5, v6  }
0x8d: {  	v2 =	vand.u32 $0x3F, v2;
	v5 =	vshll.u32 v3, $0x6  }
0x8e: {  	vm0 =	vlt.u32 v3, $0x61A8;
	v2 =	vor.u32 v2, v5  }
0x8f: {  	v2 =	vnsel vm0, $0x186A00, v2  }
0x90: {  	[tilespmem:s10+$0x4120] =	vst v2  }
0x91: {  	v2 =	vld.idx.msk [tilespmem:v4+s4+$0x0], $0xffff  }
0x92: {  	v3 =	vld [tilespmem:s10+$0x4130];
	_ =	sdelay $0x3  }
0x93: {  	v1 =	vand.u32 $0x18, v1  }
.Ltmp0:
0x94: {  	v1 =	vshra.s32 v2, v1;
	v2 =	vsub.s32 v3, v0;
	(pc) =	sbr.rel @p1 .LBB2_3-.Ltmp0, $4  }
0x95: {  	v1 =	vand.u32 $0x3F, v1;
	v3 =	vshll.u32 v2, $0x6  }
0x96: {  	vm0 =	vlt.u32 v2, $0x61A8;
	v1 =	vor.u32 v1, v3  }
0x97: {  	v1 =	vnsel vm0, $0x186A00, v1  }
0x98: {  	s15 =	sadd.s32 $0x40F0, s10;
	[tilespmem:s10+$0x4130] =	vst v1;
	s10 =	smov.u32 s12  }
0x99: {  	[spmem:s3] =	stream.indirect.scatter.add.f32 [tilespmem:s18], [sflag:$0x6], $0x1, s15, s31, $0xb8;
	[tilespmem:$0x1E090] =	vst v63  }
0x9a: {  	v1 =	vld [tilespmem:s10+$0x3150];
	_ =	sdelay $0x4  }
0x9b: {  	v2 =	vshrl.u32 v1, $0x2;
	v3 =	vshra.s32 v1, $0x2  }
0x9c: {  	v3 =	vand.u32 $0xFFFFFFF0, v3;
	v2 =	vand.u32 $0xF, v2  }
0x9d: {  	v2 =	vor.u32 v2, v3;
	_ =	sdelay $0x2  }
0x9e: {  	v3 =	vld [tilespmem:s10+$0x3160]  }
0x9f: {  	v4 =	vld [tilespmem:s10+$0x40F0]  }
0xa0: {  	v2 =	vld.idx.msk [tilespmem:v2+s4+$0x0], $0xffff;
	_ =	sdelay $0x2  }
0xa1: {  	v1 =	vshll.u32 v1, $0x3;
	v5 =	vshra.s32 v3, $0x2  }
0xa2: {  	v1 =	vand.u32 $0x18, v1;
	v6 =	vshrl.u32 v3, $0x2;
	v5 =	vand.u32 $0xFFFFFFF0, v5  }
0xa3: {  	v6 =	vand.u32 $0xF, v6;
	v1 =	vshra.s32 v2, v1;
	v2 =	vsub.s32 v4, v0  }
0xa4: {  	v27 =	vor.u32 v6, v5;
	v1 =	vand.u32 $0x3F, v1;
	v28 =	vshll.u32 v2, $0x6  }
0xa5: {  	vm0 =	vlt.u32 v2, $0x61A8;
	v1 =	vor.u32 v1, v28  }
0xa6: {  	v1 =	vnsel vm0, $0x186A00, v1  }
0xa7: {  	[tilespmem:s10+$0x40F0] =	vst v1;
	v1 =	vld [tilespmem:s10+$0x3170]  }
0xa8: {  	v29 =	vld [tilespmem:s10+$0x4100]  }
0xa9: {  	v2 =	vld.idx.msk [tilespmem:v27+s4+$0x0], $0xffff;
	_ =	sdelay $0x2  }
0xaa: {  	v3 =	vshll.u32 v3, $0x3;
	v30 =	vshra.s32 v1, $0x2  }
0xab: {  	v3 =	vand.u32 $0x18, v3;
	v31 =	vshrl.u32 v1, $0x2;
	v5 =	vand.u32 $0xFFFFFFF0, v30  }
0xac: {  	v6 =	vand.u32 $0xF, v31;
	v2 =	vshra.s32 v2, v3;
	v3 =	vsub.s32 v29, v0  }
0xad: {  	v32 =	vor.u32 v6, v5;
	v2 =	vand.u32 $0x3F, v2;
	v33 =	vshll.u32 v3, $0x6  }
0xae: {  	vm7 =	vlt.u32 v3, $0x61A8;
	v2 =	vor.u32 v2, v33  }
0xaf: {  	v2 =	vnsel vm7, $0x186A00, v2  }
0xb0: {  	[tilespmem:s10+$0x4100] =	vst v2;
	v2 =	vld [tilespmem:s10+$0x3180]  }
0xb1: {  	v34 =	vld [tilespmem:s10+$0x4110]  }
0xb2: {  	v3 =	vld.idx.msk [tilespmem:v32+s4+$0x0], $0xffff;
	_ =	sdelay $0x2  }
0xb3: {  	v1 =	vshll.u32 v1, $0x3;
	v35 =	vshra.s32 v2, $0x2  }
0xb4: {  	v1 =	vand.u32 $0x18, v1;
	v36 =	vshrl.u32 v2, $0x2;
	v5 =	vand.u32 $0xFFFFFFF0, v35  }
0xb5: {  	v6 =	vand.u32 $0xF, v36;
	v1 =	vshra.s32 v3, v1;
	v3 =	vsub.s32 v34, v0  }
0xb6: {  	v37 =	vor.u32 v6, v5;
	v1 =	vand.u32 $0x3F, v1;
	v38 =	vshll.u32 v3, $0x6  }
0xb7: {  	vm8 =	vlt.u32 v3, $0x61A8;
	v1 =	vor.u32 v1, v38  }
0xb8: {  	v1 =	vnsel vm8, $0x186A00, v1  }
0xb9: {  	[tilespmem:s10+$0x4110] =	vst v1;
	v1 =	vld [tilespmem:s10+$0x3190]  }
0xba: {  	v39 =	vld [tilespmem:s10+$0x4120]  }
0xbb: {  	v3 =	vld.idx.msk [tilespmem:v37+s4+$0x0], $0xffff;
	_ =	sdelay $0x2  }
0xbc: {  	v2 =	vshll.u32 v2, $0x3;
	v40 =	vshrl.u32 v1, $0x2;
	v41 =	vshra.s32 v1, $0x2  }
0xbd: {  	v2 =	vand.u32 $0x18, v2;
	v6 =	vand.u32 $0xFFFFFFF0, v41;
	v5 =	vand.u32 $0xF, v40  }
0xbe: {  	v2 =	vshra.s32 v3, v2;
	v3 =	vsub.s32 v39, v0;
	v42 =	vor.u32 v5, v6  }
0xbf: {  	v2 =	vand.u32 $0x3F, v2;
	v43 =	vshll.u32 v3, $0x6  }
0xc0: {  	vm9 =	vlt.u32 v3, $0x61A8;
	v2 =	vor.u32 v2, v43  }
0xc1: {  	v2 =	vnsel vm9, $0x186A00, v2  }
0xc2: {  	v3 =	vld [tilespmem:s10+$0x4130];
	[tilespmem:s10+$0x4120] =	vst v2  }
0xc3: {  	v2 =	vld.idx.msk [tilespmem:v42+s4+$0x0], $0xffff;
	_ =	sdelay $0x2  }
0xc4: {  	v1 =	vshll.u32 v1, $0x3  }
0xc5: {  	v1 =	vand.u32 $0x18, v1  }
0xc6: {  	v1 =	vshra.s32 v2, v1;
	v2 =	vsub.s32 v3, v0  }
0xc7: {  	v1 =	vand.u32 $0x3F, v1;
	v3 =	vshll.u32 v2, $0x6  }
0xc8: {  	vm10 =	vlt.u32 v2, $0x61A8;
	v1 =	vor.u32 v1, v3  }
0xc9: {  	v1 =	vnsel vm10, $0x186A00, v1  }
0xca: {  	s11 =	sadd.s32 $0x40F0, s10;
	[tilespmem:s10+$0x4130] =	vst v1  }
0xcb: {  	[spmem:s3] =	stream.indirect.scatter.add.f32 [tilespmem:s18], [sflag:$0x6], $0x1, s11, s31, $0xb8;
	[tilespmem:$0x1E090] =	vst v63  }
0xcc: {  	_ =	swait.ge [sflag:s0], $0x50  }
0xcd: {  	[sflag:s0] =	ssyncset.done $0x0  }
0xce: {  	[sflag:s0] =	ssyncadd.s32 $0xFFFFFFB0  }
0xcf: {  	_ =	swait.ge [sflag:s0], $0x50  }
0xd0: {  	[sflag:s0] =	ssyncset.done $0x0  }
0xd1: {  	[sflag:s0] =	ssyncadd.s32 $0xFFFFFFB0  }
0xd2: {  	_ =	swait.ge [sflag:s0], $0x50  }
0xd3: {  	[sflag:s0] =	ssyncset.done $0x0  }
0xd4: {  	[sflag:s0] =	ssyncadd.s32 $0xFFFFFFB0  }
0xd5: {  	_ =	swait.ge [sflag:s0], $0x50  }
0xd6: {  	[sflag:s0] =	ssyncset.done $0x0  }
0xd7: {  	[sflag:s0] =	ssyncadd.s32 $0xFFFFFFB0  }
0xd8: {  	_ =	swait.ge [sflag:s0], $0x50  }
0xd9: {  	[sflag:s0] =	ssyncset.done $0x0  }
0xda: {  	[sflag:s0] =	ssyncadd.s32 $0xFFFFFFB0  }
0xdb: {  	_ =	swait.ge [sflag:s0], $0x50  }
0xdc: {  	[sflag:s0] =	ssyncset.done $0x0  }
0xdd: {  	[sflag:s0] =	ssyncadd.s32 $0xFFFFFFB0  }
0xde: {  	_ =	swait.ge [sflag:s0], $0x50  }
0xdf: {  	[sflag:s0] =	ssyncset.done $0x0  }
0xe0: {  	[sflag:s0] =	ssyncadd.s32 $0xFFFFFFB0  }
0xe1: {  	_ =	swait.ge [sflag:s0], $0x50  }
0xe2: {  	[sflag:s0] =	ssyncset.done $0x0  }
0xe3: {  	[sflag:s0] =	ssyncadd.s32 $0xFFFFFFB0  }
0xe4: {  	_ =	swait.ge [sflag:s0], $0x50  }
0xe5: {  	[sflag:s0] =	ssyncset.done $0x0  }
0xe6: {  	[sflag:s0] =	ssyncadd.s32 $0xFFFFFFB0  }
0xe7: {  	_ =	swait.ge [sflag:s0], $0x50  }
0xe8: {  	[sflag:s0] =	ssyncset.done $0x0  }
0xe9: {  	[sflag:s0] =	ssyncadd.s32 $0xFFFFFFB0  }
0xea: {  	_ =	swait.ge [sflag:s0], $0x50  }
0xeb: {  	[sflag:s0] =	ssyncset.done $0x0  }
0xec: {  	[sflag:s0] =	ssyncadd.s32 $0xFFFFFFB0  }
0xed: {  	_ =	swait.ge [sflag:s0], $0x50  }
0xee: {  	[sflag:s0] =	ssyncset.done $0x0  }
0xef: {  	[sflag:s0] =	ssyncadd.s32 $0xFFFFFFB0  }
0xf0: {  	_ =	swait.ge [sflag:s0], $0x50  }
0xf1: {  	[sflag:s0] =	ssyncset.done $0x0  }
0xf2: {  	[sflag:s0] =	ssyncadd.s32 $0xFFFFFFB0  }
0xf3: {  	_ =	swait.ge [sflag:s0], $0x50  }
0xf4: {  	[sflag:s0] =	ssyncset.done $0x0  }
0xf5: {  	[sflag:s0] =	ssyncadd.s32 $0xFFFFFFB0  }
0xf6: {  	_ =	swait.ge [sflag:s0], $0x50  }
0xf7: {  	[sflag:s0] =	ssyncset.done $0x0  }
0xf8: {  	[sflag:s0] =	ssyncadd.s32 $0xFFFFFFB0  }
0xf9: {  	_ =	swait.ge [sflag:s0], $0x50  }
0xfa: {  	[sflag:s0] =	ssyncset.done $0x0  }
0xfb: {  	[sflag:s0] =	ssyncadd.s32 $0xFFFFFFB0  }
0xfc: {  	_ =	swait.ge [sflag:s0], $0x50  }
0xfd: {  	[sflag:s0] =	ssyncset.done $0x0  }
0xfe: {  	[sflag:s0] =	ssyncadd.s32 $0xFFFFFFB0  }
0xff: {  	_ =	swait.ge [sflag:s0], $0x50  }
0x100: {  	[sflag:s0] =	ssyncset.done $0x0  }
0x101: {  	[sflag:s0] =	ssyncadd.s32 $0xFFFFFFB0  }
0x102: {  	_ =	swait.ge [sflag:s0], $0x50  }
0x103: {  	[sflag:s0] =	ssyncset.done $0x0  }
0x104: {  	[sflag:s0] =	ssyncadd.s32 $0xFFFFFFB0  }
0x105: {  	_ =	swait.ge [sflag:s0], $0x50  }
0x106: {  	[sflag:s0] =	ssyncset.done $0x0  }
0x107: {  	[sflag:s0] =	ssyncadd.s32 $0xFFFFFFB0  }
0x108: {  	_ =	swait.ge [sflag:s0], $0x50  }
0x109: {  	[sflag:s0] =	ssyncset.done $0x0  }
0x10a: {  	[sflag:s0] =	ssyncadd.s32 $0xFFFFFFB0  }
0x10b: {  	_ =	swait.ge [sflag:s0], $0x50  }
0x10c: {  	[sflag:s0] =	ssyncset.done $0x0  }
0x10d: {  	[sflag:s0] =	ssyncadd.s32 $0xFFFFFFB0  }
0x10e: {  	_ =	swait.ge [sflag:s0], $0x50  }
0x10f: {  	[sflag:s0] =	ssyncset.done $0x0  }
0x110: {  	[sflag:s0] =	ssyncadd.s32 $0xFFFFFFB0  }
0x111: {  	_ =	swait.ge [sflag:s0], $0x50  }
0x112: {  	s10 =	smul.u32 $0xFA0, s9;
	[sflag:s0] =	ssyncset.done $0x0  }
0x113: {  	[sflag:s0] =	ssyncadd.s32 $0xFFFFFFB0  }
0x114: {  	s15 =	sadd.s32 s10, s13;
	_ =	swait.ge [sflag:s0], $0x50  }
0x115: {  	s11 =	sshrl.u32 s15, $0x3;
	[sflag:s0] =	ssyncset.done $0x0  }
0x116: {  	s16 =	simm.s32 $0x0;
	s12 =	sadd.s32 s5, s11;
	[sflag:s0] =	ssyncadd.s32 $0xFFFFFFB0  }
0x117: {  	[tilespmem:s20], [sflag:$0x2] =	stream.linear.gather [hbm4b:s12+s16], $0x7D0, $0x38;
	[tilespmem:$0x1E090] =	vst v63  }
0x118: {  	s11 =	sadd.s32 s6, s11  }
0x119: {  	[tilespmem:s21], [sflag:$0x4] =	stream.linear.gather [hbm4b:s11+s16], $0x7D0, $0x38;
	[tilespmem:$0x1E090] =	vst v63  }
0x11a: {  	_ =	swait.ge [sflag:s1], $0x7D0  }
0x11b: {  	[sflag:s1] =	ssyncset.done $0x0  }
0x11c: {  	[sflag:s1] =	ssyncadd.s32 $0xFFFFF830  }
0x11d: {  	_ =	swait.ge [sflag:s2], $0x7D0  }
0x11e: {  	[sflag:s2] =	ssyncset.done $0x0  }
0x11f: {  	s15 =	simm.s32 $0x0;
	[sflag:s2] =	ssyncadd.s32 $0xFFFFF830  }
0x120: {  	v1 =	vld [tilespmem:s15+$0x3920];
	_ =	sdelay $0x4  }
0x121: {  	v2 =	vshrl.u32 v1, $0x2;
	v3 =	vshra.s32 v1, $0x2  }
0x122: {  	v3 =	vand.u32 $0xFFFFFFF0, v3;
	v2 =	vand.u32 $0xF, v2  }
0x123: {  	v2 =	vor.u32 v2, v3;
	_ =	sdelay $0x2  }
0x124: {  	v3 =	vld [tilespmem:s15+$0x3930]  }
0x125: {  	v44 =	vld [tilespmem:s15+$0x48C0]  }
0x126: {  	v2 =	vld.idx.msk [tilespmem:v2+s4+$0x0], $0xffff;
	_ =	sdelay $0x2  }
0x127: {  	v1 =	vshll.u32 v1, $0x3;
	v46 =	vshra.s32 v3, $0x2  }
0x128: {  	v1 =	vand.u32 $0x18, v1;
	v45 =	vshrl.u32 v3, $0x2;
	v6 =	vand.u32 $0xFFFFFFF0, v46  }
0x129: {  	v5 =	vand.u32 $0xF, v45;
	v1 =	vshra.s32 v2, v1;
	v2 =	vsub.s32 v44, v0  }
0x12a: {  	v47 =	vor.u32 v5, v6;
	v1 =	vand.u32 $0x3F, v1;
	v48 =	vshll.u32 v2, $0x6  }
0x12b: {  	vm11 =	vlt.u32 v2, $0x61A8;
	v1 =	vor.u32 v1, v48  }
0x12c: {  	v1 =	vnsel vm11, $0x186A00, v1  }
0x12d: {  	[tilespmem:s15+$0x48C0] =	vst v1;
	v1 =	vld [tilespmem:s15+$0x3940]  }
0x12e: {  	v49 =	vld [tilespmem:s15+$0x48D0]  }
0x12f: {  	v2 =	vld.idx.msk [tilespmem:v47+s4+$0x0], $0xffff;
	_ =	sdelay $0x2  }
0x130: {  	v3 =	vshll.u32 v3, $0x3;
	v51 =	vshra.s32 v1, $0x2  }
0x131: {  	v3 =	vand.u32 $0x18, v3;
	v50 =	vshrl.u32 v1, $0x2;
	v6 =	vand.u32 $0xFFFFFFF0, v51  }
0x132: {  	v5 =	vand.u32 $0xF, v50;
	v2 =	vshra.s32 v2, v3;
	v3 =	vsub.s32 v49, v0  }
0x133: {  	v52 =	vor.u32 v5, v6;
	v2 =	vand.u32 $0x3F, v2;
	v53 =	vshll.u32 v3, $0x6  }
0x134: {  	vm12 =	vlt.u32 v3, $0x61A8;
	v2 =	vor.u32 v2, v53  }
0x135: {  	v2 =	vnsel vm12, $0x186A00, v2  }
0x136: {  	[tilespmem:s15+$0x48D0] =	vst v2;
	v2 =	vld [tilespmem:s15+$0x3950]  }
0x137: {  	v54 =	vld [tilespmem:s15+$0x48E0]  }
0x138: {  	v3 =	vld.idx.msk [tilespmem:v52+s4+$0x0], $0xffff;
	_ =	sdelay $0x2  }
0x139: {  	v1 =	vshll.u32 v1, $0x3;
	v56 =	vshra.s32 v2, $0x2  }
0x13a: {  	v1 =	vand.u32 $0x18, v1;
	v55 =	vshrl.u32 v2, $0x2;
	v6 =	vand.u32 $0xFFFFFFF0, v56  }
0x13b: {  	v5 =	vand.u32 $0xF, v55;
	v1 =	vshra.s32 v3, v1;
	v3 =	vsub.s32 v54, v0  }
0x13c: {  	v57 =	vor.u32 v5, v6;
	v1 =	vand.u32 $0x3F, v1;
	v58 =	vshll.u32 v3, $0x6  }
0x13d: {  	vm13 =	vlt.u32 v3, $0x61A8;
	v1 =	vor.u32 v1, v58  }
0x13e: {  	v1 =	vnsel vm13, $0x186A00, v1  }
0x13f: {  	[tilespmem:s15+$0x48E0] =	vst v1;
	v1 =	vld [tilespmem:s15+$0x3960]  }
0x140: {  	v59 =	vld [tilespmem:s15+$0x48F0]  }
0x141: {  	v3 =	vld.idx.msk [tilespmem:v57+s4+$0x0], $0xffff;
	_ =	sdelay $0x2  }
0x142: {  	v2 =	vshll.u32 v2, $0x3;
	v60 =	vshrl.u32 v1, $0x2;
	v61 =	vshra.s32 v1, $0x2  }
0x143: {  	v2 =	vand.u32 $0x18, v2;
	v6 =	vand.u32 $0xFFFFFFF0, v61;
	v5 =	vand.u32 $0xF, v60  }
0x144: {  	v2 =	vshra.s32 v3, v2;
	v3 =	vsub.s32 v59, v0;
	v62 =	vor.u32 v5, v6  }
0x145: {  	v2 =	vand.u32 $0x3F, v2;
	v63 =	vshll.u32 v3, $0x6  }
0x146: {  	vm14 =	vlt.u32 v3, $0x61A8;
	v2 =	vor.u32 v2, v63  }
0x147: {  	v2 =	vnsel vm14, $0x186A00, v2  }
0x148: {  	v3 =	vld [tilespmem:s15+$0x4900];
	[tilespmem:s15+$0x48F0] =	vst v2  }
0x149: {  	v2 =	vld.idx.msk [tilespmem:v62+s4+$0x0], $0xffff;
	_ =	sdelay $0x2  }
0x14a: {  	v1 =	vshll.u32 v1, $0x3  }
0x14b: {  	v1 =	vand.u32 $0x18, v1  }
0x14c: {  	v1 =	vshra.s32 v2, v1;
	v2 =	vsub.s32 v3, v0  }
0x14d: {  	v1 =	vand.u32 $0x3F, v1;
	v3 =	vshll.u32 v2, $0x6  }
0x14e: {  	vm15 =	vlt.u32 v2, $0x61A8;
	v1 =	vor.u32 v1, v3  }
0x14f: {  	v1 =	vnsel vm15, $0x186A00, v1  }
0x150: {  	s12 =	simm.s32 $0x280;
	s11 =	simm.s32 $0x50;
	s16 =	simm.s32 $0x48C0;
	[tilespmem:s15+$0x4900] =	vst v1  }
.LBB2_5:
0x151: {  	[spmem:s3] =	stream.indirect.scatter.add.f32 [tilespmem:s18], [sflag:$0x6], $0x1, s16, s31, $0xb8;
	[tilespmem:$0x1E090] =	vst v63  }
0x152: {  	s15 =	sshra.s32 s12, $0x2;
	p1 =	sne.s32 s12, $0x1E00;
	s12 =	sadd.s32 $0x140, s12;
	v1 =	vld [tilespmem:s11+$0x3920]  }
0x153: {  	_ =	sdelay $0x3  }
0x154: {  	v2 =	vshrl.u32 v1, $0x2;
	v3 =	vshra.s32 v1, $0x2;
	v1 =	vshll.u32 v1, $0x3  }
0x155: {  	v3 =	vand.u32 $0xFFFFFFF0, v3;
	v2 =	vand.u32 $0xF, v2  }
0x156: {  	v2 =	vor.u32 v2, v3;
	_ =	sdelay $0x3  }
0x157: {  	v3 =	vld [tilespmem:s11+$0x3930]  }
0x158: {  	v2 =	vld.idx.msk [tilespmem:v2+s4+$0x0], $0xffff  }
0x159: {  	v4 =	vld [tilespmem:s11+$0x48C0];
	_ =	sdelay $0x2  }
0x15a: {  	v5 =	vshrl.u32 v3, $0x2;
	v6 =	vshra.s32 v3, $0x2;
	v3 =	vshll.u32 v3, $0x3  }
0x15b: {  	v1 =	vand.u32 $0x18, v1;
	v6 =	vand.u32 $0xFFFFFFF0, v6;
	v5 =	vand.u32 $0xF, v5  }
0x15c: {  	v1 =	vshra.s32 v2, v1;
	v2 =	vsub.s32 v4, v0;
	v4 =	vor.u32 v5, v6  }
0x15d: {  	v1 =	vand.u32 $0x3F, v1;
	v5 =	vshll.u32 v2, $0x6  }
0x15e: {  	vm0 =	vlt.u32 v2, $0x61A8;
	v1 =	vor.u32 v1, v5  }
0x15f: {  	v1 =	vnsel vm0, $0x186A00, v1  }
0x160: {  	[tilespmem:s11+$0x48C0] =	vst v1;
	v1 =	vld [tilespmem:s11+$0x3940]  }
0x161: {  	v2 =	vld.idx.msk [tilespmem:v4+s4+$0x0], $0xffff  }
0x162: {  	v4 =	vld [tilespmem:s11+$0x48D0];
	_ =	sdelay $0x2  }
0x163: {  	v5 =	vshrl.u32 v1, $0x2;
	v6 =	vshra.s32 v1, $0x2;
	v1 =	vshll.u32 v1, $0x3  }
0x164: {  	v3 =	vand.u32 $0x18, v3;
	v6 =	vand.u32 $0xFFFFFFF0, v6;
	v5 =	vand.u32 $0xF, v5  }
0x165: {  	v2 =	vshra.s32 v2, v3;
	v3 =	vsub.s32 v4, v0;
	v4 =	vor.u32 v5, v6  }
0x166: {  	v2 =	vand.u32 $0x3F, v2;
	v5 =	vshll.u32 v3, $0x6  }
0x167: {  	vm0 =	vlt.u32 v3, $0x61A8;
	v2 =	vor.u32 v2, v5  }
0x168: {  	v2 =	vnsel vm0, $0x186A00, v2  }
0x169: {  	[tilespmem:s11+$0x48D0] =	vst v2;
	v2 =	vld [tilespmem:s11+$0x3950]  }
0x16a: {  	v3 =	vld.idx.msk [tilespmem:v4+s4+$0x0], $0xffff  }
0x16b: {  	v4 =	vld [tilespmem:s11+$0x48E0];
	_ =	sdelay $0x2  }
0x16c: {  	v5 =	vshrl.u32 v2, $0x2;
	v6 =	vshra.s32 v2, $0x2;
	v2 =	vshll.u32 v2, $0x3  }
0x16d: {  	v1 =	vand.u32 $0x18, v1;
	v6 =	vand.u32 $0xFFFFFFF0, v6;
	v5 =	vand.u32 $0xF, v5  }
0x16e: {  	v1 =	vshra.s32 v3, v1;
	v3 =	vsub.s32 v4, v0;
	v4 =	vor.u32 v5, v6  }
0x16f: {  	v1 =	vand.u32 $0x3F, v1;
	v5 =	vshll.u32 v3, $0x6  }
0x170: {  	vm0 =	vlt.u32 v3, $0x61A8;
	v1 =	vor.u32 v1, v5  }
0x171: {  	v1 =	vnsel vm0, $0x186A00, v1  }
0x172: {  	[tilespmem:s11+$0x48E0] =	vst v1;
	v1 =	vld [tilespmem:s11+$0x3960]  }
0x173: {  	v3 =	vld.idx.msk [tilespmem:v4+s4+$0x0], $0xffff  }
0x174: {  	v4 =	vld [tilespmem:s11+$0x48F0];
	_ =	sdelay $0x2  }
0x175: {  	v5 =	vshrl.u32 v1, $0x2;
	v6 =	vshra.s32 v1, $0x2;
	v1 =	vshll.u32 v1, $0x3  }
0x176: {  	v2 =	vand.u32 $0x18, v2;
	v6 =	vand.u32 $0xFFFFFFF0, v6;
	v5 =	vand.u32 $0xF, v5  }
0x177: {  	v2 =	vshra.s32 v3, v2;
	v3 =	vsub.s32 v4, v0;
	v4 =	vor.u32 v5, v6  }
0x178: {  	v2 =	vand.u32 $0x3F, v2;
	v5 =	vshll.u32 v3, $0x6  }
0x179: {  	vm0 =	vlt.u32 v3, $0x61A8;
	v2 =	vor.u32 v2, v5  }
0x17a: {  	v2 =	vnsel vm0, $0x186A00, v2  }
0x17b: {  	[tilespmem:s11+$0x48F0] =	vst v2  }
0x17c: {  	v2 =	vld.idx.msk [tilespmem:v4+s4+$0x0], $0xffff  }
0x17d: {  	v3 =	vld [tilespmem:s11+$0x4900];
	_ =	sdelay $0x3  }
0x17e: {  	v1 =	vand.u32 $0x18, v1  }
.Ltmp1:
0x17f: {  	v1 =	vshra.s32 v2, v1;
	v2 =	vsub.s32 v3, v0;
	(pc) =	sbr.rel @p1 .LBB2_5-.Ltmp1, $4  }
0x180: {  	v1 =	vand.u32 $0x3F, v1;
	v3 =	vshll.u32 v2, $0x6  }
0x181: {  	vm0 =	vlt.u32 v2, $0x61A8;
	v1 =	vor.u32 v1, v3  }
0x182: {  	v1 =	vnsel vm0, $0x186A00, v1  }
0x183: {  	s16 =	sadd.s32 $0x48C0, s11;
	[tilespmem:s11+$0x4900] =	vst v1;
	s11 =	smov.u32 s15  }
0x184: {  	[spmem:s3] =	stream.indirect.scatter.add.f32 [tilespmem:s18], [sflag:$0x6], $0x1, s16, s31, $0xb8;
	[tilespmem:$0x1E090] =	vst v63  }
0x185: {  	v1 =	vld [tilespmem:s11+$0x3920];
	_ =	sdelay $0x4  }
0x186: {  	v2 =	vshrl.u32 v1, $0x2;
	v3 =	vshra.s32 v1, $0x2  }
0x187: {  	v3 =	vand.u32 $0xFFFFFFF0, v3;
	v2 =	vand.u32 $0xF, v2  }
0x188: {  	v2 =	vor.u32 v2, v3;
	_ =	sdelay $0x2  }
0x189: {  	v3 =	vld [tilespmem:s11+$0x3930]  }
0x18a: {  	v4 =	vld [tilespmem:s11+$0x48C0]  }
0x18b: {  	v2 =	vld.idx.msk [tilespmem:v2+s4+$0x0], $0xffff;
	_ =	sdelay $0x2  }
0x18c: {  	v1 =	vshll.u32 v1, $0x3;
	v5 =	vshra.s32 v3, $0x2  }
0x18d: {  	v1 =	vand.u32 $0x18, v1;
	v6 =	vshrl.u32 v3, $0x2;
	v5 =	vand.u32 $0xFFFFFFF0, v5  }
0x18e: {  	v6 =	vand.u32 $0xF, v6;
	v1 =	vshra.s32 v2, v1;
	v2 =	vsub.s32 v4, v0  }
0x18f: {  	v47 =	vor.u32 v6, v5;
	v1 =	vand.u32 $0x3F, v1;
	v48 =	vshll.u32 v2, $0x6  }
0x190: {  	vm0 =	vlt.u32 v2, $0x61A8;
	v1 =	vor.u32 v1, v48  }
0x191: {  	v1 =	vnsel vm0, $0x186A00, v1  }
0x192: {  	[tilespmem:s11+$0x48C0] =	vst v1;
	v1 =	vld [tilespmem:s11+$0x3940]  }
0x193: {  	v49 =	vld [tilespmem:s11+$0x48D0]  }
0x194: {  	v2 =	vld.idx.msk [tilespmem:v47+s4+$0x0], $0xffff;
	_ =	sdelay $0x2  }
0x195: {  	v3 =	vshll.u32 v3, $0x3;
	v50 =	vshra.s32 v1, $0x2  }
0x196: {  	v3 =	vand.u32 $0x18, v3;
	v51 =	vshrl.u32 v1, $0x2;
	v5 =	vand.u32 $0xFFFFFFF0, v50  }
0x197: {  	v6 =	vand.u32 $0xF, v51;
	v2 =	vshra.s32 v2, v3;
	v3 =	vsub.s32 v49, v0  }
0x198: {  	v52 =	vor.u32 v6, v5;
	v2 =	vand.u32 $0x3F, v2;
	v53 =	vshll.u32 v3, $0x6  }
0x199: {  	vm12 =	vlt.u32 v3, $0x61A8;
	v2 =	vor.u32 v2, v53  }
0x19a: {  	v2 =	vnsel vm12, $0x186A00, v2  }
0x19b: {  	[tilespmem:s11+$0x48D0] =	vst v2;
	v2 =	vld [tilespmem:s11+$0x3950]  }
0x19c: {  	v54 =	vld [tilespmem:s11+$0x48E0]  }
0x19d: {  	v3 =	vld.idx.msk [tilespmem:v52+s4+$0x0], $0xffff;
	_ =	sdelay $0x2  }
0x19e: {  	v1 =	vshll.u32 v1, $0x3;
	v55 =	vshra.s32 v2, $0x2  }
0x19f: {  	v1 =	vand.u32 $0x18, v1;
	v56 =	vshrl.u32 v2, $0x2;
	v5 =	vand.u32 $0xFFFFFFF0, v55  }
0x1a0: {  	v6 =	vand.u32 $0xF, v56;
	v1 =	vshra.s32 v3, v1;
	v3 =	vsub.s32 v54, v0  }
0x1a1: {  	v57 =	vor.u32 v6, v5;
	v1 =	vand.u32 $0x3F, v1;
	v58 =	vshll.u32 v3, $0x6  }
0x1a2: {  	vm13 =	vlt.u32 v3, $0x61A8;
	v1 =	vor.u32 v1, v58  }
0x1a3: {  	v1 =	vnsel vm13, $0x186A00, v1  }
0x1a4: {  	[tilespmem:s11+$0x48E0] =	vst v1;
	v1 =	vld [tilespmem:s11+$0x3960]  }
0x1a5: {  	v59 =	vld [tilespmem:s11+$0x48F0]  }
0x1a6: {  	v3 =	vld.idx.msk [tilespmem:v57+s4+$0x0], $0xffff;
	_ =	sdelay $0x2  }
0x1a7: {  	v2 =	vshll.u32 v2, $0x3;
	v60 =	vshrl.u32 v1, $0x2;
	v61 =	vshra.s32 v1, $0x2  }
0x1a8: {  	v2 =	vand.u32 $0x18, v2;
	v6 =	vand.u32 $0xFFFFFFF0, v61;
	v5 =	vand.u32 $0xF, v60  }
0x1a9: {  	v2 =	vshra.s32 v3, v2;
	v3 =	vsub.s32 v59, v0;
	v62 =	vor.u32 v5, v6  }
0x1aa: {  	v2 =	vand.u32 $0x3F, v2;
	v63 =	vshll.u32 v3, $0x6  }
0x1ab: {  	vm14 =	vlt.u32 v3, $0x61A8;
	v2 =	vor.u32 v2, v63  }
0x1ac: {  	v2 =	vnsel vm14, $0x186A00, v2  }
0x1ad: {  	v3 =	vld [tilespmem:s11+$0x4900];
	[tilespmem:s11+$0x48F0] =	vst v2  }
0x1ae: {  	v2 =	vld.idx.msk [tilespmem:v62+s4+$0x0], $0xffff;
	_ =	sdelay $0x2  }
0x1af: {  	v1 =	vshll.u32 v1, $0x3  }
0x1b0: {  	v1 =	vand.u32 $0x18, v1  }
0x1b1: {  	v1 =	vshra.s32 v2, v1;
	v2 =	vsub.s32 v3, v0  }
0x1b2: {  	v1 =	vand.u32 $0x3F, v1;
	v3 =	vshll.u32 v2, $0x6  }
0x1b3: {  	vm15 =	vlt.u32 v2, $0x61A8;
	v1 =	vor.u32 v1, v3  }
0x1b4: {  	v1 =	vnsel vm15, $0x186A00, v1  }
0x1b5: {  	s12 =	sadd.s32 $0x48C0, s11;
	[tilespmem:s11+$0x4900] =	vst v1  }
0x1b6: {  	[spmem:s3] =	stream.indirect.scatter.add.f32 [tilespmem:s18], [sflag:$0x6], $0x1, s12, s31, $0xb8;
	[tilespmem:$0x1E090] =	vst v63  }
0x1b7: {  	_ =	swait.ge [sflag:s0], $0x50  }
0x1b8: {  	[sflag:s0] =	ssyncset.done $0x0  }
0x1b9: {  	[sflag:s0] =	ssyncadd.s32 $0xFFFFFFB0  }
0x1ba: {  	_ =	swait.ge [sflag:s0], $0x50  }
0x1bb: {  	[sflag:s0] =	ssyncset.done $0x0  }
0x1bc: {  	[sflag:s0] =	ssyncadd.s32 $0xFFFFFFB0  }
0x1bd: {  	_ =	swait.ge [sflag:s0], $0x50  }
0x1be: {  	[sflag:s0] =	ssyncset.done $0x0  }
0x1bf: {  	[sflag:s0] =	ssyncadd.s32 $0xFFFFFFB0  }
0x1c0: {  	_ =	swait.ge [sflag:s0], $0x50  }
0x1c1: {  	[sflag:s0] =	ssyncset.done $0x0  }
0x1c2: {  	[sflag:s0] =	ssyncadd.s32 $0xFFFFFFB0  }
0x1c3: {  	_ =	swait.ge [sflag:s0], $0x50  }
0x1c4: {  	[sflag:s0] =	ssyncset.done $0x0  }
0x1c5: {  	[sflag:s0] =	ssyncadd.s32 $0xFFFFFFB0  }
0x1c6: {  	_ =	swait.ge [sflag:s0], $0x50  }
0x1c7: {  	[sflag:s0] =	ssyncset.done $0x0  }
0x1c8: {  	[sflag:s0] =	ssyncadd.s32 $0xFFFFFFB0  }
0x1c9: {  	_ =	swait.ge [sflag:s0], $0x50  }
0x1ca: {  	[sflag:s0] =	ssyncset.done $0x0  }
0x1cb: {  	[sflag:s0] =	ssyncadd.s32 $0xFFFFFFB0  }
0x1cc: {  	_ =	swait.ge [sflag:s0], $0x50  }
0x1cd: {  	[sflag:s0] =	ssyncset.done $0x0  }
0x1ce: {  	[sflag:s0] =	ssyncadd.s32 $0xFFFFFFB0  }
0x1cf: {  	_ =	swait.ge [sflag:s0], $0x50  }
0x1d0: {  	[sflag:s0] =	ssyncset.done $0x0  }
0x1d1: {  	[sflag:s0] =	ssyncadd.s32 $0xFFFFFFB0  }
0x1d2: {  	_ =	swait.ge [sflag:s0], $0x50  }
0x1d3: {  	[sflag:s0] =	ssyncset.done $0x0  }
0x1d4: {  	[sflag:s0] =	ssyncadd.s32 $0xFFFFFFB0  }
0x1d5: {  	_ =	swait.ge [sflag:s0], $0x50  }
0x1d6: {  	[sflag:s0] =	ssyncset.done $0x0  }
0x1d7: {  	[sflag:s0] =	ssyncadd.s32 $0xFFFFFFB0  }
0x1d8: {  	_ =	swait.ge [sflag:s0], $0x50  }
0x1d9: {  	[sflag:s0] =	ssyncset.done $0x0  }
0x1da: {  	[sflag:s0] =	ssyncadd.s32 $0xFFFFFFB0  }
0x1db: {  	_ =	swait.ge [sflag:s0], $0x50  }
0x1dc: {  	[sflag:s0] =	ssyncset.done $0x0  }
0x1dd: {  	[sflag:s0] =	ssyncadd.s32 $0xFFFFFFB0  }
0x1de: {  	_ =	swait.ge [sflag:s0], $0x50  }
0x1df: {  	[sflag:s0] =	ssyncset.done $0x0  }
0x1e0: {  	[sflag:s0] =	ssyncadd.s32 $0xFFFFFFB0  }
0x1e1: {  	_ =	swait.ge [sflag:s0], $0x50  }
0x1e2: {  	[sflag:s0] =	ssyncset.done $0x0  }
0x1e3: {  	[sflag:s0] =	ssyncadd.s32 $0xFFFFFFB0  }
0x1e4: {  	_ =	swait.ge [sflag:s0], $0x50  }
0x1e5: {  	[sflag:s0] =	ssyncset.done $0x0  }
0x1e6: {  	[sflag:s0] =	ssyncadd.s32 $0xFFFFFFB0  }
0x1e7: {  	_ =	swait.ge [sflag:s0], $0x50  }
0x1e8: {  	[sflag:s0] =	ssyncset.done $0x0  }
0x1e9: {  	[sflag:s0] =	ssyncadd.s32 $0xFFFFFFB0  }
0x1ea: {  	_ =	swait.ge [sflag:s0], $0x50  }
0x1eb: {  	[sflag:s0] =	ssyncset.done $0x0  }
0x1ec: {  	[sflag:s0] =	ssyncadd.s32 $0xFFFFFFB0  }
0x1ed: {  	_ =	swait.ge [sflag:s0], $0x50  }
0x1ee: {  	[sflag:s0] =	ssyncset.done $0x0  }
0x1ef: {  	[sflag:s0] =	ssyncadd.s32 $0xFFFFFFB0  }
0x1f0: {  	_ =	swait.ge [sflag:s0], $0x50  }
0x1f1: {  	[sflag:s0] =	ssyncset.done $0x0  }
0x1f2: {  	[sflag:s0] =	ssyncadd.s32 $0xFFFFFFB0  }
0x1f3: {  	_ =	swait.ge [sflag:s0], $0x50  }
0x1f4: {  	[sflag:s0] =	ssyncset.done $0x0  }
0x1f5: {  	[sflag:s0] =	ssyncadd.s32 $0xFFFFFFB0  }
0x1f6: {  	_ =	swait.ge [sflag:s0], $0x50  }
0x1f7: {  	[sflag:s0] =	ssyncset.done $0x0  }
0x1f8: {  	[sflag:s0] =	ssyncadd.s32 $0xFFFFFFB0  }
0x1f9: {  	_ =	swait.ge [sflag:s0], $0x50  }
0x1fa: {  	[sflag:s0] =	ssyncset.done $0x0  }
0x1fb: {  	[sflag:s0] =	ssyncadd.s32 $0xFFFFFFB0  }
0x1fc: {  	p1 =	seq.s32 s9, $0xB;
	_ =	swait.ge [sflag:s0], $0x50  }
.Ltmp2:
0x1fd: {  	[sflag:s0] =	ssyncset.done $0x0;
	(pc) =	sbr.rel @p1 .LBB2_8-.Ltmp2, $4  }
0x1fe: {  	[sflag:s0] =	ssyncadd.s32 $0xFFFFFFB0  }
0x1ff: {  	_ =	swait.ge [sflag:s0], $0x50  }
0x200: {  	[sflag:s0] =	ssyncset.done $0x0  }
0x201: {  	[sflag:s0] =	ssyncadd.s32 $0xFFFFFFB0  }
0x202: {  	s10 =	sadd.s32 s10, s14  }
.Ltmp3:
0x203: {  	s10 =	sshrl.u32 s10, $0x3;
	(pc) =	sbr.rel .LBB2_2-.Ltmp3, $4  }
0x204: {  	s11 =	sadd.s32 s5, s10  }
0x205: {  	[tilespmem:s25], [sflag:$0x3] =	stream.linear.gather [hbm4b:s11+s4], $0x7D0, $0x38;
	[tilespmem:$0x1E090] =	vst v63  }
0x206: {  	s9 =	sadd.s32 $0x1, s9;
	s10 =	sadd.s32 s6, s10  }
0x207: {  	[tilespmem:s26], [sflag:$0x5] =	stream.linear.gather [hbm4b:s10+s4], $0x7D0, $0x38;
	[tilespmem:$0x1E090] =	vst v63  }
.LBB2_8:
0x208: {  	_ =	swait.ge [sflag:s29], $0x7D0  }
0x209: {  	[sflag:s29] =	ssyncset.done $0x0  }
0x20a: {  	[sflag:s29] =	ssyncadd.s32 $0xFFFFF830  }
0x20b: {  	_ =	swait.ge [sflag:s30], $0x7D0  }
0x20c: {  	[sflag:s30] =	ssyncset.done $0x0  }
0x20d: {  	s11 =	simm.s32 $0x0;
	[sflag:s30] =	ssyncadd.s32 $0xFFFFF830  }
0x20e: {  	v1 =	vld [tilespmem:s11+$0x3150];
	_ =	sdelay $0x4  }
0x20f: {  	v2 =	vshrl.u32 v1, $0x2;
	v3 =	vshra.s32 v1, $0x2  }
0x210: {  	v3 =	vand.u32 $0xFFFFFFF0, v3;
	v2 =	vand.u32 $0xF, v2  }
0x211: {  	v2 =	vor.u32 v2, v3;
	_ =	sdelay $0x2  }
0x212: {  	v3 =	vld [tilespmem:s11+$0x3160]  }
0x213: {  	v4 =	vld [tilespmem:s11+$0x40F0]  }
0x214: {  	v2 =	vld.idx.msk [tilespmem:v2+s4+$0x0], $0xffff;
	_ =	sdelay $0x2  }
0x215: {  	v1 =	vshll.u32 v1, $0x3;
	v6 =	vshra.s32 v3, $0x2  }
0x216: {  	v1 =	vand.u32 $0x18, v1;
	v5 =	vshrl.u32 v3, $0x2;
	v6 =	vand.u32 $0xFFFFFFF0, v6  }
0x217: {  	v5 =	vand.u32 $0xF, v5;
	v1 =	vshra.s32 v2, v1;
	v2 =	vsub.s32 v4, v0  }
0x218: {  	v47 =	vor.u32 v5, v6;
	v1 =	vand.u32 $0x3F, v1;
	v48 =	vshll.u32 v2, $0x6  }
0x219: {  	vm0 =	vlt.u32 v2, $0x61A8;
	v1 =	vor.u32 v1, v48  }
0x21a: {  	v1 =	vnsel vm0, $0x186A00, v1  }
0x21b: {  	[tilespmem:s11+$0x40F0] =	vst v1;
	v1 =	vld [tilespmem:s11+$0x3170]  }
0x21c: {  	v49 =	vld [tilespmem:s11+$0x4100]  }
0x21d: {  	v2 =	vld.idx.msk [tilespmem:v47+s4+$0x0], $0xffff;
	_ =	sdelay $0x2  }
0x21e: {  	v3 =	vshll.u32 v3, $0x3;
	v51 =	vshra.s32 v1, $0x2  }
0x21f: {  	v3 =	vand.u32 $0x18, v3;
	v50 =	vshrl.u32 v1, $0x2;
	v6 =	vand.u32 $0xFFFFFFF0, v51  }
0x220: {  	v5 =	vand.u32 $0xF, v50;
	v2 =	vshra.s32 v2, v3;
	v3 =	vsub.s32 v49, v0  }
0x221: {  	v52 =	vor.u32 v5, v6;
	v2 =	vand.u32 $0x3F, v2;
	v53 =	vshll.u32 v3, $0x6  }
0x222: {  	vm12 =	vlt.u32 v3, $0x61A8;
	v2 =	vor.u32 v2, v53  }
0x223: {  	v2 =	vnsel vm12, $0x186A00, v2  }
0x224: {  	[tilespmem:s11+$0x4100] =	vst v2;
	v2 =	vld [tilespmem:s11+$0x3180]  }
0x225: {  	v54 =	vld [tilespmem:s11+$0x4110]  }
0x226: {  	v3 =	vld.idx.msk [tilespmem:v52+s4+$0x0], $0xffff;
	_ =	sdelay $0x2  }
0x227: {  	v1 =	vshll.u32 v1, $0x3;
	v56 =	vshra.s32 v2, $0x2  }
0x228: {  	v1 =	vand.u32 $0x18, v1;
	v55 =	vshrl.u32 v2, $0x2;
	v6 =	vand.u32 $0xFFFFFFF0, v56  }
0x229: {  	v5 =	vand.u32 $0xF, v55;
	v1 =	vshra.s32 v3, v1;
	v3 =	vsub.s32 v54, v0  }
0x22a: {  	v57 =	vor.u32 v5, v6;
	v1 =	vand.u32 $0x3F, v1;
	v58 =	vshll.u32 v3, $0x6  }
0x22b: {  	vm13 =	vlt.u32 v3, $0x61A8;
	v1 =	vor.u32 v1, v58  }
0x22c: {  	v1 =	vnsel vm13, $0x186A00, v1  }
0x22d: {  	[tilespmem:s11+$0x4110] =	vst v1;
	v1 =	vld [tilespmem:s11+$0x3190]  }
0x22e: {  	v59 =	vld [tilespmem:s11+$0x4120]  }
0x22f: {  	v3 =	vld.idx.msk [tilespmem:v57+s4+$0x0], $0xffff;
	_ =	sdelay $0x2  }
0x230: {  	v2 =	vshll.u32 v2, $0x3;
	v60 =	vshrl.u32 v1, $0x2;
	v61 =	vshra.s32 v1, $0x2  }
0x231: {  	v2 =	vand.u32 $0x18, v2;
	v6 =	vand.u32 $0xFFFFFFF0, v61;
	v5 =	vand.u32 $0xF, v60  }
0x232: {  	v2 =	vshra.s32 v3, v2;
	v3 =	vsub.s32 v59, v0;
	v62 =	vor.u32 v5, v6  }
0x233: {  	v2 =	vand.u32 $0x3F, v2;
	v63 =	vshll.u32 v3, $0x6  }
0x234: {  	vm14 =	vlt.u32 v3, $0x61A8;
	v2 =	vor.u32 v2, v63  }
0x235: {  	v2 =	vnsel vm14, $0x186A00, v2  }
0x236: {  	v3 =	vld [tilespmem:s11+$0x4130];
	[tilespmem:s11+$0x4120] =	vst v2  }
0x237: {  	v2 =	vld.idx.msk [tilespmem:v62+s4+$0x0], $0xffff;
	_ =	sdelay $0x2  }
0x238: {  	v1 =	vshll.u32 v1, $0x3  }
0x239: {  	v1 =	vand.u32 $0x18, v1  }
0x23a: {  	v1 =	vshra.s32 v2, v1;
	v2 =	vsub.s32 v3, v0  }
0x23b: {  	v1 =	vand.u32 $0x3F, v1;
	v3 =	vshll.u32 v2, $0x6  }
0x23c: {  	vm15 =	vlt.u32 v2, $0x61A8;
	v1 =	vor.u32 v1, v3  }
0x23d: {  	v1 =	vnsel vm15, $0x186A00, v1  }
0x23e: {  	s9 =	simm.s32 $0x50;
	s10 =	simm.s32 $0x280;
	s12 =	simm.s32 $0x40F0;
	[tilespmem:s11+$0x4130] =	vst v1  }
.LBB2_9:
0x23f: {  	[spmem:s3] =	stream.indirect.scatter.add.f32 [tilespmem:s18], [sflag:$0x6], $0x1, s12, s31, $0xb8;
	[tilespmem:$0x1E090] =	vst v63  }
0x240: {  	s11 =	sshra.s32 s10, $0x2;
	p1 =	sne.s32 s10, $0x1E00;
	s10 =	sadd.s32 $0x140, s10;
	v1 =	vld [tilespmem:s9+$0x3150]  }
0x241: {  	_ =	sdelay $0x3  }
0x242: {  	v2 =	vshrl.u32 v1, $0x2;
	v3 =	vshra.s32 v1, $0x2;
	v1 =	vshll.u32 v1, $0x3  }
0x243: {  	v3 =	vand.u32 $0xFFFFFFF0, v3;
	v2 =	vand.u32 $0xF, v2  }
0x244: {  	v2 =	vor.u32 v2, v3;
	_ =	sdelay $0x3  }
0x245: {  	v3 =	vld [tilespmem:s9+$0x3160]  }
0x246: {  	v2 =	vld.idx.msk [tilespmem:v2+s4+$0x0], $0xffff  }
0x247: {  	v4 =	vld [tilespmem:s9+$0x40F0];
	_ =	sdelay $0x2  }
0x248: {  	v5 =	vshrl.u32 v3, $0x2;
	v6 =	vshra.s32 v3, $0x2;
	v3 =	vshll.u32 v3, $0x3  }
0x249: {  	v1 =	vand.u32 $0x18, v1;
	v6 =	vand.u32 $0xFFFFFFF0, v6;
	v5 =	vand.u32 $0xF, v5  }
0x24a: {  	v1 =	vshra.s32 v2, v1;
	v2 =	vsub.s32 v4, v0;
	v4 =	vor.u32 v5, v6  }
0x24b: {  	v1 =	vand.u32 $0x3F, v1;
	v5 =	vshll.u32 v2, $0x6  }
0x24c: {  	vm0 =	vlt.u32 v2, $0x61A8;
	v1 =	vor.u32 v1, v5  }
0x24d: {  	v1 =	vnsel vm0, $0x186A00, v1  }
0x24e: {  	[tilespmem:s9+$0x40F0] =	vst v1;
	v1 =	vld [tilespmem:s9+$0x3170]  }
0x24f: {  	v2 =	vld.idx.msk [tilespmem:v4+s4+$0x0], $0xffff  }
0x250: {  	v4 =	vld [tilespmem:s9+$0x4100];
	_ =	sdelay $0x2  }
0x251: {  	v5 =	vshrl.u32 v1, $0x2;
	v6 =	vshra.s32 v1, $0x2;
	v1 =	vshll.u32 v1, $0x3  }
0x252: {  	v3 =	vand.u32 $0x18, v3;
	v6 =	vand.u32 $0xFFFFFFF0, v6;
	v5 =	vand.u32 $0xF, v5  }
0x253: {  	v2 =	vshra.s32 v2, v3;
	v3 =	vsub.s32 v4, v0;
	v4 =	vor.u32 v5, v6  }
0x254: {  	v2 =	vand.u32 $0x3F, v2;
	v5 =	vshll.u32 v3, $0x6  }
0x255: {  	vm0 =	vlt.u32 v3, $0x61A8;
	v2 =	vor.u32 v2, v5  }
0x256: {  	v2 =	vnsel vm0, $0x186A00, v2  }
0x257: {  	[tilespmem:s9+$0x4100] =	vst v2;
	v2 =	vld [tilespmem:s9+$0x3180]  }
0x258: {  	v3 =	vld.idx.msk [tilespmem:v4+s4+$0x0], $0xffff  }
0x259: {  	v4 =	vld [tilespmem:s9+$0x4110];
	_ =	sdelay $0x2  }
0x25a: {  	v5 =	vshrl.u32 v2, $0x2;
	v6 =	vshra.s32 v2, $0x2;
	v2 =	vshll.u32 v2, $0x3  }
0x25b: {  	v1 =	vand.u32 $0x18, v1;
	v6 =	vand.u32 $0xFFFFFFF0, v6;
	v5 =	vand.u32 $0xF, v5  }
0x25c: {  	v1 =	vshra.s32 v3, v1;
	v3 =	vsub.s32 v4, v0;
	v4 =	vor.u32 v5, v6  }
0x25d: {  	v1 =	vand.u32 $0x3F, v1;
	v5 =	vshll.u32 v3, $0x6  }
0x25e: {  	vm0 =	vlt.u32 v3, $0x61A8;
	v1 =	vor.u32 v1, v5  }
0x25f: {  	v1 =	vnsel vm0, $0x186A00, v1  }
0x260: {  	[tilespmem:s9+$0x4110] =	vst v1;
	v1 =	vld [tilespmem:s9+$0x3190]  }
0x261: {  	v3 =	vld.idx.msk [tilespmem:v4+s4+$0x0], $0xffff  }
0x262: {  	v4 =	vld [tilespmem:s9+$0x4120];
	_ =	sdelay $0x2  }
0x263: {  	v5 =	vshrl.u32 v1, $0x2;
	v6 =	vshra.s32 v1, $0x2;
	v1 =	vshll.u32 v1, $0x3  }
0x264: {  	v2 =	vand.u32 $0x18, v2;
	v6 =	vand.u32 $0xFFFFFFF0, v6;
	v5 =	vand.u32 $0xF, v5  }
0x265: {  	v2 =	vshra.s32 v3, v2;
	v3 =	vsub.s32 v4, v0;
	v4 =	vor.u32 v5, v6  }
0x266: {  	v2 =	vand.u32 $0x3F, v2;
	v5 =	vshll.u32 v3, $0x6  }
0x267: {  	vm0 =	vlt.u32 v3, $0x61A8;
	v2 =	vor.u32 v2, v5  }
0x268: {  	v2 =	vnsel vm0, $0x186A00, v2  }
0x269: {  	[tilespmem:s9+$0x4120] =	vst v2  }
0x26a: {  	v2 =	vld.idx.msk [tilespmem:v4+s4+$0x0], $0xffff  }
0x26b: {  	v3 =	vld [tilespmem:s9+$0x4130];
	_ =	sdelay $0x3  }
0x26c: {  	v1 =	vand.u32 $0x18, v1  }
.Ltmp4:
0x26d: {  	v1 =	vshra.s32 v2, v1;
	v2 =	vsub.s32 v3, v0;
	(pc) =	sbr.rel @p1 .LBB2_9-.Ltmp4, $4  }
0x26e: {  	v1 =	vand.u32 $0x3F, v1;
	v3 =	vshll.u32 v2, $0x6  }
0x26f: {  	vm0 =	vlt.u32 v2, $0x61A8;
	v1 =	vor.u32 v1, v3  }
0x270: {  	v1 =	vnsel vm0, $0x186A00, v1  }
0x271: {  	s12 =	sadd.s32 $0x40F0, s9;
	[tilespmem:s9+$0x4130] =	vst v1;
	s9 =	smov.u32 s11  }
0x272: {  	[spmem:s3] =	stream.indirect.scatter.add.f32 [tilespmem:s18], [sflag:$0x6], $0x1, s12, s31, $0xb8;
	[tilespmem:$0x1E090] =	vst v63  }
0x273: {  	v1 =	vld [tilespmem:s9+$0x3150];
	_ =	sdelay $0x4  }
0x274: {  	v2 =	vshrl.u32 v1, $0x2;
	v3 =	vshra.s32 v1, $0x2  }
0x275: {  	v3 =	vand.u32 $0xFFFFFFF0, v3;
	v2 =	vand.u32 $0xF, v2  }
0x276: {  	v2 =	vor.u32 v2, v3;
	_ =	sdelay $0x2  }
0x277: {  	v3 =	vld [tilespmem:s9+$0x3160]  }
0x278: {  	v4 =	vld [tilespmem:s9+$0x40F0]  }
0x279: {  	v2 =	vld.idx.msk [tilespmem:v2+s4+$0x0], $0xffff;
	_ =	sdelay $0x2  }
0x27a: {  	v1 =	vshll.u32 v1, $0x3;
	v5 =	vshra.s32 v3, $0x2  }
0x27b: {  	v1 =	vand.u32 $0x18, v1;
	v6 =	vshrl.u32 v3, $0x2;
	v5 =	vand.u32 $0xFFFFFFF0, v5  }
0x27c: {  	v6 =	vand.u32 $0xF, v6;
	v1 =	vshra.s32 v2, v1;
	v2 =	vsub.s32 v4, v0  }
0x27d: {  	v47 =	vor.u32 v6, v5;
	v1 =	vand.u32 $0x3F, v1;
	v48 =	vshll.u32 v2, $0x6  }
0x27e: {  	vm0 =	vlt.u32 v2, $0x61A8;
	v1 =	vor.u32 v1, v48  }
0x27f: {  	v1 =	vnsel vm0, $0x186A00, v1  }
0x280: {  	[tilespmem:s9+$0x40F0] =	vst v1;
	v1 =	vld [tilespmem:s9+$0x3170]  }
0x281: {  	v49 =	vld [tilespmem:s9+$0x4100]  }
0x282: {  	v2 =	vld.idx.msk [tilespmem:v47+s4+$0x0], $0xffff;
	_ =	sdelay $0x2  }
0x283: {  	v3 =	vshll.u32 v3, $0x3;
	v50 =	vshra.s32 v1, $0x2  }
0x284: {  	v3 =	vand.u32 $0x18, v3;
	v51 =	vshrl.u32 v1, $0x2;
	v5 =	vand.u32 $0xFFFFFFF0, v50  }
0x285: {  	v6 =	vand.u32 $0xF, v51;
	v2 =	vshra.s32 v2, v3;
	v3 =	vsub.s32 v49, v0  }
0x286: {  	v52 =	vor.u32 v6, v5;
	v2 =	vand.u32 $0x3F, v2;
	v53 =	vshll.u32 v3, $0x6  }
0x287: {  	vm12 =	vlt.u32 v3, $0x61A8;
	v2 =	vor.u32 v2, v53  }
0x288: {  	v2 =	vnsel vm12, $0x186A00, v2  }
0x289: {  	[tilespmem:s9+$0x4100] =	vst v2;
	v2 =	vld [tilespmem:s9+$0x3180]  }
0x28a: {  	v54 =	vld [tilespmem:s9+$0x4110]  }
0x28b: {  	v3 =	vld.idx.msk [tilespmem:v52+s4+$0x0], $0xffff;
	_ =	sdelay $0x2  }
0x28c: {  	v1 =	vshll.u32 v1, $0x3;
	v55 =	vshra.s32 v2, $0x2  }
0x28d: {  	v1 =	vand.u32 $0x18, v1;
	v56 =	vshrl.u32 v2, $0x2;
	v5 =	vand.u32 $0xFFFFFFF0, v55  }
0x28e: {  	v6 =	vand.u32 $0xF, v56;
	v1 =	vshra.s32 v3, v1;
	v3 =	vsub.s32 v54, v0  }
0x28f: {  	v57 =	vor.u32 v6, v5;
	v1 =	vand.u32 $0x3F, v1;
	v58 =	vshll.u32 v3, $0x6  }
0x290: {  	vm13 =	vlt.u32 v3, $0x61A8;
	v1 =	vor.u32 v1, v58  }
0x291: {  	v1 =	vnsel vm13, $0x186A00, v1  }
0x292: {  	[tilespmem:s9+$0x4110] =	vst v1;
	v1 =	vld [tilespmem:s9+$0x3190]  }
0x293: {  	v59 =	vld [tilespmem:s9+$0x4120]  }
0x294: {  	v3 =	vld.idx.msk [tilespmem:v57+s4+$0x0], $0xffff;
	_ =	sdelay $0x2  }
0x295: {  	v2 =	vshll.u32 v2, $0x3;
	v60 =	vshrl.u32 v1, $0x2;
	v61 =	vshra.s32 v1, $0x2  }
0x296: {  	v2 =	vand.u32 $0x18, v2;
	v6 =	vand.u32 $0xFFFFFFF0, v61;
	v5 =	vand.u32 $0xF, v60  }
0x297: {  	v2 =	vshra.s32 v3, v2;
	v3 =	vsub.s32 v59, v0;
	v62 =	vor.u32 v5, v6  }
0x298: {  	v2 =	vand.u32 $0x3F, v2;
	v63 =	vshll.u32 v3, $0x6  }
0x299: {  	vm14 =	vlt.u32 v3, $0x61A8;
	v2 =	vor.u32 v2, v63  }
0x29a: {  	v2 =	vnsel vm14, $0x186A00, v2  }
0x29b: {  	v3 =	vld [tilespmem:s9+$0x4130];
	[tilespmem:s9+$0x4120] =	vst v2  }
0x29c: {  	v2 =	vld.idx.msk [tilespmem:v62+s4+$0x0], $0xffff;
	_ =	sdelay $0x2  }
0x29d: {  	v1 =	vshll.u32 v1, $0x3  }
0x29e: {  	v1 =	vand.u32 $0x18, v1  }
0x29f: {  	v1 =	vshra.s32 v2, v1;
	v2 =	vsub.s32 v3, v0  }
0x2a0: {  	v1 =	vand.u32 $0x3F, v1;
	v3 =	vshll.u32 v2, $0x6  }
0x2a1: {  	vm15 =	vlt.u32 v2, $0x61A8;
	v1 =	vor.u32 v1, v3  }
0x2a2: {  	v1 =	vnsel vm15, $0x186A00, v1  }
0x2a3: {  	s10 =	sadd.s32 $0x40F0, s9;
	[tilespmem:s9+$0x4130] =	vst v1  }
0x2a4: {  	[spmem:s3] =	stream.indirect.scatter.add.f32 [tilespmem:s18], [sflag:$0x6], $0x1, s10, s31, $0xb8;
	[tilespmem:$0x1E090] =	vst v63  }
0x2a5: {  	_ =	swait.ge [sflag:s0], $0x50  }
0x2a6: {  	[sflag:s0] =	ssyncset.done $0x0  }
0x2a7: {  	[sflag:s0] =	ssyncadd.s32 $0xFFFFFFB0  }
0x2a8: {  	_ =	swait.ge [sflag:s0], $0x50  }
0x2a9: {  	[sflag:s0] =	ssyncset.done $0x0  }
0x2aa: {  	[sflag:s0] =	ssyncadd.s32 $0xFFFFFFB0  }
0x2ab: {  	_ =	swait.ge [sflag:s0], $0x50  }
0x2ac: {  	[sflag:s0] =	ssyncset.done $0x0  }
0x2ad: {  	[sflag:s0] =	ssyncadd.s32 $0xFFFFFFB0  }
0x2ae: {  	_ =	swait.ge [sflag:s0], $0x50  }
0x2af: {  	[sflag:s0] =	ssyncset.done $0x0  }
0x2b0: {  	[sflag:s0] =	ssyncadd.s32 $0xFFFFFFB0  }
0x2b1: {  	_ =	swait.ge [sflag:s0], $0x50  }
0x2b2: {  	[sflag:s0] =	ssyncset.done $0x0  }
0x2b3: {  	[sflag:s0] =	ssyncadd.s32 $0xFFFFFFB0  }
0x2b4: {  	_ =	swait.ge [sflag:s0], $0x50  }
0x2b5: {  	[sflag:s0] =	ssyncset.done $0x0  }
0x2b6: {  	[sflag:s0] =	ssyncadd.s32 $0xFFFFFFB0  }
0x2b7: {  	_ =	swait.ge [sflag:s0], $0x50  }
0x2b8: {  	[sflag:s0] =	ssyncset.done $0x0  }
0x2b9: {  	[sflag:s0] =	ssyncadd.s32 $0xFFFFFFB0  }
0x2ba: {  	_ =	swait.ge [sflag:s0], $0x50  }
0x2bb: {  	[sflag:s0] =	ssyncset.done $0x0  }
0x2bc: {  	[sflag:s0] =	ssyncadd.s32 $0xFFFFFFB0  }
0x2bd: {  	_ =	swait.ge [sflag:s0], $0x50  }
0x2be: {  	[sflag:s0] =	ssyncset.done $0x0  }
0x2bf: {  	[sflag:s0] =	ssyncadd.s32 $0xFFFFFFB0  }
0x2c0: {  	_ =	swait.ge [sflag:s0], $0x50  }
0x2c1: {  	[sflag:s0] =	ssyncset.done $0x0  }
0x2c2: {  	[sflag:s0] =	ssyncadd.s32 $0xFFFFFFB0  }
0x2c3: {  	_ =	swait.ge [sflag:s0], $0x50  }
0x2c4: {  	[sflag:s0] =	ssyncset.done $0x0  }
0x2c5: {  	[sflag:s0] =	ssyncadd.s32 $0xFFFFFFB0  }
0x2c6: {  	_ =	swait.ge [sflag:s0], $0x50  }
0x2c7: {  	[sflag:s0] =	ssyncset.done $0x0  }
0x2c8: {  	[sflag:s0] =	ssyncadd.s32 $0xFFFFFFB0  }
0x2c9: {  	_ =	swait.ge [sflag:s0], $0x50  }
0x2ca: {  	[sflag:s0] =	ssyncset.done $0x0  }
0x2cb: {  	[sflag:s0] =	ssyncadd.s32 $0xFFFFFFB0  }
0x2cc: {  	_ =	swait.ge [sflag:s0], $0x50  }
0x2cd: {  	[sflag:s0] =	ssyncset.done $0x0  }
0x2ce: {  	[sflag:s0] =	ssyncadd.s32 $0xFFFFFFB0  }
0x2cf: {  	_ =	swait.ge [sflag:s0], $0x50  }
0x2d0: {  	[sflag:s0] =	ssyncset.done $0x0  }
0x2d1: {  	[sflag:s0] =	ssyncadd.s32 $0xFFFFFFB0  }
0x2d2: {  	_ =	swait.ge [sflag:s0], $0x50  }
0x2d3: {  	[sflag:s0] =	ssyncset.done $0x0  }
0x2d4: {  	[sflag:s0] =	ssyncadd.s32 $0xFFFFFFB0  }
0x2d5: {  	_ =	swait.ge [sflag:s0], $0x50  }
0x2d6: {  	[sflag:s0] =	ssyncset.done $0x0  }
0x2d7: {  	[sflag:s0] =	ssyncadd.s32 $0xFFFFFFB0  }
0x2d8: {  	_ =	swait.ge [sflag:s0], $0x50  }
0x2d9: {  	[sflag:s0] =	ssyncset.done $0x0  }
0x2da: {  	[sflag:s0] =	ssyncadd.s32 $0xFFFFFFB0  }
0x2db: {  	_ =	swait.ge [sflag:s0], $0x50  }
0x2dc: {  	[sflag:s0] =	ssyncset.done $0x0  }
0x2dd: {  	[sflag:s0] =	ssyncadd.s32 $0xFFFFFFB0  }
0x2de: {  	_ =	swait.ge [sflag:s0], $0x50  }
0x2df: {  	[sflag:s0] =	ssyncset.done $0x0  }
0x2e0: {  	[sflag:s0] =	ssyncadd.s32 $0xFFFFFFB0  }
0x2e1: {  	_ =	swait.ge [sflag:s0], $0x50  }
0x2e2: {  	[sflag:s0] =	ssyncset.done $0x0  }
0x2e3: {  	[sflag:s0] =	ssyncadd.s32 $0xFFFFFFB0  }
0x2e4: {  	_ =	swait.ge [sflag:s0], $0x50  }
0x2e5: {  	[sflag:s0] =	ssyncset.done $0x0  }
0x2e6: {  	[sflag:s0] =	ssyncadd.s32 $0xFFFFFFB0  }
0x2e7: {  	_ =	swait.ge [sflag:s0], $0x50  }
0x2e8: {  	[sflag:s0] =	ssyncset.done $0x0  }
0x2e9: {  	[sflag:s0] =	ssyncadd.s32 $0xFFFFFFB0  }
0x2ea: {  	_ =	swait.ge [sflag:s0], $0x50  }
0x2eb: {  	[sflag:s0] =	ssyncset.done $0x0  }
0x2ec: {  	[sflag:s0] =	ssyncadd.s32 $0xFFFFFFB0  }
0x2ed: {  	_ =	swait.ge [sflag:s0], $0x50  }
0x2ee: {  	[sflag:s0] =	ssyncset.done $0x0  }
0x2ef: {  	[sflag:s0] =	ssyncadd.s32 $0xFFFFFFB0  }
0x2f0: {  	[bflag:$0x0] =	sbarrier.arrive $0xFFFF  }
0x2f1: {  	s16 =	rddreg [dreg:$0xa]  }
0x2f2: {  	[hbm:s16], [sflag:s8] =	dma.local [spmem:s23], $0x3200  }
0x2f3: {  	_ =	swait.ge [sflag:s19], $0x3200  }
0x2f4: {  	s7 =	sadd.s32 $0x1, s7;
	[sflag:s19] =	ssyncset.done $0x0  }
0x2f5: {  	p1 =	sne.s32 s7, s17;
	s9 =	rddreg [dreg:$0xb];
	[sflag:s19] =	ssyncadd.s32 $0xFFFFCE00  }
0x2f6: {  	[hbm:s9], [sflag:s8] =	dma.local @p0 [spmem:s24], $0x580  }
.Ltmp5:
0x2f7: {  	_ = 	snop;
	(pc) =	sbr.rel @p1 .LBB2_1-.Ltmp5, $4  }
0x2f8: {  	s8 =	simm.s32 @p0 $0x7  }
0x2f9: {  	_ =	swait.ge @p0 [sflag:s8], $0x580  }
0x2fa: {  	[sflag:s8] =	ssyncset.done @p0 $0x0  }
0x2fb: {  	[sflag:s8] =	ssyncadd.s32 @p0 $0xFFFFFA80  }
0x2fc: {  	_ =	sfence.sel $0x180000  }
0x2fd: {  	[bflag:$0x0] =	sbarrier.arrive $0xFFFF  }
0x2fe: {  	_ =	strace $0x90000047  }
0x2ff: {  	s0 =	stileid.u32;
	[bflag:$0x2] =	sbarrier.arrive $0xFFFF  }
0x300: {  	p0 =	sne.s32 s0, $0x0;
	s0 =	rddreg [dreg:$0x3]  }
0x301: {  	s0 =	sadd.s32 @!p0 $0x100000, s0  }
0x302: {  	[sflag:s0] =	ssyncadd.tile.s32 @!p0 $0x1;
	_ =	shalt  }
.Lfunc_end2:
_tile_overlayer_lowered:
.L_overlay_start_2:
0x303: {  	(tag) =	ssettag $0x2  }
0x304: {  	s0 =	rddreg [dreg:$0x0];
	s2 =	stileid.u32  }
0x305: {  	s1 =	rddreg [dreg:$0x1];
	p0 =	sne.s32 s2, $0x0  }
0x306: {  	s3 =	rddreg [dreg:$0x2];
	[bflag:$0x3] =	sbarrier.arrive $0xFFFF;
	s2 =	simm.s32 @!p0 $0x1C07  }
0x307: {  	[timem:s3], [sflag:s2] =	dma.local @!p0 [hbm:s0], s1  }
0x308: {  	s0 =	simm.s32 @!p0 $0x7  }
0x309: {  	_ =	swait.ge @!p0 [sflag:s0], s1  }
0x30a: {  	s1 =	ssub.s32 @!p0 $0x0, s1;
	[sflag:s0] =	ssyncset.done @!p0 $0x0  }
0x30b: {  	[sflag:s0] =	ssyncadd.s32 @!p0 s1  }
0x30c: {  	[bflag:$0x3] =	sbarrier.arrive $0xFFFF  }
0x30d: {  	_ =	shalt  }

// kernel: kernel.9.cloned.1.call-start
scs
__scs_entry_jumppad:
0x0: {  	(pc) =	sbr.rel $0x88, $3  }
0x1: {  	(tag) =	ssettag $0x0;
	lr =	simm.s32 $0x1  }
0x2: {  	[smem:$0x3F95] =	sst lr;
	_ =	strace $0xD0000000  }
0x3: {  	_ = 	snop  }
0x4: {  	_ = 	snop  }
0x5: {  	_ = 	snop  }
0x6: {  	_ = 	snop  }
0x7: {  	_ = 	snop  }
__scs_overlays_trampoline_lowered:
0x8: {  	[smem:$0x3FA4] =	sst s0  }
0x9: {  	[smem:$0x3FA5] =	sst s1  }
0xa: {  	[smem:$0x3FA6] =	sst s2  }
0xb: {  	[smem:$0x3FA7] =	sst s3  }
0xc: {  	[smem:$0x3FA8] =	sst s4  }
0xd: {  	[smem:$0x3FA9] =	sst s5  }
0xe: {  	[smem:$0x3FAA] =	sst s6  }
0xf: {  	[smem:$0x3FAB] =	sst s7  }
0x10: {  	[smem:$0x3FAC] =	sst s8  }
0x11: {  	[smem:$0x3FAD] =	sst s9;
	s0 =	simm.s32 @!p0 $0x0  }
0x12: {  	s1 =	sld [smem:$0x3F93];
	s0 =	simm.s32 @p0 $0x1  }
0x13: {  	[smem:$0x3FAE] =	sst s0;
	s0 =	simm.s32 @!p1 $0x0  }
0x14: {  	s2 =	sld [smem:$0x3F92];
	s0 =	simm.s32 @p1 $0x1  }
0x15: {  	[smem:$0x3FAF] =	sst s0;
	s0 =	simm.s32 @!p2 $0x0  }
0x16: {  	s3 =	sld [smem:$0x3FDB];
	s0 =	simm.s32 @p2 $0x1  }
0x17: {  	s4 =	simm.s32 $0x1BF5;
	[smem:$0x3FB1] =	sst s0  }
0x18: {  	s0 =	sld [smem:$0x3F94];
	_ =	swait.ge [sflag:s4], $0x0  }
0x19: {  	s7 =	sld [smem:$0x3F95]  }
0x1a: {  	s8 =	sadd.s32 $0xFFFFE003, lr  }
0x1b: {  	s9 =	sadd.s32 $0xFFFFFEF7, lr;
	s5 =	simm.s32 $0xFFFFFFFF;
	p2 =	slt.u32 s8, $0xFFFFF086  }
0x1c: {  	p1 =	slt.u32 s9, $0xF7A;
	s5 =	simm.s32 @!p2 $0x0  }
0x1d: {  	s5 =	simm.s32 @p1 $0x1;
	p0 =	seq.s32 s7, s2  }
0x1e: {  	s7 =	smul.u32 @!p0 $0xF7A, s2;
	p2 =	seq.s32 @!p0 s5, $0x0  }
0x1f: {  	s9 =	smul.u32 $0xF7A, s1;
	s8 =	simm.s32 @!p0 $0x1BF5;
	p2 =	por !p2, p0  }
0x20: {  	[sflag:s8] =	ssyncset.s32 @!p0 $0xFFFFF086;
	s6 =	sadd.s32 @!p0 s3, s7;
	s7 =	simm.s32 @!p0 $0x108  }
0x21: {  	s3 =	sadd.s32 s3, s9;
	s6 =	sadd.s32 @!p0 $0x88, s6;
	s7 =	simm.s32 @p2 $0x1082  }
0x22: {  	[simem:s7], [sflag:s8] =	dma.local @!p0 [hbm:s6], $0xF7A  }
0x23: {  	s9 =	sor.u32 $0xD0000000, s2;
	s6 =	simm.s32 $0x108;
	_ =	swait.ge @!p0 [sflag:s8], $0x0  }
0x24: {  	s3 =	sadd.s32 $0x88, s3;
	s6 =	simm.s32 @!p1 $0x1082;
	[sflag:s4] =	ssyncset.s32 $0xFFFFF086  }
0x25: {  	[simem:s6], [sflag:s4] =	dma.local [hbm:s3], $0xF7A  }
0x26: {  	[smem:$0x3F95] =	sst s1;
	(tag) =	ssettag s2;
	_ =	strace s9  }
0x27: {  	s1 =	sld [smem:$0x3FA5]  }
0x28: {  	s2 =	sld [smem:$0x3FA6]  }
0x29: {  	s4 =	sld [smem:$0x3FA8]  }
0x2a: {  	p0 =	seq.s32 s5, $0x0;
	s5 =	sld [smem:$0x3FA9]  }
0x2b: {  	s6 =	sld [smem:$0x3FAA]  }
0x2c: {  	s7 =	sld [smem:$0x3FAB]  }
0x2d: {  	s3 =	simm.s32 $0x108;
	s8 =	sld [smem:$0x3FAC]  }
0x2e: {  	s3 =	simm.s32 @!p0 $0x1082;
	s9 =	sld [smem:$0x3FAD]  }
0x2f: {  	lr =	sadd.s32 s0, s3;
	s0 =	sld [smem:$0x3FA4]  }
0x30: {  	s3 =	sld [smem:$0x3FA7]  }
0x31: {  	[smem:$0x3FB0] =	sst s10  }
0x32: {  	s10 =	sld [smem:$0x3FAE];
	_ =	sdelay $0x3  }
0x33: {  	p0 =	seq.s32 s10, $0x1;
	s10 =	sld [smem:$0x3FB0];
	_ =	sdelay $0x3  }
0x34: {  	[smem:$0x3FB0] =	sst s10  }
0x35: {  	s10 =	sld [smem:$0x3FAF];
	_ =	sdelay $0x3  }
0x36: {  	p1 =	seq.s32 s10, $0x1;
	s10 =	sld [smem:$0x3FB0];
	_ =	sdelay $0x3  }
0x37: {  	[smem:$0x3FB0] =	sst s10  }
0x38: {  	s10 =	sld [smem:$0x3FB1]  }
0x39: {  	_ = 	snop;
	(pc) =	sbr.ind lr, $3  }
0x3a: {  	_ = 	snop  }
0x3b: {  	_ = 	snop  }
0x3c: {  	p2 =	seq.s32 s10, $0x1;
	s10 =	sld [smem:$0x3FB0]  }
0x3d: {  	_ =	shalt  }
0x3e: {  	_ =	shalt  }
0x3f: {  	_ =	shalt  }
0x40: {  	_ =	shalt  }
0x41: {  	_ =	shalt  }
0x42: {  	_ =	shalt  }
0x43: {  	_ =	shalt  }
0x44: {  	_ =	shalt  }
0x45: {  	_ =	shalt  }
0x46: {  	_ =	shalt  }
0x47: {  	_ =	shalt  }
0x48: {  	_ =	shalt  }
0x49: {  	_ =	shalt  }
0x4a: {  	_ =	shalt  }
0x4b: {  	_ =	shalt  }
0x4c: {  	_ =	shalt  }
0x4d: {  	_ =	shalt  }
0x4e: {  	_ =	shalt  }
0x4f: {  	_ =	shalt  }
0x50: {  	_ =	shalt  }
0x51: {  	_ =	shalt  }
0x52: {  	_ =	shalt  }
0x53: {  	_ =	shalt  }
0x54: {  	_ =	shalt  }
0x55: {  	_ =	shalt  }
0x56: {  	_ =	shalt  }
0x57: {  	_ =	shalt  }
0x58: {  	_ =	shalt  }
0x59: {  	_ =	shalt  }
0x5a: {  	_ =	shalt  }
0x5b: {  	_ =	shalt  }
0x5c: {  	_ =	shalt  }
0x5d: {  	_ =	shalt  }
0x5e: {  	_ =	shalt  }
0x5f: {  	_ =	shalt  }
0x60: {  	_ =	shalt  }
0x61: {  	_ =	shalt  }
0x62: {  	_ =	shalt  }
0x63: {  	_ =	shalt  }
0x64: {  	_ =	shalt  }
0x65: {  	_ =	shalt  }
0x66: {  	_ =	shalt  }
0x67: {  	_ =	shalt  }
0x68: {  	_ =	shalt  }
0x69: {  	_ =	shalt  }
0x6a: {  	_ =	shalt  }
0x6b: {  	_ =	shalt  }
0x6c: {  	_ =	shalt  }
0x6d: {  	_ =	shalt  }
0x6e: {  	_ =	shalt  }
0x6f: {  	_ =	shalt  }
0x70: {  	_ =	shalt  }
0x71: {  	_ =	shalt  }
0x72: {  	_ =	shalt  }
0x73: {  	_ =	shalt  }
0x74: {  	_ =	shalt  }
0x75: {  	_ =	shalt  }
0x76: {  	_ =	shalt  }
0x77: {  	_ =	shalt  }
0x78: {  	_ =	shalt  }
0x79: {  	_ =	shalt  }
0x7a: {  	_ =	shalt  }
0x7b: {  	_ =	shalt  }
0x7c: {  	_ =	shalt  }
0x7d: {  	_ =	shalt  }
0x7e: {  	_ =	shalt  }
0x7f: {  	_ =	shalt  }
0x80: {  	_ =	shalt  }
0x81: {  	_ =	shalt  }
0x82: {  	_ =	shalt  }
0x83: {  	_ =	shalt  }
0x84: {  	_ =	shalt  }
0x85: {  	_ =	shalt  }
0x86: {  	_ =	shalt  }
0x87: {  	_ =	shalt  }
.Lfunc_end0:
.L_simem_size_0:
called_computation.1_lowered:
.L_overlay_start_0:
0x88: {  	s2 =	sld [smem:$0x3FD9]  }
0x89: {  	s3 =	sld [smem:$0x3FFE];
	_ =	sdelay $0x1  }
0x8a: {  	s1 =	srdreg.scid  }
0x8b: {  	s0 =	sand.u32 $0x1, s1  }
0x8c: {  	s16 =	sshll.u32 s0, $0xA;
	s2 =	sadd.s32 s3, s2  }
0x8d: {  	s2 =	sadd.s32 s2, s16  }
0x8e: {  	[smem:$0x3FBC] =	sst s2  }
0x8f: {  	_ = 	snop  }
0x90: {  	(tm) =	ssettm $0x1  }
0x91: {  	s17 =	sld [smem:$0x3FFB];
	_ =	sdelay $0x3  }
0x92: {  	_ =	strace s17  }
0x93: {  	s2 =	sld [smem:$0x3FFC];
	_ =	sdelay $0x3  }
0x94: {  	_ =	strace s2  }
0x95: {  	s2 =	sld [smem:$0x3FFD];
	_ =	sdelay $0x3  }
0x96: {  	_ =	strace s2  }
0x97: {  	_ =	strace $0x8FFFFFFF  }
0x98: {  	s18 =	sld [smem:$0x3FDB];
	_ =	sdelay $0x1  }
0x99: {  	s19 =	simm.s32 $_scs_section_size  }
0x9a: {  	s4 =	simm.s32 $_size__tile_overlayer_lowered;
	s5 =	simm.s32 $_tile_overlayer_lowered  }
0x9b: {  	s22 =	simm.s32 $0x1BFF;
	s21 =	sshll.u32 s5, $0x1;
	s2 =	sadd.s32 s19, s18  }
0x9c: {  	s6 =	simm.s32 $0x0;
	s20 =	sshll.u32 s4, $0x1;
	s4 =	sadd.s32 s21, s2  }
0x9d: {  	[timem:s6], [sflag:s22] =	dma.local [hbm:s4], s20  }
0x9e: {  	_ =	swait.ge [sflag:s22], s20  }
0x9f: {  	s3 =	ssub.s32 $0x0, s20;
	[sflag:s22] =	ssyncset.done $0x0  }
0xa0: {  	[sflag:s22] =	ssyncadd.s32 s3;
	_ =	sdelay $0x1  }
0xa1: {  	s23 =	simm.s32 $0x1B8B  }
0xa2: {  	_ =	swait.ge [sflag:s23], $0x1  }
0xa3: {  	[sflag:s23] =	ssyncset.done $0x0  }
0xa4: {  	s25 =	simm.s32 $0x1B8E;
	s24 =	sld [smem:$0x3FFE];
	[sflag:s23] =	ssyncadd.s32 $0xFFFFFFFF  }
0xa5: {  	s26 =	simm.s32 $execute0_lowered;
	[smem:$0x3FD2] =	sst s25  }
0xa6: {  	s4 =	sshll.u32 s26, $0x1;
	_ =	strace $0x80000049;
	[dreg:$0x1] =	wrdreg $0xFFFFFFFF  }
0xa7: {  	s28 =	simm.s32 $_size_execute0_lowered;
	s2 =	sadd.s32 s2, s4;
	[dreg:$0x0] =	wrdreg $0x0  }
0xa8: {  	s4 =	sshll.u32 s28, $0x1;
	[dreg:$0x2] =	wrdreg s2  }
0xa9: {  	[dreg:$0x3] =	wrdreg s4  }
0xaa: {  	[dreg:$0x4] =	wrdreg $0xC0  }
0xab: {  	_ =	task [dreg:s6], $0x5FFFF  }
0xac: {  	[dreg:$0x1] =	wrdreg $0xFFFFFFFF  }
0xad: {  	[dreg:$0x0] =	wrdreg $0x60  }
0xae: {  	[dreg:$0x2] =	wrdreg s24  }
0xaf: {  	[dreg:$0x3] =	wrdreg $0x47400  }
0xb0: {  	[dreg:$0x4] =	wrdreg $0x9  }
0xb1: {  	_ =	task.clear_ibuf [dreg:s6], $0x5FFFF;
	_ =	strace $0x90000049  }
0xb2: {  	s29 =	simm.s32 $0x9;
	_ =	strace $0x8000004B  }
0xb3: {  	_ =	swait.ge [sflag:s29], $0x1  }
0xb4: {  	[sflag:s29] =	ssyncadd.s32 $0xFFFFFFFF  }
0xb5: {  	_ =	strace $0x9000004B  }
0xb6: {  	_ =	sfence  }
0xb7: {  	s30 =	sld [smem:$0x0];
	_ =	sdelay $0x2  }
0xb8: {  	s31 =	sshll.u32 s1, $0xD;
	s1 =	sshrl.u32 s1, $0x2  }
0xb9: {  	s3 =	sand.u32 $0x4000, s31;
	s1 =	sadd.s32 s1, s30  }
0xba: {  	s0 =	sor.u32 s3, s0;
	s1 =	sshll.u32 s1, $0x11  }
0xbb: {  	s0 =	sor.u32 s1, s0  }
0xbc: {  	s0 =	sadd.s32 $0x8F2B, s0  }
0xbd: {  	[sflag:s0] =	ssyncadd.remote.s32 $0x1  }
0xbe: {  	_ =	sfence.sel $0xFFFF  }
0xbf: {  	[dreg:$0x0] =	wrdreg $0xFFFFFFFF;
	(pc) =	sbr.abs _section_cstart, $3  }
0xc0: {  	[dreg:$0x1] =	wrdreg $0xFFFFFFFF  }
0xc1: {  	_ =	task.clear_ibuf [dreg:s6], $0x2FFFF;
	_ =	strace $0x9FFFFFFF  }
0xc2: {  	(tm) =	ssettm $0x7FFFFFFF  }
0xc3: {  	_ =	shalt  }
tec
execute0_lowered:
.L_overlay_start_1:
0x0: {  	(tag) =	ssettag $0x1  }
0x1: {  	s0 =	rddreg [dreg:$0x0]  }
0x2: {  	s2 =	rddreg [dreg:$0x1];
	s3 =	simm.s32 $0x0;
	s17 =	stileid.u32  }
0x3: {  	s5 =	srdreg.scid;
	s28 =	simm.s32 $0x1F40;
	s29 =	simm.s32 $0x3340  }
0x4: {  	s30 =	simm.s32 $0x3;
	s31 =	simm.s32 $0x5;
	[smem:$0x7FF] =	sst s3  }
0x5: {  	s1 =	smul.u32 $0x19000, s17;
	s4 =	sadd.s32 $0x64000, s0;
	s7 =	sand.u32 $0x1, s5  }
0x6: {  	s8 =	smul.u32 $0x640, s17;
	s5 =	sadd.s32 $0x19800, s0;
	s6 =	sadd.s32 $0x1000, s0  }
0x7: {  	s10 =	smul.u32 $0xC350, s17;
	s22 =	sshll.u32 s17, $0x6;
	p1 =	seq.s32 s17, $0xF  }
0x8: {  	s17 =	simm.s32 $0x4;
	_ =	strace $0x8000004A;
	s12 =	smul.u32 $0x61A8, s7  }
0x9: {  	s13 =	ssub.s32 $0x2, s7;
	p0 =	seq.s32 s7, $0x1;
	s9 =	sshrl.u32 s1, $0x3  }
0xa: {  	s8 =	smin.u32 s8, $0x5B68;
	s14 =	sshrl.u32 s13, $0x1;
	s15 =	sshrl.u32 s10, $0x3  }
0xb: {  	s1 =	sadd.s32 s1, s2;
	p0 =	por !p1, !p0;
	s9 =	sadd.s32 s9, s0  }
0xc: {  	s11 =	sadd.s32 s12, s8;
	s16 =	ssub.s32 s13, s14;
	s18 =	sadd.s32 $0xFA, s15  }
0xd: {  	s19 =	sadd.s32 s5, s15;
	s20 =	sadd.s32 s6, s15;
	s14 =	sadd.s32 $0x1770, s10  }
0xe: {  	s24 =	sshll.u32 s8, $0x6;
	p0 =	por !p0, !p0;
	s1 =	sshrl.u32 s1, $0x3  }
0xf: {  	s8 =	simm.s32 $0x1680;
	s15 =	simm.s32 $0x2;
	[dreg:$0x3] =	wrdreg s19  }
0x10: {  	v0 =	vmov s12;
	s12 =	simm.s32 $0x1EF0;
	s11 =	sshll.u32 s11, $0x3;
	[dreg:$0x4] =	wrdreg s20  }
0x11: {  	s21 =	sadd.s32 s5, s18;
	s13 =	sadd.s32 s6, s18;
	s9 =	sadd.s32 $0x32000, s9  }
0x12: {  	s18 =	sor.u32 $0x1C09, s22;
	s7 =	sadd.s32 s24, s2;
	[dreg:$0xc] =	wrdreg s1  }
0x13: {  	s25 =	smax.u32 s16, $0x1;
	s19 =	simm.s32 $0x7D0;
	[dreg:$0x5] =	wrdreg s21  }
0x14: {  	s1 =	simm.s32 $0x7;
	s24 =	simm.s32 $0xF50;
	[dreg:$0x6] =	wrdreg s13  }
0x15: {  	s22 =	simm.s32 $0x0;
	s11 =	sadd.s32 s11, s0;
	[dreg:$0x7] =	wrdreg s9  }
0x16: {  	s13 =	sadd.s32 $0xFA0, s10;
	s0 =	sadd.s32 $0x2AFC80, s0;
	[dreg:$0xb] =	wrdreg s25  }
0x17: {  	s21 =	simm.s32 $0x9;
	s26 =	sshrl.u32 s7, $0x3;
	s25 =	simm.s32 $0x1  }
0x18: {  	s7 =	simm.s32 $0x8;
	s9 =	simm.s32 $0x16D0;
	[dreg:$0x8] =	wrdreg s18  }
0x19: {  	s10 =	simm.s32 $0x780;
	s23 =	sadd.s32 $0x24E200, s11;
	[dreg:$0xa] =	wrdreg s0  }
0x1a: {  	s0 =	sadd.s32 $0x186A00, s2;
	[dreg:$0xd] =	wrdreg s26;
	s26 =	simm.s32 $0x50  }
0x1b: {  	s11 =	simm.s32 $0x1720;
	[dreg:$0x9] =	wrdreg s23;
	s0 =	sshrl.u32 @p0 s0, $0x3  }
0x1c: {  	s23 =	simm.s32 $0x1EA0;
	[dreg:$0xe] =	wrdreg s0;
	s0 =	simm.s32 $0x6  }
.LBB2_1:
0x1d: {  	[dreg:$0xf] =	wrdreg s22  }
0x1e: {  	s16 =	rddreg [dreg:$0x3]  }
0x1f: {  	[tilespmem:s3], [sflag:$0x1] =	stream.linear.gather [hbm4b:s16+s3], $0x7D0, $0x38;
	[tilespmem:$0x1D740] =	vst v63  }
0x20: {  	s22 =	rddreg [dreg:$0x4];
	s20 =	simm.s32 $0xFA0  }
0x21: {  	[tilespmem:s20], [sflag:$0x3] =	stream.linear.gather [hbm4b:s22+s3], $0x7D0, $0x38;
	[tilespmem:$0x1D740] =	vst v63  }
0x22: {  	s22 =	rddreg [dreg:$0x5]  }
0x23: {  	[tilespmem:s19], [sflag:$0x2] =	stream.linear.gather [hbm4b:s22+s3], $0x7D0, $0x38;
	[tilespmem:$0x1D740] =	vst v63  }
0x24: {  	s20 =	rddreg [dreg:$0x6];
	s22 =	simm.s32 $0x1770  }
0x25: {  	[tilespmem:s22], [sflag:$0x4] =	stream.linear.gather [hbm4b:s20+s3], $0x7D0, $0x38;
	[tilespmem:$0x1D740] =	vst v63  }
0x26: {  	s20 =	rddreg [dreg:$0x7]  }
0x27: {  	s22 =	rddreg [dreg:$0xc]  }
0x28: {  	[spmem:s22], [sflag:s18] =	dma.local [hbm:s20], $0x3200  }
0x29: {  	_ =	swait.ge [sflag:s21], $0x3200  }
0x2a: {  	[sflag:s21] =	ssyncset.done $0x0  }
0x2b: {  	[sflag:s21] =	ssyncadd.s32 $0xFFFFCE00  }
0x2c: {  	s22 =	simm.s32 $0x0;
	[bflag:$0x0] =	sbarrier.arrive $0xFFFF  }
.LBB2_2:
0x2d: {  	_ =	swait.ge [sflag:s25], $0x7D0  }
0x2e: {  	[sflag:s25] =	ssyncset.done $0x0  }
0x2f: {  	s16 =	simm.s32 $0x0;
	[sflag:s25] =	ssyncadd.s32 $0xFFFFF830  }
0x30: {  	[tilespmem:s28], [sflag:$0x5] =	stream.indirect.gather [hbm4b:s4+s26], $0x40, s16, s26, $0xb8;
	[tilespmem:$0x1D740] =	vst v63  }
0x31: {  	_ = 	snop  }
0x32: {  	[tilespmem:s29], [sflag:$0x6] =	stream.indirect.gather [hbm4b:s4+s26], $0x40, s26, s26, $0xb8;
	[tilespmem:$0x1D740] =	vst v63  }
0x33: {  	_ =	swait.ge [sflag:s30], $0x7D0  }
0x34: {  	[sflag:s30] =	ssyncset.done $0x0  }
0x35: {  	s20 =	simm.s32 $0x0;
	[sflag:s30] =	ssyncadd.s32 $0xFFFFF830  }
0x36: {  	v3 =	vld [tilespmem:s20+$0xFA0]  }
0x37: {  	v4 =	vld [tilespmem:s20+$0xFB0]  }
0x38: {  	v2 =	vld [tilespmem:s20+$0xFC0]  }
0x39: {  	s18 =	simm.s32 $0x140;
	v1 =	vld [tilespmem:s20+$0xFD0]  }
.LBB2_3:
0x3a: {  	p1 =	sne.s32 s18, $0x1E00;
	v5 =	vld [tilespmem:s20+$0xFE0]  }
0x3b: {  	v3 =	vsub.s32 v3, v0  }
0x3c: {  	v3 =	vmin.u32 v3, $0x61A8;
	v4 =	vsub.s32 v4, v0  }
.Ltmp0:
0x3d: {  	s16 =	sshra.s32 s18, $0x2;
	[tilespmem:s20+$0xFA0] =	vst v3;
	v4 =	vmin.u32 v4, $0x61A8;
	v2 =	vsub.s32 v2, v0;
	(pc) =	sbr.rel @p1 .LBB2_3-.Ltmp0, $4  }
0x3e: {  	v3 =	vld [tilespmem:s16+$0xFA0];
	[tilespmem:s20+$0xFB0] =	vst v4;
	v2 =	vmin.u32 v2, $0x61A8;
	v1 =	vsub.s32 v1, v0  }
0x3f: {  	v4 =	vld [tilespmem:s16+$0xFB0];
	[tilespmem:s20+$0xFC0] =	vst v2;
	v1 =	vmin.u32 v1, $0x61A8;
	v5 =	vsub.s32 v5, v0  }
0x40: {  	v2 =	vld [tilespmem:s16+$0xFC0];
	[tilespmem:s20+$0xFD0] =	vst v1;
	v5 =	vmin.u32 v5, $0x61A8  }
0x41: {  	s18 =	sadd.s32 $0x140, s18;
	v1 =	vld [tilespmem:s16+$0xFD0];
	[tilespmem:s20+$0xFE0] =	vst v5;
	s20 =	smov.u32 s16  }
0x42: {  	v5 =	vld [tilespmem:s20+$0xFE0]  }
0x43: {  	v3 =	vsub.s32 v3, v0  }
0x44: {  	v3 =	vmin.u32 v3, $0x61A8;
	v4 =	vsub.s32 v4, v0  }
0x45: {  	[tilespmem:s20+$0xFA0] =	vst v3;
	v3 =	vmin.u32 v4, $0x61A8;
	v2 =	vsub.s32 v2, v0  }
0x46: {  	[tilespmem:s20+$0xFB0] =	vst v3;
	v2 =	vmin.u32 v2, $0x61A8;
	v1 =	vsub.s32 v1, v0  }
0x47: {  	[tilespmem:s20+$0xFC0] =	vst v2;
	v1 =	vmin.u32 v1, $0x61A8;
	v2 =	vsub.s32 v5, v0  }
0x48: {  	[tilespmem:s20+$0xFD0] =	vst v1;
	v1 =	vmin.u32 v2, $0x61A8  }
0x49: {  	[tilespmem:s20+$0xFE0] =	vst v1  }
0x4a: {  	_ =	swait.ge [sflag:s31], $0x1400  }
0x4b: {  	[sflag:s31] =	ssyncset.done $0x0  }
0x4c: {  	s16 =	simm.s32 $0xFA0;
	[sflag:s31] =	ssyncadd.s32 $0xFFFFEC00  }
0x4d: {  	[spmem:s2] =	stream.indirect.scatter.add.f32 [tilespmem:s28], [sflag:$0x7], $0x40, s16, s26, $0xb8;
	[tilespmem:$0x1D740] =	vst v63  }
0x4e: {  	_ =	swait.ge [sflag:s0], $0x1400  }
0x4f: {  	[sflag:s0] =	ssyncset.done $0x0  }
0x50: {  	s20 =	simm.s32 $0xFF0;
	[sflag:s0] =	ssyncadd.s32 $0xFFFFEC00  }
0x51: {  	[spmem:s2] =	stream.indirect.scatter.add.f32 [tilespmem:s29], [sflag:$0x8], $0x40, s20, s26, $0xb8;
	[tilespmem:$0x1D740] =	vst v63  }
0x52: {  	_ =	swait.ge [sflag:s1], $0x1400  }
0x53: {  	[sflag:s1] =	ssyncset.done $0x0  }
0x54: {  	s21 =	simm.s32 $0xA0;
	[sflag:s1] =	ssyncadd.s32 $0xFFFFEC00  }
0x55: {  	[tilespmem:s28], [sflag:$0x5] =	stream.indirect.gather [hbm4b:s4+s26], $0x40, s21, s26, $0xb8;
	[tilespmem:$0x1D740] =	vst v63  }
0x56: {  	_ =	swait.ge [sflag:s7], $0x1400  }
0x57: {  	[sflag:s7] =	ssyncset.done $0x0  }
0x58: {  	s18 =	simm.s32 $0x280;
	s16 =	simm.s32 $0xF0;
	[sflag:s7] =	ssyncadd.s32 $0xFFFFEC00  }
.LBB2_5:
0x59: {  	[tilespmem:s29], [sflag:$0x6] =	stream.indirect.gather [hbm4b:s4+s26], $0x40, s16, s26, $0xb8;
	[tilespmem:$0x1D740] =	vst v63  }
0x5a: {  	s16 =	smov.u32 s18  }
0x5b: {  	p1 =	sne.s32 s18, $0x1900;
	s18 =	sadd.s32 $0x280, s18;
	_ =	swait.ge [sflag:s31], $0x1400  }
0x5c: {  	s16 =	sshra.s32 s16, $0x2;
	[sflag:s31] =	ssyncset.done $0x0  }
0x5d: {  	s20 =	sadd.s32 $0xFA0, s16;
	[sflag:s31] =	ssyncadd.s32 $0xFFFFEC00  }
0x5e: {  	[spmem:s2] =	stream.indirect.scatter.add.f32 [tilespmem:s28], [sflag:$0x7], $0x40, s20, s26, $0xb8;
	[tilespmem:$0x1D740] =	vst v63  }
0x5f: {  	_ =	swait.ge [sflag:s0], $0x1400  }
0x60: {  	[sflag:s0] =	ssyncset.done $0x0  }
0x61: {  	s20 =	sadd.s32 $0xFF0, s16;
	[sflag:s0] =	ssyncadd.s32 $0xFFFFEC00  }
0x62: {  	[spmem:s2] =	stream.indirect.scatter.add.f32 [tilespmem:s29], [sflag:$0x8], $0x40, s20, s26, $0xb8;
	[tilespmem:$0x1D740] =	vst v63  }
0x63: {  	_ =	swait.ge [sflag:s1], $0x1400  }
0x64: {  	[sflag:s1] =	ssyncset.done $0x0  }
.Ltmp1:
0x65: {  	s20 =	sadd.s32 $0xA0, s16;
	[sflag:s1] =	ssyncadd.s32 $0xFFFFEC00;
	(pc) =	sbr.rel @p1 .LBB2_5-.Ltmp1, $4  }
0x66: {  	[tilespmem:s28], [sflag:$0x5] =	stream.indirect.gather [hbm4b:s4+s26], $0x40, s20, s26, $0xb8;
	[tilespmem:$0x1D740] =	vst v63  }
0x67: {  	_ =	swait.ge [sflag:s7], $0x1400  }
0x68: {  	[sflag:s7] =	ssyncset.done $0x0  }
0x69: {  	s16 =	sadd.s32 $0xF0, s16;
	[sflag:s7] =	ssyncadd.s32 $0xFFFFEC00  }
0x6a: {  	[tilespmem:s29], [sflag:$0x6] =	stream.indirect.gather [hbm4b:s4+s26], $0x40, s16, s26, $0xb8;
	[tilespmem:$0x1D740] =	vst v63  }
0x6b: {  	_ =	swait.ge [sflag:s31], $0x1400  }
0x6c: {  	[sflag:s31] =	ssyncset.done $0x0  }
0x6d: {  	[sflag:s31] =	ssyncadd.s32 $0xFFFFEC00  }
0x6e: {  	[spmem:s2] =	stream.indirect.scatter.add.f32 [tilespmem:s28], [sflag:$0x7], $0x40, s8, s26, $0xb8;
	[tilespmem:$0x1D740] =	vst v63  }
0x6f: {  	_ =	swait.ge [sflag:s0], $0x1400  }
0x70: {  	[sflag:s0] =	ssyncset.done $0x0  }
0x71: {  	[sflag:s0] =	ssyncadd.s32 $0xFFFFEC00  }
0x72: {  	[spmem:s2] =	stream.indirect.scatter.add.f32 [tilespmem:s29], [sflag:$0x8], $0x40, s9, s26, $0xb8;
	[tilespmem:$0x1D740] =	vst v63  }
0x73: {  	_ =	swait.ge [sflag:s1], $0x1400  }
0x74: {  	[sflag:s1] =	ssyncset.done $0x0  }
0x75: {  	[sflag:s1] =	ssyncadd.s32 $0xFFFFEC00  }
0x76: {  	[tilespmem:s28], [sflag:$0x5] =	stream.indirect.gather [hbm4b:s4+s26], $0x40, s10, s26, $0xb8;
	[tilespmem:$0x1D740] =	vst v63  }
0x77: {  	_ =	swait.ge [sflag:s31], $0x1400  }
0x78: {  	[sflag:s31] =	ssyncset.done $0x0  }
0x79: {  	[sflag:s31] =	ssyncadd.s32 $0xFFFFEC00  }
0x7a: {  	[spmem:s2] =	stream.indirect.scatter.add.f32 [tilespmem:s28], [sflag:$0x7], $0x40, s11, s26, $0xb8;
	[tilespmem:$0x1D740] =	vst v63  }
0x7b: {  	_ =	swait.ge [sflag:s7], $0x1400  }
0x7c: {  	s20 =	smul.u32 $0xFA0, s22;
	[sflag:s7] =	ssyncset.done $0x0  }
0x7d: {  	[sflag:s7] =	ssyncadd.s32 $0xFFFFEC00  }
0x7e: {  	s18 =	sadd.s32 s20, s13;
	_ =	swait.ge [sflag:s1], $0x1400  }
0x7f: {  	s16 =	sshrl.u32 s18, $0x3;
	[sflag:s1] =	ssyncset.done $0x0  }
0x80: {  	s21 =	simm.s32 $0x0;
	s18 =	sadd.s32 s5, s16;
	[sflag:s1] =	ssyncadd.s32 $0xFFFFEC00  }
0x81: {  	[tilespmem:s21], [sflag:$0x1] =	stream.linear.gather [hbm4b:s18+s21], $0x7D0, $0x38;
	[tilespmem:$0x1D740] =	vst v63  }
0x82: {  	s16 =	sadd.s32 s6, s16;
	s18 =	simm.s32 $0xFA0  }
0x83: {  	[tilespmem:s18], [sflag:$0x3] =	stream.linear.gather [hbm4b:s16+s21], $0x7D0, $0x38;
	[tilespmem:$0x1D740] =	vst v63  }
0x84: {  	_ =	swait.ge [sflag:s15], $0x7D0  }
0x85: {  	[sflag:s15] =	ssyncset.done $0x0  }
0x86: {  	[sflag:s15] =	ssyncadd.s32 $0xFFFFF830  }
0x87: {  	[tilespmem:s28], [sflag:$0x5] =	stream.indirect.gather [hbm4b:s4+s26], $0x40, s19, s26, $0xb8;
	[tilespmem:$0x1D740] =	vst v63  }
0x88: {  	s21 =	simm.s32 $0x820  }
0x89: {  	[tilespmem:s29], [sflag:$0x6] =	stream.indirect.gather [hbm4b:s4+s26], $0x40, s21, s26, $0xb8;
	[tilespmem:$0x1D740] =	vst v63  }
0x8a: {  	_ =	swait.ge [sflag:s17], $0x7D0  }
0x8b: {  	[sflag:s17] =	ssyncset.done $0x0  }
0x8c: {  	s18 =	simm.s32 $0x0;
	[sflag:s17] =	ssyncadd.s32 $0xFFFFF830  }
0x8d: {  	v3 =	vld [tilespmem:s18+$0x1770]  }
0x8e: {  	v4 =	vld [tilespmem:s18+$0x1780]  }
0x8f: {  	v2 =	vld [tilespmem:s18+$0x1790]  }
0x90: {  	s16 =	simm.s32 $0x140;
	v1 =	vld [tilespmem:s18+$0x17A0]  }
.LBB2_7:
0x91: {  	p1 =	sne.s32 s16, $0x1E00;
	v5 =	vld [tilespmem:s18+$0x17B0]  }
0x92: {  	v3 =	vsub.s32 v3, v0  }
0x93: {  	v3 =	vmin.u32 v3, $0x61A8;
	v4 =	vsub.s32 v4, v0  }
.Ltmp2:
0x94: {  	s21 =	sshra.s32 s16, $0x2;
	[tilespmem:s18+$0x1770] =	vst v3;
	v4 =	vmin.u32 v4, $0x61A8;
	v2 =	vsub.s32 v2, v0;
	(pc) =	sbr.rel @p1 .LBB2_7-.Ltmp2, $4  }
0x95: {  	v3 =	vld [tilespmem:s21+$0x1770];
	[tilespmem:s18+$0x1780] =	vst v4;
	v2 =	vmin.u32 v2, $0x61A8;
	v1 =	vsub.s32 v1, v0  }
0x96: {  	v4 =	vld [tilespmem:s21+$0x1780];
	[tilespmem:s18+$0x1790] =	vst v2;
	v1 =	vmin.u32 v1, $0x61A8;
	v5 =	vsub.s32 v5, v0  }
0x97: {  	v2 =	vld [tilespmem:s21+$0x1790];
	[tilespmem:s18+$0x17A0] =	vst v1;
	v5 =	vmin.u32 v5, $0x61A8  }
0x98: {  	s16 =	sadd.s32 $0x140, s16;
	v1 =	vld [tilespmem:s21+$0x17A0];
	[tilespmem:s18+$0x17B0] =	vst v5;
	s18 =	smov.u32 s21  }
0x99: {  	v5 =	vld [tilespmem:s18+$0x17B0]  }
0x9a: {  	v3 =	vsub.s32 v3, v0  }
0x9b: {  	v3 =	vmin.u32 v3, $0x61A8;
	v4 =	vsub.s32 v4, v0  }
0x9c: {  	[tilespmem:s18+$0x1770] =	vst v3;
	v3 =	vmin.u32 v4, $0x61A8;
	v2 =	vsub.s32 v2, v0  }
0x9d: {  	[tilespmem:s18+$0x1780] =	vst v3;
	v2 =	vmin.u32 v2, $0x61A8;
	v1 =	vsub.s32 v1, v0  }
0x9e: {  	[tilespmem:s18+$0x1790] =	vst v2;
	v1 =	vmin.u32 v1, $0x61A8;
	v2 =	vsub.s32 v5, v0  }
0x9f: {  	[tilespmem:s18+$0x17A0] =	vst v1;
	v1 =	vmin.u32 v2, $0x61A8  }
0xa0: {  	[tilespmem:s18+$0x17B0] =	vst v1  }
0xa1: {  	_ =	swait.ge [sflag:s31], $0x1400  }
0xa2: {  	[sflag:s31] =	ssyncset.done $0x0  }
0xa3: {  	s16 =	simm.s32 $0x1770;
	[sflag:s31] =	ssyncadd.s32 $0xFFFFEC00  }
0xa4: {  	[spmem:s2] =	stream.indirect.scatter.add.f32 [tilespmem:s28], [sflag:$0x7], $0x40, s16, s26, $0xb8;
	[tilespmem:$0x1D740] =	vst v63  }
0xa5: {  	_ =	swait.ge [sflag:s0], $0x1400  }
0xa6: {  	[sflag:s0] =	ssyncset.done $0x0  }
0xa7: {  	s18 =	simm.s32 $0x17C0;
	[sflag:s0] =	ssyncadd.s32 $0xFFFFEC00  }
0xa8: {  	[spmem:s2] =	stream.indirect.scatter.add.f32 [tilespmem:s29], [sflag:$0x8], $0x40, s18, s26, $0xb8;
	[tilespmem:$0x1D740] =	vst v63  }
0xa9: {  	_ =	swait.ge [sflag:s1], $0x1400  }
0xaa: {  	[sflag:s1] =	ssyncset.done $0x0  }
0xab: {  	s21 =	simm.s32 $0x870;
	[sflag:s1] =	ssyncadd.s32 $0xFFFFEC00  }
0xac: {  	[tilespmem:s28], [sflag:$0x5] =	stream.indirect.gather [hbm4b:s4+s26], $0x40, s21, s26, $0xb8;
	[tilespmem:$0x1D740] =	vst v63  }
0xad: {  	_ =	swait.ge [sflag:s7], $0x1400  }
0xae: {  	[sflag:s7] =	ssyncset.done $0x0  }
0xaf: {  	s16 =	simm.s32 $0x8C0;
	s18 =	simm.s32 $0x280;
	[sflag:s7] =	ssyncadd.s32 $0xFFFFEC00  }
.LBB2_9:
0xb0: {  	[tilespmem:s29], [sflag:$0x6] =	stream.indirect.gather [hbm4b:s4+s26], $0x40, s16, s26, $0xb8;
	[tilespmem:$0x1D740] =	vst v63  }
0xb1: {  	s16 =	smov.u32 s18  }
0xb2: {  	p1 =	sne.s32 s18, $0x1900;
	s18 =	sadd.s32 $0x280, s18;
	_ =	swait.ge [sflag:s31], $0x1400  }
0xb3: {  	s16 =	sshra.s32 s16, $0x2;
	[sflag:s31] =	ssyncset.done $0x0  }
0xb4: {  	s21 =	sadd.s32 $0x1770, s16;
	[sflag:s31] =	ssyncadd.s32 $0xFFFFEC00  }
0xb5: {  	[spmem:s2] =	stream.indirect.scatter.add.f32 [tilespmem:s28], [sflag:$0x7], $0x40, s21, s26, $0xb8;
	[tilespmem:$0x1D740] =	vst v63  }
0xb6: {  	_ =	swait.ge [sflag:s0], $0x1400  }
0xb7: {  	[sflag:s0] =	ssyncset.done $0x0  }
0xb8: {  	s21 =	sadd.s32 $0x17C0, s16;
	[sflag:s0] =	ssyncadd.s32 $0xFFFFEC00  }
0xb9: {  	[spmem:s2] =	stream.indirect.scatter.add.f32 [tilespmem:s29], [sflag:$0x8], $0x40, s21, s26, $0xb8;
	[tilespmem:$0x1D740] =	vst v63  }
0xba: {  	_ =	swait.ge [sflag:s1], $0x1400  }
0xbb: {  	[sflag:s1] =	ssyncset.done $0x0  }
.Ltmp3:
0xbc: {  	s21 =	sadd.s32 $0x870, s16;
	[sflag:s1] =	ssyncadd.s32 $0xFFFFEC00;
	(pc) =	sbr.rel @p1 .LBB2_9-.Ltmp3, $4  }
0xbd: {  	[tilespmem:s28], [sflag:$0x5] =	stream.indirect.gather [hbm4b:s4+s26], $0x40, s21, s26, $0xb8;
	[tilespmem:$0x1D740] =	vst v63  }
0xbe: {  	_ =	swait.ge [sflag:s7], $0x1400  }
0xbf: {  	[sflag:s7] =	ssyncset.done $0x0  }
0xc0: {  	s16 =	sadd.s32 $0x8C0, s16;
	[sflag:s7] =	ssyncadd.s32 $0xFFFFEC00  }
0xc1: {  	[tilespmem:s29], [sflag:$0x6] =	stream.indirect.gather [hbm4b:s4+s26], $0x40, s16, s26, $0xb8;
	[tilespmem:$0x1D740] =	vst v63  }
0xc2: {  	_ =	swait.ge [sflag:s31], $0x1400  }
0xc3: {  	[sflag:s31] =	ssyncset.done $0x0  }
0xc4: {  	s21 =	simm.s32 $0x1E50;
	[sflag:s31] =	ssyncadd.s32 $0xFFFFEC00  }
0xc5: {  	[spmem:s2] =	stream.indirect.scatter.add.f32 [tilespmem:s28], [sflag:$0x7], $0x40, s21, s26, $0xb8;
	[tilespmem:$0x1D740] =	vst v63  }
0xc6: {  	_ =	swait.ge [sflag:s0], $0x1400  }
0xc7: {  	[sflag:s0] =	ssyncset.done $0x0  }
0xc8: {  	[sflag:s0] =	ssyncadd.s32 $0xFFFFEC00  }
0xc9: {  	[spmem:s2] =	stream.indirect.scatter.add.f32 [tilespmem:s29], [sflag:$0x8], $0x40, s23, s26, $0xb8;
	[tilespmem:$0x1D740] =	vst v63  }
0xca: {  	_ =	swait.ge [sflag:s1], $0x1400  }
0xcb: {  	[sflag:s1] =	ssyncset.done $0x0  }
0xcc: {  	[sflag:s1] =	ssyncadd.s32 $0xFFFFEC00  }
0xcd: {  	[tilespmem:s28], [sflag:$0x5] =	stream.indirect.gather [hbm4b:s4+s26], $0x40, s24, s26, $0xb8;
	[tilespmem:$0x1D740] =	vst v63  }
0xce: {  	_ =	swait.ge [sflag:s31], $0x1400  }
0xcf: {  	[sflag:s31] =	ssyncset.done $0x0  }
0xd0: {  	[sflag:s31] =	ssyncadd.s32 $0xFFFFEC00  }
0xd1: {  	[spmem:s2] =	stream.indirect.scatter.add.f32 [tilespmem:s28], [sflag:$0x7], $0x40, s12, s26, $0xb8;
	[tilespmem:$0x1D740] =	vst v63  }
0xd2: {  	p1 =	seq.s32 s22, $0xB;
	_ =	swait.ge [sflag:s7], $0x1400  }
.Ltmp4:
0xd3: {  	[sflag:s7] =	ssyncset.done $0x0;
	(pc) =	sbr.rel @p1 .LBB2_12-.Ltmp4, $4  }
0xd4: {  	[sflag:s7] =	ssyncadd.s32 $0xFFFFEC00  }
0xd5: {  	_ =	swait.ge [sflag:s1], $0x1400  }
0xd6: {  	[sflag:s1] =	ssyncset.done $0x0  }
0xd7: {  	[sflag:s1] =	ssyncadd.s32 $0xFFFFEC00  }
0xd8: {  	s16 =	sadd.s32 s20, s14  }
.Ltmp5:
0xd9: {  	s16 =	sshrl.u32 s16, $0x3;
	(pc) =	sbr.rel .LBB2_2-.Ltmp5, $4  }
0xda: {  	s18 =	sadd.s32 s5, s16  }
0xdb: {  	[tilespmem:s19], [sflag:$0x2] =	stream.linear.gather [hbm4b:s18+s3], $0x7D0, $0x38;
	[tilespmem:$0x1D740] =	vst v63  }
0xdc: {  	s21 =	simm.s32 $0x1770;
	s22 =	sadd.s32 $0x1, s22;
	s16 =	sadd.s32 s6, s16  }
0xdd: {  	[tilespmem:s21], [sflag:$0x4] =	stream.linear.gather [hbm4b:s16+s3], $0x7D0, $0x38;
	[tilespmem:$0x1D740] =	vst v63  }
.LBB2_12:
0xde: {  	_ =	swait.ge [sflag:s25], $0x7D0  }
0xdf: {  	[sflag:s25] =	ssyncset.done $0x0  }
0xe0: {  	s16 =	simm.s32 $0x0;
	[sflag:s25] =	ssyncadd.s32 $0xFFFFF830  }
0xe1: {  	[tilespmem:s28], [sflag:$0x5] =	stream.indirect.gather [hbm4b:s4+s26], $0x40, s16, s26, $0xb8;
	[tilespmem:$0x1D740] =	vst v63  }
0xe2: {  	_ = 	snop  }
0xe3: {  	[tilespmem:s29], [sflag:$0x6] =	stream.indirect.gather [hbm4b:s4+s26], $0x40, s26, s26, $0xb8;
	[tilespmem:$0x1D740] =	vst v63  }
0xe4: {  	_ =	swait.ge [sflag:s30], $0x7D0  }
0xe5: {  	[sflag:s30] =	ssyncset.done $0x0  }
0xe6: {  	s18 =	simm.s32 $0x0;
	[sflag:s30] =	ssyncadd.s32 $0xFFFFF830  }
0xe7: {  	v3 =	vld [tilespmem:s18+$0xFA0]  }
0xe8: {  	v4 =	vld [tilespmem:s18+$0xFB0]  }
0xe9: {  	v2 =	vld [tilespmem:s18+$0xFC0]  }
0xea: {  	s16 =	simm.s32 $0x140;
	v1 =	vld [tilespmem:s18+$0xFD0]  }
.LBB2_13:
0xeb: {  	p1 =	sne.s32 s16, $0x1E00;
	v5 =	vld [tilespmem:s18+$0xFE0]  }
0xec: {  	v3 =	vsub.s32 v3, v0  }
0xed: {  	v3 =	vmin.u32 v3, $0x61A8;
	v4 =	vsub.s32 v4, v0  }
.Ltmp6:
0xee: {  	s20 =	sshra.s32 s16, $0x2;
	[tilespmem:s18+$0xFA0] =	vst v3;
	v4 =	vmin.u32 v4, $0x61A8;
	v2 =	vsub.s32 v2, v0;
	(pc) =	sbr.rel @p1 .LBB2_13-.Ltmp6, $4  }
0xef: {  	v3 =	vld [tilespmem:s20+$0xFA0];
	[tilespmem:s18+$0xFB0] =	vst v4;
	v2 =	vmin.u32 v2, $0x61A8;
	v1 =	vsub.s32 v1, v0  }
0xf0: {  	v4 =	vld [tilespmem:s20+$0xFB0];
	[tilespmem:s18+$0xFC0] =	vst v2;
	v1 =	vmin.u32 v1, $0x61A8;
	v5 =	vsub.s32 v5, v0  }
0xf1: {  	v2 =	vld [tilespmem:s20+$0xFC0];
	[tilespmem:s18+$0xFD0] =	vst v1;
	v5 =	vmin.u32 v5, $0x61A8  }
0xf2: {  	s16 =	sadd.s32 $0x140, s16;
	v1 =	vld [tilespmem:s20+$0xFD0];
	[tilespmem:s18+$0xFE0] =	vst v5;
	s18 =	smov.u32 s20  }
0xf3: {  	v5 =	vld [tilespmem:s18+$0xFE0]  }
0xf4: {  	v3 =	vsub.s32 v3, v0  }
0xf5: {  	v3 =	vmin.u32 v3, $0x61A8;
	v4 =	vsub.s32 v4, v0  }
0xf6: {  	[tilespmem:s18+$0xFA0] =	vst v3;
	v3 =	vmin.u32 v4, $0x61A8;
	v2 =	vsub.s32 v2, v0  }
0xf7: {  	[tilespmem:s18+$0xFB0] =	vst v3;
	v2 =	vmin.u32 v2, $0x61A8;
	v1 =	vsub.s32 v1, v0  }
0xf8: {  	[tilespmem:s18+$0xFC0] =	vst v2;
	v1 =	vmin.u32 v1, $0x61A8;
	v2 =	vsub.s32 v5, v0  }
0xf9: {  	[tilespmem:s18+$0xFD0] =	vst v1;
	v1 =	vmin.u32 v2, $0x61A8  }
0xfa: {  	[tilespmem:s18+$0xFE0] =	vst v1  }
0xfb: {  	_ =	swait.ge [sflag:s31], $0x1400  }
0xfc: {  	[sflag:s31] =	ssyncset.done $0x0  }
0xfd: {  	s16 =	simm.s32 $0xFA0;
	[sflag:s31] =	ssyncadd.s32 $0xFFFFEC00  }
0xfe: {  	[spmem:s2] =	stream.indirect.scatter.add.f32 [tilespmem:s28], [sflag:$0x7], $0x40, s16, s26, $0xb8;
	[tilespmem:$0x1D740] =	vst v63  }
0xff: {  	_ =	swait.ge [sflag:s0], $0x1400  }
0x100: {  	[sflag:s0] =	ssyncset.done $0x0  }
0x101: {  	s21 =	simm.s32 $0xFF0;
	[sflag:s0] =	ssyncadd.s32 $0xFFFFEC00  }
0x102: {  	[spmem:s2] =	stream.indirect.scatter.add.f32 [tilespmem:s29], [sflag:$0x8], $0x40, s21, s26, $0xb8;
	[tilespmem:$0x1D740] =	vst v63  }
0x103: {  	_ =	swait.ge [sflag:s1], $0x1400  }
0x104: {  	[sflag:s1] =	ssyncset.done $0x0  }
0x105: {  	s22 =	simm.s32 $0xA0;
	[sflag:s1] =	ssyncadd.s32 $0xFFFFEC00  }
0x106: {  	[tilespmem:s28], [sflag:$0x5] =	stream.indirect.gather [hbm4b:s4+s26], $0x40, s22, s26, $0xb8;
	[tilespmem:$0x1D740] =	vst v63  }
0x107: {  	_ =	swait.ge [sflag:s7], $0x1400  }
0x108: {  	s18 =	simm.s32 $0x280;
	s16 =	simm.s32 $0xF0;
	[sflag:s7] =	ssyncset.done $0x0  }
0x109: {  	s21 =	simm.s32 $0x9;
	s22 =	rddreg [dreg:$0xf];
	[sflag:s7] =	ssyncadd.s32 $0xFFFFEC00  }
.LBB2_15:
0x10a: {  	[tilespmem:s29], [sflag:$0x6] =	stream.indirect.gather [hbm4b:s4+s26], $0x40, s16, s26, $0xb8;
	[tilespmem:$0x1D740] =	vst v63  }
0x10b: {  	s16 =	smov.u32 s18  }
0x10c: {  	p1 =	sne.s32 s18, $0x1900;
	s18 =	sadd.s32 $0x280, s18;
	_ =	swait.ge [sflag:s31], $0x1400  }
0x10d: {  	s16 =	sshra.s32 s16, $0x2;
	[sflag:s31] =	ssyncset.done $0x0  }
0x10e: {  	s20 =	sadd.s32 $0xFA0, s16;
	[sflag:s31] =	ssyncadd.s32 $0xFFFFEC00  }
0x10f: {  	[spmem:s2] =	stream.indirect.scatter.add.f32 [tilespmem:s28], [sflag:$0x7], $0x40, s20, s26, $0xb8;
	[tilespmem:$0x1D740] =	vst v63  }
0x110: {  	_ =	swait.ge [sflag:s0], $0x1400  }
0x111: {  	[sflag:s0] =	ssyncset.done $0x0  }
0x112: {  	s20 =	sadd.s32 $0xFF0, s16;
	[sflag:s0] =	ssyncadd.s32 $0xFFFFEC00  }
0x113: {  	[spmem:s2] =	stream.indirect.scatter.add.f32 [tilespmem:s29], [sflag:$0x8], $0x40, s20, s26, $0xb8;
	[tilespmem:$0x1D740] =	vst v63  }
0x114: {  	_ =	swait.ge [sflag:s1], $0x1400  }
0x115: {  	[sflag:s1] =	ssyncset.done $0x0  }
.Ltmp7:
0x116: {  	s20 =	sadd.s32 $0xA0, s16;
	[sflag:s1] =	ssyncadd.s32 $0xFFFFEC00;
	(pc) =	sbr.rel @p1 .LBB2_15-.Ltmp7, $4  }
0x117: {  	[tilespmem:s28], [sflag:$0x5] =	stream.indirect.gather [hbm4b:s4+s26], $0x40, s20, s26, $0xb8;
	[tilespmem:$0x1D740] =	vst v63  }
0x118: {  	_ =	swait.ge [sflag:s7], $0x1400  }
0x119: {  	[sflag:s7] =	ssyncset.done $0x0  }
0x11a: {  	s16 =	sadd.s32 $0xF0, s16;
	[sflag:s7] =	ssyncadd.s32 $0xFFFFEC00  }
0x11b: {  	[tilespmem:s29], [sflag:$0x6] =	stream.indirect.gather [hbm4b:s4+s26], $0x40, s16, s26, $0xb8;
	[tilespmem:$0x1D740] =	vst v63  }
0x11c: {  	_ =	swait.ge [sflag:s31], $0x1400  }
0x11d: {  	[sflag:s31] =	ssyncset.done $0x0  }
0x11e: {  	[sflag:s31] =	ssyncadd.s32 $0xFFFFEC00  }
0x11f: {  	[spmem:s2] =	stream.indirect.scatter.add.f32 [tilespmem:s28], [sflag:$0x7], $0x40, s8, s26, $0xb8;
	[tilespmem:$0x1D740] =	vst v63  }
0x120: {  	_ =	swait.ge [sflag:s0], $0x1400  }
0x121: {  	[sflag:s0] =	ssyncset.done $0x0  }
0x122: {  	[sflag:s0] =	ssyncadd.s32 $0xFFFFEC00  }
0x123: {  	[spmem:s2] =	stream.indirect.scatter.add.f32 [tilespmem:s29], [sflag:$0x8], $0x40, s9, s26, $0xb8;
	[tilespmem:$0x1D740] =	vst v63  }
0x124: {  	_ =	swait.ge [sflag:s1], $0x1400  }
0x125: {  	[sflag:s1] =	ssyncset.done $0x0  }
0x126: {  	[sflag:s1] =	ssyncadd.s32 $0xFFFFEC00  }
0x127: {  	[tilespmem:s28], [sflag:$0x5] =	stream.indirect.gather [hbm4b:s4+s26], $0x40, s10, s26, $0xb8;
	[tilespmem:$0x1D740] =	vst v63  }
0x128: {  	_ =	swait.ge [sflag:s31], $0x1400  }
0x129: {  	[sflag:s31] =	ssyncset.done $0x0  }
0x12a: {  	[sflag:s31] =	ssyncadd.s32 $0xFFFFEC00  }
0x12b: {  	[spmem:s2] =	stream.indirect.scatter.add.f32 [tilespmem:s28], [sflag:$0x7], $0x40, s11, s26, $0xb8;
	[tilespmem:$0x1D740] =	vst v63  }
0x12c: {  	_ =	swait.ge [sflag:s7], $0x1400  }
0x12d: {  	[sflag:s7] =	ssyncset.done $0x0  }
0x12e: {  	[sflag:s7] =	ssyncadd.s32 $0xFFFFEC00  }
0x12f: {  	_ =	swait.ge [sflag:s1], $0x1400  }
0x130: {  	[sflag:s1] =	ssyncset.done $0x0  }
0x131: {  	[sflag:s1] =	ssyncadd.s32 $0xFFFFEC00  }
0x132: {  	[bflag:$0x0] =	sbarrier.arrive $0xFFFF  }
0x133: {  	s18 =	rddreg [dreg:$0x8]  }
0x134: {  	s16 =	rddreg [dreg:$0x9]  }
0x135: {  	s20 =	rddreg [dreg:$0xd]  }
0x136: {  	[hbm:s16], [sflag:s18] =	dma.local [spmem:s20], $0x3200  }
0x137: {  	_ =	swait.ge [sflag:s21], $0x3200  }
0x138: {  	[sflag:s21] =	ssyncset.done $0x0;
	s16 =	rddreg [dreg:$0xa]  }
0x139: {  	s20 =	rddreg [dreg:$0xe];
	[sflag:s21] =	ssyncadd.s32 $0xFFFFCE00  }
0x13a: {  	[hbm:s16], [sflag:s18] =	dma.local @p0 [spmem:s20], $0x580  }
0x13b: {  	s16 =	simm.s32 @p0 $0x9  }
0x13c: {  	_ =	swait.ge @p0 [sflag:s16], $0x580  }
0x13d: {  	s22 =	sadd.s32 $0x1, s22;
	s20 =	rddreg [dreg:$0xb]  }
0x13e: {  	p1 =	sne.s32 s22, s20  }
.Ltmp8:
0x13f: {  	_ = 	snop;
	(pc) =	sbr.rel @p1 .LBB2_1-.Ltmp8, $3  }
0x140: {  	_ =	sdelay $0x1  }
0x141: {  	[sflag:s16] =	ssyncset.done @p0 $0x0  }
0x142: {  	[sflag:s16] =	ssyncadd.s32 @p0 $0xFFFFFA80  }
0x143: {  	_ =	sfence.sel $0x180000  }
0x144: {  	[bflag:$0x0] =	sbarrier.arrive $0xFFFF  }
0x145: {  	_ =	strace $0x9000004A  }
0x146: {  	s0 =	stileid.u32;
	[bflag:$0x2] =	sbarrier.arrive $0xFFFF  }
0x147: {  	p0 =	sne.s32 s0, $0x0;
	s0 =	rddreg [dreg:$0x2]  }
0x148: {  	s0 =	sadd.s32 @!p0 $0x100000, s0  }
0x149: {  	[sflag:s0] =	ssyncadd.tile.s32 @!p0 $0x1;
	_ =	shalt  }
.Lfunc_end2:
_tile_overlayer_lowered:
.L_overlay_start_2:
0x14a: {  	(tag) =	ssettag $0x2  }
0x14b: {  	s0 =	rddreg [dreg:$0x0];
	s2 =	stileid.u32  }
0x14c: {  	s1 =	rddreg [dreg:$0x1];
	p0 =	sne.s32 s2, $0x0  }
0x14d: {  	s3 =	rddreg [dreg:$0x2];
	[bflag:$0x3] =	sbarrier.arrive $0xFFFF;
	s2 =	simm.s32 @!p0 $0x1C09  }
0x14e: {  	[timem:s3], [sflag:s2] =	dma.local @!p0 [hbm:s0], s1  }
0x14f: {  	s0 =	simm.s32 @!p0 $0x9  }
0x150: {  	_ =	swait.ge @!p0 [sflag:s0], s1  }
0x151: {  	s1 =	ssub.s32 @!p0 $0x0, s1;
	[sflag:s0] =	ssyncset.done @!p0 $0x0  }
0x152: {  	[sflag:s0] =	ssyncadd.s32 @!p0 s1  }
0x153: {  	[bflag:$0x3] =	sbarrier.arrive $0xFFFF  }
0x154: {  	_ =	shalt  }

</sc_bundles>
